<compile_context>
chip_gen: v7x
topology: tpu7x:2x2x1
jax: 0.10.2.dev20260603
libtpu: 0.0.44.dev20260713+nightly
codegen_flags: <defaults>
</compile_context>

<pallas_src>
import functools

import jax
import jax.numpy as jnp
from jax import lax
from jax.experimental import pallas as pl
from jax.experimental.pallas import tpu as pltpu
from jax.experimental.pallas import tpu_sc as plsc

B, L, D = 4, 8192, 1024
NC, NS = 2, 16
NW = NC * NS
ROWS_PER_W = L // NW
R = 8
NCHUNK = ROWS_PER_W // R
NPAIR = NCHUNK // 2
GROUPS = D // 16
NSLOT = 8

_scratch = (
    [pltpu.VMEM((R, D), jnp.float32) for _ in range(NSLOT)]
    + [pltpu.VMEM((R, D), jnp.float32) for _ in range(2)]
    + [pltpu.SemaphoreType.DMA for _ in range(NSLOT + 2)]
)


@functools.partial(
    pl.kernel,
    out_type=jax.ShapeDtypeStruct((B, L, D), jnp.float32),
    mesh=plsc.VectorSubcoreMesh(core_axis_name="c", subcore_axis_name="s"),
    scratch_types=_scratch,
)
def _sc_add(x_hbm, pos_hbm, out_hbm, *refs):
    xbs = refs[:NSLOT]
    pbs = refs[NSLOT:NSLOT + 2]
    sxs = refs[NSLOT + 2:NSLOT + 2 + NSLOT]
    sps = refs[NSLOT + 2 + NSLOT:]

    wid = lax.axis_index("s") * NC + lax.axis_index("c")
    row0 = wid * ROWS_PER_W

    def start_in(j, b, slot):
        src = x_hbm.at[b, pl.ds(row0 + j * R, R), :]
        pltpu.async_copy(src, xbs[slot], sxs[slot])

    def wait_in(slot):
        pltpu.make_async_copy(
            x_hbm.at[0, pl.ds(0, R), :], xbs[slot], sxs[slot]).wait()

    def start_out(j, b, slot):
        dst = out_hbm.at[b, pl.ds(row0 + j * R, R), :]
        pltpu.async_copy(xbs[slot], dst, sxs[slot])

    def wait_out(slot):
        pltpu.make_async_copy(
            xbs[slot], out_hbm.at[0, pl.ds(0, R), :], sxs[slot]).wait()

    def start_pos(j, pslot):
        pltpu.async_copy(
            pos_hbm.at[pl.ds(row0 + j * R, R), :], pbs[pslot], sps[pslot])

    def wait_pos(pslot):
        pltpu.make_async_copy(
            pos_hbm.at[pl.ds(0, R), :], pbs[pslot], sps[pslot]).wait()

    def add_chunk(slot, pslot):
        xb, pb = xbs[slot], pbs[pslot]

        def row(r, c):
            @plsc.parallel_loop(0, GROUPS, unroll=8)
            def grp(i):
                sl = pl.ds(i * 16, 16)
                xb[r, sl] = xb[r, sl] + pb[r, sl]

            return c

        lax.fori_loop(0, R, row, 0)

    def pair_iter(jj, first=False, last=False):
        for half in range(2):
            j = 2 * jj + half
            ha = half * 4
            hb = (1 - half) * 4
            wait_pos(half)
            for b in range(B):
                s_cur = ha + b
                s_nxt = hb + b
                if not (first and half == 0):
                    wait_out(s_nxt)
                if not (last and half == 1):
                    start_in(j + 1, b, s_nxt)
                wait_in(s_cur)
                add_chunk(s_cur, half)
                start_out(j, b, s_cur)
            if not last:
                start_pos(j + 2, half)

    start_pos(0, 0)
    start_pos(1, 1)
    for b in range(B):
        start_in(0, b, b)

    pair_iter(0, first=True)

    def pair_body(jj, carry):
        pair_iter(jj)
        return carry

    lax.fori_loop(1, NPAIR - 1, pair_body, 0)

    pair_iter(NPAIR - 1, last=True)

    for b in range(B):
        wait_out(4 + b)


def kernel(x, pos_emb):
    b, l, d = x.shape
    return _sc_add(x, pos_emb[:l])

# --- scband reference (transcript-rebuilt; emitter-appended) ---
"""Pipeline reference for scband-positional-encoding-29137058136071 (READ-ONLY COPY).

The authoritative reference and input builder live on the scoring server;
editing this copy changes nothing except your own understanding.
"""

import jax, jax.numpy as jnp
import numpy as np

D_MODEL = 1024
MAX_LEN = 8192
BATCH = 4
SEQ = 8192

def setup_inputs(seed: int = 0) -> dict:
    key = jax.random.key(seed)
    k1, k2 = jax.random.split(key)
    x = jax.random.normal(k1, (BATCH, SEQ, D_MODEL), dtype=jnp.float32)
    # nn.Embedding weight initialized with normal(mean=0, std=0.02)
    pos_emb = jax.random.normal(k2, (MAX_LEN, D_MODEL), dtype=jnp.float32) * 0.02
    return {"x": x, "pos_emb": pos_emb}

def reference(x, pos_emb):
    b, l, _ = x.shape
    positions = jnp.arange(l)  # [l]
    pos = jnp.take(pos_emb, positions, axis=0)  # [l, d_model] embedding lookup
    pos = pos[None, :, :]  # unsqueeze(0) -> [1, l, d_model]
    out = x + pos
    # dropout p=0.0 -> identity
    return out

if __name__ == "__main__":
    import jax
    _d = setup_inputs()
    print(jax.jit(kernel)(*tuple(_d.values())))

</pallas_src>

<mosaic_0001>
#map = affine_map<(d0, d1) -> (0, 0, 0)>
#map1 = affine_map<(d0, d1) -> (0, 0)>
module attributes {stable_mosaic.version = 14 : i64} {
  func.func @_sc_add(%arg0: i32, %arg1: i32, %arg2: memref<4x8192x1024xf32, #tpu.memory_space<hbm>>, %arg3: memref<8192x1024xf32, #tpu.memory_space<hbm>>, %arg4: memref<4x8192x1024xf32, #tpu.memory_space<hbm>>, %arg5: memref<8x1024xf32, #tpu.memory_space<vmem>>, %arg6: memref<8x1024xf32, #tpu.memory_space<vmem>>, %arg7: memref<8x1024xf32, #tpu.memory_space<vmem>>, %arg8: memref<8x1024xf32, #tpu.memory_space<vmem>>, %arg9: memref<8x1024xf32, #tpu.memory_space<vmem>>, %arg10: memref<8x1024xf32, #tpu.memory_space<vmem>>, %arg11: memref<8x1024xf32, #tpu.memory_space<vmem>>, %arg12: memref<8x1024xf32, #tpu.memory_space<vmem>>, %arg13: memref<8x1024xf32, #tpu.memory_space<vmem>>, %arg14: memref<8x1024xf32, #tpu.memory_space<vmem>>, %arg15: memref<!tpu.dma_semaphore, #tpu.memory_space<semaphore_mem>>, %arg16: memref<!tpu.dma_semaphore, #tpu.memory_space<semaphore_mem>>, %arg17: memref<!tpu.dma_semaphore, #tpu.memory_space<semaphore_mem>>, %arg18: memref<!tpu.dma_semaphore, #tpu.memory_space<semaphore_mem>>, %arg19: memref<!tpu.dma_semaphore, #tpu.memory_space<semaphore_mem>>, %arg20: memref<!tpu.dma_semaphore, #tpu.memory_space<semaphore_mem>>, %arg21: memref<!tpu.dma_semaphore, #tpu.memory_space<semaphore_mem>>, %arg22: memref<!tpu.dma_semaphore, #tpu.memory_space<semaphore_mem>>, %arg23: memref<!tpu.dma_semaphore, #tpu.memory_space<semaphore_mem>>, %arg24: memref<!tpu.dma_semaphore, #tpu.memory_space<semaphore_mem>>) attributes {dimension_semantics = [#tpu.dimension_semantics<core_parallel>, #tpu.dimension_semantics<subcore_parallel>], iteration_bounds = array<i64: 2, 16>, scalar_prefetch = 0 : i64, scratch_operands = 20 : i64, tpu.core_type = #tpu.core_type<sc_vector_subcore>, window_params = [{transform_indices = #map}, {transform_indices = #map1}, {transform_indices = #map}]} {
    %mul3A = arith.constant 2 : i32
    %mul3A_0 = arith.muli %arg1, %mul3A : i32
    %add3A = arith.addi %mul3A_0, %arg0 : i32
    %mul3A_1 = arith.constant 256 : i32
    %mul3A_2 = arith.muli %add3A, %mul3A_1 : i32
    %add3A_3 = arith.constant 0 : i32
    %add3A_4 = arith.addi %mul3A_2, %add3A_3 : i32
    %dma_start3A = arith.constant 0 : i32
    %dma_start3A_5 = tpu.memref_slice %arg3[%add3A_4, %dma_start3A] : memref<8192x1024xf32, #tpu.memory_space<hbm>> -> memref<8x1024xf32, #tpu.memory_space<hbm>>
    %dma_start3A_6 = arith.constant 0 : i32
    %dma_start3A_7 = tpu.memref_slice %arg3[%add3A_4, %dma_start3A_6] : memref<8192x1024xf32, #tpu.memory_space<hbm>> -> memref<8x1024xf32, #tpu.memory_space<hbm>>
    tpu.enqueue_dma source(%dma_start3A_7 : memref<8x1024xf32, #tpu.memory_space<hbm>>) target(%arg13 : memref<8x1024xf32, #tpu.memory_space<vmem>>) target_semaphore(%arg23 : memref<!tpu.dma_semaphore, #tpu.memory_space<semaphore_mem>>)
    %add3A_8 = arith.constant 8 : i32
    %add3A_9 = arith.addi %mul3A_2, %add3A_8 : i32
    %dma_start3A_10 = arith.constant 0 : i32
    %dma_start3A_11 = tpu.memref_slice %arg3[%add3A_9, %dma_start3A_10] : memref<8192x1024xf32, #tpu.memory_space<hbm>> -> memref<8x1024xf32, #tpu.memory_space<hbm>>
    %dma_start3A_12 = arith.constant 0 : i32
    %dma_start3A_13 = tpu.memref_slice %arg3[%add3A_9, %dma_start3A_12] : memref<8192x1024xf32, #tpu.memory_space<hbm>> -> memref<8x1024xf32, #tpu.memory_space<hbm>>
    tpu.enqueue_dma source(%dma_start3A_13 : memref<8x1024xf32, #tpu.memory_space<hbm>>) target(%arg14 : memref<8x1024xf32, #tpu.memory_space<vmem>>) target_semaphore(%arg24 : memref<!tpu.dma_semaphore, #tpu.memory_space<semaphore_mem>>)
    %add3A_14 = arith.constant 0 : i32
    %add3A_15 = arith.addi %mul3A_2, %add3A_14 : i32
    %dma_start3A_16 = arith.constant 0 : i32
    %dma_start3A_17 = arith.constant 0 : i32
    %dma_start3A_18 = tpu.memref_slice %arg2[%dma_start3A_16, %add3A_15, %dma_start3A_17] : memref<4x8192x1024xf32, #tpu.memory_space<hbm>> -> memref<1x8x1024xf32, #tpu.memory_space<hbm>>
    %dma_start3A_19 = tpu.memref_squeeze %dma_start3A_18 : memref<1x8x1024xf32, #tpu.memory_space<hbm>> -> memref<8x1024xf32, #tpu.memory_space<hbm>>
    %dma_start3A_20 = arith.constant 0 : i32
    %dma_start3A_21 = tpu.memref_slice %arg2[%dma_start3A_16, %add3A_15, %dma_start3A_20] : memref<4x8192x1024xf32, #tpu.memory_space<hbm>> -> memref<1x8x1024xf32, #tpu.memory_space<hbm>>
    %dma_start3A_22 = tpu.memref_squeeze %dma_start3A_21 : memref<1x8x1024xf32, #tpu.memory_space<hbm>> -> memref<8x1024xf32, #tpu.memory_space<hbm>>
    tpu.enqueue_dma source(%dma_start3A_22 : memref<8x1024xf32, #tpu.memory_space<hbm>>) target(%arg5 : memref<8x1024xf32, #tpu.memory_space<vmem>>) target_semaphore(%arg15 : memref<!tpu.dma_semaphore, #tpu.memory_space<semaphore_mem>>)
    %add3A_23 = arith.constant 0 : i32
    %add3A_24 = arith.addi %mul3A_2, %add3A_23 : i32
    %dma_start3A_25 = arith.constant 1 : i32
    %dma_start3A_26 = arith.constant 0 : i32
    %dma_start3A_27 = tpu.memref_slice %arg2[%dma_start3A_25, %add3A_24, %dma_start3A_26] : memref<4x8192x1024xf32, #tpu.memory_space<hbm>> -> memref<1x8x1024xf32, #tpu.memory_space<hbm>>
    %dma_start3A_28 = tpu.memref_squeeze %dma_start3A_27 : memref<1x8x1024xf32, #tpu.memory_space<hbm>> -> memref<8x1024xf32, #tpu.memory_space<hbm>>
    %dma_start3A_29 = arith.constant 0 : i32
    %dma_start3A_30 = tpu.memref_slice %arg2[%dma_start3A_25, %add3A_24, %dma_start3A_29] : memref<4x8192x1024xf32, #tpu.memory_space<hbm>> -> memref<1x8x1024xf32, #tpu.memory_space<hbm>>
    %dma_start3A_31 = tpu.memref_squeeze %dma_start3A_30 : memref<1x8x1024xf32, #tpu.memory_space<hbm>> -> memref<8x1024xf32, #tpu.memory_space<hbm>>
    tpu.enqueue_dma source(%dma_start3A_31 : memref<8x1024xf32, #tpu.memory_space<hbm>>) target(%arg6 : memref<8x1024xf32, #tpu.memory_space<vmem>>) target_semaphore(%arg16 : memref<!tpu.dma_semaphore, #tpu.memory_space<semaphore_mem>>)
    %add3A_32 = arith.constant 0 : i32
    %add3A_33 = arith.addi %mul3A_2, %add3A_32 : i32
    %dma_start3A_34 = arith.constant 2 : i32
    %dma_start3A_35 = arith.constant 0 : i32
    %dma_start3A_36 = tpu.memref_slice %arg2[%dma_start3A_34, %add3A_33, %dma_start3A_35] : memref<4x8192x1024xf32, #tpu.memory_space<hbm>> -> memref<1x8x1024xf32, #tpu.memory_space<hbm>>
    %dma_start3A_37 = tpu.memref_squeeze %dma_start3A_36 : memref<1x8x1024xf32, #tpu.memory_space<hbm>> -> memref<8x1024xf32, #tpu.memory_space<hbm>>
    %dma_start3A_38 = arith.constant 0 : i32
    %dma_start3A_39 = tpu.memref_slice %arg2[%dma_start3A_34, %add3A_33, %dma_start3A_38] : memref<4x8192x1024xf32, #tpu.memory_space<hbm>> -> memref<1x8x1024xf32, #tpu.memory_space<hbm>>
    %dma_start3A_40 = tpu.memref_squeeze %dma_start3A_39 : memref<1x8x1024xf32, #tpu.memory_space<hbm>> -> memref<8x1024xf32, #tpu.memory_space<hbm>>
    tpu.enqueue_dma source(%dma_start3A_40 : memref<8x1024xf32, #tpu.memory_space<hbm>>) target(%arg7 : memref<8x1024xf32, #tpu.memory_space<vmem>>) target_semaphore(%arg17 : memref<!tpu.dma_semaphore, #tpu.memory_space<semaphore_mem>>)
    %add3A_41 = arith.constant 0 : i32
    %add3A_42 = arith.addi %mul3A_2, %add3A_41 : i32
    %dma_start3A_43 = arith.constant 3 : i32
    %dma_start3A_44 = arith.constant 0 : i32
    %dma_start3A_45 = tpu.memref_slice %arg2[%dma_start3A_43, %add3A_42, %dma_start3A_44] : memref<4x8192x1024xf32, #tpu.memory_space<hbm>> -> memref<1x8x1024xf32, #tpu.memory_space<hbm>>
    %dma_start3A_46 = tpu.memref_squeeze %dma_start3A_45 : memref<1x8x1024xf32, #tpu.memory_space<hbm>> -> memref<8x1024xf32, #tpu.memory_space<hbm>>
    %dma_start3A_47 = arith.constant 0 : i32
    %dma_start3A_48 = tpu.memref_slice %arg2[%dma_start3A_43, %add3A_42, %dma_start3A_47] : memref<4x8192x1024xf32, #tpu.memory_space<hbm>> -> memref<1x8x1024xf32, #tpu.memory_space<hbm>>
    %dma_start3A_49 = tpu.memref_squeeze %dma_start3A_48 : memref<1x8x1024xf32, #tpu.memory_space<hbm>> -> memref<8x1024xf32, #tpu.memory_space<hbm>>
    tpu.enqueue_dma source(%dma_start3A_49 : memref<8x1024xf32, #tpu.memory_space<hbm>>) target(%arg8 : memref<8x1024xf32, #tpu.memory_space<vmem>>) target_semaphore(%arg18 : memref<!tpu.dma_semaphore, #tpu.memory_space<semaphore_mem>>)
    %dma_wait3A = arith.constant 0 : i32
    %dma_wait3A_50 = arith.constant 0 : i32
    %dma_wait3A_51 = tpu.memref_slice %arg3[%dma_wait3A, %dma_wait3A_50] : memref<8192x1024xf32, #tpu.memory_space<hbm>> -> memref<8x1024xf32, #tpu.memory_space<hbm>>
    %dma_wait3A_52 = arith.constant 0 : i32
    %dma_wait3A_53 = arith.constant 0 : i32
    %dma_wait3A_54 = tpu.memref_slice %arg3[%dma_wait3A_52, %dma_wait3A_53] : memref<8192x1024xf32, #tpu.memory_space<hbm>> -> memref<8x1024xf32, #tpu.memory_space<hbm>>
    tpu.wait_dma2 semaphore(%arg23 : memref<!tpu.dma_semaphore, #tpu.memory_space<semaphore_mem>>) src(%dma_wait3A_54 : memref<8x1024xf32, #tpu.memory_space<hbm>>) dst(%arg13 : memref<8x1024xf32, #tpu.memory_space<vmem>>)
    %add3A_55 = arith.constant 8 : i32
    %add3A_56 = arith.addi %mul3A_2, %add3A_55 : i32
    %dma_start3A_57 = arith.constant 0 : i32
    %dma_start3A_58 = arith.constant 0 : i32
    %dma_start3A_59 = tpu.memref_slice %arg2[%dma_start3A_57, %add3A_56, %dma_start3A_58] : memref<4x8192x1024xf32, #tpu.memory_space<hbm>> -> memref<1x8x1024xf32, #tpu.memory_space<hbm>>
    %dma_start3A_60 = tpu.memref_squeeze %dma_start3A_59 : memref<1x8x1024xf32, #tpu.memory_space<hbm>> -> memref<8x1024xf32, #tpu.memory_space<hbm>>
    %dma_start3A_61 = arith.constant 0 : i32
    %dma_start3A_62 = tpu.memref_slice %arg2[%dma_start3A_57, %add3A_56, %dma_start3A_61] : memref<4x8192x1024xf32, #tpu.memory_space<hbm>> -> memref<1x8x1024xf32, #tpu.memory_space<hbm>>
    %dma_start3A_63 = tpu.memref_squeeze %dma_start3A_62 : memref<1x8x1024xf32, #tpu.memory_space<hbm>> -> memref<8x1024xf32, #tpu.memory_space<hbm>>
    tpu.enqueue_dma source(%dma_start3A_63 : memref<8x1024xf32, #tpu.memory_space<hbm>>) target(%arg9 : memref<8x1024xf32, #tpu.memory_space<vmem>>) target_semaphore(%arg19 : memref<!tpu.dma_semaphore, #tpu.memory_space<semaphore_mem>>)
    %dma_wait3A_64 = arith.constant 0 : i32
    %dma_wait3A_65 = arith.constant 0 : i32
    %dma_wait3A_66 = arith.constant 0 : i32
    %dma_wait3A_67 = tpu.memref_slice %arg2[%dma_wait3A_64, %dma_wait3A_65, %dma_wait3A_66] : memref<4x8192x1024xf32, #tpu.memory_space<hbm>> -> memref<1x8x1024xf32, #tpu.memory_space<hbm>>
    %dma_wait3A_68 = tpu.memref_squeeze %dma_wait3A_67 : memref<1x8x1024xf32, #tpu.memory_space<hbm>> -> memref<8x1024xf32, #tpu.memory_space<hbm>>
    %dma_wait3A_69 = arith.constant 0 : i32
    %dma_wait3A_70 = arith.constant 0 : i32
    %dma_wait3A_71 = tpu.memref_slice %arg2[%dma_wait3A_64, %dma_wait3A_69, %dma_wait3A_70] : memref<4x8192x1024xf32, #tpu.memory_space<hbm>> -> memref<1x8x1024xf32, #tpu.memory_space<hbm>>
    %dma_wait3A_72 = tpu.memref_squeeze %dma_wait3A_71 : memref<1x8x1024xf32, #tpu.memory_space<hbm>> -> memref<8x1024xf32, #tpu.memory_space<hbm>>
    tpu.wait_dma2 semaphore(%arg15 : memref<!tpu.dma_semaphore, #tpu.memory_space<semaphore_mem>>) src(%dma_wait3A_72 : memref<8x1024xf32, #tpu.memory_space<hbm>>) dst(%arg5 : memref<8x1024xf32, #tpu.memory_space<vmem>>)
    %scan3A = arith.constant 0 : i32
    %scan3A_73 = arith.constant 0 : i32
    %scan3A_74 = arith.constant 8 : i32
    %scan3A_75 = arith.addi %scan3A_73, %scan3A_74 : i32
    %scan3A_76 = arith.constant 1 : i32
    scf.for %scan3A_726 = %scan3A_73 to %scan3A_75 step %scan3A_76  : i32 {
      %parallel_loop3A = arith.constant 0 : i32
      %parallel_loop3A_727 = arith.constant 64 : i32
      %parallel_loop3A_728 = arith.constant 1 : i32
      scf.for %parallel_loop3A_729 = %parallel_loop3A to %parallel_loop3A_727 step %parallel_loop3A_728  : i32 {
        %parallel_loop3A_730 = arith.constant 16 : i32
        %parallel_loop3A_731 = arith.muli %parallel_loop3A_729, %parallel_loop3A_730 : i32
        %parallel_loop3A_732 = arith.index_cast %scan3A_726 : i32 to index
        %parallel_loop3A_733 = arith.index_cast %parallel_loop3A_731 : i32 to index
        %parallel_loop3A_734 = tpu.vector_load %arg5[%parallel_loop3A_732, %parallel_loop3A_733] {strides = array<i32>} : memref<8x1024xf32, #tpu.memory_space<vmem>>, vector<1x16xf32>,
        %parallel_loop3A_735 = vector.shape_cast %parallel_loop3A_734 : vector<1x16xf32> to vector<16xf32>
        %parallel_loop3A_736 = arith.index_cast %scan3A_726 : i32 to index
        %parallel_loop3A_737 = arith.index_cast %parallel_loop3A_731 : i32 to index
        %parallel_loop3A_738 = tpu.vector_load %arg13[%parallel_loop3A_736, %parallel_loop3A_737] {strides = array<i32>} : memref<8x1024xf32, #tpu.memory_space<vmem>>, vector<1x16xf32>,
        %parallel_loop3A_739 = vector.shape_cast %parallel_loop3A_738 : vector<1x16xf32> to vector<16xf32>
        %parallel_loop3A_740 = arith.addf %parallel_loop3A_735, %parallel_loop3A_739 : vector<16xf32>
        %parallel_loop3A_741 = arith.index_cast %scan3A_726 : i32 to index
        %parallel_loop3A_742 = arith.index_cast %parallel_loop3A_731 : i32 to index
        %parallel_loop3A_743 = tpu.vector_load %arg5[%parallel_loop3A_741, %parallel_loop3A_742] {strides = array<i32>} : memref<8x1024xf32, #tpu.memory_space<vmem>>, vector<1x16xf32>,
        %parallel_loop3A_744 = vector.shape_cast %parallel_loop3A_743 : vector<1x16xf32> to vector<16xf32>
        %parallel_loop3A_745 = vector.shape_cast %parallel_loop3A_740 : vector<16xf32> to vector<1x16xf32>
        tpu.vector_store %arg5[%parallel_loop3A_741, %parallel_loop3A_742], %parallel_loop3A_745 {strides = array<i32>} : memref<8x1024xf32, #tpu.memory_space<vmem>>, vector<1x16xf32>,
      } {sc.loop_unroll_factor = 8 : i64, sc.parallel_access}
    }
    %scan3A_77 = arith.constant 8 : i32
    %add3A_78 = arith.constant 0 : i32
    %add3A_79 = arith.addi %mul3A_2, %add3A_78 : i32
    %dma_start3A_80 = arith.constant 0 : i32
    %dma_start3A_81 = arith.constant 0 : i32
    %dma_start3A_82 = tpu.memref_slice %arg4[%dma_start3A_80, %add3A_79, %dma_start3A_81] : memref<4x8192x1024xf32, #tpu.memory_space<hbm>> -> memref<1x8x1024xf32, #tpu.memory_space<hbm>>
    %dma_start3A_83 = tpu.memref_squeeze %dma_start3A_82 : memref<1x8x1024xf32, #tpu.memory_space<hbm>> -> memref<8x1024xf32, #tpu.memory_space<hbm>>
    %dma_start3A_84 = arith.constant 0 : i32
    %dma_start3A_85 = tpu.memref_slice %arg4[%dma_start3A_80, %add3A_79, %dma_start3A_84] : memref<4x8192x1024xf32, #tpu.memory_space<hbm>> -> memref<1x8x1024xf32, #tpu.memory_space<hbm>>
    %dma_start3A_86 = tpu.memref_squeeze %dma_start3A_85 : memref<1x8x1024xf32, #tpu.memory_space<hbm>> -> memref<8x1024xf32, #tpu.memory_space<hbm>>
    tpu.enqueue_dma source(%arg5 : memref<8x1024xf32, #tpu.memory_space<vmem>>) target(%dma_start3A_86 : memref<8x1024xf32, #tpu.memory_space<hbm>>) target_semaphore(%arg15 : memref<!tpu.dma_semaphore, #tpu.memory_space<semaphore_mem>>)
    %add3A_87 = arith.constant 8 : i32
    %add3A_88 = arith.addi %mul3A_2, %add3A_87 : i32
    %dma_start3A_89 = arith.constant 1 : i32
    %dma_start3A_90 = arith.constant 0 : i32
    %dma_start3A_91 = tpu.memref_slice %arg2[%dma_start3A_89, %add3A_88, %dma_start3A_90] : memref<4x8192x1024xf32, #tpu.memory_space<hbm>> -> memref<1x8x1024xf32, #tpu.memory_space<hbm>>
    %dma_start3A_92 = tpu.memref_squeeze %dma_start3A_91 : memref<1x8x1024xf32, #tpu.memory_space<hbm>> -> memref<8x1024xf32, #tpu.memory_space<hbm>>
    %dma_start3A_93 = arith.constant 0 : i32
    %dma_start3A_94 = tpu.memref_slice %arg2[%dma_start3A_89, %add3A_88, %dma_start3A_93] : memref<4x8192x1024xf32, #tpu.memory_space<hbm>> -> memref<1x8x1024xf32, #tpu.memory_space<hbm>>
    %dma_start3A_95 = tpu.memref_squeeze %dma_start3A_94 : memref<1x8x1024xf32, #tpu.memory_space<hbm>> -> memref<8x1024xf32, #tpu.memory_space<hbm>>
    tpu.enqueue_dma source(%dma_start3A_95 : memref<8x1024xf32, #tpu.memory_space<hbm>>) target(%arg10 : memref<8x1024xf32, #tpu.memory_space<vmem>>) target_semaphore(%arg20 : memref<!tpu.dma_semaphore, #tpu.memory_space<semaphore_mem>>)
    %dma_wait3A_96 = arith.constant 0 : i32
    %dma_wait3A_97 = arith.constant 0 : i32
    %dma_wait3A_98 = arith.constant 0 : i32
    %dma_wait3A_99 = tpu.memref_slice %arg2[%dma_wait3A_96, %dma_wait3A_97, %dma_wait3A_98] : memref<4x8192x1024xf32, #tpu.memory_space<hbm>> -> memref<1x8x1024xf32, #tpu.memory_space<hbm>>
    %dma_wait3A_100 = tpu.memref_squeeze %dma_wait3A_99 : memref<1x8x1024xf32, #tpu.memory_space<hbm>> -> memref<8x1024xf32, #tpu.memory_space<hbm>>
    %dma_wait3A_101 = arith.constant 0 : i32
    %dma_wait3A_102 = arith.constant 0 : i32
    %dma_wait3A_103 = tpu.memref_slice %arg2[%dma_wait3A_96, %dma_wait3A_101, %dma_wait3A_102] : memref<4x8192x1024xf32, #tpu.memory_space<hbm>> -> memref<1x8x1024xf32, #tpu.memory_space<hbm>>
    %dma_wait3A_104 = tpu.memref_squeeze %dma_wait3A_103 : memref<1x8x1024xf32, #tpu.memory_space<hbm>> -> memref<8x1024xf32, #tpu.memory_space<hbm>>
    tpu.wait_dma2 semaphore(%arg16 : memref<!tpu.dma_semaphore, #tpu.memory_space<semaphore_mem>>) src(%dma_wait3A_104 : memref<8x1024xf32, #tpu.memory_space<hbm>>) dst(%arg6 : memref<8x1024xf32, #tpu.memory_space<vmem>>)
    %scan3A_105 = arith.constant 0 : i32
    %scan3A_106 = arith.constant 0 : i32
    %scan3A_107 = arith.constant 8 : i32
    %scan3A_108 = arith.addi %scan3A_106, %scan3A_107 : i32
    %scan3A_109 = arith.constant 1 : i32
    scf.for %scan3A_726 = %scan3A_106 to %scan3A_108 step %scan3A_109  : i32 {
      %parallel_loop3A = arith.constant 0 : i32
      %parallel_loop3A_727 = arith.constant 64 : i32
      %parallel_loop3A_728 = arith.constant 1 : i32
      scf.for %parallel_loop3A_729 = %parallel_loop3A to %parallel_loop3A_727 step %parallel_loop3A_728  : i32 {
        %parallel_loop3A_730 = arith.constant 16 : i32
        %parallel_loop3A_731 = arith.muli %parallel_loop3A_729, %parallel_loop3A_730 : i32
        %parallel_loop3A_732 = arith.index_cast %scan3A_726 : i32 to index
        %parallel_loop3A_733 = arith.index_cast %parallel_loop3A_731 : i32 to index
        %parallel_loop3A_734 = tpu.vector_load %arg6[%parallel_loop3A_732, %parallel_loop3A_733] {strides = array<i32>} : memref<8x1024xf32, #tpu.memory_space<vmem>>, vector<1x16xf32>,
        %parallel_loop3A_735 = vector.shape_cast %parallel_loop3A_734 : vector<1x16xf32> to vector<16xf32>
        %parallel_loop3A_736 = arith.index_cast %scan3A_726 : i32 to index
        %parallel_loop3A_737 = arith.index_cast %parallel_loop3A_731 : i32 to index
        %parallel_loop3A_738 = tpu.vector_load %arg13[%parallel_loop3A_736, %parallel_loop3A_737] {strides = array<i32>} : memref<8x1024xf32, #tpu.memory_space<vmem>>, vector<1x16xf32>,
        %parallel_loop3A_739 = vector.shape_cast %parallel_loop3A_738 : vector<1x16xf32> to vector<16xf32>
        %parallel_loop3A_740 = arith.addf %parallel_loop3A_735, %parallel_loop3A_739 : vector<16xf32>
        %parallel_loop3A_741 = arith.index_cast %scan3A_726 : i32 to index
        %parallel_loop3A_742 = arith.index_cast %parallel_loop3A_731 : i32 to index
        %parallel_loop3A_743 = tpu.vector_load %arg6[%parallel_loop3A_741, %parallel_loop3A_742] {strides = array<i32>} : memref<8x1024xf32, #tpu.memory_space<vmem>>, vector<1x16xf32>,
        %parallel_loop3A_744 = vector.shape_cast %parallel_loop3A_743 : vector<1x16xf32> to vector<16xf32>
        %parallel_loop3A_745 = vector.shape_cast %parallel_loop3A_740 : vector<16xf32> to vector<1x16xf32>
        tpu.vector_store %arg6[%parallel_loop3A_741, %parallel_loop3A_742], %parallel_loop3A_745 {strides = array<i32>} : memref<8x1024xf32, #tpu.memory_space<vmem>>, vector<1x16xf32>,
      } {sc.loop_unroll_factor = 8 : i64, sc.parallel_access}
    }
    %scan3A_110 = arith.constant 8 : i32
    %add3A_111 = arith.constant 0 : i32
    %add3A_112 = arith.addi %mul3A_2, %add3A_111 : i32
    %dma_start3A_113 = arith.constant 1 : i32
    %dma_start3A_114 = arith.constant 0 : i32
    %dma_start3A_115 = tpu.memref_slice %arg4[%dma_start3A_113, %add3A_112, %dma_start3A_114] : memref<4x8192x1024xf32, #tpu.memory_space<hbm>> -> memref<1x8x1024xf32, #tpu.memory_space<hbm>>
    %dma_start3A_116 = tpu.memref_squeeze %dma_start3A_115 : memref<1x8x1024xf32, #tpu.memory_space<hbm>> -> memref<8x1024xf32, #tpu.memory_space<hbm>>
    %dma_start3A_117 = arith.constant 0 : i32
    %dma_start3A_118 = tpu.memref_slice %arg4[%dma_start3A_113, %add3A_112, %dma_start3A_117] : memref<4x8192x1024xf32, #tpu.memory_space<hbm>> -> memref<1x8x1024xf32, #tpu.memory_space<hbm>>
    %dma_start3A_119 = tpu.memref_squeeze %dma_start3A_118 : memref<1x8x1024xf32, #tpu.memory_space<hbm>> -> memref<8x1024xf32, #tpu.memory_space<hbm>>
    tpu.enqueue_dma source(%arg6 : memref<8x1024xf32, #tpu.memory_space<vmem>>) target(%dma_start3A_119 : memref<8x1024xf32, #tpu.memory_space<hbm>>) target_semaphore(%arg16 : memref<!tpu.dma_semaphore, #tpu.memory_space<semaphore_mem>>)
    %add3A_120 = arith.constant 8 : i32
    %add3A_121 = arith.addi %mul3A_2, %add3A_120 : i32
    %dma_start3A_122 = arith.constant 2 : i32
    %dma_start3A_123 = arith.constant 0 : i32
    %dma_start3A_124 = tpu.memref_slice %arg2[%dma_start3A_122, %add3A_121, %dma_start3A_123] : memref<4x8192x1024xf32, #tpu.memory_space<hbm>> -> memref<1x8x1024xf32, #tpu.memory_space<hbm>>
    %dma_start3A_125 = tpu.memref_squeeze %dma_start3A_124 : memref<1x8x1024xf32, #tpu.memory_space<hbm>> -> memref<8x1024xf32, #tpu.memory_space<hbm>>
    %dma_start3A_126 = arith.constant 0 : i32
    %dma_start3A_127 = tpu.memref_slice %arg2[%dma_start3A_122, %add3A_121, %dma_start3A_126] : memref<4x8192x1024xf32, #tpu.memory_space<hbm>> -> memref<1x8x1024xf32, #tpu.memory_space<hbm>>
    %dma_start3A_128 = tpu.memref_squeeze %dma_start3A_127 : memref<1x8x1024xf32, #tpu.memory_space<hbm>> -> memref<8x1024xf32, #tpu.memory_space<hbm>>
    tpu.enqueue_dma source(%dma_start3A_128 : memref<8x1024xf32, #tpu.memory_space<hbm>>) target(%arg11 : memref<8x1024xf32, #tpu.memory_space<vmem>>) target_semaphore(%arg21 : memref<!tpu.dma_semaphore, #tpu.memory_space<semaphore_mem>>)
    %dma_wait3A_129 = arith.constant 0 : i32
    %dma_wait3A_130 = arith.constant 0 : i32
    %dma_wait3A_131 = arith.constant 0 : i32
    %dma_wait3A_132 = tpu.memref_slice %arg2[%dma_wait3A_129, %dma_wait3A_130, %dma_wait3A_131] : memref<4x8192x1024xf32, #tpu.memory_space<hbm>> -> memref<1x8x1024xf32, #tpu.memory_space<hbm>>
    %dma_wait3A_133 = tpu.memref_squeeze %dma_wait3A_132 : memref<1x8x1024xf32, #tpu.memory_space<hbm>> -> memref<8x1024xf32, #tpu.memory_space<hbm>>
    %dma_wait3A_134 = arith.constant 0 : i32
    %dma_wait3A_135 = arith.constant 0 : i32
    %dma_wait3A_136 = tpu.memref_slice %arg2[%dma_wait3A_129, %dma_wait3A_134, %dma_wait3A_135] : memref<4x8192x1024xf32, #tpu.memory_space<hbm>> -> memref<1x8x1024xf32, #tpu.memory_space<hbm>>
    %dma_wait3A_137 = tpu.memref_squeeze %dma_wait3A_136 : memref<1x8x1024xf32, #tpu.memory_space<hbm>> -> memref<8x1024xf32, #tpu.memory_space<hbm>>
    tpu.wait_dma2 semaphore(%arg17 : memref<!tpu.dma_semaphore, #tpu.memory_space<semaphore_mem>>) src(%dma_wait3A_137 : memref<8x1024xf32, #tpu.memory_space<hbm>>) dst(%arg7 : memref<8x1024xf32, #tpu.memory_space<vmem>>)
    %scan3A_138 = arith.constant 0 : i32
    %scan3A_139 = arith.constant 0 : i32
    %scan3A_140 = arith.constant 8 : i32
    %scan3A_141 = arith.addi %scan3A_139, %scan3A_140 : i32
    %scan3A_142 = arith.constant 1 : i32
    scf.for %scan3A_726 = %scan3A_139 to %scan3A_141 step %scan3A_142  : i32 {
      %parallel_loop3A = arith.constant 0 : i32
      %parallel_loop3A_727 = arith.constant 64 : i32
      %parallel_loop3A_728 = arith.constant 1 : i32
      scf.for %parallel_loop3A_729 = %parallel_loop3A to %parallel_loop3A_727 step %parallel_loop3A_728  : i32 {
        %parallel_loop3A_730 = arith.constant 16 : i32
        %parallel_loop3A_731 = arith.muli %parallel_loop3A_729, %parallel_loop3A_730 : i32
        %parallel_loop3A_732 = arith.index_cast %scan3A_726 : i32 to index
        %parallel_loop3A_733 = arith.index_cast %parallel_loop3A_731 : i32 to index
        %parallel_loop3A_734 = tpu.vector_load %arg7[%parallel_loop3A_732, %parallel_loop3A_733] {strides = array<i32>} : memref<8x1024xf32, #tpu.memory_space<vmem>>, vector<1x16xf32>,
        %parallel_loop3A_735 = vector.shape_cast %parallel_loop3A_734 : vector<1x16xf32> to vector<16xf32>
        %parallel_loop3A_736 = arith.index_cast %scan3A_726 : i32 to index
        %parallel_loop3A_737 = arith.index_cast %parallel_loop3A_731 : i32 to index
        %parallel_loop3A_738 = tpu.vector_load %arg13[%parallel_loop3A_736, %parallel_loop3A_737] {strides = array<i32>} : memref<8x1024xf32, #tpu.memory_space<vmem>>, vector<1x16xf32>,
        %parallel_loop3A_739 = vector.shape_cast %parallel_loop3A_738 : vector<1x16xf32> to vector<16xf32>
        %parallel_loop3A_740 = arith.addf %parallel_loop3A_735, %parallel_loop3A_739 : vector<16xf32>
        %parallel_loop3A_741 = arith.index_cast %scan3A_726 : i32 to index
        %parallel_loop3A_742 = arith.index_cast %parallel_loop3A_731 : i32 to index
        %parallel_loop3A_743 = tpu.vector_load %arg7[%parallel_loop3A_741, %parallel_loop3A_742] {strides = array<i32>} : memref<8x1024xf32, #tpu.memory_space<vmem>>, vector<1x16xf32>,
        %parallel_loop3A_744 = vector.shape_cast %parallel_loop3A_743 : vector<1x16xf32> to vector<16xf32>
        %parallel_loop3A_745 = vector.shape_cast %parallel_loop3A_740 : vector<16xf32> to vector<1x16xf32>
        tpu.vector_store %arg7[%parallel_loop3A_741, %parallel_loop3A_742], %parallel_loop3A_745 {strides = array<i32>} : memref<8x1024xf32, #tpu.memory_space<vmem>>, vector<1x16xf32>,
      } {sc.loop_unroll_factor = 8 : i64, sc.parallel_access}
    }
    %scan3A_143 = arith.constant 8 : i32
    %add3A_144 = arith.constant 0 : i32
    %add3A_145 = arith.addi %mul3A_2, %add3A_144 : i32
    %dma_start3A_146 = arith.constant 2 : i32
    %dma_start3A_147 = arith.constant 0 : i32
    %dma_start3A_148 = tpu.memref_slice %arg4[%dma_start3A_146, %add3A_145, %dma_start3A_147] : memref<4x8192x1024xf32, #tpu.memory_space<hbm>> -> memref<1x8x1024xf32, #tpu.memory_space<hbm>>
    %dma_start3A_149 = tpu.memref_squeeze %dma_start3A_148 : memref<1x8x1024xf32, #tpu.memory_space<hbm>> -> memref<8x1024xf32, #tpu.memory_space<hbm>>
    %dma_start3A_150 = arith.constant 0 : i32
    %dma_start3A_151 = tpu.memref_slice %arg4[%dma_start3A_146, %add3A_145, %dma_start3A_150] : memref<4x8192x1024xf32, #tpu.memory_space<hbm>> -> memref<1x8x1024xf32, #tpu.memory_space<hbm>>
    %dma_start3A_152 = tpu.memref_squeeze %dma_start3A_151 : memref<1x8x1024xf32, #tpu.memory_space<hbm>> -> memref<8x1024xf32, #tpu.memory_space<hbm>>
    tpu.enqueue_dma source(%arg7 : memref<8x1024xf32, #tpu.memory_space<vmem>>) target(%dma_start3A_152 : memref<8x1024xf32, #tpu.memory_space<hbm>>) target_semaphore(%arg17 : memref<!tpu.dma_semaphore, #tpu.memory_space<semaphore_mem>>)
    %add3A_153 = arith.constant 8 : i32
    %add3A_154 = arith.addi %mul3A_2, %add3A_153 : i32
    %dma_start3A_155 = arith.constant 3 : i32
    %dma_start3A_156 = arith.constant 0 : i32
    %dma_start3A_157 = tpu.memref_slice %arg2[%dma_start3A_155, %add3A_154, %dma_start3A_156] : memref<4x8192x1024xf32, #tpu.memory_space<hbm>> -> memref<1x8x1024xf32, #tpu.memory_space<hbm>>
    %dma_start3A_158 = tpu.memref_squeeze %dma_start3A_157 : memref<1x8x1024xf32, #tpu.memory_space<hbm>> -> memref<8x1024xf32, #tpu.memory_space<hbm>>
    %dma_start3A_159 = arith.constant 0 : i32
    %dma_start3A_160 = tpu.memref_slice %arg2[%dma_start3A_155, %add3A_154, %dma_start3A_159] : memref<4x8192x1024xf32, #tpu.memory_space<hbm>> -> memref<1x8x1024xf32, #tpu.memory_space<hbm>>
    %dma_start3A_161 = tpu.memref_squeeze %dma_start3A_160 : memref<1x8x1024xf32, #tpu.memory_space<hbm>> -> memref<8x1024xf32, #tpu.memory_space<hbm>>
    tpu.enqueue_dma source(%dma_start3A_161 : memref<8x1024xf32, #tpu.memory_space<hbm>>) target(%arg12 : memref<8x1024xf32, #tpu.memory_space<vmem>>) target_semaphore(%arg22 : memref<!tpu.dma_semaphore, #tpu.memory_space<semaphore_mem>>)
    %dma_wait3A_162 = arith.constant 0 : i32
    %dma_wait3A_163 = arith.constant 0 : i32
    %dma_wait3A_164 = arith.constant 0 : i32
    %dma_wait3A_165 = tpu.memref_slice %arg2[%dma_wait3A_162, %dma_wait3A_163, %dma_wait3A_164] : memref<4x8192x1024xf32, #tpu.memory_space<hbm>> -> memref<1x8x1024xf32, #tpu.memory_space<hbm>>
    %dma_wait3A_166 = tpu.memref_squeeze %dma_wait3A_165 : memref<1x8x1024xf32, #tpu.memory_space<hbm>> -> memref<8x1024xf32, #tpu.memory_space<hbm>>
    %dma_wait3A_167 = arith.constant 0 : i32
    %dma_wait3A_168 = arith.constant 0 : i32
    %dma_wait3A_169 = tpu.memref_slice %arg2[%dma_wait3A_162, %dma_wait3A_167, %dma_wait3A_168] : memref<4x8192x1024xf32, #tpu.memory_space<hbm>> -> memref<1x8x1024xf32, #tpu.memory_space<hbm>>
    %dma_wait3A_170 = tpu.memref_squeeze %dma_wait3A_169 : memref<1x8x1024xf32, #tpu.memory_space<hbm>> -> memref<8x1024xf32, #tpu.memory_space<hbm>>
    tpu.wait_dma2 semaphore(%arg18 : memref<!tpu.dma_semaphore, #tpu.memory_space<semaphore_mem>>) src(%dma_wait3A_170 : memref<8x1024xf32, #tpu.memory_space<hbm>>) dst(%arg8 : memref<8x1024xf32, #tpu.memory_space<vmem>>)
    %scan3A_171 = arith.constant 0 : i32
    %scan3A_172 = arith.constant 0 : i32
    %scan3A_173 = arith.constant 8 : i32
    %scan3A_174 = arith.addi %scan3A_172, %scan3A_173 : i32
    %scan3A_175 = arith.constant 1 : i32
    scf.for %scan3A_726 = %scan3A_172 to %scan3A_174 step %scan3A_175  : i32 {
      %parallel_loop3A = arith.constant 0 : i32
      %parallel_loop3A_727 = arith.constant 64 : i32
      %parallel_loop3A_728 = arith.constant 1 : i32
      scf.for %parallel_loop3A_729 = %parallel_loop3A to %parallel_loop3A_727 step %parallel_loop3A_728  : i32 {
        %parallel_loop3A_730 = arith.constant 16 : i32
        %parallel_loop3A_731 = arith.muli %parallel_loop3A_729, %parallel_loop3A_730 : i32
        %parallel_loop3A_732 = arith.index_cast %scan3A_726 : i32 to index
        %parallel_loop3A_733 = arith.index_cast %parallel_loop3A_731 : i32 to index
        %parallel_loop3A_734 = tpu.vector_load %arg8[%parallel_loop3A_732, %parallel_loop3A_733] {strides = array<i32>} : memref<8x1024xf32, #tpu.memory_space<vmem>>, vector<1x16xf32>,
        %parallel_loop3A_735 = vector.shape_cast %parallel_loop3A_734 : vector<1x16xf32> to vector<16xf32>
        %parallel_loop3A_736 = arith.index_cast %scan3A_726 : i32 to index
        %parallel_loop3A_737 = arith.index_cast %parallel_loop3A_731 : i32 to index
        %parallel_loop3A_738 = tpu.vector_load %arg13[%parallel_loop3A_736, %parallel_loop3A_737] {strides = array<i32>} : memref<8x1024xf32, #tpu.memory_space<vmem>>, vector<1x16xf32>,
        %parallel_loop3A_739 = vector.shape_cast %parallel_loop3A_738 : vector<1x16xf32> to vector<16xf32>
        %parallel_loop3A_740 = arith.addf %parallel_loop3A_735, %parallel_loop3A_739 : vector<16xf32>
        %parallel_loop3A_741 = arith.index_cast %scan3A_726 : i32 to index
        %parallel_loop3A_742 = arith.index_cast %parallel_loop3A_731 : i32 to index
        %parallel_loop3A_743 = tpu.vector_load %arg8[%parallel_loop3A_741, %parallel_loop3A_742] {strides = array<i32>} : memref<8x1024xf32, #tpu.memory_space<vmem>>, vector<1x16xf32>,
        %parallel_loop3A_744 = vector.shape_cast %parallel_loop3A_743 : vector<1x16xf32> to vector<16xf32>
        %parallel_loop3A_745 = vector.shape_cast %parallel_loop3A_740 : vector<16xf32> to vector<1x16xf32>
        tpu.vector_store %arg8[%parallel_loop3A_741, %parallel_loop3A_742], %parallel_loop3A_745 {strides = array<i32>} : memref<8x1024xf32, #tpu.memory_space<vmem>>, vector<1x16xf32>,
      } {sc.loop_unroll_factor = 8 : i64, sc.parallel_access}
    }
    %scan3A_176 = arith.constant 8 : i32
    %add3A_177 = arith.constant 0 : i32
    %add3A_178 = arith.addi %mul3A_2, %add3A_177 : i32
    %dma_start3A_179 = arith.constant 3 : i32
    %dma_start3A_180 = arith.constant 0 : i32
    %dma_start3A_181 = tpu.memref_slice %arg4[%dma_start3A_179, %add3A_178, %dma_start3A_180] : memref<4x8192x1024xf32, #tpu.memory_space<hbm>> -> memref<1x8x1024xf32, #tpu.memory_space<hbm>>
    %dma_start3A_182 = tpu.memref_squeeze %dma_start3A_181 : memref<1x8x1024xf32, #tpu.memory_space<hbm>> -> memref<8x1024xf32, #tpu.memory_space<hbm>>
    %dma_start3A_183 = arith.constant 0 : i32
    %dma_start3A_184 = tpu.memref_slice %arg4[%dma_start3A_179, %add3A_178, %dma_start3A_183] : memref<4x8192x1024xf32, #tpu.memory_space<hbm>> -> memref<1x8x1024xf32, #tpu.memory_space<hbm>>
    %dma_start3A_185 = tpu.memref_squeeze %dma_start3A_184 : memref<1x8x1024xf32, #tpu.memory_space<hbm>> -> memref<8x1024xf32, #tpu.memory_space<hbm>>
    tpu.enqueue_dma source(%arg8 : memref<8x1024xf32, #tpu.memory_space<vmem>>) target(%dma_start3A_185 : memref<8x1024xf32, #tpu.memory_space<hbm>>) target_semaphore(%arg18 : memref<!tpu.dma_semaphore, #tpu.memory_space<semaphore_mem>>)
    %add3A_186 = arith.constant 16 : i32
    %add3A_187 = arith.addi %mul3A_2, %add3A_186 : i32
    %dma_start3A_188 = arith.constant 0 : i32
    %dma_start3A_189 = tpu.memref_slice %arg3[%add3A_187, %dma_start3A_188] : memref<8192x1024xf32, #tpu.memory_space<hbm>> -> memref<8x1024xf32, #tpu.memory_space<hbm>>
    %dma_start3A_190 = arith.constant 0 : i32
    %dma_start3A_191 = tpu.memref_slice %arg3[%add3A_187, %dma_start3A_190] : memref<8192x1024xf32, #tpu.memory_space<hbm>> -> memref<8x1024xf32, #tpu.memory_space<hbm>>
    tpu.enqueue_dma source(%dma_start3A_191 : memref<8x1024xf32, #tpu.memory_space<hbm>>) target(%arg13 : memref<8x1024xf32, #tpu.memory_space<vmem>>) target_semaphore(%arg23 : memref<!tpu.dma_semaphore, #tpu.memory_space<semaphore_mem>>)
    %dma_wait3A_192 = arith.constant 0 : i32
    %dma_wait3A_193 = arith.constant 0 : i32
    %dma_wait3A_194 = tpu.memref_slice %arg3[%dma_wait3A_192, %dma_wait3A_193] : memref<8192x1024xf32, #tpu.memory_space<hbm>> -> memref<8x1024xf32, #tpu.memory_space<hbm>>
    %dma_wait3A_195 = arith.constant 0 : i32
    %dma_wait3A_196 = arith.constant 0 : i32
    %dma_wait3A_197 = tpu.memref_slice %arg3[%dma_wait3A_195, %dma_wait3A_196] : memref<8192x1024xf32, #tpu.memory_space<hbm>> -> memref<8x1024xf32, #tpu.memory_space<hbm>>
    tpu.wait_dma2 semaphore(%arg24 : memref<!tpu.dma_semaphore, #tpu.memory_space<semaphore_mem>>) src(%dma_wait3A_197 : memref<8x1024xf32, #tpu.memory_space<hbm>>) dst(%arg14 : memref<8x1024xf32, #tpu.memory_space<vmem>>)
    %dma_wait3A_198 = arith.constant 0 : i32
    %dma_wait3A_199 = arith.constant 0 : i32
    %dma_wait3A_200 = arith.constant 0 : i32
    %dma_wait3A_201 = tpu.memref_slice %arg4[%dma_wait3A_198, %dma_wait3A_199, %dma_wait3A_200] : memref<4x8192x1024xf32, #tpu.memory_space<hbm>> -> memref<1x8x1024xf32, #tpu.memory_space<hbm>>
    %dma_wait3A_202 = tpu.memref_squeeze %dma_wait3A_201 : memref<1x8x1024xf32, #tpu.memory_space<hbm>> -> memref<8x1024xf32, #tpu.memory_space<hbm>>
    %dma_wait3A_203 = arith.constant 0 : i32
    %dma_wait3A_204 = arith.constant 0 : i32
    %dma_wait3A_205 = tpu.memref_slice %arg4[%dma_wait3A_198, %dma_wait3A_203, %dma_wait3A_204] : memref<4x8192x1024xf32, #tpu.memory_space<hbm>> -> memref<1x8x1024xf32, #tpu.memory_space<hbm>>
    %dma_wait3A_206 = tpu.memref_squeeze %dma_wait3A_205 : memref<1x8x1024xf32, #tpu.memory_space<hbm>> -> memref<8x1024xf32, #tpu.memory_space<hbm>>
    tpu.wait_dma2 semaphore(%arg15 : memref<!tpu.dma_semaphore, #tpu.memory_space<semaphore_mem>>) src(%arg5 : memref<8x1024xf32, #tpu.memory_space<vmem>>) dst(%dma_wait3A_206 : memref<8x1024xf32, #tpu.memory_space<hbm>>)
    %add3A_207 = arith.constant 16 : i32
    %add3A_208 = arith.addi %mul3A_2, %add3A_207 : i32
    %dma_start3A_209 = arith.constant 0 : i32
    %dma_start3A_210 = arith.constant 0 : i32
    %dma_start3A_211 = tpu.memref_slice %arg2[%dma_start3A_209, %add3A_208, %dma_start3A_210] : memref<4x8192x1024xf32, #tpu.memory_space<hbm>> -> memref<1x8x1024xf32, #tpu.memory_space<hbm>>
    %dma_start3A_212 = tpu.memref_squeeze %dma_start3A_211 : memref<1x8x1024xf32, #tpu.memory_space<hbm>> -> memref<8x1024xf32, #tpu.memory_space<hbm>>
    %dma_start3A_213 = arith.constant 0 : i32
    %dma_start3A_214 = tpu.memref_slice %arg2[%dma_start3A_209, %add3A_208, %dma_start3A_213] : memref<4x8192x1024xf32, #tpu.memory_space<hbm>> -> memref<1x8x1024xf32, #tpu.memory_space<hbm>>
    %dma_start3A_215 = tpu.memref_squeeze %dma_start3A_214 : memref<1x8x1024xf32, #tpu.memory_space<hbm>> -> memref<8x1024xf32, #tpu.memory_space<hbm>>
    tpu.enqueue_dma source(%dma_start3A_215 : memref<8x1024xf32, #tpu.memory_space<hbm>>) target(%arg5 : memref<8x1024xf32, #tpu.memory_space<vmem>>) target_semaphore(%arg15 : memref<!tpu.dma_semaphore, #tpu.memory_space<semaphore_mem>>)
    %dma_wait3A_216 = arith.constant 0 : i32
    %dma_wait3A_217 = arith.constant 0 : i32
    %dma_wait3A_218 = arith.constant 0 : i32
    %dma_wait3A_219 = tpu.memref_slice %arg2[%dma_wait3A_216, %dma_wait3A_217, %dma_wait3A_218] : memref<4x8192x1024xf32, #tpu.memory_space<hbm>> -> memref<1x8x1024xf32, #tpu.memory_space<hbm>>
    %dma_wait3A_220 = tpu.memref_squeeze %dma_wait3A_219 : memref<1x8x1024xf32, #tpu.memory_space<hbm>> -> memref<8x1024xf32, #tpu.memory_space<hbm>>
    %dma_wait3A_221 = arith.constant 0 : i32
    %dma_wait3A_222 = arith.constant 0 : i32
    %dma_wait3A_223 = tpu.memref_slice %arg2[%dma_wait3A_216, %dma_wait3A_221, %dma_wait3A_222] : memref<4x8192x1024xf32, #tpu.memory_space<hbm>> -> memref<1x8x1024xf32, #tpu.memory_space<hbm>>
    %dma_wait3A_224 = tpu.memref_squeeze %dma_wait3A_223 : memref<1x8x1024xf32, #tpu.memory_space<hbm>> -> memref<8x1024xf32, #tpu.memory_space<hbm>>
    tpu.wait_dma2 semaphore(%arg19 : memref<!tpu.dma_semaphore, #tpu.memory_space<semaphore_mem>>) src(%dma_wait3A_224 : memref<8x1024xf32, #tpu.memory_space<hbm>>) dst(%arg9 : memref<8x1024xf32, #tpu.memory_space<vmem>>)
    %scan3A_225 = arith.constant 0 : i32
    %scan3A_226 = arith.constant 0 : i32
    %scan3A_227 = arith.constant 8 : i32
    %scan3A_228 = arith.addi %scan3A_226, %scan3A_227 : i32
    %scan3A_229 = arith.constant 1 : i32
    scf.for %scan3A_726 = %scan3A_226 to %scan3A_228 step %scan3A_229  : i32 {
      %parallel_loop3A = arith.constant 0 : i32
      %parallel_loop3A_727 = arith.constant 64 : i32
      %parallel_loop3A_728 = arith.constant 1 : i32
      scf.for %parallel_loop3A_729 = %parallel_loop3A to %parallel_loop3A_727 step %parallel_loop3A_728  : i32 {
        %parallel_loop3A_730 = arith.constant 16 : i32
        %parallel_loop3A_731 = arith.muli %parallel_loop3A_729, %parallel_loop3A_730 : i32
        %parallel_loop3A_732 = arith.index_cast %scan3A_726 : i32 to index
        %parallel_loop3A_733 = arith.index_cast %parallel_loop3A_731 : i32 to index
        %parallel_loop3A_734 = tpu.vector_load %arg9[%parallel_loop3A_732, %parallel_loop3A_733] {strides = array<i32>} : memref<8x1024xf32, #tpu.memory_space<vmem>>, vector<1x16xf32>,
        %parallel_loop3A_735 = vector.shape_cast %parallel_loop3A_734 : vector<1x16xf32> to vector<16xf32>
        %parallel_loop3A_736 = arith.index_cast %scan3A_726 : i32 to index
        %parallel_loop3A_737 = arith.index_cast %parallel_loop3A_731 : i32 to index
        %parallel_loop3A_738 = tpu.vector_load %arg14[%parallel_loop3A_736, %parallel_loop3A_737] {strides = array<i32>} : memref<8x1024xf32, #tpu.memory_space<vmem>>, vector<1x16xf32>,
        %parallel_loop3A_739 = vector.shape_cast %parallel_loop3A_738 : vector<1x16xf32> to vector<16xf32>
        %parallel_loop3A_740 = arith.addf %parallel_loop3A_735, %parallel_loop3A_739 : vector<16xf32>
        %parallel_loop3A_741 = arith.index_cast %scan3A_726 : i32 to index
        %parallel_loop3A_742 = arith.index_cast %parallel_loop3A_731 : i32 to index
        %parallel_loop3A_743 = tpu.vector_load %arg9[%parallel_loop3A_741, %parallel_loop3A_742] {strides = array<i32>} : memref<8x1024xf32, #tpu.memory_space<vmem>>, vector<1x16xf32>,
        %parallel_loop3A_744 = vector.shape_cast %parallel_loop3A_743 : vector<1x16xf32> to vector<16xf32>
        %parallel_loop3A_745 = vector.shape_cast %parallel_loop3A_740 : vector<16xf32> to vector<1x16xf32>
        tpu.vector_store %arg9[%parallel_loop3A_741, %parallel_loop3A_742], %parallel_loop3A_745 {strides = array<i32>} : memref<8x1024xf32, #tpu.memory_space<vmem>>, vector<1x16xf32>,
      } {sc.loop_unroll_factor = 8 : i64, sc.parallel_access}
    }
    %scan3A_230 = arith.constant 8 : i32
    %add3A_231 = arith.constant 8 : i32
    %add3A_232 = arith.addi %mul3A_2, %add3A_231 : i32
    %dma_start3A_233 = arith.constant 0 : i32
    %dma_start3A_234 = arith.constant 0 : i32
    %dma_start3A_235 = tpu.memref_slice %arg4[%dma_start3A_233, %add3A_232, %dma_start3A_234] : memref<4x8192x1024xf32, #tpu.memory_space<hbm>> -> memref<1x8x1024xf32, #tpu.memory_space<hbm>>
    %dma_start3A_236 = tpu.memref_squeeze %dma_start3A_235 : memref<1x8x1024xf32, #tpu.memory_space<hbm>> -> memref<8x1024xf32, #tpu.memory_space<hbm>>
    %dma_start3A_237 = arith.constant 0 : i32
    %dma_start3A_238 = tpu.memref_slice %arg4[%dma_start3A_233, %add3A_232, %dma_start3A_237] : memref<4x8192x1024xf32, #tpu.memory_space<hbm>> -> memref<1x8x1024xf32, #tpu.memory_space<hbm>>
    %dma_start3A_239 = tpu.memref_squeeze %dma_start3A_238 : memref<1x8x1024xf32, #tpu.memory_space<hbm>> -> memref<8x1024xf32, #tpu.memory_space<hbm>>
    tpu.enqueue_dma source(%arg9 : memref<8x1024xf32, #tpu.memory_space<vmem>>) target(%dma_start3A_239 : memref<8x1024xf32, #tpu.memory_space<hbm>>) target_semaphore(%arg19 : memref<!tpu.dma_semaphore, #tpu.memory_space<semaphore_mem>>)
    %dma_wait3A_240 = arith.constant 0 : i32
    %dma_wait3A_241 = arith.constant 0 : i32
    %dma_wait3A_242 = arith.constant 0 : i32
    %dma_wait3A_243 = tpu.memref_slice %arg4[%dma_wait3A_240, %dma_wait3A_241, %dma_wait3A_242] : memref<4x8192x1024xf32, #tpu.memory_space<hbm>> -> memref<1x8x1024xf32, #tpu.memory_space<hbm>>
    %dma_wait3A_244 = tpu.memref_squeeze %dma_wait3A_243 : memref<1x8x1024xf32, #tpu.memory_space<hbm>> -> memref<8x1024xf32, #tpu.memory_space<hbm>>
    %dma_wait3A_245 = arith.constant 0 : i32
    %dma_wait3A_246 = arith.constant 0 : i32
    %dma_wait3A_247 = tpu.memref_slice %arg4[%dma_wait3A_240, %dma_wait3A_245, %dma_wait3A_246] : memref<4x8192x1024xf32, #tpu.memory_space<hbm>> -> memref<1x8x1024xf32, #tpu.memory_space<hbm>>
    %dma_wait3A_248 = tpu.memref_squeeze %dma_wait3A_247 : memref<1x8x1024xf32, #tpu.memory_space<hbm>> -> memref<8x1024xf32, #tpu.memory_space<hbm>>
    tpu.wait_dma2 semaphore(%arg16 : memref<!tpu.dma_semaphore, #tpu.memory_space<semaphore_mem>>) src(%arg6 : memref<8x1024xf32, #tpu.memory_space<vmem>>) dst(%dma_wait3A_248 : memref<8x1024xf32, #tpu.memory_space<hbm>>)
    %add3A_249 = arith.constant 16 : i32
    %add3A_250 = arith.addi %mul3A_2, %add3A_249 : i32
    %dma_start3A_251 = arith.constant 1 : i32
    %dma_start3A_252 = arith.constant 0 : i32
    %dma_start3A_253 = tpu.memref_slice %arg2[%dma_start3A_251, %add3A_250, %dma_start3A_252] : memref<4x8192x1024xf32, #tpu.memory_space<hbm>> -> memref<1x8x1024xf32, #tpu.memory_space<hbm>>
    %dma_start3A_254 = tpu.memref_squeeze %dma_start3A_253 : memref<1x8x1024xf32, #tpu.memory_space<hbm>> -> memref<8x1024xf32, #tpu.memory_space<hbm>>
    %dma_start3A_255 = arith.constant 0 : i32
    %dma_start3A_256 = tpu.memref_slice %arg2[%dma_start3A_251, %add3A_250, %dma_start3A_255] : memref<4x8192x1024xf32, #tpu.memory_space<hbm>> -> memref<1x8x1024xf32, #tpu.memory_space<hbm>>
    %dma_start3A_257 = tpu.memref_squeeze %dma_start3A_256 : memref<1x8x1024xf32, #tpu.memory_space<hbm>> -> memref<8x1024xf32, #tpu.memory_space<hbm>>
    tpu.enqueue_dma source(%dma_start3A_257 : memref<8x1024xf32, #tpu.memory_space<hbm>>) target(%arg6 : memref<8x1024xf32, #tpu.memory_space<vmem>>) target_semaphore(%arg16 : memref<!tpu.dma_semaphore, #tpu.memory_space<semaphore_mem>>)
    %dma_wait3A_258 = arith.constant 0 : i32
    %dma_wait3A_259 = arith.constant 0 : i32
    %dma_wait3A_260 = arith.constant 0 : i32
    %dma_wait3A_261 = tpu.memref_slice %arg2[%dma_wait3A_258, %dma_wait3A_259, %dma_wait3A_260] : memref<4x8192x1024xf32, #tpu.memory_space<hbm>> -> memref<1x8x1024xf32, #tpu.memory_space<hbm>>
    %dma_wait3A_262 = tpu.memref_squeeze %dma_wait3A_261 : memref<1x8x1024xf32, #tpu.memory_space<hbm>> -> memref<8x1024xf32, #tpu.memory_space<hbm>>
    %dma_wait3A_263 = arith.constant 0 : i32
    %dma_wait3A_264 = arith.constant 0 : i32
    %dma_wait3A_265 = tpu.memref_slice %arg2[%dma_wait3A_258, %dma_wait3A_263, %dma_wait3A_264] : memref<4x8192x1024xf32, #tpu.memory_space<hbm>> -> memref<1x8x1024xf32, #tpu.memory_space<hbm>>
    %dma_wait3A_266 = tpu.memref_squeeze %dma_wait3A_265 : memref<1x8x1024xf32, #tpu.memory_space<hbm>> -> memref<8x1024xf32, #tpu.memory_space<hbm>>
    tpu.wait_dma2 semaphore(%arg20 : memref<!tpu.dma_semaphore, #tpu.memory_space<semaphore_mem>>) src(%dma_wait3A_266 : memref<8x1024xf32, #tpu.memory_space<hbm>>) dst(%arg10 : memref<8x1024xf32, #tpu.memory_space<vmem>>)
    %scan3A_267 = arith.constant 0 : i32
    %scan3A_268 = arith.constant 0 : i32
    %scan3A_269 = arith.constant 8 : i32
    %scan3A_270 = arith.addi %scan3A_268, %scan3A_269 : i32
    %scan3A_271 = arith.constant 1 : i32
    scf.for %scan3A_726 = %scan3A_268 to %scan3A_270 step %scan3A_271  : i32 {
      %parallel_loop3A = arith.constant 0 : i32
      %parallel_loop3A_727 = arith.constant 64 : i32
      %parallel_loop3A_728 = arith.constant 1 : i32
      scf.for %parallel_loop3A_729 = %parallel_loop3A to %parallel_loop3A_727 step %parallel_loop3A_728  : i32 {
        %parallel_loop3A_730 = arith.constant 16 : i32
        %parallel_loop3A_731 = arith.muli %parallel_loop3A_729, %parallel_loop3A_730 : i32
        %parallel_loop3A_732 = arith.index_cast %scan3A_726 : i32 to index
        %parallel_loop3A_733 = arith.index_cast %parallel_loop3A_731 : i32 to index
        %parallel_loop3A_734 = tpu.vector_load %arg10[%parallel_loop3A_732, %parallel_loop3A_733] {strides = array<i32>} : memref<8x1024xf32, #tpu.memory_space<vmem>>, vector<1x16xf32>,
        %parallel_loop3A_735 = vector.shape_cast %parallel_loop3A_734 : vector<1x16xf32> to vector<16xf32>
        %parallel_loop3A_736 = arith.index_cast %scan3A_726 : i32 to index
        %parallel_loop3A_737 = arith.index_cast %parallel_loop3A_731 : i32 to index
        %parallel_loop3A_738 = tpu.vector_load %arg14[%parallel_loop3A_736, %parallel_loop3A_737] {strides = array<i32>} : memref<8x1024xf32, #tpu.memory_space<vmem>>, vector<1x16xf32>,
        %parallel_loop3A_739 = vector.shape_cast %parallel_loop3A_738 : vector<1x16xf32> to vector<16xf32>
        %parallel_loop3A_740 = arith.addf %parallel_loop3A_735, %parallel_loop3A_739 : vector<16xf32>
        %parallel_loop3A_741 = arith.index_cast %scan3A_726 : i32 to index
        %parallel_loop3A_742 = arith.index_cast %parallel_loop3A_731 : i32 to index
        %parallel_loop3A_743 = tpu.vector_load %arg10[%parallel_loop3A_741, %parallel_loop3A_742] {strides = array<i32>} : memref<8x1024xf32, #tpu.memory_space<vmem>>, vector<1x16xf32>,
        %parallel_loop3A_744 = vector.shape_cast %parallel_loop3A_743 : vector<1x16xf32> to vector<16xf32>
        %parallel_loop3A_745 = vector.shape_cast %parallel_loop3A_740 : vector<16xf32> to vector<1x16xf32>
        tpu.vector_store %arg10[%parallel_loop3A_741, %parallel_loop3A_742], %parallel_loop3A_745 {strides = array<i32>} : memref<8x1024xf32, #tpu.memory_space<vmem>>, vector<1x16xf32>,
      } {sc.loop_unroll_factor = 8 : i64, sc.parallel_access}
    }
    %scan3A_272 = arith.constant 8 : i32
    %add3A_273 = arith.constant 8 : i32
    %add3A_274 = arith.addi %mul3A_2, %add3A_273 : i32
    %dma_start3A_275 = arith.constant 1 : i32
    %dma_start3A_276 = arith.constant 0 : i32
    %dma_start3A_277 = tpu.memref_slice %arg4[%dma_start3A_275, %add3A_274, %dma_start3A_276] : memref<4x8192x1024xf32, #tpu.memory_space<hbm>> -> memref<1x8x1024xf32, #tpu.memory_space<hbm>>
    %dma_start3A_278 = tpu.memref_squeeze %dma_start3A_277 : memref<1x8x1024xf32, #tpu.memory_space<hbm>> -> memref<8x1024xf32, #tpu.memory_space<hbm>>
    %dma_start3A_279 = arith.constant 0 : i32
    %dma_start3A_280 = tpu.memref_slice %arg4[%dma_start3A_275, %add3A_274, %dma_start3A_279] : memref<4x8192x1024xf32, #tpu.memory_space<hbm>> -> memref<1x8x1024xf32, #tpu.memory_space<hbm>>
    %dma_start3A_281 = tpu.memref_squeeze %dma_start3A_280 : memref<1x8x1024xf32, #tpu.memory_space<hbm>> -> memref<8x1024xf32, #tpu.memory_space<hbm>>
    tpu.enqueue_dma source(%arg10 : memref<8x1024xf32, #tpu.memory_space<vmem>>) target(%dma_start3A_281 : memref<8x1024xf32, #tpu.memory_space<hbm>>) target_semaphore(%arg20 : memref<!tpu.dma_semaphore, #tpu.memory_space<semaphore_mem>>)
    %dma_wait3A_282 = arith.constant 0 : i32
    %dma_wait3A_283 = arith.constant 0 : i32
    %dma_wait3A_284 = arith.constant 0 : i32
    %dma_wait3A_285 = tpu.memref_slice %arg4[%dma_wait3A_282, %dma_wait3A_283, %dma_wait3A_284] : memref<4x8192x1024xf32, #tpu.memory_space<hbm>> -> memref<1x8x1024xf32, #tpu.memory_space<hbm>>
    %dma_wait3A_286 = tpu.memref_squeeze %dma_wait3A_285 : memref<1x8x1024xf32, #tpu.memory_space<hbm>> -> memref<8x1024xf32, #tpu.memory_space<hbm>>
    %dma_wait3A_287 = arith.constant 0 : i32
    %dma_wait3A_288 = arith.constant 0 : i32
    %dma_wait3A_289 = tpu.memref_slice %arg4[%dma_wait3A_282, %dma_wait3A_287, %dma_wait3A_288] : memref<4x8192x1024xf32, #tpu.memory_space<hbm>> -> memref<1x8x1024xf32, #tpu.memory_space<hbm>>
    %dma_wait3A_290 = tpu.memref_squeeze %dma_wait3A_289 : memref<1x8x1024xf32, #tpu.memory_space<hbm>> -> memref<8x1024xf32, #tpu.memory_space<hbm>>
    tpu.wait_dma2 semaphore(%arg17 : memref<!tpu.dma_semaphore, #tpu.memory_space<semaphore_mem>>) src(%arg7 : memref<8x1024xf32, #tpu.memory_space<vmem>>) dst(%dma_wait3A_290 : memref<8x1024xf32, #tpu.memory_space<hbm>>)
    %add3A_291 = arith.constant 16 : i32
    %add3A_292 = arith.addi %mul3A_2, %add3A_291 : i32
    %dma_start3A_293 = arith.constant 2 : i32
    %dma_start3A_294 = arith.constant 0 : i32
    %dma_start3A_295 = tpu.memref_slice %arg2[%dma_start3A_293, %add3A_292, %dma_start3A_294] : memref<4x8192x1024xf32, #tpu.memory_space<hbm>> -> memref<1x8x1024xf32, #tpu.memory_space<hbm>>
    %dma_start3A_296 = tpu.memref_squeeze %dma_start3A_295 : memref<1x8x1024xf32, #tpu.memory_space<hbm>> -> memref<8x1024xf32, #tpu.memory_space<hbm>>
    %dma_start3A_297 = arith.constant 0 : i32
    %dma_start3A_298 = tpu.memref_slice %arg2[%dma_start3A_293, %add3A_292, %dma_start3A_297] : memref<4x8192x1024xf32, #tpu.memory_space<hbm>> -> memref<1x8x1024xf32, #tpu.memory_space<hbm>>
    %dma_start3A_299 = tpu.memref_squeeze %dma_start3A_298 : memref<1x8x1024xf32, #tpu.memory_space<hbm>> -> memref<8x1024xf32, #tpu.memory_space<hbm>>
    tpu.enqueue_dma source(%dma_start3A_299 : memref<8x1024xf32, #tpu.memory_space<hbm>>) target(%arg7 : memref<8x1024xf32, #tpu.memory_space<vmem>>) target_semaphore(%arg17 : memref<!tpu.dma_semaphore, #tpu.memory_space<semaphore_mem>>)
    %dma_wait3A_300 = arith.constant 0 : i32
    %dma_wait3A_301 = arith.constant 0 : i32
    %dma_wait3A_302 = arith.constant 0 : i32
    %dma_wait3A_303 = tpu.memref_slice %arg2[%dma_wait3A_300, %dma_wait3A_301, %dma_wait3A_302] : memref<4x8192x1024xf32, #tpu.memory_space<hbm>> -> memref<1x8x1024xf32, #tpu.memory_space<hbm>>
    %dma_wait3A_304 = tpu.memref_squeeze %dma_wait3A_303 : memref<1x8x1024xf32, #tpu.memory_space<hbm>> -> memref<8x1024xf32, #tpu.memory_space<hbm>>
    %dma_wait3A_305 = arith.constant 0 : i32
    %dma_wait3A_306 = arith.constant 0 : i32
    %dma_wait3A_307 = tpu.memref_slice %arg2[%dma_wait3A_300, %dma_wait3A_305, %dma_wait3A_306] : memref<4x8192x1024xf32, #tpu.memory_space<hbm>> -> memref<1x8x1024xf32, #tpu.memory_space<hbm>>
    %dma_wait3A_308 = tpu.memref_squeeze %dma_wait3A_307 : memref<1x8x1024xf32, #tpu.memory_space<hbm>> -> memref<8x1024xf32, #tpu.memory_space<hbm>>
    tpu.wait_dma2 semaphore(%arg21 : memref<!tpu.dma_semaphore, #tpu.memory_space<semaphore_mem>>) src(%dma_wait3A_308 : memref<8x1024xf32, #tpu.memory_space<hbm>>) dst(%arg11 : memref<8x1024xf32, #tpu.memory_space<vmem>>)
    %scan3A_309 = arith.constant 0 : i32
    %scan3A_310 = arith.constant 0 : i32
    %scan3A_311 = arith.constant 8 : i32
    %scan3A_312 = arith.addi %scan3A_310, %scan3A_311 : i32
    %scan3A_313 = arith.constant 1 : i32
    scf.for %scan3A_726 = %scan3A_310 to %scan3A_312 step %scan3A_313  : i32 {
      %parallel_loop3A = arith.constant 0 : i32
      %parallel_loop3A_727 = arith.constant 64 : i32
      %parallel_loop3A_728 = arith.constant 1 : i32
      scf.for %parallel_loop3A_729 = %parallel_loop3A to %parallel_loop3A_727 step %parallel_loop3A_728  : i32 {
        %parallel_loop3A_730 = arith.constant 16 : i32
        %parallel_loop3A_731 = arith.muli %parallel_loop3A_729, %parallel_loop3A_730 : i32
        %parallel_loop3A_732 = arith.index_cast %scan3A_726 : i32 to index
        %parallel_loop3A_733 = arith.index_cast %parallel_loop3A_731 : i32 to index
        %parallel_loop3A_734 = tpu.vector_load %arg11[%parallel_loop3A_732, %parallel_loop3A_733] {strides = array<i32>} : memref<8x1024xf32, #tpu.memory_space<vmem>>, vector<1x16xf32>,
        %parallel_loop3A_735 = vector.shape_cast %parallel_loop3A_734 : vector<1x16xf32> to vector<16xf32>
        %parallel_loop3A_736 = arith.index_cast %scan3A_726 : i32 to index
        %parallel_loop3A_737 = arith.index_cast %parallel_loop3A_731 : i32 to index
        %parallel_loop3A_738 = tpu.vector_load %arg14[%parallel_loop3A_736, %parallel_loop3A_737] {strides = array<i32>} : memref<8x1024xf32, #tpu.memory_space<vmem>>, vector<1x16xf32>,
        %parallel_loop3A_739 = vector.shape_cast %parallel_loop3A_738 : vector<1x16xf32> to vector<16xf32>
        %parallel_loop3A_740 = arith.addf %parallel_loop3A_735, %parallel_loop3A_739 : vector<16xf32>
        %parallel_loop3A_741 = arith.index_cast %scan3A_726 : i32 to index
        %parallel_loop3A_742 = arith.index_cast %parallel_loop3A_731 : i32 to index
        %parallel_loop3A_743 = tpu.vector_load %arg11[%parallel_loop3A_741, %parallel_loop3A_742] {strides = array<i32>} : memref<8x1024xf32, #tpu.memory_space<vmem>>, vector<1x16xf32>,
        %parallel_loop3A_744 = vector.shape_cast %parallel_loop3A_743 : vector<1x16xf32> to vector<16xf32>
        %parallel_loop3A_745 = vector.shape_cast %parallel_loop3A_740 : vector<16xf32> to vector<1x16xf32>
        tpu.vector_store %arg11[%parallel_loop3A_741, %parallel_loop3A_742], %parallel_loop3A_745 {strides = array<i32>} : memref<8x1024xf32, #tpu.memory_space<vmem>>, vector<1x16xf32>,
      } {sc.loop_unroll_factor = 8 : i64, sc.parallel_access}
    }
    %scan3A_314 = arith.constant 8 : i32
    %add3A_315 = arith.constant 8 : i32
    %add3A_316 = arith.addi %mul3A_2, %add3A_315 : i32
    %dma_start3A_317 = arith.constant 2 : i32
    %dma_start3A_318 = arith.constant 0 : i32
    %dma_start3A_319 = tpu.memref_slice %arg4[%dma_start3A_317, %add3A_316, %dma_start3A_318] : memref<4x8192x1024xf32, #tpu.memory_space<hbm>> -> memref<1x8x1024xf32, #tpu.memory_space<hbm>>
    %dma_start3A_320 = tpu.memref_squeeze %dma_start3A_319 : memref<1x8x1024xf32, #tpu.memory_space<hbm>> -> memref<8x1024xf32, #tpu.memory_space<hbm>>
    %dma_start3A_321 = arith.constant 0 : i32
    %dma_start3A_322 = tpu.memref_slice %arg4[%dma_start3A_317, %add3A_316, %dma_start3A_321] : memref<4x8192x1024xf32, #tpu.memory_space<hbm>> -> memref<1x8x1024xf32, #tpu.memory_space<hbm>>
    %dma_start3A_323 = tpu.memref_squeeze %dma_start3A_322 : memref<1x8x1024xf32, #tpu.memory_space<hbm>> -> memref<8x1024xf32, #tpu.memory_space<hbm>>
    tpu.enqueue_dma source(%arg11 : memref<8x1024xf32, #tpu.memory_space<vmem>>) target(%dma_start3A_323 : memref<8x1024xf32, #tpu.memory_space<hbm>>) target_semaphore(%arg21 : memref<!tpu.dma_semaphore, #tpu.memory_space<semaphore_mem>>)
    %dma_wait3A_324 = arith.constant 0 : i32
    %dma_wait3A_325 = arith.constant 0 : i32
    %dma_wait3A_326 = arith.constant 0 : i32
    %dma_wait3A_327 = tpu.memref_slice %arg4[%dma_wait3A_324, %dma_wait3A_325, %dma_wait3A_326] : memref<4x8192x1024xf32, #tpu.memory_space<hbm>> -> memref<1x8x1024xf32, #tpu.memory_space<hbm>>
    %dma_wait3A_328 = tpu.memref_squeeze %dma_wait3A_327 : memref<1x8x1024xf32, #tpu.memory_space<hbm>> -> memref<8x1024xf32, #tpu.memory_space<hbm>>
    %dma_wait3A_329 = arith.constant 0 : i32
    %dma_wait3A_330 = arith.constant 0 : i32
    %dma_wait3A_331 = tpu.memref_slice %arg4[%dma_wait3A_324, %dma_wait3A_329, %dma_wait3A_330] : memref<4x8192x1024xf32, #tpu.memory_space<hbm>> -> memref<1x8x1024xf32, #tpu.memory_space<hbm>>
    %dma_wait3A_332 = tpu.memref_squeeze %dma_wait3A_331 : memref<1x8x1024xf32, #tpu.memory_space<hbm>> -> memref<8x1024xf32, #tpu.memory_space<hbm>>
    tpu.wait_dma2 semaphore(%arg18 : memref<!tpu.dma_semaphore, #tpu.memory_space<semaphore_mem>>) src(%arg8 : memref<8x1024xf32, #tpu.memory_space<vmem>>) dst(%dma_wait3A_332 : memref<8x1024xf32, #tpu.memory_space<hbm>>)
    %add3A_333 = arith.constant 16 : i32
    %add3A_334 = arith.addi %mul3A_2, %add3A_333 : i32
    %dma_start3A_335 = arith.constant 3 : i32
    %dma_start3A_336 = arith.constant 0 : i32
    %dma_start3A_337 = tpu.memref_slice %arg2[%dma_start3A_335, %add3A_334, %dma_start3A_336] : memref<4x8192x1024xf32, #tpu.memory_space<hbm>> -> memref<1x8x1024xf32, #tpu.memory_space<hbm>>
    %dma_start3A_338 = tpu.memref_squeeze %dma_start3A_337 : memref<1x8x1024xf32, #tpu.memory_space<hbm>> -> memref<8x1024xf32, #tpu.memory_space<hbm>>
    %dma_start3A_339 = arith.constant 0 : i32
    %dma_start3A_340 = tpu.memref_slice %arg2[%dma_start3A_335, %add3A_334, %dma_start3A_339] : memref<4x8192x1024xf32, #tpu.memory_space<hbm>> -> memref<1x8x1024xf32, #tpu.memory_space<hbm>>
    %dma_start3A_341 = tpu.memref_squeeze %dma_start3A_340 : memref<1x8x1024xf32, #tpu.memory_space<hbm>> -> memref<8x1024xf32, #tpu.memory_space<hbm>>
    tpu.enqueue_dma source(%dma_start3A_341 : memref<8x1024xf32, #tpu.memory_space<hbm>>) target(%arg8 : memref<8x1024xf32, #tpu.memory_space<vmem>>) target_semaphore(%arg18 : memref<!tpu.dma_semaphore, #tpu.memory_space<semaphore_mem>>)
    %dma_wait3A_342 = arith.constant 0 : i32
    %dma_wait3A_343 = arith.constant 0 : i32
    %dma_wait3A_344 = arith.constant 0 : i32
    %dma_wait3A_345 = tpu.memref_slice %arg2[%dma_wait3A_342, %dma_wait3A_343, %dma_wait3A_344] : memref<4x8192x1024xf32, #tpu.memory_space<hbm>> -> memref<1x8x1024xf32, #tpu.memory_space<hbm>>
    %dma_wait3A_346 = tpu.memref_squeeze %dma_wait3A_345 : memref<1x8x1024xf32, #tpu.memory_space<hbm>> -> memref<8x1024xf32, #tpu.memory_space<hbm>>
    %dma_wait3A_347 = arith.constant 0 : i32
    %dma_wait3A_348 = arith.constant 0 : i32
    %dma_wait3A_349 = tpu.memref_slice %arg2[%dma_wait3A_342, %dma_wait3A_347, %dma_wait3A_348] : memref<4x8192x1024xf32, #tpu.memory_space<hbm>> -> memref<1x8x1024xf32, #tpu.memory_space<hbm>>
    %dma_wait3A_350 = tpu.memref_squeeze %dma_wait3A_349 : memref<1x8x1024xf32, #tpu.memory_space<hbm>> -> memref<8x1024xf32, #tpu.memory_space<hbm>>
    tpu.wait_dma2 semaphore(%arg22 : memref<!tpu.dma_semaphore, #tpu.memory_space<semaphore_mem>>) src(%dma_wait3A_350 : memref<8x1024xf32, #tpu.memory_space<hbm>>) dst(%arg12 : memref<8x1024xf32, #tpu.memory_space<vmem>>)
    %scan3A_351 = arith.constant 0 : i32
    %scan3A_352 = arith.constant 0 : i32
    %scan3A_353 = arith.constant 8 : i32
    %scan3A_354 = arith.addi %scan3A_352, %scan3A_353 : i32
    %scan3A_355 = arith.constant 1 : i32
    scf.for %scan3A_726 = %scan3A_352 to %scan3A_354 step %scan3A_355  : i32 {
      %parallel_loop3A = arith.constant 0 : i32
      %parallel_loop3A_727 = arith.constant 64 : i32
      %parallel_loop3A_728 = arith.constant 1 : i32
      scf.for %parallel_loop3A_729 = %parallel_loop3A to %parallel_loop3A_727 step %parallel_loop3A_728  : i32 {
        %parallel_loop3A_730 = arith.constant 16 : i32
        %parallel_loop3A_731 = arith.muli %parallel_loop3A_729, %parallel_loop3A_730 : i32
        %parallel_loop3A_732 = arith.index_cast %scan3A_726 : i32 to index
        %parallel_loop3A_733 = arith.index_cast %parallel_loop3A_731 : i32 to index
        %parallel_loop3A_734 = tpu.vector_load %arg12[%parallel_loop3A_732, %parallel_loop3A_733] {strides = array<i32>} : memref<8x1024xf32, #tpu.memory_space<vmem>>, vector<1x16xf32>,
        %parallel_loop3A_735 = vector.shape_cast %parallel_loop3A_734 : vector<1x16xf32> to vector<16xf32>
        %parallel_loop3A_736 = arith.index_cast %scan3A_726 : i32 to index
        %parallel_loop3A_737 = arith.index_cast %parallel_loop3A_731 : i32 to index
        %parallel_loop3A_738 = tpu.vector_load %arg14[%parallel_loop3A_736, %parallel_loop3A_737] {strides = array<i32>} : memref<8x1024xf32, #tpu.memory_space<vmem>>, vector<1x16xf32>,
        %parallel_loop3A_739 = vector.shape_cast %parallel_loop3A_738 : vector<1x16xf32> to vector<16xf32>
        %parallel_loop3A_740 = arith.addf %parallel_loop3A_735, %parallel_loop3A_739 : vector<16xf32>
        %parallel_loop3A_741 = arith.index_cast %scan3A_726 : i32 to index
        %parallel_loop3A_742 = arith.index_cast %parallel_loop3A_731 : i32 to index
        %parallel_loop3A_743 = tpu.vector_load %arg12[%parallel_loop3A_741, %parallel_loop3A_742] {strides = array<i32>} : memref<8x1024xf32, #tpu.memory_space<vmem>>, vector<1x16xf32>,
        %parallel_loop3A_744 = vector.shape_cast %parallel_loop3A_743 : vector<1x16xf32> to vector<16xf32>
        %parallel_loop3A_745 = vector.shape_cast %parallel_loop3A_740 : vector<16xf32> to vector<1x16xf32>
        tpu.vector_store %arg12[%parallel_loop3A_741, %parallel_loop3A_742], %parallel_loop3A_745 {strides = array<i32>} : memref<8x1024xf32, #tpu.memory_space<vmem>>, vector<1x16xf32>,
      } {sc.loop_unroll_factor = 8 : i64, sc.parallel_access}
    }
    %scan3A_356 = arith.constant 8 : i32
    %add3A_357 = arith.constant 8 : i32
    %add3A_358 = arith.addi %mul3A_2, %add3A_357 : i32
    %dma_start3A_359 = arith.constant 3 : i32
    %dma_start3A_360 = arith.constant 0 : i32
    %dma_start3A_361 = tpu.memref_slice %arg4[%dma_start3A_359, %add3A_358, %dma_start3A_360] : memref<4x8192x1024xf32, #tpu.memory_space<hbm>> -> memref<1x8x1024xf32, #tpu.memory_space<hbm>>
    %dma_start3A_362 = tpu.memref_squeeze %dma_start3A_361 : memref<1x8x1024xf32, #tpu.memory_space<hbm>> -> memref<8x1024xf32, #tpu.memory_space<hbm>>
    %dma_start3A_363 = arith.constant 0 : i32
    %dma_start3A_364 = tpu.memref_slice %arg4[%dma_start3A_359, %add3A_358, %dma_start3A_363] : memref<4x8192x1024xf32, #tpu.memory_space<hbm>> -> memref<1x8x1024xf32, #tpu.memory_space<hbm>>
    %dma_start3A_365 = tpu.memref_squeeze %dma_start3A_364 : memref<1x8x1024xf32, #tpu.memory_space<hbm>> -> memref<8x1024xf32, #tpu.memory_space<hbm>>
    tpu.enqueue_dma source(%arg12 : memref<8x1024xf32, #tpu.memory_space<vmem>>) target(%dma_start3A_365 : memref<8x1024xf32, #tpu.memory_space<hbm>>) target_semaphore(%arg22 : memref<!tpu.dma_semaphore, #tpu.memory_space<semaphore_mem>>)
    %add3A_366 = arith.constant 24 : i32
    %add3A_367 = arith.addi %mul3A_2, %add3A_366 : i32
    %dma_start3A_368 = arith.constant 0 : i32
    %dma_start3A_369 = tpu.memref_slice %arg3[%add3A_367, %dma_start3A_368] : memref<8192x1024xf32, #tpu.memory_space<hbm>> -> memref<8x1024xf32, #tpu.memory_space<hbm>>
    %dma_start3A_370 = arith.constant 0 : i32
    %dma_start3A_371 = tpu.memref_slice %arg3[%add3A_367, %dma_start3A_370] : memref<8192x1024xf32, #tpu.memory_space<hbm>> -> memref<8x1024xf32, #tpu.memory_space<hbm>>
    tpu.enqueue_dma source(%dma_start3A_371 : memref<8x1024xf32, #tpu.memory_space<hbm>>) target(%arg14 : memref<8x1024xf32, #tpu.memory_space<vmem>>) target_semaphore(%arg24 : memref<!tpu.dma_semaphore, #tpu.memory_space<semaphore_mem>>)
    %scan3A_372 = arith.constant 0 : i32
    %scan3A_373 = arith.constant 1 : i32
    %scan3A_374 = arith.constant 14 : i32
    %scan3A_375 = arith.addi %scan3A_373, %scan3A_374 : i32
    %scan3A_376 = arith.constant 1 : i32
    scf.for %scan3A_726 = %scan3A_373 to %scan3A_375 step %scan3A_376  : i32 {
      %mul3A_727 = arith.constant 2 : i32
      %mul3A_728 = arith.muli %mul3A_727, %scan3A_726 : i32
      %add3A_729 = arith.constant 0 : i32
      %add3A_730 = arith.addi %mul3A_728, %add3A_729 : i32
      %dma_wait3A_731 = arith.constant 0 : i32
      %dma_wait3A_732 = arith.constant 0 : i32
      %dma_wait3A_733 = tpu.memref_slice %arg3[%dma_wait3A_731, %dma_wait3A_732] : memref<8192x1024xf32, #tpu.memory_space<hbm>> -> memref<8x1024xf32, #tpu.memory_space<hbm>>
      %dma_wait3A_734 = arith.constant 0 : i32
      %dma_wait3A_735 = arith.constant 0 : i32
      %dma_wait3A_736 = tpu.memref_slice %arg3[%dma_wait3A_734, %dma_wait3A_735] : memref<8192x1024xf32, #tpu.memory_space<hbm>> -> memref<8x1024xf32, #tpu.memory_space<hbm>>
      tpu.wait_dma2 semaphore(%arg23 : memref<!tpu.dma_semaphore, #tpu.memory_space<semaphore_mem>>) src(%dma_wait3A_736 : memref<8x1024xf32, #tpu.memory_space<hbm>>) dst(%arg13 : memref<8x1024xf32, #tpu.memory_space<vmem>>)
      %dma_wait3A_737 = arith.constant 0 : i32
      %dma_wait3A_738 = arith.constant 0 : i32
      %dma_wait3A_739 = arith.constant 0 : i32
      %dma_wait3A_740 = tpu.memref_slice %arg4[%dma_wait3A_737, %dma_wait3A_738, %dma_wait3A_739] : memref<4x8192x1024xf32, #tpu.memory_space<hbm>> -> memref<1x8x1024xf32, #tpu.memory_space<hbm>>
      %dma_wait3A_741 = tpu.memref_squeeze %dma_wait3A_740 : memref<1x8x1024xf32, #tpu.memory_space<hbm>> -> memref<8x1024xf32, #tpu.memory_space<hbm>>
      %dma_wait3A_742 = arith.constant 0 : i32
      %dma_wait3A_743 = arith.constant 0 : i32
      %dma_wait3A_744 = tpu.memref_slice %arg4[%dma_wait3A_737, %dma_wait3A_742, %dma_wait3A_743] : memref<4x8192x1024xf32, #tpu.memory_space<hbm>> -> memref<1x8x1024xf32, #tpu.memory_space<hbm>>
      %dma_wait3A_745 = tpu.memref_squeeze %dma_wait3A_744 : memref<1x8x1024xf32, #tpu.memory_space<hbm>> -> memref<8x1024xf32, #tpu.memory_space<hbm>>
      tpu.wait_dma2 semaphore(%arg19 : memref<!tpu.dma_semaphore, #tpu.memory_space<semaphore_mem>>) src(%arg9 : memref<8x1024xf32, #tpu.memory_space<vmem>>) dst(%dma_wait3A_745 : memref<8x1024xf32, #tpu.memory_space<hbm>>)
      %add3A_746 = arith.constant 1 : i32
      %add3A_747 = arith.addi %add3A_730, %add3A_746 : i32
      %mul3A_748 = arith.constant 8 : i32
      %mul3A_749 = arith.muli %add3A_747, %mul3A_748 : i32
      %add3A_750 = arith.addi %mul3A_2, %mul3A_749 : i32
      %dma_start3A_751 = arith.constant 0 : i32
      %dma_start3A_752 = arith.constant 0 : i32
      %dma_start3A_753 = tpu.memref_slice %arg2[%dma_start3A_751, %add3A_750, %dma_start3A_752] : memref<4x8192x1024xf32, #tpu.memory_space<hbm>> -> memref<1x8x1024xf32, #tpu.memory_space<hbm>>
      %dma_start3A_754 = tpu.memref_squeeze %dma_start3A_753 : memref<1x8x1024xf32, #tpu.memory_space<hbm>> -> memref<8x1024xf32, #tpu.memory_space<hbm>>
      %dma_start3A_755 = arith.constant 0 : i32
      %dma_start3A_756 = tpu.memref_slice %arg2[%dma_start3A_751, %add3A_750, %dma_start3A_755] : memref<4x8192x1024xf32, #tpu.memory_space<hbm>> -> memref<1x8x1024xf32, #tpu.memory_space<hbm>>
      %dma_start3A_757 = tpu.memref_squeeze %dma_start3A_756 : memref<1x8x1024xf32, #tpu.memory_space<hbm>> -> memref<8x1024xf32, #tpu.memory_space<hbm>>
      tpu.enqueue_dma source(%dma_start3A_757 : memref<8x1024xf32, #tpu.memory_space<hbm>>) target(%arg9 : memref<8x1024xf32, #tpu.memory_space<vmem>>) target_semaphore(%arg19 : memref<!tpu.dma_semaphore, #tpu.memory_space<semaphore_mem>>)
      %dma_wait3A_758 = arith.constant 0 : i32
      %dma_wait3A_759 = arith.constant 0 : i32
      %dma_wait3A_760 = arith.constant 0 : i32
      %dma_wait3A_761 = tpu.memref_slice %arg2[%dma_wait3A_758, %dma_wait3A_759, %dma_wait3A_760] : memref<4x8192x1024xf32, #tpu.memory_space<hbm>> -> memref<1x8x1024xf32, #tpu.memory_space<hbm>>
      %dma_wait3A_762 = tpu.memref_squeeze %dma_wait3A_761 : memref<1x8x1024xf32, #tpu.memory_space<hbm>> -> memref<8x1024xf32, #tpu.memory_space<hbm>>
      %dma_wait3A_763 = arith.constant 0 : i32
      %dma_wait3A_764 = arith.constant 0 : i32
      %dma_wait3A_765 = tpu.memref_slice %arg2[%dma_wait3A_758, %dma_wait3A_763, %dma_wait3A_764] : memref<4x8192x1024xf32, #tpu.memory_space<hbm>> -> memref<1x8x1024xf32, #tpu.memory_space<hbm>>
      %dma_wait3A_766 = tpu.memref_squeeze %dma_wait3A_765 : memref<1x8x1024xf32, #tpu.memory_space<hbm>> -> memref<8x1024xf32, #tpu.memory_space<hbm>>
      tpu.wait_dma2 semaphore(%arg15 : memref<!tpu.dma_semaphore, #tpu.memory_space<semaphore_mem>>) src(%dma_wait3A_766 : memref<8x1024xf32, #tpu.memory_space<hbm>>) dst(%arg5 : memref<8x1024xf32, #tpu.memory_space<vmem>>)
      %scan3A_767 = arith.constant 0 : i32
      %scan3A_768 = arith.constant 0 : i32
      %scan3A_769 = arith.constant 8 : i32
      %scan3A_770 = arith.addi %scan3A_768, %scan3A_769 : i32
      %scan3A_771 = arith.constant 1 : i32
      scf.for %scan3A_1133 = %scan3A_768 to %scan3A_770 step %scan3A_771  : i32 {
        %parallel_loop3A = arith.constant 0 : i32
        %parallel_loop3A_1134 = arith.constant 64 : i32
        %parallel_loop3A_1135 = arith.constant 1 : i32
        scf.for %parallel_loop3A_1136 = %parallel_loop3A to %parallel_loop3A_1134 step %parallel_loop3A_1135  : i32 {
          %parallel_loop3A_1137 = arith.constant 16 : i32
          %parallel_loop3A_1138 = arith.muli %parallel_loop3A_1136, %parallel_loop3A_1137 : i32
          %parallel_loop3A_1139 = arith.index_cast %scan3A_1133 : i32 to index
          %parallel_loop3A_1140 = arith.index_cast %parallel_loop3A_1138 : i32 to index
          %parallel_loop3A_1141 = tpu.vector_load %arg5[%parallel_loop3A_1139, %parallel_loop3A_1140] {strides = array<i32>} : memref<8x1024xf32, #tpu.memory_space<vmem>>, vector<1x16xf32>,
          %parallel_loop3A_1142 = vector.shape_cast %parallel_loop3A_1141 : vector<1x16xf32> to vector<16xf32>
          %parallel_loop3A_1143 = arith.index_cast %scan3A_1133 : i32 to index
          %parallel_loop3A_1144 = arith.index_cast %parallel_loop3A_1138 : i32 to index
          %parallel_loop3A_1145 = tpu.vector_load %arg13[%parallel_loop3A_1143, %parallel_loop3A_1144] {strides = array<i32>} : memref<8x1024xf32, #tpu.memory_space<vmem>>, vector<1x16xf32>,
          %parallel_loop3A_1146 = vector.shape_cast %parallel_loop3A_1145 : vector<1x16xf32> to vector<16xf32>
          %parallel_loop3A_1147 = arith.addf %parallel_loop3A_1142, %parallel_loop3A_1146 : vector<16xf32>
          %parallel_loop3A_1148 = arith.index_cast %scan3A_1133 : i32 to index
          %parallel_loop3A_1149 = arith.index_cast %parallel_loop3A_1138 : i32 to index
          %parallel_loop3A_1150 = tpu.vector_load %arg5[%parallel_loop3A_1148, %parallel_loop3A_1149] {strides = array<i32>} : memref<8x1024xf32, #tpu.memory_space<vmem>>, vector<1x16xf32>,
          %parallel_loop3A_1151 = vector.shape_cast %parallel_loop3A_1150 : vector<1x16xf32> to vector<16xf32>
          %parallel_loop3A_1152 = vector.shape_cast %parallel_loop3A_1147 : vector<16xf32> to vector<1x16xf32>
          tpu.vector_store %arg5[%parallel_loop3A_1148, %parallel_loop3A_1149], %parallel_loop3A_1152 {strides = array<i32>} : memref<8x1024xf32, #tpu.memory_space<vmem>>, vector<1x16xf32>,
        } {sc.loop_unroll_factor = 8 : i64, sc.parallel_access}
      }
      %scan3A_772 = arith.constant 8 : i32
      %mul3A_773 = arith.constant 8 : i32
      %mul3A_774 = arith.muli %add3A_730, %mul3A_773 : i32
      %add3A_775 = arith.addi %mul3A_2, %mul3A_774 : i32
      %dma_start3A_776 = arith.constant 0 : i32
      %dma_start3A_777 = arith.constant 0 : i32
      %dma_start3A_778 = tpu.memref_slice %arg4[%dma_start3A_776, %add3A_775, %dma_start3A_777] : memref<4x8192x1024xf32, #tpu.memory_space<hbm>> -> memref<1x8x1024xf32, #tpu.memory_space<hbm>>
      %dma_start3A_779 = tpu.memref_squeeze %dma_start3A_778 : memref<1x8x1024xf32, #tpu.memory_space<hbm>> -> memref<8x1024xf32, #tpu.memory_space<hbm>>
      %dma_start3A_780 = arith.constant 0 : i32
      %dma_start3A_781 = tpu.memref_slice %arg4[%dma_start3A_776, %add3A_775, %dma_start3A_780] : memref<4x8192x1024xf32, #tpu.memory_space<hbm>> -> memref<1x8x1024xf32, #tpu.memory_space<hbm>>
      %dma_start3A_782 = tpu.memref_squeeze %dma_start3A_781 : memref<1x8x1024xf32, #tpu.memory_space<hbm>> -> memref<8x1024xf32, #tpu.memory_space<hbm>>
      tpu.enqueue_dma source(%arg5 : memref<8x1024xf32, #tpu.memory_space<vmem>>) target(%dma_start3A_782 : memref<8x1024xf32, #tpu.memory_space<hbm>>) target_semaphore(%arg15 : memref<!tpu.dma_semaphore, #tpu.memory_space<semaphore_mem>>)
      %dma_wait3A_783 = arith.constant 0 : i32
      %dma_wait3A_784 = arith.constant 0 : i32
      %dma_wait3A_785 = arith.constant 0 : i32
      %dma_wait3A_786 = tpu.memref_slice %arg4[%dma_wait3A_783, %dma_wait3A_784, %dma_wait3A_785] : memref<4x8192x1024xf32, #tpu.memory_space<hbm>> -> memref<1x8x1024xf32, #tpu.memory_space<hbm>>
      %dma_wait3A_787 = tpu.memref_squeeze %dma_wait3A_786 : memref<1x8x1024xf32, #tpu.memory_space<hbm>> -> memref<8x1024xf32, #tpu.memory_space<hbm>>
      %dma_wait3A_788 = arith.constant 0 : i32
      %dma_wait3A_789 = arith.constant 0 : i32
      %dma_wait3A_790 = tpu.memref_slice %arg4[%dma_wait3A_783, %dma_wait3A_788, %dma_wait3A_789] : memref<4x8192x1024xf32, #tpu.memory_space<hbm>> -> memref<1x8x1024xf32, #tpu.memory_space<hbm>>
      %dma_wait3A_791 = tpu.memref_squeeze %dma_wait3A_790 : memref<1x8x1024xf32, #tpu.memory_space<hbm>> -> memref<8x1024xf32, #tpu.memory_space<hbm>>
      tpu.wait_dma2 semaphore(%arg20 : memref<!tpu.dma_semaphore, #tpu.memory_space<semaphore_mem>>) src(%arg10 : memref<8x1024xf32, #tpu.memory_space<vmem>>) dst(%dma_wait3A_791 : memref<8x1024xf32, #tpu.memory_space<hbm>>)
      %add3A_792 = arith.constant 1 : i32
      %add3A_793 = arith.addi %add3A_730, %add3A_792 : i32
      %mul3A_794 = arith.constant 8 : i32
      %mul3A_795 = arith.muli %add3A_793, %mul3A_794 : i32
      %add3A_796 = arith.addi %mul3A_2, %mul3A_795 : i32
      %dma_start3A_797 = arith.constant 1 : i32
      %dma_start3A_798 = arith.constant 0 : i32
      %dma_start3A_799 = tpu.memref_slice %arg2[%dma_start3A_797, %add3A_796, %dma_start3A_798] : memref<4x8192x1024xf32, #tpu.memory_space<hbm>> -> memref<1x8x1024xf32, #tpu.memory_space<hbm>>
      %dma_start3A_800 = tpu.memref_squeeze %dma_start3A_799 : memref<1x8x1024xf32, #tpu.memory_space<hbm>> -> memref<8x1024xf32, #tpu.memory_space<hbm>>
      %dma_start3A_801 = arith.constant 0 : i32
      %dma_start3A_802 = tpu.memref_slice %arg2[%dma_start3A_797, %add3A_796, %dma_start3A_801] : memref<4x8192x1024xf32, #tpu.memory_space<hbm>> -> memref<1x8x1024xf32, #tpu.memory_space<hbm>>
      %dma_start3A_803 = tpu.memref_squeeze %dma_start3A_802 : memref<1x8x1024xf32, #tpu.memory_space<hbm>> -> memref<8x1024xf32, #tpu.memory_space<hbm>>
      tpu.enqueue_dma source(%dma_start3A_803 : memref<8x1024xf32, #tpu.memory_space<hbm>>) target(%arg10 : memref<8x1024xf32, #tpu.memory_space<vmem>>) target_semaphore(%arg20 : memref<!tpu.dma_semaphore, #tpu.memory_space<semaphore_mem>>)
      %dma_wait3A_804 = arith.constant 0 : i32
      %dma_wait3A_805 = arith.constant 0 : i32
      %dma_wait3A_806 = arith.constant 0 : i32
      %dma_wait3A_807 = tpu.memref_slice %arg2[%dma_wait3A_804, %dma_wait3A_805, %dma_wait3A_806] : memref<4x8192x1024xf32, #tpu.memory_space<hbm>> -> memref<1x8x1024xf32, #tpu.memory_space<hbm>>
      %dma_wait3A_808 = tpu.memref_squeeze %dma_wait3A_807 : memref<1x8x1024xf32, #tpu.memory_space<hbm>> -> memref<8x1024xf32, #tpu.memory_space<hbm>>
      %dma_wait3A_809 = arith.constant 0 : i32
      %dma_wait3A_810 = arith.constant 0 : i32
      %dma_wait3A_811 = tpu.memref_slice %arg2[%dma_wait3A_804, %dma_wait3A_809, %dma_wait3A_810] : memref<4x8192x1024xf32, #tpu.memory_space<hbm>> -> memref<1x8x1024xf32, #tpu.memory_space<hbm>>
      %dma_wait3A_812 = tpu.memref_squeeze %dma_wait3A_811 : memref<1x8x1024xf32, #tpu.memory_space<hbm>> -> memref<8x1024xf32, #tpu.memory_space<hbm>>
      tpu.wait_dma2 semaphore(%arg16 : memref<!tpu.dma_semaphore, #tpu.memory_space<semaphore_mem>>) src(%dma_wait3A_812 : memref<8x1024xf32, #tpu.memory_space<hbm>>) dst(%arg6 : memref<8x1024xf32, #tpu.memory_space<vmem>>)
      %scan3A_813 = arith.constant 0 : i32
      %scan3A_814 = arith.constant 0 : i32
      %scan3A_815 = arith.constant 8 : i32
      %scan3A_816 = arith.addi %scan3A_814, %scan3A_815 : i32
      %scan3A_817 = arith.constant 1 : i32
      scf.for %scan3A_1133 = %scan3A_814 to %scan3A_816 step %scan3A_817  : i32 {
        %parallel_loop3A = arith.constant 0 : i32
        %parallel_loop3A_1134 = arith.constant 64 : i32
        %parallel_loop3A_1135 = arith.constant 1 : i32
        scf.for %parallel_loop3A_1136 = %parallel_loop3A to %parallel_loop3A_1134 step %parallel_loop3A_1135  : i32 {
          %parallel_loop3A_1137 = arith.constant 16 : i32
          %parallel_loop3A_1138 = arith.muli %parallel_loop3A_1136, %parallel_loop3A_1137 : i32
          %parallel_loop3A_1139 = arith.index_cast %scan3A_1133 : i32 to index
          %parallel_loop3A_1140 = arith.index_cast %parallel_loop3A_1138 : i32 to index
          %parallel_loop3A_1141 = tpu.vector_load %arg6[%parallel_loop3A_1139, %parallel_loop3A_1140] {strides = array<i32>} : memref<8x1024xf32, #tpu.memory_space<vmem>>, vector<1x16xf32>,
          %parallel_loop3A_1142 = vector.shape_cast %parallel_loop3A_1141 : vector<1x16xf32> to vector<16xf32>
          %parallel_loop3A_1143 = arith.index_cast %scan3A_1133 : i32 to index
          %parallel_loop3A_1144 = arith.index_cast %parallel_loop3A_1138 : i32 to index
          %parallel_loop3A_1145 = tpu.vector_load %arg13[%parallel_loop3A_1143, %parallel_loop3A_1144] {strides = array<i32>} : memref<8x1024xf32, #tpu.memory_space<vmem>>, vector<1x16xf32>,
          %parallel_loop3A_1146 = vector.shape_cast %parallel_loop3A_1145 : vector<1x16xf32> to vector<16xf32>
          %parallel_loop3A_1147 = arith.addf %parallel_loop3A_1142, %parallel_loop3A_1146 : vector<16xf32>
          %parallel_loop3A_1148 = arith.index_cast %scan3A_1133 : i32 to index
          %parallel_loop3A_1149 = arith.index_cast %parallel_loop3A_1138 : i32 to index
          %parallel_loop3A_1150 = tpu.vector_load %arg6[%parallel_loop3A_1148, %parallel_loop3A_1149] {strides = array<i32>} : memref<8x1024xf32, #tpu.memory_space<vmem>>, vector<1x16xf32>,
          %parallel_loop3A_1151 = vector.shape_cast %parallel_loop3A_1150 : vector<1x16xf32> to vector<16xf32>
          %parallel_loop3A_1152 = vector.shape_cast %parallel_loop3A_1147 : vector<16xf32> to vector<1x16xf32>
          tpu.vector_store %arg6[%parallel_loop3A_1148, %parallel_loop3A_1149], %parallel_loop3A_1152 {strides = array<i32>} : memref<8x1024xf32, #tpu.memory_space<vmem>>, vector<1x16xf32>,
        } {sc.loop_unroll_factor = 8 : i64, sc.parallel_access}
      }
      %scan3A_818 = arith.constant 8 : i32
      %mul3A_819 = arith.constant 8 : i32
      %mul3A_820 = arith.muli %add3A_730, %mul3A_819 : i32
      %add3A_821 = arith.addi %mul3A_2, %mul3A_820 : i32
      %dma_start3A_822 = arith.constant 1 : i32
      %dma_start3A_823 = arith.constant 0 : i32
      %dma_start3A_824 = tpu.memref_slice %arg4[%dma_start3A_822, %add3A_821, %dma_start3A_823] : memref<4x8192x1024xf32, #tpu.memory_space<hbm>> -> memref<1x8x1024xf32, #tpu.memory_space<hbm>>
      %dma_start3A_825 = tpu.memref_squeeze %dma_start3A_824 : memref<1x8x1024xf32, #tpu.memory_space<hbm>> -> memref<8x1024xf32, #tpu.memory_space<hbm>>
      %dma_start3A_826 = arith.constant 0 : i32
      %dma_start3A_827 = tpu.memref_slice %arg4[%dma_start3A_822, %add3A_821, %dma_start3A_826] : memref<4x8192x1024xf32, #tpu.memory_space<hbm>> -> memref<1x8x1024xf32, #tpu.memory_space<hbm>>
      %dma_start3A_828 = tpu.memref_squeeze %dma_start3A_827 : memref<1x8x1024xf32, #tpu.memory_space<hbm>> -> memref<8x1024xf32, #tpu.memory_space<hbm>>
      tpu.enqueue_dma source(%arg6 : memref<8x1024xf32, #tpu.memory_space<vmem>>) target(%dma_start3A_828 : memref<8x1024xf32, #tpu.memory_space<hbm>>) target_semaphore(%arg16 : memref<!tpu.dma_semaphore, #tpu.memory_space<semaphore_mem>>)
      %dma_wait3A_829 = arith.constant 0 : i32
      %dma_wait3A_830 = arith.constant 0 : i32
      %dma_wait3A_831 = arith.constant 0 : i32
      %dma_wait3A_832 = tpu.memref_slice %arg4[%dma_wait3A_829, %dma_wait3A_830, %dma_wait3A_831] : memref<4x8192x1024xf32, #tpu.memory_space<hbm>> -> memref<1x8x1024xf32, #tpu.memory_space<hbm>>
      %dma_wait3A_833 = tpu.memref_squeeze %dma_wait3A_832 : memref<1x8x1024xf32, #tpu.memory_space<hbm>> -> memref<8x1024xf32, #tpu.memory_space<hbm>>
      %dma_wait3A_834 = arith.constant 0 : i32
      %dma_wait3A_835 = arith.constant 0 : i32
      %dma_wait3A_836 = tpu.memref_slice %arg4[%dma_wait3A_829, %dma_wait3A_834, %dma_wait3A_835] : memref<4x8192x1024xf32, #tpu.memory_space<hbm>> -> memref<1x8x1024xf32, #tpu.memory_space<hbm>>
      %dma_wait3A_837 = tpu.memref_squeeze %dma_wait3A_836 : memref<1x8x1024xf32, #tpu.memory_space<hbm>> -> memref<8x1024xf32, #tpu.memory_space<hbm>>
      tpu.wait_dma2 semaphore(%arg21 : memref<!tpu.dma_semaphore, #tpu.memory_space<semaphore_mem>>) src(%arg11 : memref<8x1024xf32, #tpu.memory_space<vmem>>) dst(%dma_wait3A_837 : memref<8x1024xf32, #tpu.memory_space<hbm>>)
      %add3A_838 = arith.constant 1 : i32
      %add3A_839 = arith.addi %add3A_730, %add3A_838 : i32
      %mul3A_840 = arith.constant 8 : i32
      %mul3A_841 = arith.muli %add3A_839, %mul3A_840 : i32
      %add3A_842 = arith.addi %mul3A_2, %mul3A_841 : i32
      %dma_start3A_843 = arith.constant 2 : i32
      %dma_start3A_844 = arith.constant 0 : i32
      %dma_start3A_845 = tpu.memref_slice %arg2[%dma_start3A_843, %add3A_842, %dma_start3A_844] : memref<4x8192x1024xf32, #tpu.memory_space<hbm>> -> memref<1x8x1024xf32, #tpu.memory_space<hbm>>
      %dma_start3A_846 = tpu.memref_squeeze %dma_start3A_845 : memref<1x8x1024xf32, #tpu.memory_space<hbm>> -> memref<8x1024xf32, #tpu.memory_space<hbm>>
      %dma_start3A_847 = arith.constant 0 : i32
      %dma_start3A_848 = tpu.memref_slice %arg2[%dma_start3A_843, %add3A_842, %dma_start3A_847] : memref<4x8192x1024xf32, #tpu.memory_space<hbm>> -> memref<1x8x1024xf32, #tpu.memory_space<hbm>>
      %dma_start3A_849 = tpu.memref_squeeze %dma_start3A_848 : memref<1x8x1024xf32, #tpu.memory_space<hbm>> -> memref<8x1024xf32, #tpu.memory_space<hbm>>
      tpu.enqueue_dma source(%dma_start3A_849 : memref<8x1024xf32, #tpu.memory_space<hbm>>) target(%arg11 : memref<8x1024xf32, #tpu.memory_space<vmem>>) target_semaphore(%arg21 : memref<!tpu.dma_semaphore, #tpu.memory_space<semaphore_mem>>)
      %dma_wait3A_850 = arith.constant 0 : i32
      %dma_wait3A_851 = arith.constant 0 : i32
      %dma_wait3A_852 = arith.constant 0 : i32
      %dma_wait3A_853 = tpu.memref_slice %arg2[%dma_wait3A_850, %dma_wait3A_851, %dma_wait3A_852] : memref<4x8192x1024xf32, #tpu.memory_space<hbm>> -> memref<1x8x1024xf32, #tpu.memory_space<hbm>>
      %dma_wait3A_854 = tpu.memref_squeeze %dma_wait3A_853 : memref<1x8x1024xf32, #tpu.memory_space<hbm>> -> memref<8x1024xf32, #tpu.memory_space<hbm>>
      %dma_wait3A_855 = arith.constant 0 : i32
      %dma_wait3A_856 = arith.constant 0 : i32
      %dma_wait3A_857 = tpu.memref_slice %arg2[%dma_wait3A_850, %dma_wait3A_855, %dma_wait3A_856] : memref<4x8192x1024xf32, #tpu.memory_space<hbm>> -> memref<1x8x1024xf32, #tpu.memory_space<hbm>>
      %dma_wait3A_858 = tpu.memref_squeeze %dma_wait3A_857 : memref<1x8x1024xf32, #tpu.memory_space<hbm>> -> memref<8x1024xf32, #tpu.memory_space<hbm>>
      tpu.wait_dma2 semaphore(%arg17 : memref<!tpu.dma_semaphore, #tpu.memory_space<semaphore_mem>>) src(%dma_wait3A_858 : memref<8x1024xf32, #tpu.memory_space<hbm>>) dst(%arg7 : memref<8x1024xf32, #tpu.memory_space<vmem>>)
      %scan3A_859 = arith.constant 0 : i32
      %scan3A_860 = arith.constant 0 : i32
      %scan3A_861 = arith.constant 8 : i32
      %scan3A_862 = arith.addi %scan3A_860, %scan3A_861 : i32
      %scan3A_863 = arith.constant 1 : i32
      scf.for %scan3A_1133 = %scan3A_860 to %scan3A_862 step %scan3A_863  : i32 {
        %parallel_loop3A = arith.constant 0 : i32
        %parallel_loop3A_1134 = arith.constant 64 : i32
        %parallel_loop3A_1135 = arith.constant 1 : i32
        scf.for %parallel_loop3A_1136 = %parallel_loop3A to %parallel_loop3A_1134 step %parallel_loop3A_1135  : i32 {
          %parallel_loop3A_1137 = arith.constant 16 : i32
          %parallel_loop3A_1138 = arith.muli %parallel_loop3A_1136, %parallel_loop3A_1137 : i32
          %parallel_loop3A_1139 = arith.index_cast %scan3A_1133 : i32 to index
          %parallel_loop3A_1140 = arith.index_cast %parallel_loop3A_1138 : i32 to index
          %parallel_loop3A_1141 = tpu.vector_load %arg7[%parallel_loop3A_1139, %parallel_loop3A_1140] {strides = array<i32>} : memref<8x1024xf32, #tpu.memory_space<vmem>>, vector<1x16xf32>,
          %parallel_loop3A_1142 = vector.shape_cast %parallel_loop3A_1141 : vector<1x16xf32> to vector<16xf32>
          %parallel_loop3A_1143 = arith.index_cast %scan3A_1133 : i32 to index
          %parallel_loop3A_1144 = arith.index_cast %parallel_loop3A_1138 : i32 to index
          %parallel_loop3A_1145 = tpu.vector_load %arg13[%parallel_loop3A_1143, %parallel_loop3A_1144] {strides = array<i32>} : memref<8x1024xf32, #tpu.memory_space<vmem>>, vector<1x16xf32>,
          %parallel_loop3A_1146 = vector.shape_cast %parallel_loop3A_1145 : vector<1x16xf32> to vector<16xf32>
          %parallel_loop3A_1147 = arith.addf %parallel_loop3A_1142, %parallel_loop3A_1146 : vector<16xf32>
          %parallel_loop3A_1148 = arith.index_cast %scan3A_1133 : i32 to index
          %parallel_loop3A_1149 = arith.index_cast %parallel_loop3A_1138 : i32 to index
          %parallel_loop3A_1150 = tpu.vector_load %arg7[%parallel_loop3A_1148, %parallel_loop3A_1149] {strides = array<i32>} : memref<8x1024xf32, #tpu.memory_space<vmem>>, vector<1x16xf32>,
          %parallel_loop3A_1151 = vector.shape_cast %parallel_loop3A_1150 : vector<1x16xf32> to vector<16xf32>
          %parallel_loop3A_1152 = vector.shape_cast %parallel_loop3A_1147 : vector<16xf32> to vector<1x16xf32>
          tpu.vector_store %arg7[%parallel_loop3A_1148, %parallel_loop3A_1149], %parallel_loop3A_1152 {strides = array<i32>} : memref<8x1024xf32, #tpu.memory_space<vmem>>, vector<1x16xf32>,
        } {sc.loop_unroll_factor = 8 : i64, sc.parallel_access}
      }
      %scan3A_864 = arith.constant 8 : i32
      %mul3A_865 = arith.constant 8 : i32
      %mul3A_866 = arith.muli %add3A_730, %mul3A_865 : i32
      %add3A_867 = arith.addi %mul3A_2, %mul3A_866 : i32
      %dma_start3A_868 = arith.constant 2 : i32
      %dma_start3A_869 = arith.constant 0 : i32
      %dma_start3A_870 = tpu.memref_slice %arg4[%dma_start3A_868, %add3A_867, %dma_start3A_869] : memref<4x8192x1024xf32, #tpu.memory_space<hbm>> -> memref<1x8x1024xf32, #tpu.memory_space<hbm>>
      %dma_start3A_871 = tpu.memref_squeeze %dma_start3A_870 : memref<1x8x1024xf32, #tpu.memory_space<hbm>> -> memref<8x1024xf32, #tpu.memory_space<hbm>>
      %dma_start3A_872 = arith.constant 0 : i32
      %dma_start3A_873 = tpu.memref_slice %arg4[%dma_start3A_868, %add3A_867, %dma_start3A_872] : memref<4x8192x1024xf32, #tpu.memory_space<hbm>> -> memref<1x8x1024xf32, #tpu.memory_space<hbm>>
      %dma_start3A_874 = tpu.memref_squeeze %dma_start3A_873 : memref<1x8x1024xf32, #tpu.memory_space<hbm>> -> memref<8x1024xf32, #tpu.memory_space<hbm>>
      tpu.enqueue_dma source(%arg7 : memref<8x1024xf32, #tpu.memory_space<vmem>>) target(%dma_start3A_874 : memref<8x1024xf32, #tpu.memory_space<hbm>>) target_semaphore(%arg17 : memref<!tpu.dma_semaphore, #tpu.memory_space<semaphore_mem>>)
      %dma_wait3A_875 = arith.constant 0 : i32
      %dma_wait3A_876 = arith.constant 0 : i32
      %dma_wait3A_877 = arith.constant 0 : i32
      %dma_wait3A_878 = tpu.memref_slice %arg4[%dma_wait3A_875, %dma_wait3A_876, %dma_wait3A_877] : memref<4x8192x1024xf32, #tpu.memory_space<hbm>> -> memref<1x8x1024xf32, #tpu.memory_space<hbm>>
      %dma_wait3A_879 = tpu.memref_squeeze %dma_wait3A_878 : memref<1x8x1024xf32, #tpu.memory_space<hbm>> -> memref<8x1024xf32, #tpu.memory_space<hbm>>
      %dma_wait3A_880 = arith.constant 0 : i32
      %dma_wait3A_881 = arith.constant 0 : i32
      %dma_wait3A_882 = tpu.memref_slice %arg4[%dma_wait3A_875, %dma_wait3A_880, %dma_wait3A_881] : memref<4x8192x1024xf32, #tpu.memory_space<hbm>> -> memref<1x8x1024xf32, #tpu.memory_space<hbm>>
      %dma_wait3A_883 = tpu.memref_squeeze %dma_wait3A_882 : memref<1x8x1024xf32, #tpu.memory_space<hbm>> -> memref<8x1024xf32, #tpu.memory_space<hbm>>
      tpu.wait_dma2 semaphore(%arg22 : memref<!tpu.dma_semaphore, #tpu.memory_space<semaphore_mem>>) src(%arg12 : memref<8x1024xf32, #tpu.memory_space<vmem>>) dst(%dma_wait3A_883 : memref<8x1024xf32, #tpu.memory_space<hbm>>)
      %add3A_884 = arith.constant 1 : i32
      %add3A_885 = arith.addi %add3A_730, %add3A_884 : i32
      %mul3A_886 = arith.constant 8 : i32
      %mul3A_887 = arith.muli %add3A_885, %mul3A_886 : i32
      %add3A_888 = arith.addi %mul3A_2, %mul3A_887 : i32
      %dma_start3A_889 = arith.constant 3 : i32
      %dma_start3A_890 = arith.constant 0 : i32
      %dma_start3A_891 = tpu.memref_slice %arg2[%dma_start3A_889, %add3A_888, %dma_start3A_890] : memref<4x8192x1024xf32, #tpu.memory_space<hbm>> -> memref<1x8x1024xf32, #tpu.memory_space<hbm>>
      %dma_start3A_892 = tpu.memref_squeeze %dma_start3A_891 : memref<1x8x1024xf32, #tpu.memory_space<hbm>> -> memref<8x1024xf32, #tpu.memory_space<hbm>>
      %dma_start3A_893 = arith.constant 0 : i32
      %dma_start3A_894 = tpu.memref_slice %arg2[%dma_start3A_889, %add3A_888, %dma_start3A_893] : memref<4x8192x1024xf32, #tpu.memory_space<hbm>> -> memref<1x8x1024xf32, #tpu.memory_space<hbm>>
      %dma_start3A_895 = tpu.memref_squeeze %dma_start3A_894 : memref<1x8x1024xf32, #tpu.memory_space<hbm>> -> memref<8x1024xf32, #tpu.memory_space<hbm>>
      tpu.enqueue_dma source(%dma_start3A_895 : memref<8x1024xf32, #tpu.memory_space<hbm>>) target(%arg12 : memref<8x1024xf32, #tpu.memory_space<vmem>>) target_semaphore(%arg22 : memref<!tpu.dma_semaphore, #tpu.memory_space<semaphore_mem>>)
      %dma_wait3A_896 = arith.constant 0 : i32
      %dma_wait3A_897 = arith.constant 0 : i32
      %dma_wait3A_898 = arith.constant 0 : i32
      %dma_wait3A_899 = tpu.memref_slice %arg2[%dma_wait3A_896, %dma_wait3A_897, %dma_wait3A_898] : memref<4x8192x1024xf32, #tpu.memory_space<hbm>> -> memref<1x8x1024xf32, #tpu.memory_space<hbm>>
      %dma_wait3A_900 = tpu.memref_squeeze %dma_wait3A_899 : memref<1x8x1024xf32, #tpu.memory_space<hbm>> -> memref<8x1024xf32, #tpu.memory_space<hbm>>
      %dma_wait3A_901 = arith.constant 0 : i32
      %dma_wait3A_902 = arith.constant 0 : i32
      %dma_wait3A_903 = tpu.memref_slice %arg2[%dma_wait3A_896, %dma_wait3A_901, %dma_wait3A_902] : memref<4x8192x1024xf32, #tpu.memory_space<hbm>> -> memref<1x8x1024xf32, #tpu.memory_space<hbm>>
      %dma_wait3A_904 = tpu.memref_squeeze %dma_wait3A_903 : memref<1x8x1024xf32, #tpu.memory_space<hbm>> -> memref<8x1024xf32, #tpu.memory_space<hbm>>
      tpu.wait_dma2 semaphore(%arg18 : memref<!tpu.dma_semaphore, #tpu.memory_space<semaphore_mem>>) src(%dma_wait3A_904 : memref<8x1024xf32, #tpu.memory_space<hbm>>) dst(%arg8 : memref<8x1024xf32, #tpu.memory_space<vmem>>)
      %scan3A_905 = arith.constant 0 : i32
      %scan3A_906 = arith.constant 0 : i32
      %scan3A_907 = arith.constant 8 : i32
      %scan3A_908 = arith.addi %scan3A_906, %scan3A_907 : i32
      %scan3A_909 = arith.constant 1 : i32
      scf.for %scan3A_1133 = %scan3A_906 to %scan3A_908 step %scan3A_909  : i32 {
        %parallel_loop3A = arith.constant 0 : i32
        %parallel_loop3A_1134 = arith.constant 64 : i32
        %parallel_loop3A_1135 = arith.constant 1 : i32
        scf.for %parallel_loop3A_1136 = %parallel_loop3A to %parallel_loop3A_1134 step %parallel_loop3A_1135  : i32 {
          %parallel_loop3A_1137 = arith.constant 16 : i32
          %parallel_loop3A_1138 = arith.muli %parallel_loop3A_1136, %parallel_loop3A_1137 : i32
          %parallel_loop3A_1139 = arith.index_cast %scan3A_1133 : i32 to index
          %parallel_loop3A_1140 = arith.index_cast %parallel_loop3A_1138 : i32 to index
          %parallel_loop3A_1141 = tpu.vector_load %arg8[%parallel_loop3A_1139, %parallel_loop3A_1140] {strides = array<i32>} : memref<8x1024xf32, #tpu.memory_space<vmem>>, vector<1x16xf32>,
          %parallel_loop3A_1142 = vector.shape_cast %parallel_loop3A_1141 : vector<1x16xf32> to vector<16xf32>
          %parallel_loop3A_1143 = arith.index_cast %scan3A_1133 : i32 to index
          %parallel_loop3A_1144 = arith.index_cast %parallel_loop3A_1138 : i32 to index
          %parallel_loop3A_1145 = tpu.vector_load %arg13[%parallel_loop3A_1143, %parallel_loop3A_1144] {strides = array<i32>} : memref<8x1024xf32, #tpu.memory_space<vmem>>, vector<1x16xf32>,
          %parallel_loop3A_1146 = vector.shape_cast %parallel_loop3A_1145 : vector<1x16xf32> to vector<16xf32>
          %parallel_loop3A_1147 = arith.addf %parallel_loop3A_1142, %parallel_loop3A_1146 : vector<16xf32>
          %parallel_loop3A_1148 = arith.index_cast %scan3A_1133 : i32 to index
          %parallel_loop3A_1149 = arith.index_cast %parallel_loop3A_1138 : i32 to index
          %parallel_loop3A_1150 = tpu.vector_load %arg8[%parallel_loop3A_1148, %parallel_loop3A_1149] {strides = array<i32>} : memref<8x1024xf32, #tpu.memory_space<vmem>>, vector<1x16xf32>,
          %parallel_loop3A_1151 = vector.shape_cast %parallel_loop3A_1150 : vector<1x16xf32> to vector<16xf32>
          %parallel_loop3A_1152 = vector.shape_cast %parallel_loop3A_1147 : vector<16xf32> to vector<1x16xf32>
          tpu.vector_store %arg8[%parallel_loop3A_1148, %parallel_loop3A_1149], %parallel_loop3A_1152 {strides = array<i32>} : memref<8x1024xf32, #tpu.memory_space<vmem>>, vector<1x16xf32>,
        } {sc.loop_unroll_factor = 8 : i64, sc.parallel_access}
      }
      %scan3A_910 = arith.constant 8 : i32
      %mul3A_911 = arith.constant 8 : i32
      %mul3A_912 = arith.muli %add3A_730, %mul3A_911 : i32
      %add3A_913 = arith.addi %mul3A_2, %mul3A_912 : i32
      %dma_start3A_914 = arith.constant 3 : i32
      %dma_start3A_915 = arith.constant 0 : i32
      %dma_start3A_916 = tpu.memref_slice %arg4[%dma_start3A_914, %add3A_913, %dma_start3A_915] : memref<4x8192x1024xf32, #tpu.memory_space<hbm>> -> memref<1x8x1024xf32, #tpu.memory_space<hbm>>
      %dma_start3A_917 = tpu.memref_squeeze %dma_start3A_916 : memref<1x8x1024xf32, #tpu.memory_space<hbm>> -> memref<8x1024xf32, #tpu.memory_space<hbm>>
      %dma_start3A_918 = arith.constant 0 : i32
      %dma_start3A_919 = tpu.memref_slice %arg4[%dma_start3A_914, %add3A_913, %dma_start3A_918] : memref<4x8192x1024xf32, #tpu.memory_space<hbm>> -> memref<1x8x1024xf32, #tpu.memory_space<hbm>>
      %dma_start3A_920 = tpu.memref_squeeze %dma_start3A_919 : memref<1x8x1024xf32, #tpu.memory_space<hbm>> -> memref<8x1024xf32, #tpu.memory_space<hbm>>
      tpu.enqueue_dma source(%arg8 : memref<8x1024xf32, #tpu.memory_space<vmem>>) target(%dma_start3A_920 : memref<8x1024xf32, #tpu.memory_space<hbm>>) target_semaphore(%arg18 : memref<!tpu.dma_semaphore, #tpu.memory_space<semaphore_mem>>)
      %add3A_921 = arith.constant 2 : i32
      %add3A_922 = arith.addi %add3A_730, %add3A_921 : i32
      %mul3A_923 = arith.constant 8 : i32
      %mul3A_924 = arith.muli %add3A_922, %mul3A_923 : i32
      %add3A_925 = arith.addi %mul3A_2, %mul3A_924 : i32
      %dma_start3A_926 = arith.constant 0 : i32
      %dma_start3A_927 = tpu.memref_slice %arg3[%add3A_925, %dma_start3A_926] : memref<8192x1024xf32, #tpu.memory_space<hbm>> -> memref<8x1024xf32, #tpu.memory_space<hbm>>
      %dma_start3A_928 = arith.constant 0 : i32
      %dma_start3A_929 = tpu.memref_slice %arg3[%add3A_925, %dma_start3A_928] : memref<8192x1024xf32, #tpu.memory_space<hbm>> -> memref<8x1024xf32, #tpu.memory_space<hbm>>
      tpu.enqueue_dma source(%dma_start3A_929 : memref<8x1024xf32, #tpu.memory_space<hbm>>) target(%arg13 : memref<8x1024xf32, #tpu.memory_space<vmem>>) target_semaphore(%arg23 : memref<!tpu.dma_semaphore, #tpu.memory_space<semaphore_mem>>)
      %mul3A_930 = arith.constant 2 : i32
      %mul3A_931 = arith.muli %mul3A_930, %scan3A_726 : i32
      %add3A_932 = arith.constant 1 : i32
      %add3A_933 = arith.addi %mul3A_931, %add3A_932 : i32
      %dma_wait3A_934 = arith.constant 0 : i32
      %dma_wait3A_935 = arith.constant 0 : i32
      %dma_wait3A_936 = tpu.memref_slice %arg3[%dma_wait3A_934, %dma_wait3A_935] : memref<8192x1024xf32, #tpu.memory_space<hbm>> -> memref<8x1024xf32, #tpu.memory_space<hbm>>
      %dma_wait3A_937 = arith.constant 0 : i32
      %dma_wait3A_938 = arith.constant 0 : i32
      %dma_wait3A_939 = tpu.memref_slice %arg3[%dma_wait3A_937, %dma_wait3A_938] : memref<8192x1024xf32, #tpu.memory_space<hbm>> -> memref<8x1024xf32, #tpu.memory_space<hbm>>
      tpu.wait_dma2 semaphore(%arg24 : memref<!tpu.dma_semaphore, #tpu.memory_space<semaphore_mem>>) src(%dma_wait3A_939 : memref<8x1024xf32, #tpu.memory_space<hbm>>) dst(%arg14 : memref<8x1024xf32, #tpu.memory_space<vmem>>)
      %dma_wait3A_940 = arith.constant 0 : i32
      %dma_wait3A_941 = arith.constant 0 : i32
      %dma_wait3A_942 = arith.constant 0 : i32
      %dma_wait3A_943 = tpu.memref_slice %arg4[%dma_wait3A_940, %dma_wait3A_941, %dma_wait3A_942] : memref<4x8192x1024xf32, #tpu.memory_space<hbm>> -> memref<1x8x1024xf32, #tpu.memory_space<hbm>>
      %dma_wait3A_944 = tpu.memref_squeeze %dma_wait3A_943 : memref<1x8x1024xf32, #tpu.memory_space<hbm>> -> memref<8x1024xf32, #tpu.memory_space<hbm>>
      %dma_wait3A_945 = arith.constant 0 : i32
      %dma_wait3A_946 = arith.constant 0 : i32
      %dma_wait3A_947 = tpu.memref_slice %arg4[%dma_wait3A_940, %dma_wait3A_945, %dma_wait3A_946] : memref<4x8192x1024xf32, #tpu.memory_space<hbm>> -> memref<1x8x1024xf32, #tpu.memory_space<hbm>>
      %dma_wait3A_948 = tpu.memref_squeeze %dma_wait3A_947 : memref<1x8x1024xf32, #tpu.memory_space<hbm>> -> memref<8x1024xf32, #tpu.memory_space<hbm>>
      tpu.wait_dma2 semaphore(%arg15 : memref<!tpu.dma_semaphore, #tpu.memory_space<semaphore_mem>>) src(%arg5 : memref<8x1024xf32, #tpu.memory_space<vmem>>) dst(%dma_wait3A_948 : memref<8x1024xf32, #tpu.memory_space<hbm>>)
      %add3A_949 = arith.constant 1 : i32
      %add3A_950 = arith.addi %add3A_933, %add3A_949 : i32
      %mul3A_951 = arith.constant 8 : i32
      %mul3A_952 = arith.muli %add3A_950, %mul3A_951 : i32
      %add3A_953 = arith.addi %mul3A_2, %mul3A_952 : i32
      %dma_start3A_954 = arith.constant 0 : i32
      %dma_start3A_955 = arith.constant 0 : i32
      %dma_start3A_956 = tpu.memref_slice %arg2[%dma_start3A_954, %add3A_953, %dma_start3A_955] : memref<4x8192x1024xf32, #tpu.memory_space<hbm>> -> memref<1x8x1024xf32, #tpu.memory_space<hbm>>
      %dma_start3A_957 = tpu.memref_squeeze %dma_start3A_956 : memref<1x8x1024xf32, #tpu.memory_space<hbm>> -> memref<8x1024xf32, #tpu.memory_space<hbm>>
      %dma_start3A_958 = arith.constant 0 : i32
      %dma_start3A_959 = tpu.memref_slice %arg2[%dma_start3A_954, %add3A_953, %dma_start3A_958] : memref<4x8192x1024xf32, #tpu.memory_space<hbm>> -> memref<1x8x1024xf32, #tpu.memory_space<hbm>>
      %dma_start3A_960 = tpu.memref_squeeze %dma_start3A_959 : memref<1x8x1024xf32, #tpu.memory_space<hbm>> -> memref<8x1024xf32, #tpu.memory_space<hbm>>
      tpu.enqueue_dma source(%dma_start3A_960 : memref<8x1024xf32, #tpu.memory_space<hbm>>) target(%arg5 : memref<8x1024xf32, #tpu.memory_space<vmem>>) target_semaphore(%arg15 : memref<!tpu.dma_semaphore, #tpu.memory_space<semaphore_mem>>)
      %dma_wait3A_961 = arith.constant 0 : i32
      %dma_wait3A_962 = arith.constant 0 : i32
      %dma_wait3A_963 = arith.constant 0 : i32
      %dma_wait3A_964 = tpu.memref_slice %arg2[%dma_wait3A_961, %dma_wait3A_962, %dma_wait3A_963] : memref<4x8192x1024xf32, #tpu.memory_space<hbm>> -> memref<1x8x1024xf32, #tpu.memory_space<hbm>>
      %dma_wait3A_965 = tpu.memref_squeeze %dma_wait3A_964 : memref<1x8x1024xf32, #tpu.memory_space<hbm>> -> memref<8x1024xf32, #tpu.memory_space<hbm>>
      %dma_wait3A_966 = arith.constant 0 : i32
      %dma_wait3A_967 = arith.constant 0 : i32
      %dma_wait3A_968 = tpu.memref_slice %arg2[%dma_wait3A_961, %dma_wait3A_966, %dma_wait3A_967] : memref<4x8192x1024xf32, #tpu.memory_space<hbm>> -> memref<1x8x1024xf32, #tpu.memory_space<hbm>>
      %dma_wait3A_969 = tpu.memref_squeeze %dma_wait3A_968 : memref<1x8x1024xf32, #tpu.memory_space<hbm>> -> memref<8x1024xf32, #tpu.memory_space<hbm>>
      tpu.wait_dma2 semaphore(%arg19 : memref<!tpu.dma_semaphore, #tpu.memory_space<semaphore_mem>>) src(%dma_wait3A_969 : memref<8x1024xf32, #tpu.memory_space<hbm>>) dst(%arg9 : memref<8x1024xf32, #tpu.memory_space<vmem>>)
      %scan3A_970 = arith.constant 0 : i32
      %scan3A_971 = arith.constant 0 : i32
      %scan3A_972 = arith.constant 8 : i32
      %scan3A_973 = arith.addi %scan3A_971, %scan3A_972 : i32
      %scan3A_974 = arith.constant 1 : i32
      scf.for %scan3A_1133 = %scan3A_971 to %scan3A_973 step %scan3A_974  : i32 {
        %parallel_loop3A = arith.constant 0 : i32
        %parallel_loop3A_1134 = arith.constant 64 : i32
        %parallel_loop3A_1135 = arith.constant 1 : i32
        scf.for %parallel_loop3A_1136 = %parallel_loop3A to %parallel_loop3A_1134 step %parallel_loop3A_1135  : i32 {
          %parallel_loop3A_1137 = arith.constant 16 : i32
          %parallel_loop3A_1138 = arith.muli %parallel_loop3A_1136, %parallel_loop3A_1137 : i32
          %parallel_loop3A_1139 = arith.index_cast %scan3A_1133 : i32 to index
          %parallel_loop3A_1140 = arith.index_cast %parallel_loop3A_1138 : i32 to index
          %parallel_loop3A_1141 = tpu.vector_load %arg9[%parallel_loop3A_1139, %parallel_loop3A_1140] {strides = array<i32>} : memref<8x1024xf32, #tpu.memory_space<vmem>>, vector<1x16xf32>,
          %parallel_loop3A_1142 = vector.shape_cast %parallel_loop3A_1141 : vector<1x16xf32> to vector<16xf32>
          %parallel_loop3A_1143 = arith.index_cast %scan3A_1133 : i32 to index
          %parallel_loop3A_1144 = arith.index_cast %parallel_loop3A_1138 : i32 to index
          %parallel_loop3A_1145 = tpu.vector_load %arg14[%parallel_loop3A_1143, %parallel_loop3A_1144] {strides = array<i32>} : memref<8x1024xf32, #tpu.memory_space<vmem>>, vector<1x16xf32>,
          %parallel_loop3A_1146 = vector.shape_cast %parallel_loop3A_1145 : vector<1x16xf32> to vector<16xf32>
          %parallel_loop3A_1147 = arith.addf %parallel_loop3A_1142, %parallel_loop3A_1146 : vector<16xf32>
          %parallel_loop3A_1148 = arith.index_cast %scan3A_1133 : i32 to index
          %parallel_loop3A_1149 = arith.index_cast %parallel_loop3A_1138 : i32 to index
          %parallel_loop3A_1150 = tpu.vector_load %arg9[%parallel_loop3A_1148, %parallel_loop3A_1149] {strides = array<i32>} : memref<8x1024xf32, #tpu.memory_space<vmem>>, vector<1x16xf32>,
          %parallel_loop3A_1151 = vector.shape_cast %parallel_loop3A_1150 : vector<1x16xf32> to vector<16xf32>
          %parallel_loop3A_1152 = vector.shape_cast %parallel_loop3A_1147 : vector<16xf32> to vector<1x16xf32>
          tpu.vector_store %arg9[%parallel_loop3A_1148, %parallel_loop3A_1149], %parallel_loop3A_1152 {strides = array<i32>} : memref<8x1024xf32, #tpu.memory_space<vmem>>, vector<1x16xf32>,
        } {sc.loop_unroll_factor = 8 : i64, sc.parallel_access}
      }
      %scan3A_975 = arith.constant 8 : i32
      %mul3A_976 = arith.constant 8 : i32
      %mul3A_977 = arith.muli %add3A_933, %mul3A_976 : i32
      %add3A_978 = arith.addi %mul3A_2, %mul3A_977 : i32
      %dma_start3A_979 = arith.constant 0 : i32
      %dma_start3A_980 = arith.constant 0 : i32
      %dma_start3A_981 = tpu.memref_slice %arg4[%dma_start3A_979, %add3A_978, %dma_start3A_980] : memref<4x8192x1024xf32, #tpu.memory_space<hbm>> -> memref<1x8x1024xf32, #tpu.memory_space<hbm>>
      %dma_start3A_982 = tpu.memref_squeeze %dma_start3A_981 : memref<1x8x1024xf32, #tpu.memory_space<hbm>> -> memref<8x1024xf32, #tpu.memory_space<hbm>>
      %dma_start3A_983 = arith.constant 0 : i32
      %dma_start3A_984 = tpu.memref_slice %arg4[%dma_start3A_979, %add3A_978, %dma_start3A_983] : memref<4x8192x1024xf32, #tpu.memory_space<hbm>> -> memref<1x8x1024xf32, #tpu.memory_space<hbm>>
      %dma_start3A_985 = tpu.memref_squeeze %dma_start3A_984 : memref<1x8x1024xf32, #tpu.memory_space<hbm>> -> memref<8x1024xf32, #tpu.memory_space<hbm>>
      tpu.enqueue_dma source(%arg9 : memref<8x1024xf32, #tpu.memory_space<vmem>>) target(%dma_start3A_985 : memref<8x1024xf32, #tpu.memory_space<hbm>>) target_semaphore(%arg19 : memref<!tpu.dma_semaphore, #tpu.memory_space<semaphore_mem>>)
      %dma_wait3A_986 = arith.constant 0 : i32
      %dma_wait3A_987 = arith.constant 0 : i32
      %dma_wait3A_988 = arith.constant 0 : i32
      %dma_wait3A_989 = tpu.memref_slice %arg4[%dma_wait3A_986, %dma_wait3A_987, %dma_wait3A_988] : memref<4x8192x1024xf32, #tpu.memory_space<hbm>> -> memref<1x8x1024xf32, #tpu.memory_space<hbm>>
      %dma_wait3A_990 = tpu.memref_squeeze %dma_wait3A_989 : memref<1x8x1024xf32, #tpu.memory_space<hbm>> -> memref<8x1024xf32, #tpu.memory_space<hbm>>
      %dma_wait3A_991 = arith.constant 0 : i32
      %dma_wait3A_992 = arith.constant 0 : i32
      %dma_wait3A_993 = tpu.memref_slice %arg4[%dma_wait3A_986, %dma_wait3A_991, %dma_wait3A_992] : memref<4x8192x1024xf32, #tpu.memory_space<hbm>> -> memref<1x8x1024xf32, #tpu.memory_space<hbm>>
      %dma_wait3A_994 = tpu.memref_squeeze %dma_wait3A_993 : memref<1x8x1024xf32, #tpu.memory_space<hbm>> -> memref<8x1024xf32, #tpu.memory_space<hbm>>
      tpu.wait_dma2 semaphore(%arg16 : memref<!tpu.dma_semaphore, #tpu.memory_space<semaphore_mem>>) src(%arg6 : memref<8x1024xf32, #tpu.memory_space<vmem>>) dst(%dma_wait3A_994 : memref<8x1024xf32, #tpu.memory_space<hbm>>)
      %add3A_995 = arith.constant 1 : i32
      %add3A_996 = arith.addi %add3A_933, %add3A_995 : i32
      %mul3A_997 = arith.constant 8 : i32
      %mul3A_998 = arith.muli %add3A_996, %mul3A_997 : i32
      %add3A_999 = arith.addi %mul3A_2, %mul3A_998 : i32
      %dma_start3A_1000 = arith.constant 1 : i32
      %dma_start3A_1001 = arith.constant 0 : i32
      %dma_start3A_1002 = tpu.memref_slice %arg2[%dma_start3A_1000, %add3A_999, %dma_start3A_1001] : memref<4x8192x1024xf32, #tpu.memory_space<hbm>> -> memref<1x8x1024xf32, #tpu.memory_space<hbm>>
      %dma_start3A_1003 = tpu.memref_squeeze %dma_start3A_1002 : memref<1x8x1024xf32, #tpu.memory_space<hbm>> -> memref<8x1024xf32, #tpu.memory_space<hbm>>
      %dma_start3A_1004 = arith.constant 0 : i32
      %dma_start3A_1005 = tpu.memref_slice %arg2[%dma_start3A_1000, %add3A_999, %dma_start3A_1004] : memref<4x8192x1024xf32, #tpu.memory_space<hbm>> -> memref<1x8x1024xf32, #tpu.memory_space<hbm>>
      %dma_start3A_1006 = tpu.memref_squeeze %dma_start3A_1005 : memref<1x8x1024xf32, #tpu.memory_space<hbm>> -> memref<8x1024xf32, #tpu.memory_space<hbm>>
      tpu.enqueue_dma source(%dma_start3A_1006 : memref<8x1024xf32, #tpu.memory_space<hbm>>) target(%arg6 : memref<8x1024xf32, #tpu.memory_space<vmem>>) target_semaphore(%arg16 : memref<!tpu.dma_semaphore, #tpu.memory_space<semaphore_mem>>)
      %dma_wait3A_1007 = arith.constant 0 : i32
      %dma_wait3A_1008 = arith.constant 0 : i32
      %dma_wait3A_1009 = arith.constant 0 : i32
      %dma_wait3A_1010 = tpu.memref_slice %arg2[%dma_wait3A_1007, %dma_wait3A_1008, %dma_wait3A_1009] : memref<4x8192x1024xf32, #tpu.memory_space<hbm>> -> memref<1x8x1024xf32, #tpu.memory_space<hbm>>
      %dma_wait3A_1011 = tpu.memref_squeeze %dma_wait3A_1010 : memref<1x8x1024xf32, #tpu.memory_space<hbm>> -> memref<8x1024xf32, #tpu.memory_space<hbm>>
      %dma_wait3A_1012 = arith.constant 0 : i32
      %dma_wait3A_1013 = arith.constant 0 : i32
      %dma_wait3A_1014 = tpu.memref_slice %arg2[%dma_wait3A_1007, %dma_wait3A_1012, %dma_wait3A_1013] : memref<4x8192x1024xf32, #tpu.memory_space<hbm>> -> memref<1x8x1024xf32, #tpu.memory_space<hbm>>
      %dma_wait3A_1015 = tpu.memref_squeeze %dma_wait3A_1014 : memref<1x8x1024xf32, #tpu.memory_space<hbm>> -> memref<8x1024xf32, #tpu.memory_space<hbm>>
      tpu.wait_dma2 semaphore(%arg20 : memref<!tpu.dma_semaphore, #tpu.memory_space<semaphore_mem>>) src(%dma_wait3A_1015 : memref<8x1024xf32, #tpu.memory_space<hbm>>) dst(%arg10 : memref<8x1024xf32, #tpu.memory_space<vmem>>)
      %scan3A_1016 = arith.constant 0 : i32
      %scan3A_1017 = arith.constant 0 : i32
      %scan3A_1018 = arith.constant 8 : i32
      %scan3A_1019 = arith.addi %scan3A_1017, %scan3A_1018 : i32
      %scan3A_1020 = arith.constant 1 : i32
      scf.for %scan3A_1133 = %scan3A_1017 to %scan3A_1019 step %scan3A_1020  : i32 {
        %parallel_loop3A = arith.constant 0 : i32
        %parallel_loop3A_1134 = arith.constant 64 : i32
        %parallel_loop3A_1135 = arith.constant 1 : i32
        scf.for %parallel_loop3A_1136 = %parallel_loop3A to %parallel_loop3A_1134 step %parallel_loop3A_1135  : i32 {
          %parallel_loop3A_1137 = arith.constant 16 : i32
          %parallel_loop3A_1138 = arith.muli %parallel_loop3A_1136, %parallel_loop3A_1137 : i32
          %parallel_loop3A_1139 = arith.index_cast %scan3A_1133 : i32 to index
          %parallel_loop3A_1140 = arith.index_cast %parallel_loop3A_1138 : i32 to index
          %parallel_loop3A_1141 = tpu.vector_load %arg10[%parallel_loop3A_1139, %parallel_loop3A_1140] {strides = array<i32>} : memref<8x1024xf32, #tpu.memory_space<vmem>>, vector<1x16xf32>,
          %parallel_loop3A_1142 = vector.shape_cast %parallel_loop3A_1141 : vector<1x16xf32> to vector<16xf32>
          %parallel_loop3A_1143 = arith.index_cast %scan3A_1133 : i32 to index
          %parallel_loop3A_1144 = arith.index_cast %parallel_loop3A_1138 : i32 to index
          %parallel_loop3A_1145 = tpu.vector_load %arg14[%parallel_loop3A_1143, %parallel_loop3A_1144] {strides = array<i32>} : memref<8x1024xf32, #tpu.memory_space<vmem>>, vector<1x16xf32>,
          %parallel_loop3A_1146 = vector.shape_cast %parallel_loop3A_1145 : vector<1x16xf32> to vector<16xf32>
          %parallel_loop3A_1147 = arith.addf %parallel_loop3A_1142, %parallel_loop3A_1146 : vector<16xf32>
          %parallel_loop3A_1148 = arith.index_cast %scan3A_1133 : i32 to index
          %parallel_loop3A_1149 = arith.index_cast %parallel_loop3A_1138 : i32 to index
          %parallel_loop3A_1150 = tpu.vector_load %arg10[%parallel_loop3A_1148, %parallel_loop3A_1149] {strides = array<i32>} : memref<8x1024xf32, #tpu.memory_space<vmem>>, vector<1x16xf32>,
          %parallel_loop3A_1151 = vector.shape_cast %parallel_loop3A_1150 : vector<1x16xf32> to vector<16xf32>
          %parallel_loop3A_1152 = vector.shape_cast %parallel_loop3A_1147 : vector<16xf32> to vector<1x16xf32>
          tpu.vector_store %arg10[%parallel_loop3A_1148, %parallel_loop3A_1149], %parallel_loop3A_1152 {strides = array<i32>} : memref<8x1024xf32, #tpu.memory_space<vmem>>, vector<1x16xf32>,
        } {sc.loop_unroll_factor = 8 : i64, sc.parallel_access}
      }
      %scan3A_1021 = arith.constant 8 : i32
      %mul3A_1022 = arith.constant 8 : i32
      %mul3A_1023 = arith.muli %add3A_933, %mul3A_1022 : i32
      %add3A_1024 = arith.addi %mul3A_2, %mul3A_1023 : i32
      %dma_start3A_1025 = arith.constant 1 : i32
      %dma_start3A_1026 = arith.constant 0 : i32
      %dma_start3A_1027 = tpu.memref_slice %arg4[%dma_start3A_1025, %add3A_1024, %dma_start3A_1026] : memref<4x8192x1024xf32, #tpu.memory_space<hbm>> -> memref<1x8x1024xf32, #tpu.memory_space<hbm>>
      %dma_start3A_1028 = tpu.memref_squeeze %dma_start3A_1027 : memref<1x8x1024xf32, #tpu.memory_space<hbm>> -> memref<8x1024xf32, #tpu.memory_space<hbm>>
      %dma_start3A_1029 = arith.constant 0 : i32
      %dma_start3A_1030 = tpu.memref_slice %arg4[%dma_start3A_1025, %add3A_1024, %dma_start3A_1029] : memref<4x8192x1024xf32, #tpu.memory_space<hbm>> -> memref<1x8x1024xf32, #tpu.memory_space<hbm>>
      %dma_start3A_1031 = tpu.memref_squeeze %dma_start3A_1030 : memref<1x8x1024xf32, #tpu.memory_space<hbm>> -> memref<8x1024xf32, #tpu.memory_space<hbm>>
      tpu.enqueue_dma source(%arg10 : memref<8x1024xf32, #tpu.memory_space<vmem>>) target(%dma_start3A_1031 : memref<8x1024xf32, #tpu.memory_space<hbm>>) target_semaphore(%arg20 : memref<!tpu.dma_semaphore, #tpu.memory_space<semaphore_mem>>)
      %dma_wait3A_1032 = arith.constant 0 : i32
      %dma_wait3A_1033 = arith.constant 0 : i32
      %dma_wait3A_1034 = arith.constant 0 : i32
      %dma_wait3A_1035 = tpu.memref_slice %arg4[%dma_wait3A_1032, %dma_wait3A_1033, %dma_wait3A_1034] : memref<4x8192x1024xf32, #tpu.memory_space<hbm>> -> memref<1x8x1024xf32, #tpu.memory_space<hbm>>
      %dma_wait3A_1036 = tpu.memref_squeeze %dma_wait3A_1035 : memref<1x8x1024xf32, #tpu.memory_space<hbm>> -> memref<8x1024xf32, #tpu.memory_space<hbm>>
      %dma_wait3A_1037 = arith.constant 0 : i32
      %dma_wait3A_1038 = arith.constant 0 : i32
      %dma_wait3A_1039 = tpu.memref_slice %arg4[%dma_wait3A_1032, %dma_wait3A_1037, %dma_wait3A_1038] : memref<4x8192x1024xf32, #tpu.memory_space<hbm>> -> memref<1x8x1024xf32, #tpu.memory_space<hbm>>
      %dma_wait3A_1040 = tpu.memref_squeeze %dma_wait3A_1039 : memref<1x8x1024xf32, #tpu.memory_space<hbm>> -> memref<8x1024xf32, #tpu.memory_space<hbm>>
      tpu.wait_dma2 semaphore(%arg17 : memref<!tpu.dma_semaphore, #tpu.memory_space<semaphore_mem>>) src(%arg7 : memref<8x1024xf32, #tpu.memory_space<vmem>>) dst(%dma_wait3A_1040 : memref<8x1024xf32, #tpu.memory_space<hbm>>)
      %add3A_1041 = arith.constant 1 : i32
      %add3A_1042 = arith.addi %add3A_933, %add3A_1041 : i32
      %mul3A_1043 = arith.constant 8 : i32
      %mul3A_1044 = arith.muli %add3A_1042, %mul3A_1043 : i32
      %add3A_1045 = arith.addi %mul3A_2, %mul3A_1044 : i32
      %dma_start3A_1046 = arith.constant 2 : i32
      %dma_start3A_1047 = arith.constant 0 : i32
      %dma_start3A_1048 = tpu.memref_slice %arg2[%dma_start3A_1046, %add3A_1045, %dma_start3A_1047] : memref<4x8192x1024xf32, #tpu.memory_space<hbm>> -> memref<1x8x1024xf32, #tpu.memory_space<hbm>>
      %dma_start3A_1049 = tpu.memref_squeeze %dma_start3A_1048 : memref<1x8x1024xf32, #tpu.memory_space<hbm>> -> memref<8x1024xf32, #tpu.memory_space<hbm>>
      %dma_start3A_1050 = arith.constant 0 : i32
      %dma_start3A_1051 = tpu.memref_slice %arg2[%dma_start3A_1046, %add3A_1045, %dma_start3A_1050] : memref<4x8192x1024xf32, #tpu.memory_space<hbm>> -> memref<1x8x1024xf32, #tpu.memory_space<hbm>>
      %dma_start3A_1052 = tpu.memref_squeeze %dma_start3A_1051 : memref<1x8x1024xf32, #tpu.memory_space<hbm>> -> memref<8x1024xf32, #tpu.memory_space<hbm>>
      tpu.enqueue_dma source(%dma_start3A_1052 : memref<8x1024xf32, #tpu.memory_space<hbm>>) target(%arg7 : memref<8x1024xf32, #tpu.memory_space<vmem>>) target_semaphore(%arg17 : memref<!tpu.dma_semaphore, #tpu.memory_space<semaphore_mem>>)
      %dma_wait3A_1053 = arith.constant 0 : i32
      %dma_wait3A_1054 = arith.constant 0 : i32
      %dma_wait3A_1055 = arith.constant 0 : i32
      %dma_wait3A_1056 = tpu.memref_slice %arg2[%dma_wait3A_1053, %dma_wait3A_1054, %dma_wait3A_1055] : memref<4x8192x1024xf32, #tpu.memory_space<hbm>> -> memref<1x8x1024xf32, #tpu.memory_space<hbm>>
      %dma_wait3A_1057 = tpu.memref_squeeze %dma_wait3A_1056 : memref<1x8x1024xf32, #tpu.memory_space<hbm>> -> memref<8x1024xf32, #tpu.memory_space<hbm>>
      %dma_wait3A_1058 = arith.constant 0 : i32
      %dma_wait3A_1059 = arith.constant 0 : i32
      %dma_wait3A_1060 = tpu.memref_slice %arg2[%dma_wait3A_1053, %dma_wait3A_1058, %dma_wait3A_1059] : memref<4x8192x1024xf32, #tpu.memory_space<hbm>> -> memref<1x8x1024xf32, #tpu.memory_space<hbm>>
      %dma_wait3A_1061 = tpu.memref_squeeze %dma_wait3A_1060 : memref<1x8x1024xf32, #tpu.memory_space<hbm>> -> memref<8x1024xf32, #tpu.memory_space<hbm>>
      tpu.wait_dma2 semaphore(%arg21 : memref<!tpu.dma_semaphore, #tpu.memory_space<semaphore_mem>>) src(%dma_wait3A_1061 : memref<8x1024xf32, #tpu.memory_space<hbm>>) dst(%arg11 : memref<8x1024xf32, #tpu.memory_space<vmem>>)
      %scan3A_1062 = arith.constant 0 : i32
      %scan3A_1063 = arith.constant 0 : i32
      %scan3A_1064 = arith.constant 8 : i32
      %scan3A_1065 = arith.addi %scan3A_1063, %scan3A_1064 : i32
      %scan3A_1066 = arith.constant 1 : i32
      scf.for %scan3A_1133 = %scan3A_1063 to %scan3A_1065 step %scan3A_1066  : i32 {
        %parallel_loop3A = arith.constant 0 : i32
        %parallel_loop3A_1134 = arith.constant 64 : i32
        %parallel_loop3A_1135 = arith.constant 1 : i32
        scf.for %parallel_loop3A_1136 = %parallel_loop3A to %parallel_loop3A_1134 step %parallel_loop3A_1135  : i32 {
          %parallel_loop3A_1137 = arith.constant 16 : i32
          %parallel_loop3A_1138 = arith.muli %parallel_loop3A_1136, %parallel_loop3A_1137 : i32
          %parallel_loop3A_1139 = arith.index_cast %scan3A_1133 : i32 to index
          %parallel_loop3A_1140 = arith.index_cast %parallel_loop3A_1138 : i32 to index
          %parallel_loop3A_1141 = tpu.vector_load %arg11[%parallel_loop3A_1139, %parallel_loop3A_1140] {strides = array<i32>} : memref<8x1024xf32, #tpu.memory_space<vmem>>, vector<1x16xf32>,
          %parallel_loop3A_1142 = vector.shape_cast %parallel_loop3A_1141 : vector<1x16xf32> to vector<16xf32>
          %parallel_loop3A_1143 = arith.index_cast %scan3A_1133 : i32 to index
          %parallel_loop3A_1144 = arith.index_cast %parallel_loop3A_1138 : i32 to index
          %parallel_loop3A_1145 = tpu.vector_load %arg14[%parallel_loop3A_1143, %parallel_loop3A_1144] {strides = array<i32>} : memref<8x1024xf32, #tpu.memory_space<vmem>>, vector<1x16xf32>,
          %parallel_loop3A_1146 = vector.shape_cast %parallel_loop3A_1145 : vector<1x16xf32> to vector<16xf32>
          %parallel_loop3A_1147 = arith.addf %parallel_loop3A_1142, %parallel_loop3A_1146 : vector<16xf32>
          %parallel_loop3A_1148 = arith.index_cast %scan3A_1133 : i32 to index
          %parallel_loop3A_1149 = arith.index_cast %parallel_loop3A_1138 : i32 to index
          %parallel_loop3A_1150 = tpu.vector_load %arg11[%parallel_loop3A_1148, %parallel_loop3A_1149] {strides = array<i32>} : memref<8x1024xf32, #tpu.memory_space<vmem>>, vector<1x16xf32>,
          %parallel_loop3A_1151 = vector.shape_cast %parallel_loop3A_1150 : vector<1x16xf32> to vector<16xf32>
          %parallel_loop3A_1152 = vector.shape_cast %parallel_loop3A_1147 : vector<16xf32> to vector<1x16xf32>
          tpu.vector_store %arg11[%parallel_loop3A_1148, %parallel_loop3A_1149], %parallel_loop3A_1152 {strides = array<i32>} : memref<8x1024xf32, #tpu.memory_space<vmem>>, vector<1x16xf32>,
        } {sc.loop_unroll_factor = 8 : i64, sc.parallel_access}
      }
      %scan3A_1067 = arith.constant 8 : i32
      %mul3A_1068 = arith.constant 8 : i32
      %mul3A_1069 = arith.muli %add3A_933, %mul3A_1068 : i32
      %add3A_1070 = arith.addi %mul3A_2, %mul3A_1069 : i32
      %dma_start3A_1071 = arith.constant 2 : i32
      %dma_start3A_1072 = arith.constant 0 : i32
      %dma_start3A_1073 = tpu.memref_slice %arg4[%dma_start3A_1071, %add3A_1070, %dma_start3A_1072] : memref<4x8192x1024xf32, #tpu.memory_space<hbm>> -> memref<1x8x1024xf32, #tpu.memory_space<hbm>>
      %dma_start3A_1074 = tpu.memref_squeeze %dma_start3A_1073 : memref<1x8x1024xf32, #tpu.memory_space<hbm>> -> memref<8x1024xf32, #tpu.memory_space<hbm>>
      %dma_start3A_1075 = arith.constant 0 : i32
      %dma_start3A_1076 = tpu.memref_slice %arg4[%dma_start3A_1071, %add3A_1070, %dma_start3A_1075] : memref<4x8192x1024xf32, #tpu.memory_space<hbm>> -> memref<1x8x1024xf32, #tpu.memory_space<hbm>>
      %dma_start3A_1077 = tpu.memref_squeeze %dma_start3A_1076 : memref<1x8x1024xf32, #tpu.memory_space<hbm>> -> memref<8x1024xf32, #tpu.memory_space<hbm>>
      tpu.enqueue_dma source(%arg11 : memref<8x1024xf32, #tpu.memory_space<vmem>>) target(%dma_start3A_1077 : memref<8x1024xf32, #tpu.memory_space<hbm>>) target_semaphore(%arg21 : memref<!tpu.dma_semaphore, #tpu.memory_space<semaphore_mem>>)
      %dma_wait3A_1078 = arith.constant 0 : i32
      %dma_wait3A_1079 = arith.constant 0 : i32
      %dma_wait3A_1080 = arith.constant 0 : i32
      %dma_wait3A_1081 = tpu.memref_slice %arg4[%dma_wait3A_1078, %dma_wait3A_1079, %dma_wait3A_1080] : memref<4x8192x1024xf32, #tpu.memory_space<hbm>> -> memref<1x8x1024xf32, #tpu.memory_space<hbm>>
      %dma_wait3A_1082 = tpu.memref_squeeze %dma_wait3A_1081 : memref<1x8x1024xf32, #tpu.memory_space<hbm>> -> memref<8x1024xf32, #tpu.memory_space<hbm>>
      %dma_wait3A_1083 = arith.constant 0 : i32
      %dma_wait3A_1084 = arith.constant 0 : i32
      %dma_wait3A_1085 = tpu.memref_slice %arg4[%dma_wait3A_1078, %dma_wait3A_1083, %dma_wait3A_1084] : memref<4x8192x1024xf32, #tpu.memory_space<hbm>> -> memref<1x8x1024xf32, #tpu.memory_space<hbm>>
      %dma_wait3A_1086 = tpu.memref_squeeze %dma_wait3A_1085 : memref<1x8x1024xf32, #tpu.memory_space<hbm>> -> memref<8x1024xf32, #tpu.memory_space<hbm>>
      tpu.wait_dma2 semaphore(%arg18 : memref<!tpu.dma_semaphore, #tpu.memory_space<semaphore_mem>>) src(%arg8 : memref<8x1024xf32, #tpu.memory_space<vmem>>) dst(%dma_wait3A_1086 : memref<8x1024xf32, #tpu.memory_space<hbm>>)
      %add3A_1087 = arith.constant 1 : i32
      %add3A_1088 = arith.addi %add3A_933, %add3A_1087 : i32
      %mul3A_1089 = arith.constant 8 : i32
      %mul3A_1090 = arith.muli %add3A_1088, %mul3A_1089 : i32
      %add3A_1091 = arith.addi %mul3A_2, %mul3A_1090 : i32
      %dma_start3A_1092 = arith.constant 3 : i32
      %dma_start3A_1093 = arith.constant 0 : i32
      %dma_start3A_1094 = tpu.memref_slice %arg2[%dma_start3A_1092, %add3A_1091, %dma_start3A_1093] : memref<4x8192x1024xf32, #tpu.memory_space<hbm>> -> memref<1x8x1024xf32, #tpu.memory_space<hbm>>
      %dma_start3A_1095 = tpu.memref_squeeze %dma_start3A_1094 : memref<1x8x1024xf32, #tpu.memory_space<hbm>> -> memref<8x1024xf32, #tpu.memory_space<hbm>>
      %dma_start3A_1096 = arith.constant 0 : i32
      %dma_start3A_1097 = tpu.memref_slice %arg2[%dma_start3A_1092, %add3A_1091, %dma_start3A_1096] : memref<4x8192x1024xf32, #tpu.memory_space<hbm>> -> memref<1x8x1024xf32, #tpu.memory_space<hbm>>
      %dma_start3A_1098 = tpu.memref_squeeze %dma_start3A_1097 : memref<1x8x1024xf32, #tpu.memory_space<hbm>> -> memref<8x1024xf32, #tpu.memory_space<hbm>>
      tpu.enqueue_dma source(%dma_start3A_1098 : memref<8x1024xf32, #tpu.memory_space<hbm>>) target(%arg8 : memref<8x1024xf32, #tpu.memory_space<vmem>>) target_semaphore(%arg18 : memref<!tpu.dma_semaphore, #tpu.memory_space<semaphore_mem>>)
      %dma_wait3A_1099 = arith.constant 0 : i32
      %dma_wait3A_1100 = arith.constant 0 : i32
      %dma_wait3A_1101 = arith.constant 0 : i32
      %dma_wait3A_1102 = tpu.memref_slice %arg2[%dma_wait3A_1099, %dma_wait3A_1100, %dma_wait3A_1101] : memref<4x8192x1024xf32, #tpu.memory_space<hbm>> -> memref<1x8x1024xf32, #tpu.memory_space<hbm>>
      %dma_wait3A_1103 = tpu.memref_squeeze %dma_wait3A_1102 : memref<1x8x1024xf32, #tpu.memory_space<hbm>> -> memref<8x1024xf32, #tpu.memory_space<hbm>>
      %dma_wait3A_1104 = arith.constant 0 : i32
      %dma_wait3A_1105 = arith.constant 0 : i32
      %dma_wait3A_1106 = tpu.memref_slice %arg2[%dma_wait3A_1099, %dma_wait3A_1104, %dma_wait3A_1105] : memref<4x8192x1024xf32, #tpu.memory_space<hbm>> -> memref<1x8x1024xf32, #tpu.memory_space<hbm>>
      %dma_wait3A_1107 = tpu.memref_squeeze %dma_wait3A_1106 : memref<1x8x1024xf32, #tpu.memory_space<hbm>> -> memref<8x1024xf32, #tpu.memory_space<hbm>>
      tpu.wait_dma2 semaphore(%arg22 : memref<!tpu.dma_semaphore, #tpu.memory_space<semaphore_mem>>) src(%dma_wait3A_1107 : memref<8x1024xf32, #tpu.memory_space<hbm>>) dst(%arg12 : memref<8x1024xf32, #tpu.memory_space<vmem>>)
      %scan3A_1108 = arith.constant 0 : i32
      %scan3A_1109 = arith.constant 0 : i32
      %scan3A_1110 = arith.constant 8 : i32
      %scan3A_1111 = arith.addi %scan3A_1109, %scan3A_1110 : i32
      %scan3A_1112 = arith.constant 1 : i32
      scf.for %scan3A_1133 = %scan3A_1109 to %scan3A_1111 step %scan3A_1112  : i32 {
        %parallel_loop3A = arith.constant 0 : i32
        %parallel_loop3A_1134 = arith.constant 64 : i32
        %parallel_loop3A_1135 = arith.constant 1 : i32
        scf.for %parallel_loop3A_1136 = %parallel_loop3A to %parallel_loop3A_1134 step %parallel_loop3A_1135  : i32 {
          %parallel_loop3A_1137 = arith.constant 16 : i32
          %parallel_loop3A_1138 = arith.muli %parallel_loop3A_1136, %parallel_loop3A_1137 : i32
          %parallel_loop3A_1139 = arith.index_cast %scan3A_1133 : i32 to index
          %parallel_loop3A_1140 = arith.index_cast %parallel_loop3A_1138 : i32 to index
          %parallel_loop3A_1141 = tpu.vector_load %arg12[%parallel_loop3A_1139, %parallel_loop3A_1140] {strides = array<i32>} : memref<8x1024xf32, #tpu.memory_space<vmem>>, vector<1x16xf32>,
          %parallel_loop3A_1142 = vector.shape_cast %parallel_loop3A_1141 : vector<1x16xf32> to vector<16xf32>
          %parallel_loop3A_1143 = arith.index_cast %scan3A_1133 : i32 to index
          %parallel_loop3A_1144 = arith.index_cast %parallel_loop3A_1138 : i32 to index
          %parallel_loop3A_1145 = tpu.vector_load %arg14[%parallel_loop3A_1143, %parallel_loop3A_1144] {strides = array<i32>} : memref<8x1024xf32, #tpu.memory_space<vmem>>, vector<1x16xf32>,
          %parallel_loop3A_1146 = vector.shape_cast %parallel_loop3A_1145 : vector<1x16xf32> to vector<16xf32>
          %parallel_loop3A_1147 = arith.addf %parallel_loop3A_1142, %parallel_loop3A_1146 : vector<16xf32>
          %parallel_loop3A_1148 = arith.index_cast %scan3A_1133 : i32 to index
          %parallel_loop3A_1149 = arith.index_cast %parallel_loop3A_1138 : i32 to index
          %parallel_loop3A_1150 = tpu.vector_load %arg12[%parallel_loop3A_1148, %parallel_loop3A_1149] {strides = array<i32>} : memref<8x1024xf32, #tpu.memory_space<vmem>>, vector<1x16xf32>,
          %parallel_loop3A_1151 = vector.shape_cast %parallel_loop3A_1150 : vector<1x16xf32> to vector<16xf32>
          %parallel_loop3A_1152 = vector.shape_cast %parallel_loop3A_1147 : vector<16xf32> to vector<1x16xf32>
          tpu.vector_store %arg12[%parallel_loop3A_1148, %parallel_loop3A_1149], %parallel_loop3A_1152 {strides = array<i32>} : memref<8x1024xf32, #tpu.memory_space<vmem>>, vector<1x16xf32>,
        } {sc.loop_unroll_factor = 8 : i64, sc.parallel_access}
      }
      %scan3A_1113 = arith.constant 8 : i32
      %mul3A_1114 = arith.constant 8 : i32
      %mul3A_1115 = arith.muli %add3A_933, %mul3A_1114 : i32
      %add3A_1116 = arith.addi %mul3A_2, %mul3A_1115 : i32
      %dma_start3A_1117 = arith.constant 3 : i32
      %dma_start3A_1118 = arith.constant 0 : i32
      %dma_start3A_1119 = tpu.memref_slice %arg4[%dma_start3A_1117, %add3A_1116, %dma_start3A_1118] : memref<4x8192x1024xf32, #tpu.memory_space<hbm>> -> memref<1x8x1024xf32, #tpu.memory_space<hbm>>
      %dma_start3A_1120 = tpu.memref_squeeze %dma_start3A_1119 : memref<1x8x1024xf32, #tpu.memory_space<hbm>> -> memref<8x1024xf32, #tpu.memory_space<hbm>>
      %dma_start3A_1121 = arith.constant 0 : i32
      %dma_start3A_1122 = tpu.memref_slice %arg4[%dma_start3A_1117, %add3A_1116, %dma_start3A_1121] : memref<4x8192x1024xf32, #tpu.memory_space<hbm>> -> memref<1x8x1024xf32, #tpu.memory_space<hbm>>
      %dma_start3A_1123 = tpu.memref_squeeze %dma_start3A_1122 : memref<1x8x1024xf32, #tpu.memory_space<hbm>> -> memref<8x1024xf32, #tpu.memory_space<hbm>>
      tpu.enqueue_dma source(%arg12 : memref<8x1024xf32, #tpu.memory_space<vmem>>) target(%dma_start3A_1123 : memref<8x1024xf32, #tpu.memory_space<hbm>>) target_semaphore(%arg22 : memref<!tpu.dma_semaphore, #tpu.memory_space<semaphore_mem>>)
      %add3A_1124 = arith.constant 2 : i32
      %add3A_1125 = arith.addi %add3A_933, %add3A_1124 : i32
      %mul3A_1126 = arith.constant 8 : i32
      %mul3A_1127 = arith.muli %add3A_1125, %mul3A_1126 : i32
      %add3A_1128 = arith.addi %mul3A_2, %mul3A_1127 : i32
      %dma_start3A_1129 = arith.constant 0 : i32
      %dma_start3A_1130 = tpu.memref_slice %arg3[%add3A_1128, %dma_start3A_1129] : memref<8192x1024xf32, #tpu.memory_space<hbm>> -> memref<8x1024xf32, #tpu.memory_space<hbm>>
      %dma_start3A_1131 = arith.constant 0 : i32
      %dma_start3A_1132 = tpu.memref_slice %arg3[%add3A_1128, %dma_start3A_1131] : memref<8192x1024xf32, #tpu.memory_space<hbm>> -> memref<8x1024xf32, #tpu.memory_space<hbm>>
      tpu.enqueue_dma source(%dma_start3A_1132 : memref<8x1024xf32, #tpu.memory_space<hbm>>) target(%arg14 : memref<8x1024xf32, #tpu.memory_space<vmem>>) target_semaphore(%arg24 : memref<!tpu.dma_semaphore, #tpu.memory_space<semaphore_mem>>)
    }
    %scan3A_377 = arith.constant 14 : i32
    %dma_wait3A_378 = arith.constant 0 : i32
    %dma_wait3A_379 = arith.constant 0 : i32
    %dma_wait3A_380 = tpu.memref_slice %arg3[%dma_wait3A_378, %dma_wait3A_379] : memref<8192x1024xf32, #tpu.memory_space<hbm>> -> memref<8x1024xf32, #tpu.memory_space<hbm>>
    %dma_wait3A_381 = arith.constant 0 : i32
    %dma_wait3A_382 = arith.constant 0 : i32
    %dma_wait3A_383 = tpu.memref_slice %arg3[%dma_wait3A_381, %dma_wait3A_382] : memref<8192x1024xf32, #tpu.memory_space<hbm>> -> memref<8x1024xf32, #tpu.memory_space<hbm>>
    tpu.wait_dma2 semaphore(%arg23 : memref<!tpu.dma_semaphore, #tpu.memory_space<semaphore_mem>>) src(%dma_wait3A_383 : memref<8x1024xf32, #tpu.memory_space<hbm>>) dst(%arg13 : memref<8x1024xf32, #tpu.memory_space<vmem>>)
    %dma_wait3A_384 = arith.constant 0 : i32
    %dma_wait3A_385 = arith.constant 0 : i32
    %dma_wait3A_386 = arith.constant 0 : i32
    %dma_wait3A_387 = tpu.memref_slice %arg4[%dma_wait3A_384, %dma_wait3A_385, %dma_wait3A_386] : memref<4x8192x1024xf32, #tpu.memory_space<hbm>> -> memref<1x8x1024xf32, #tpu.memory_space<hbm>>
    %dma_wait3A_388 = tpu.memref_squeeze %dma_wait3A_387 : memref<1x8x1024xf32, #tpu.memory_space<hbm>> -> memref<8x1024xf32, #tpu.memory_space<hbm>>
    %dma_wait3A_389 = arith.constant 0 : i32
    %dma_wait3A_390 = arith.constant 0 : i32
    %dma_wait3A_391 = tpu.memref_slice %arg4[%dma_wait3A_384, %dma_wait3A_389, %dma_wait3A_390] : memref<4x8192x1024xf32, #tpu.memory_space<hbm>> -> memref<1x8x1024xf32, #tpu.memory_space<hbm>>
    %dma_wait3A_392 = tpu.memref_squeeze %dma_wait3A_391 : memref<1x8x1024xf32, #tpu.memory_space<hbm>> -> memref<8x1024xf32, #tpu.memory_space<hbm>>
    tpu.wait_dma2 semaphore(%arg19 : memref<!tpu.dma_semaphore, #tpu.memory_space<semaphore_mem>>) src(%arg9 : memref<8x1024xf32, #tpu.memory_space<vmem>>) dst(%dma_wait3A_392 : memref<8x1024xf32, #tpu.memory_space<hbm>>)
    %add3A_393 = arith.constant 248 : i32
    %add3A_394 = arith.addi %mul3A_2, %add3A_393 : i32
    %dma_start3A_395 = arith.constant 0 : i32
    %dma_start3A_396 = arith.constant 0 : i32
    %dma_start3A_397 = tpu.memref_slice %arg2[%dma_start3A_395, %add3A_394, %dma_start3A_396] : memref<4x8192x1024xf32, #tpu.memory_space<hbm>> -> memref<1x8x1024xf32, #tpu.memory_space<hbm>>
    %dma_start3A_398 = tpu.memref_squeeze %dma_start3A_397 : memref<1x8x1024xf32, #tpu.memory_space<hbm>> -> memref<8x1024xf32, #tpu.memory_space<hbm>>
    %dma_start3A_399 = arith.constant 0 : i32
    %dma_start3A_400 = tpu.memref_slice %arg2[%dma_start3A_395, %add3A_394, %dma_start3A_399] : memref<4x8192x1024xf32, #tpu.memory_space<hbm>> -> memref<1x8x1024xf32, #tpu.memory_space<hbm>>
    %dma_start3A_401 = tpu.memref_squeeze %dma_start3A_400 : memref<1x8x1024xf32, #tpu.memory_space<hbm>> -> memref<8x1024xf32, #tpu.memory_space<hbm>>
    tpu.enqueue_dma source(%dma_start3A_401 : memref<8x1024xf32, #tpu.memory_space<hbm>>) target(%arg9 : memref<8x1024xf32, #tpu.memory_space<vmem>>) target_semaphore(%arg19 : memref<!tpu.dma_semaphore, #tpu.memory_space<semaphore_mem>>)
    %dma_wait3A_402 = arith.constant 0 : i32
    %dma_wait3A_403 = arith.constant 0 : i32
    %dma_wait3A_404 = arith.constant 0 : i32
    %dma_wait3A_405 = tpu.memref_slice %arg2[%dma_wait3A_402, %dma_wait3A_403, %dma_wait3A_404] : memref<4x8192x1024xf32, #tpu.memory_space<hbm>> -> memref<1x8x1024xf32, #tpu.memory_space<hbm>>
    %dma_wait3A_406 = tpu.memref_squeeze %dma_wait3A_405 : memref<1x8x1024xf32, #tpu.memory_space<hbm>> -> memref<8x1024xf32, #tpu.memory_space<hbm>>
    %dma_wait3A_407 = arith.constant 0 : i32
    %dma_wait3A_408 = arith.constant 0 : i32
    %dma_wait3A_409 = tpu.memref_slice %arg2[%dma_wait3A_402, %dma_wait3A_407, %dma_wait3A_408] : memref<4x8192x1024xf32, #tpu.memory_space<hbm>> -> memref<1x8x1024xf32, #tpu.memory_space<hbm>>
    %dma_wait3A_410 = tpu.memref_squeeze %dma_wait3A_409 : memref<1x8x1024xf32, #tpu.memory_space<hbm>> -> memref<8x1024xf32, #tpu.memory_space<hbm>>
    tpu.wait_dma2 semaphore(%arg15 : memref<!tpu.dma_semaphore, #tpu.memory_space<semaphore_mem>>) src(%dma_wait3A_410 : memref<8x1024xf32, #tpu.memory_space<hbm>>) dst(%arg5 : memref<8x1024xf32, #tpu.memory_space<vmem>>)
    %scan3A_411 = arith.constant 0 : i32
    %scan3A_412 = arith.constant 0 : i32
    %scan3A_413 = arith.constant 8 : i32
    %scan3A_414 = arith.addi %scan3A_412, %scan3A_413 : i32
    %scan3A_415 = arith.constant 1 : i32
    scf.for %scan3A_726 = %scan3A_412 to %scan3A_414 step %scan3A_415  : i32 {
      %parallel_loop3A = arith.constant 0 : i32
      %parallel_loop3A_727 = arith.constant 64 : i32
      %parallel_loop3A_728 = arith.constant 1 : i32
      scf.for %parallel_loop3A_729 = %parallel_loop3A to %parallel_loop3A_727 step %parallel_loop3A_728  : i32 {
        %parallel_loop3A_730 = arith.constant 16 : i32
        %parallel_loop3A_731 = arith.muli %parallel_loop3A_729, %parallel_loop3A_730 : i32
        %parallel_loop3A_732 = arith.index_cast %scan3A_726 : i32 to index
        %parallel_loop3A_733 = arith.index_cast %parallel_loop3A_731 : i32 to index
        %parallel_loop3A_734 = tpu.vector_load %arg5[%parallel_loop3A_732, %parallel_loop3A_733] {strides = array<i32>} : memref<8x1024xf32, #tpu.memory_space<vmem>>, vector<1x16xf32>,
        %parallel_loop3A_735 = vector.shape_cast %parallel_loop3A_734 : vector<1x16xf32> to vector<16xf32>
        %parallel_loop3A_736 = arith.index_cast %scan3A_726 : i32 to index
        %parallel_loop3A_737 = arith.index_cast %parallel_loop3A_731 : i32 to index
        %parallel_loop3A_738 = tpu.vector_load %arg13[%parallel_loop3A_736, %parallel_loop3A_737] {strides = array<i32>} : memref<8x1024xf32, #tpu.memory_space<vmem>>, vector<1x16xf32>,
        %parallel_loop3A_739 = vector.shape_cast %parallel_loop3A_738 : vector<1x16xf32> to vector<16xf32>
        %parallel_loop3A_740 = arith.addf %parallel_loop3A_735, %parallel_loop3A_739 : vector<16xf32>
        %parallel_loop3A_741 = arith.index_cast %scan3A_726 : i32 to index
        %parallel_loop3A_742 = arith.index_cast %parallel_loop3A_731 : i32 to index
        %parallel_loop3A_743 = tpu.vector_load %arg5[%parallel_loop3A_741, %parallel_loop3A_742] {strides = array<i32>} : memref<8x1024xf32, #tpu.memory_space<vmem>>, vector<1x16xf32>,
        %parallel_loop3A_744 = vector.shape_cast %parallel_loop3A_743 : vector<1x16xf32> to vector<16xf32>
        %parallel_loop3A_745 = vector.shape_cast %parallel_loop3A_740 : vector<16xf32> to vector<1x16xf32>
        tpu.vector_store %arg5[%parallel_loop3A_741, %parallel_loop3A_742], %parallel_loop3A_745 {strides = array<i32>} : memref<8x1024xf32, #tpu.memory_space<vmem>>, vector<1x16xf32>,
      } {sc.loop_unroll_factor = 8 : i64, sc.parallel_access}
    }
    %scan3A_416 = arith.constant 8 : i32
    %add3A_417 = arith.constant 240 : i32
    %add3A_418 = arith.addi %mul3A_2, %add3A_417 : i32
    %dma_start3A_419 = arith.constant 0 : i32
    %dma_start3A_420 = arith.constant 0 : i32
    %dma_start3A_421 = tpu.memref_slice %arg4[%dma_start3A_419, %add3A_418, %dma_start3A_420] : memref<4x8192x1024xf32, #tpu.memory_space<hbm>> -> memref<1x8x1024xf32, #tpu.memory_space<hbm>>
    %dma_start3A_422 = tpu.memref_squeeze %dma_start3A_421 : memref<1x8x1024xf32, #tpu.memory_space<hbm>> -> memref<8x1024xf32, #tpu.memory_space<hbm>>
    %dma_start3A_423 = arith.constant 0 : i32
    %dma_start3A_424 = tpu.memref_slice %arg4[%dma_start3A_419, %add3A_418, %dma_start3A_423] : memref<4x8192x1024xf32, #tpu.memory_space<hbm>> -> memref<1x8x1024xf32, #tpu.memory_space<hbm>>
    %dma_start3A_425 = tpu.memref_squeeze %dma_start3A_424 : memref<1x8x1024xf32, #tpu.memory_space<hbm>> -> memref<8x1024xf32, #tpu.memory_space<hbm>>
    tpu.enqueue_dma source(%arg5 : memref<8x1024xf32, #tpu.memory_space<vmem>>) target(%dma_start3A_425 : memref<8x1024xf32, #tpu.memory_space<hbm>>) target_semaphore(%arg15 : memref<!tpu.dma_semaphore, #tpu.memory_space<semaphore_mem>>)
    %dma_wait3A_426 = arith.constant 0 : i32
    %dma_wait3A_427 = arith.constant 0 : i32
    %dma_wait3A_428 = arith.constant 0 : i32
    %dma_wait3A_429 = tpu.memref_slice %arg4[%dma_wait3A_426, %dma_wait3A_427, %dma_wait3A_428] : memref<4x8192x1024xf32, #tpu.memory_space<hbm>> -> memref<1x8x1024xf32, #tpu.memory_space<hbm>>
    %dma_wait3A_430 = tpu.memref_squeeze %dma_wait3A_429 : memref<1x8x1024xf32, #tpu.memory_space<hbm>> -> memref<8x1024xf32, #tpu.memory_space<hbm>>
    %dma_wait3A_431 = arith.constant 0 : i32
    %dma_wait3A_432 = arith.constant 0 : i32
    %dma_wait3A_433 = tpu.memref_slice %arg4[%dma_wait3A_426, %dma_wait3A_431, %dma_wait3A_432] : memref<4x8192x1024xf32, #tpu.memory_space<hbm>> -> memref<1x8x1024xf32, #tpu.memory_space<hbm>>
    %dma_wait3A_434 = tpu.memref_squeeze %dma_wait3A_433 : memref<1x8x1024xf32, #tpu.memory_space<hbm>> -> memref<8x1024xf32, #tpu.memory_space<hbm>>
    tpu.wait_dma2 semaphore(%arg20 : memref<!tpu.dma_semaphore, #tpu.memory_space<semaphore_mem>>) src(%arg10 : memref<8x1024xf32, #tpu.memory_space<vmem>>) dst(%dma_wait3A_434 : memref<8x1024xf32, #tpu.memory_space<hbm>>)
    %add3A_435 = arith.constant 248 : i32
    %add3A_436 = arith.addi %mul3A_2, %add3A_435 : i32
    %dma_start3A_437 = arith.constant 1 : i32
    %dma_start3A_438 = arith.constant 0 : i32
    %dma_start3A_439 = tpu.memref_slice %arg2[%dma_start3A_437, %add3A_436, %dma_start3A_438] : memref<4x8192x1024xf32, #tpu.memory_space<hbm>> -> memref<1x8x1024xf32, #tpu.memory_space<hbm>>
    %dma_start3A_440 = tpu.memref_squeeze %dma_start3A_439 : memref<1x8x1024xf32, #tpu.memory_space<hbm>> -> memref<8x1024xf32, #tpu.memory_space<hbm>>
    %dma_start3A_441 = arith.constant 0 : i32
    %dma_start3A_442 = tpu.memref_slice %arg2[%dma_start3A_437, %add3A_436, %dma_start3A_441] : memref<4x8192x1024xf32, #tpu.memory_space<hbm>> -> memref<1x8x1024xf32, #tpu.memory_space<hbm>>
    %dma_start3A_443 = tpu.memref_squeeze %dma_start3A_442 : memref<1x8x1024xf32, #tpu.memory_space<hbm>> -> memref<8x1024xf32, #tpu.memory_space<hbm>>
    tpu.enqueue_dma source(%dma_start3A_443 : memref<8x1024xf32, #tpu.memory_space<hbm>>) target(%arg10 : memref<8x1024xf32, #tpu.memory_space<vmem>>) target_semaphore(%arg20 : memref<!tpu.dma_semaphore, #tpu.memory_space<semaphore_mem>>)
    %dma_wait3A_444 = arith.constant 0 : i32
    %dma_wait3A_445 = arith.constant 0 : i32
    %dma_wait3A_446 = arith.constant 0 : i32
    %dma_wait3A_447 = tpu.memref_slice %arg2[%dma_wait3A_444, %dma_wait3A_445, %dma_wait3A_446] : memref<4x8192x1024xf32, #tpu.memory_space<hbm>> -> memref<1x8x1024xf32, #tpu.memory_space<hbm>>
    %dma_wait3A_448 = tpu.memref_squeeze %dma_wait3A_447 : memref<1x8x1024xf32, #tpu.memory_space<hbm>> -> memref<8x1024xf32, #tpu.memory_space<hbm>>
    %dma_wait3A_449 = arith.constant 0 : i32
    %dma_wait3A_450 = arith.constant 0 : i32
    %dma_wait3A_451 = tpu.memref_slice %arg2[%dma_wait3A_444, %dma_wait3A_449, %dma_wait3A_450] : memref<4x8192x1024xf32, #tpu.memory_space<hbm>> -> memref<1x8x1024xf32, #tpu.memory_space<hbm>>
    %dma_wait3A_452 = tpu.memref_squeeze %dma_wait3A_451 : memref<1x8x1024xf32, #tpu.memory_space<hbm>> -> memref<8x1024xf32, #tpu.memory_space<hbm>>
    tpu.wait_dma2 semaphore(%arg16 : memref<!tpu.dma_semaphore, #tpu.memory_space<semaphore_mem>>) src(%dma_wait3A_452 : memref<8x1024xf32, #tpu.memory_space<hbm>>) dst(%arg6 : memref<8x1024xf32, #tpu.memory_space<vmem>>)
    %scan3A_453 = arith.constant 0 : i32
    %scan3A_454 = arith.constant 0 : i32
    %scan3A_455 = arith.constant 8 : i32
    %scan3A_456 = arith.addi %scan3A_454, %scan3A_455 : i32
    %scan3A_457 = arith.constant 1 : i32
    scf.for %scan3A_726 = %scan3A_454 to %scan3A_456 step %scan3A_457  : i32 {
      %parallel_loop3A = arith.constant 0 : i32
      %parallel_loop3A_727 = arith.constant 64 : i32
      %parallel_loop3A_728 = arith.constant 1 : i32
      scf.for %parallel_loop3A_729 = %parallel_loop3A to %parallel_loop3A_727 step %parallel_loop3A_728  : i32 {
        %parallel_loop3A_730 = arith.constant 16 : i32
        %parallel_loop3A_731 = arith.muli %parallel_loop3A_729, %parallel_loop3A_730 : i32
        %parallel_loop3A_732 = arith.index_cast %scan3A_726 : i32 to index
        %parallel_loop3A_733 = arith.index_cast %parallel_loop3A_731 : i32 to index
        %parallel_loop3A_734 = tpu.vector_load %arg6[%parallel_loop3A_732, %parallel_loop3A_733] {strides = array<i32>} : memref<8x1024xf32, #tpu.memory_space<vmem>>, vector<1x16xf32>,
        %parallel_loop3A_735 = vector.shape_cast %parallel_loop3A_734 : vector<1x16xf32> to vector<16xf32>
        %parallel_loop3A_736 = arith.index_cast %scan3A_726 : i32 to index
        %parallel_loop3A_737 = arith.index_cast %parallel_loop3A_731 : i32 to index
        %parallel_loop3A_738 = tpu.vector_load %arg13[%parallel_loop3A_736, %parallel_loop3A_737] {strides = array<i32>} : memref<8x1024xf32, #tpu.memory_space<vmem>>, vector<1x16xf32>,
        %parallel_loop3A_739 = vector.shape_cast %parallel_loop3A_738 : vector<1x16xf32> to vector<16xf32>
        %parallel_loop3A_740 = arith.addf %parallel_loop3A_735, %parallel_loop3A_739 : vector<16xf32>
        %parallel_loop3A_741 = arith.index_cast %scan3A_726 : i32 to index
        %parallel_loop3A_742 = arith.index_cast %parallel_loop3A_731 : i32 to index
        %parallel_loop3A_743 = tpu.vector_load %arg6[%parallel_loop3A_741, %parallel_loop3A_742] {strides = array<i32>} : memref<8x1024xf32, #tpu.memory_space<vmem>>, vector<1x16xf32>,
        %parallel_loop3A_744 = vector.shape_cast %parallel_loop3A_743 : vector<1x16xf32> to vector<16xf32>
        %parallel_loop3A_745 = vector.shape_cast %parallel_loop3A_740 : vector<16xf32> to vector<1x16xf32>
        tpu.vector_store %arg6[%parallel_loop3A_741, %parallel_loop3A_742], %parallel_loop3A_745 {strides = array<i32>} : memref<8x1024xf32, #tpu.memory_space<vmem>>, vector<1x16xf32>,
      } {sc.loop_unroll_factor = 8 : i64, sc.parallel_access}
    }
    %scan3A_458 = arith.constant 8 : i32
    %add3A_459 = arith.constant 240 : i32
    %add3A_460 = arith.addi %mul3A_2, %add3A_459 : i32
    %dma_start3A_461 = arith.constant 1 : i32
    %dma_start3A_462 = arith.constant 0 : i32
    %dma_start3A_463 = tpu.memref_slice %arg4[%dma_start3A_461, %add3A_460, %dma_start3A_462] : memref<4x8192x1024xf32, #tpu.memory_space<hbm>> -> memref<1x8x1024xf32, #tpu.memory_space<hbm>>
    %dma_start3A_464 = tpu.memref_squeeze %dma_start3A_463 : memref<1x8x1024xf32, #tpu.memory_space<hbm>> -> memref<8x1024xf32, #tpu.memory_space<hbm>>
    %dma_start3A_465 = arith.constant 0 : i32
    %dma_start3A_466 = tpu.memref_slice %arg4[%dma_start3A_461, %add3A_460, %dma_start3A_465] : memref<4x8192x1024xf32, #tpu.memory_space<hbm>> -> memref<1x8x1024xf32, #tpu.memory_space<hbm>>
    %dma_start3A_467 = tpu.memref_squeeze %dma_start3A_466 : memref<1x8x1024xf32, #tpu.memory_space<hbm>> -> memref<8x1024xf32, #tpu.memory_space<hbm>>
    tpu.enqueue_dma source(%arg6 : memref<8x1024xf32, #tpu.memory_space<vmem>>) target(%dma_start3A_467 : memref<8x1024xf32, #tpu.memory_space<hbm>>) target_semaphore(%arg16 : memref<!tpu.dma_semaphore, #tpu.memory_space<semaphore_mem>>)
    %dma_wait3A_468 = arith.constant 0 : i32
    %dma_wait3A_469 = arith.constant 0 : i32
    %dma_wait3A_470 = arith.constant 0 : i32
    %dma_wait3A_471 = tpu.memref_slice %arg4[%dma_wait3A_468, %dma_wait3A_469, %dma_wait3A_470] : memref<4x8192x1024xf32, #tpu.memory_space<hbm>> -> memref<1x8x1024xf32, #tpu.memory_space<hbm>>
    %dma_wait3A_472 = tpu.memref_squeeze %dma_wait3A_471 : memref<1x8x1024xf32, #tpu.memory_space<hbm>> -> memref<8x1024xf32, #tpu.memory_space<hbm>>
    %dma_wait3A_473 = arith.constant 0 : i32
    %dma_wait3A_474 = arith.constant 0 : i32
    %dma_wait3A_475 = tpu.memref_slice %arg4[%dma_wait3A_468, %dma_wait3A_473, %dma_wait3A_474] : memref<4x8192x1024xf32, #tpu.memory_space<hbm>> -> memref<1x8x1024xf32, #tpu.memory_space<hbm>>
    %dma_wait3A_476 = tpu.memref_squeeze %dma_wait3A_475 : memref<1x8x1024xf32, #tpu.memory_space<hbm>> -> memref<8x1024xf32, #tpu.memory_space<hbm>>
    tpu.wait_dma2 semaphore(%arg21 : memref<!tpu.dma_semaphore, #tpu.memory_space<semaphore_mem>>) src(%arg11 : memref<8x1024xf32, #tpu.memory_space<vmem>>) dst(%dma_wait3A_476 : memref<8x1024xf32, #tpu.memory_space<hbm>>)
    %add3A_477 = arith.constant 248 : i32
    %add3A_478 = arith.addi %mul3A_2, %add3A_477 : i32
    %dma_start3A_479 = arith.constant 2 : i32
    %dma_start3A_480 = arith.constant 0 : i32
    %dma_start3A_481 = tpu.memref_slice %arg2[%dma_start3A_479, %add3A_478, %dma_start3A_480] : memref<4x8192x1024xf32, #tpu.memory_space<hbm>> -> memref<1x8x1024xf32, #tpu.memory_space<hbm>>
    %dma_start3A_482 = tpu.memref_squeeze %dma_start3A_481 : memref<1x8x1024xf32, #tpu.memory_space<hbm>> -> memref<8x1024xf32, #tpu.memory_space<hbm>>
    %dma_start3A_483 = arith.constant 0 : i32
    %dma_start3A_484 = tpu.memref_slice %arg2[%dma_start3A_479, %add3A_478, %dma_start3A_483] : memref<4x8192x1024xf32, #tpu.memory_space<hbm>> -> memref<1x8x1024xf32, #tpu.memory_space<hbm>>
    %dma_start3A_485 = tpu.memref_squeeze %dma_start3A_484 : memref<1x8x1024xf32, #tpu.memory_space<hbm>> -> memref<8x1024xf32, #tpu.memory_space<hbm>>
    tpu.enqueue_dma source(%dma_start3A_485 : memref<8x1024xf32, #tpu.memory_space<hbm>>) target(%arg11 : memref<8x1024xf32, #tpu.memory_space<vmem>>) target_semaphore(%arg21 : memref<!tpu.dma_semaphore, #tpu.memory_space<semaphore_mem>>)
    %dma_wait3A_486 = arith.constant 0 : i32
    %dma_wait3A_487 = arith.constant 0 : i32
    %dma_wait3A_488 = arith.constant 0 : i32
    %dma_wait3A_489 = tpu.memref_slice %arg2[%dma_wait3A_486, %dma_wait3A_487, %dma_wait3A_488] : memref<4x8192x1024xf32, #tpu.memory_space<hbm>> -> memref<1x8x1024xf32, #tpu.memory_space<hbm>>
    %dma_wait3A_490 = tpu.memref_squeeze %dma_wait3A_489 : memref<1x8x1024xf32, #tpu.memory_space<hbm>> -> memref<8x1024xf32, #tpu.memory_space<hbm>>
    %dma_wait3A_491 = arith.constant 0 : i32
    %dma_wait3A_492 = arith.constant 0 : i32
    %dma_wait3A_493 = tpu.memref_slice %arg2[%dma_wait3A_486, %dma_wait3A_491, %dma_wait3A_492] : memref<4x8192x1024xf32, #tpu.memory_space<hbm>> -> memref<1x8x1024xf32, #tpu.memory_space<hbm>>
    %dma_wait3A_494 = tpu.memref_squeeze %dma_wait3A_493 : memref<1x8x1024xf32, #tpu.memory_space<hbm>> -> memref<8x1024xf32, #tpu.memory_space<hbm>>
    tpu.wait_dma2 semaphore(%arg17 : memref<!tpu.dma_semaphore, #tpu.memory_space<semaphore_mem>>) src(%dma_wait3A_494 : memref<8x1024xf32, #tpu.memory_space<hbm>>) dst(%arg7 : memref<8x1024xf32, #tpu.memory_space<vmem>>)
    %scan3A_495 = arith.constant 0 : i32
    %scan3A_496 = arith.constant 0 : i32
    %scan3A_497 = arith.constant 8 : i32
    %scan3A_498 = arith.addi %scan3A_496, %scan3A_497 : i32
    %scan3A_499 = arith.constant 1 : i32
    scf.for %scan3A_726 = %scan3A_496 to %scan3A_498 step %scan3A_499  : i32 {
      %parallel_loop3A = arith.constant 0 : i32
      %parallel_loop3A_727 = arith.constant 64 : i32
      %parallel_loop3A_728 = arith.constant 1 : i32
      scf.for %parallel_loop3A_729 = %parallel_loop3A to %parallel_loop3A_727 step %parallel_loop3A_728  : i32 {
        %parallel_loop3A_730 = arith.constant 16 : i32
        %parallel_loop3A_731 = arith.muli %parallel_loop3A_729, %parallel_loop3A_730 : i32
        %parallel_loop3A_732 = arith.index_cast %scan3A_726 : i32 to index
        %parallel_loop3A_733 = arith.index_cast %parallel_loop3A_731 : i32 to index
        %parallel_loop3A_734 = tpu.vector_load %arg7[%parallel_loop3A_732, %parallel_loop3A_733] {strides = array<i32>} : memref<8x1024xf32, #tpu.memory_space<vmem>>, vector<1x16xf32>,
        %parallel_loop3A_735 = vector.shape_cast %parallel_loop3A_734 : vector<1x16xf32> to vector<16xf32>
        %parallel_loop3A_736 = arith.index_cast %scan3A_726 : i32 to index
        %parallel_loop3A_737 = arith.index_cast %parallel_loop3A_731 : i32 to index
        %parallel_loop3A_738 = tpu.vector_load %arg13[%parallel_loop3A_736, %parallel_loop3A_737] {strides = array<i32>} : memref<8x1024xf32, #tpu.memory_space<vmem>>, vector<1x16xf32>,
        %parallel_loop3A_739 = vector.shape_cast %parallel_loop3A_738 : vector<1x16xf32> to vector<16xf32>
        %parallel_loop3A_740 = arith.addf %parallel_loop3A_735, %parallel_loop3A_739 : vector<16xf32>
        %parallel_loop3A_741 = arith.index_cast %scan3A_726 : i32 to index
        %parallel_loop3A_742 = arith.index_cast %parallel_loop3A_731 : i32 to index
        %parallel_loop3A_743 = tpu.vector_load %arg7[%parallel_loop3A_741, %parallel_loop3A_742] {strides = array<i32>} : memref<8x1024xf32, #tpu.memory_space<vmem>>, vector<1x16xf32>,
        %parallel_loop3A_744 = vector.shape_cast %parallel_loop3A_743 : vector<1x16xf32> to vector<16xf32>
        %parallel_loop3A_745 = vector.shape_cast %parallel_loop3A_740 : vector<16xf32> to vector<1x16xf32>
        tpu.vector_store %arg7[%parallel_loop3A_741, %parallel_loop3A_742], %parallel_loop3A_745 {strides = array<i32>} : memref<8x1024xf32, #tpu.memory_space<vmem>>, vector<1x16xf32>,
      } {sc.loop_unroll_factor = 8 : i64, sc.parallel_access}
    }
    %scan3A_500 = arith.constant 8 : i32
    %add3A_501 = arith.constant 240 : i32
    %add3A_502 = arith.addi %mul3A_2, %add3A_501 : i32
    %dma_start3A_503 = arith.constant 2 : i32
    %dma_start3A_504 = arith.constant 0 : i32
    %dma_start3A_505 = tpu.memref_slice %arg4[%dma_start3A_503, %add3A_502, %dma_start3A_504] : memref<4x8192x1024xf32, #tpu.memory_space<hbm>> -> memref<1x8x1024xf32, #tpu.memory_space<hbm>>
    %dma_start3A_506 = tpu.memref_squeeze %dma_start3A_505 : memref<1x8x1024xf32, #tpu.memory_space<hbm>> -> memref<8x1024xf32, #tpu.memory_space<hbm>>
    %dma_start3A_507 = arith.constant 0 : i32
    %dma_start3A_508 = tpu.memref_slice %arg4[%dma_start3A_503, %add3A_502, %dma_start3A_507] : memref<4x8192x1024xf32, #tpu.memory_space<hbm>> -> memref<1x8x1024xf32, #tpu.memory_space<hbm>>
    %dma_start3A_509 = tpu.memref_squeeze %dma_start3A_508 : memref<1x8x1024xf32, #tpu.memory_space<hbm>> -> memref<8x1024xf32, #tpu.memory_space<hbm>>
    tpu.enqueue_dma source(%arg7 : memref<8x1024xf32, #tpu.memory_space<vmem>>) target(%dma_start3A_509 : memref<8x1024xf32, #tpu.memory_space<hbm>>) target_semaphore(%arg17 : memref<!tpu.dma_semaphore, #tpu.memory_space<semaphore_mem>>)
    %dma_wait3A_510 = arith.constant 0 : i32
    %dma_wait3A_511 = arith.constant 0 : i32
    %dma_wait3A_512 = arith.constant 0 : i32
    %dma_wait3A_513 = tpu.memref_slice %arg4[%dma_wait3A_510, %dma_wait3A_511, %dma_wait3A_512] : memref<4x8192x1024xf32, #tpu.memory_space<hbm>> -> memref<1x8x1024xf32, #tpu.memory_space<hbm>>
    %dma_wait3A_514 = tpu.memref_squeeze %dma_wait3A_513 : memref<1x8x1024xf32, #tpu.memory_space<hbm>> -> memref<8x1024xf32, #tpu.memory_space<hbm>>
    %dma_wait3A_515 = arith.constant 0 : i32
    %dma_wait3A_516 = arith.constant 0 : i32
    %dma_wait3A_517 = tpu.memref_slice %arg4[%dma_wait3A_510, %dma_wait3A_515, %dma_wait3A_516] : memref<4x8192x1024xf32, #tpu.memory_space<hbm>> -> memref<1x8x1024xf32, #tpu.memory_space<hbm>>
    %dma_wait3A_518 = tpu.memref_squeeze %dma_wait3A_517 : memref<1x8x1024xf32, #tpu.memory_space<hbm>> -> memref<8x1024xf32, #tpu.memory_space<hbm>>
    tpu.wait_dma2 semaphore(%arg22 : memref<!tpu.dma_semaphore, #tpu.memory_space<semaphore_mem>>) src(%arg12 : memref<8x1024xf32, #tpu.memory_space<vmem>>) dst(%dma_wait3A_518 : memref<8x1024xf32, #tpu.memory_space<hbm>>)
    %add3A_519 = arith.constant 248 : i32
    %add3A_520 = arith.addi %mul3A_2, %add3A_519 : i32
    %dma_start3A_521 = arith.constant 3 : i32
    %dma_start3A_522 = arith.constant 0 : i32
    %dma_start3A_523 = tpu.memref_slice %arg2[%dma_start3A_521, %add3A_520, %dma_start3A_522] : memref<4x8192x1024xf32, #tpu.memory_space<hbm>> -> memref<1x8x1024xf32, #tpu.memory_space<hbm>>
    %dma_start3A_524 = tpu.memref_squeeze %dma_start3A_523 : memref<1x8x1024xf32, #tpu.memory_space<hbm>> -> memref<8x1024xf32, #tpu.memory_space<hbm>>
    %dma_start3A_525 = arith.constant 0 : i32
    %dma_start3A_526 = tpu.memref_slice %arg2[%dma_start3A_521, %add3A_520, %dma_start3A_525] : memref<4x8192x1024xf32, #tpu.memory_space<hbm>> -> memref<1x8x1024xf32, #tpu.memory_space<hbm>>
    %dma_start3A_527 = tpu.memref_squeeze %dma_start3A_526 : memref<1x8x1024xf32, #tpu.memory_space<hbm>> -> memref<8x1024xf32, #tpu.memory_space<hbm>>
    tpu.enqueue_dma source(%dma_start3A_527 : memref<8x1024xf32, #tpu.memory_space<hbm>>) target(%arg12 : memref<8x1024xf32, #tpu.memory_space<vmem>>) target_semaphore(%arg22 : memref<!tpu.dma_semaphore, #tpu.memory_space<semaphore_mem>>)
    %dma_wait3A_528 = arith.constant 0 : i32
    %dma_wait3A_529 = arith.constant 0 : i32
    %dma_wait3A_530 = arith.constant 0 : i32
    %dma_wait3A_531 = tpu.memref_slice %arg2[%dma_wait3A_528, %dma_wait3A_529, %dma_wait3A_530] : memref<4x8192x1024xf32, #tpu.memory_space<hbm>> -> memref<1x8x1024xf32, #tpu.memory_space<hbm>>
    %dma_wait3A_532 = tpu.memref_squeeze %dma_wait3A_531 : memref<1x8x1024xf32, #tpu.memory_space<hbm>> -> memref<8x1024xf32, #tpu.memory_space<hbm>>
    %dma_wait3A_533 = arith.constant 0 : i32
    %dma_wait3A_534 = arith.constant 0 : i32
    %dma_wait3A_535 = tpu.memref_slice %arg2[%dma_wait3A_528, %dma_wait3A_533, %dma_wait3A_534] : memref<4x8192x1024xf32, #tpu.memory_space<hbm>> -> memref<1x8x1024xf32, #tpu.memory_space<hbm>>
    %dma_wait3A_536 = tpu.memref_squeeze %dma_wait3A_535 : memref<1x8x1024xf32, #tpu.memory_space<hbm>> -> memref<8x1024xf32, #tpu.memory_space<hbm>>
    tpu.wait_dma2 semaphore(%arg18 : memref<!tpu.dma_semaphore, #tpu.memory_space<semaphore_mem>>) src(%dma_wait3A_536 : memref<8x1024xf32, #tpu.memory_space<hbm>>) dst(%arg8 : memref<8x1024xf32, #tpu.memory_space<vmem>>)
    %scan3A_537 = arith.constant 0 : i32
    %scan3A_538 = arith.constant 0 : i32
    %scan3A_539 = arith.constant 8 : i32
    %scan3A_540 = arith.addi %scan3A_538, %scan3A_539 : i32
    %scan3A_541 = arith.constant 1 : i32
    scf.for %scan3A_726 = %scan3A_538 to %scan3A_540 step %scan3A_541  : i32 {
      %parallel_loop3A = arith.constant 0 : i32
      %parallel_loop3A_727 = arith.constant 64 : i32
      %parallel_loop3A_728 = arith.constant 1 : i32
      scf.for %parallel_loop3A_729 = %parallel_loop3A to %parallel_loop3A_727 step %parallel_loop3A_728  : i32 {
        %parallel_loop3A_730 = arith.constant 16 : i32
        %parallel_loop3A_731 = arith.muli %parallel_loop3A_729, %parallel_loop3A_730 : i32
        %parallel_loop3A_732 = arith.index_cast %scan3A_726 : i32 to index
        %parallel_loop3A_733 = arith.index_cast %parallel_loop3A_731 : i32 to index
        %parallel_loop3A_734 = tpu.vector_load %arg8[%parallel_loop3A_732, %parallel_loop3A_733] {strides = array<i32>} : memref<8x1024xf32, #tpu.memory_space<vmem>>, vector<1x16xf32>,
        %parallel_loop3A_735 = vector.shape_cast %parallel_loop3A_734 : vector<1x16xf32> to vector<16xf32>
        %parallel_loop3A_736 = arith.index_cast %scan3A_726 : i32 to index
        %parallel_loop3A_737 = arith.index_cast %parallel_loop3A_731 : i32 to index
        %parallel_loop3A_738 = tpu.vector_load %arg13[%parallel_loop3A_736, %parallel_loop3A_737] {strides = array<i32>} : memref<8x1024xf32, #tpu.memory_space<vmem>>, vector<1x16xf32>,
        %parallel_loop3A_739 = vector.shape_cast %parallel_loop3A_738 : vector<1x16xf32> to vector<16xf32>
        %parallel_loop3A_740 = arith.addf %parallel_loop3A_735, %parallel_loop3A_739 : vector<16xf32>
        %parallel_loop3A_741 = arith.index_cast %scan3A_726 : i32 to index
        %parallel_loop3A_742 = arith.index_cast %parallel_loop3A_731 : i32 to index
        %parallel_loop3A_743 = tpu.vector_load %arg8[%parallel_loop3A_741, %parallel_loop3A_742] {strides = array<i32>} : memref<8x1024xf32, #tpu.memory_space<vmem>>, vector<1x16xf32>,
        %parallel_loop3A_744 = vector.shape_cast %parallel_loop3A_743 : vector<1x16xf32> to vector<16xf32>
        %parallel_loop3A_745 = vector.shape_cast %parallel_loop3A_740 : vector<16xf32> to vector<1x16xf32>
        tpu.vector_store %arg8[%parallel_loop3A_741, %parallel_loop3A_742], %parallel_loop3A_745 {strides = array<i32>} : memref<8x1024xf32, #tpu.memory_space<vmem>>, vector<1x16xf32>,
      } {sc.loop_unroll_factor = 8 : i64, sc.parallel_access}
    }
    %scan3A_542 = arith.constant 8 : i32
    %add3A_543 = arith.constant 240 : i32
    %add3A_544 = arith.addi %mul3A_2, %add3A_543 : i32
    %dma_start3A_545 = arith.constant 3 : i32
    %dma_start3A_546 = arith.constant 0 : i32
    %dma_start3A_547 = tpu.memref_slice %arg4[%dma_start3A_545, %add3A_544, %dma_start3A_546] : memref<4x8192x1024xf32, #tpu.memory_space<hbm>> -> memref<1x8x1024xf32, #tpu.memory_space<hbm>>
    %dma_start3A_548 = tpu.memref_squeeze %dma_start3A_547 : memref<1x8x1024xf32, #tpu.memory_space<hbm>> -> memref<8x1024xf32, #tpu.memory_space<hbm>>
    %dma_start3A_549 = arith.constant 0 : i32
    %dma_start3A_550 = tpu.memref_slice %arg4[%dma_start3A_545, %add3A_544, %dma_start3A_549] : memref<4x8192x1024xf32, #tpu.memory_space<hbm>> -> memref<1x8x1024xf32, #tpu.memory_space<hbm>>
    %dma_start3A_551 = tpu.memref_squeeze %dma_start3A_550 : memref<1x8x1024xf32, #tpu.memory_space<hbm>> -> memref<8x1024xf32, #tpu.memory_space<hbm>>
    tpu.enqueue_dma source(%arg8 : memref<8x1024xf32, #tpu.memory_space<vmem>>) target(%dma_start3A_551 : memref<8x1024xf32, #tpu.memory_space<hbm>>) target_semaphore(%arg18 : memref<!tpu.dma_semaphore, #tpu.memory_space<semaphore_mem>>)
    %dma_wait3A_552 = arith.constant 0 : i32
    %dma_wait3A_553 = arith.constant 0 : i32
    %dma_wait3A_554 = tpu.memref_slice %arg3[%dma_wait3A_552, %dma_wait3A_553] : memref<8192x1024xf32, #tpu.memory_space<hbm>> -> memref<8x1024xf32, #tpu.memory_space<hbm>>
    %dma_wait3A_555 = arith.constant 0 : i32
    %dma_wait3A_556 = arith.constant 0 : i32
    %dma_wait3A_557 = tpu.memref_slice %arg3[%dma_wait3A_555, %dma_wait3A_556] : memref<8192x1024xf32, #tpu.memory_space<hbm>> -> memref<8x1024xf32, #tpu.memory_space<hbm>>
    tpu.wait_dma2 semaphore(%arg24 : memref<!tpu.dma_semaphore, #tpu.memory_space<semaphore_mem>>) src(%dma_wait3A_557 : memref<8x1024xf32, #tpu.memory_space<hbm>>) dst(%arg14 : memref<8x1024xf32, #tpu.memory_space<vmem>>)
    %dma_wait3A_558 = arith.constant 0 : i32
    %dma_wait3A_559 = arith.constant 0 : i32
    %dma_wait3A_560 = arith.constant 0 : i32
    %dma_wait3A_561 = tpu.memref_slice %arg4[%dma_wait3A_558, %dma_wait3A_559, %dma_wait3A_560] : memref<4x8192x1024xf32, #tpu.memory_space<hbm>> -> memref<1x8x1024xf32, #tpu.memory_space<hbm>>
    %dma_wait3A_562 = tpu.memref_squeeze %dma_wait3A_561 : memref<1x8x1024xf32, #tpu.memory_space<hbm>> -> memref<8x1024xf32, #tpu.memory_space<hbm>>
    %dma_wait3A_563 = arith.constant 0 : i32
    %dma_wait3A_564 = arith.constant 0 : i32
    %dma_wait3A_565 = tpu.memref_slice %arg4[%dma_wait3A_558, %dma_wait3A_563, %dma_wait3A_564] : memref<4x8192x1024xf32, #tpu.memory_space<hbm>> -> memref<1x8x1024xf32, #tpu.memory_space<hbm>>
    %dma_wait3A_566 = tpu.memref_squeeze %dma_wait3A_565 : memref<1x8x1024xf32, #tpu.memory_space<hbm>> -> memref<8x1024xf32, #tpu.memory_space<hbm>>
    tpu.wait_dma2 semaphore(%arg15 : memref<!tpu.dma_semaphore, #tpu.memory_space<semaphore_mem>>) src(%arg5 : memref<8x1024xf32, #tpu.memory_space<vmem>>) dst(%dma_wait3A_566 : memref<8x1024xf32, #tpu.memory_space<hbm>>)
    %dma_wait3A_567 = arith.constant 0 : i32
    %dma_wait3A_568 = arith.constant 0 : i32
    %dma_wait3A_569 = arith.constant 0 : i32
    %dma_wait3A_570 = tpu.memref_slice %arg2[%dma_wait3A_567, %dma_wait3A_568, %dma_wait3A_569] : memref<4x8192x1024xf32, #tpu.memory_space<hbm>> -> memref<1x8x1024xf32, #tpu.memory_space<hbm>>
    %dma_wait3A_571 = tpu.memref_squeeze %dma_wait3A_570 : memref<1x8x1024xf32, #tpu.memory_space<hbm>> -> memref<8x1024xf32, #tpu.memory_space<hbm>>
    %dma_wait3A_572 = arith.constant 0 : i32
    %dma_wait3A_573 = arith.constant 0 : i32
    %dma_wait3A_574 = tpu.memref_slice %arg2[%dma_wait3A_567, %dma_wait3A_572, %dma_wait3A_573] : memref<4x8192x1024xf32, #tpu.memory_space<hbm>> -> memref<1x8x1024xf32, #tpu.memory_space<hbm>>
    %dma_wait3A_575 = tpu.memref_squeeze %dma_wait3A_574 : memref<1x8x1024xf32, #tpu.memory_space<hbm>> -> memref<8x1024xf32, #tpu.memory_space<hbm>>
    tpu.wait_dma2 semaphore(%arg19 : memref<!tpu.dma_semaphore, #tpu.memory_space<semaphore_mem>>) src(%dma_wait3A_575 : memref<8x1024xf32, #tpu.memory_space<hbm>>) dst(%arg9 : memref<8x1024xf32, #tpu.memory_space<vmem>>)
    %scan3A_576 = arith.constant 0 : i32
    %scan3A_577 = arith.constant 0 : i32
    %scan3A_578 = arith.constant 8 : i32
    %scan3A_579 = arith.addi %scan3A_577, %scan3A_578 : i32
    %scan3A_580 = arith.constant 1 : i32
    scf.for %scan3A_726 = %scan3A_577 to %scan3A_579 step %scan3A_580  : i32 {
      %parallel_loop3A = arith.constant 0 : i32
      %parallel_loop3A_727 = arith.constant 64 : i32
      %parallel_loop3A_728 = arith.constant 1 : i32
      scf.for %parallel_loop3A_729 = %parallel_loop3A to %parallel_loop3A_727 step %parallel_loop3A_728  : i32 {
        %parallel_loop3A_730 = arith.constant 16 : i32
        %parallel_loop3A_731 = arith.muli %parallel_loop3A_729, %parallel_loop3A_730 : i32
        %parallel_loop3A_732 = arith.index_cast %scan3A_726 : i32 to index
        %parallel_loop3A_733 = arith.index_cast %parallel_loop3A_731 : i32 to index
        %parallel_loop3A_734 = tpu.vector_load %arg9[%parallel_loop3A_732, %parallel_loop3A_733] {strides = array<i32>} : memref<8x1024xf32, #tpu.memory_space<vmem>>, vector<1x16xf32>,
        %parallel_loop3A_735 = vector.shape_cast %parallel_loop3A_734 : vector<1x16xf32> to vector<16xf32>
        %parallel_loop3A_736 = arith.index_cast %scan3A_726 : i32 to index
        %parallel_loop3A_737 = arith.index_cast %parallel_loop3A_731 : i32 to index
        %parallel_loop3A_738 = tpu.vector_load %arg14[%parallel_loop3A_736, %parallel_loop3A_737] {strides = array<i32>} : memref<8x1024xf32, #tpu.memory_space<vmem>>, vector<1x16xf32>,
        %parallel_loop3A_739 = vector.shape_cast %parallel_loop3A_738 : vector<1x16xf32> to vector<16xf32>
        %parallel_loop3A_740 = arith.addf %parallel_loop3A_735, %parallel_loop3A_739 : vector<16xf32>
        %parallel_loop3A_741 = arith.index_cast %scan3A_726 : i32 to index
        %parallel_loop3A_742 = arith.index_cast %parallel_loop3A_731 : i32 to index
        %parallel_loop3A_743 = tpu.vector_load %arg9[%parallel_loop3A_741, %parallel_loop3A_742] {strides = array<i32>} : memref<8x1024xf32, #tpu.memory_space<vmem>>, vector<1x16xf32>,
        %parallel_loop3A_744 = vector.shape_cast %parallel_loop3A_743 : vector<1x16xf32> to vector<16xf32>
        %parallel_loop3A_745 = vector.shape_cast %parallel_loop3A_740 : vector<16xf32> to vector<1x16xf32>
        tpu.vector_store %arg9[%parallel_loop3A_741, %parallel_loop3A_742], %parallel_loop3A_745 {strides = array<i32>} : memref<8x1024xf32, #tpu.memory_space<vmem>>, vector<1x16xf32>,
      } {sc.loop_unroll_factor = 8 : i64, sc.parallel_access}
    }
    %scan3A_581 = arith.constant 8 : i32
    %add3A_582 = arith.constant 248 : i32
    %add3A_583 = arith.addi %mul3A_2, %add3A_582 : i32
    %dma_start3A_584 = arith.constant 0 : i32
    %dma_start3A_585 = arith.constant 0 : i32
    %dma_start3A_586 = tpu.memref_slice %arg4[%dma_start3A_584, %add3A_583, %dma_start3A_585] : memref<4x8192x1024xf32, #tpu.memory_space<hbm>> -> memref<1x8x1024xf32, #tpu.memory_space<hbm>>
    %dma_start3A_587 = tpu.memref_squeeze %dma_start3A_586 : memref<1x8x1024xf32, #tpu.memory_space<hbm>> -> memref<8x1024xf32, #tpu.memory_space<hbm>>
    %dma_start3A_588 = arith.constant 0 : i32
    %dma_start3A_589 = tpu.memref_slice %arg4[%dma_start3A_584, %add3A_583, %dma_start3A_588] : memref<4x8192x1024xf32, #tpu.memory_space<hbm>> -> memref<1x8x1024xf32, #tpu.memory_space<hbm>>
    %dma_start3A_590 = tpu.memref_squeeze %dma_start3A_589 : memref<1x8x1024xf32, #tpu.memory_space<hbm>> -> memref<8x1024xf32, #tpu.memory_space<hbm>>
    tpu.enqueue_dma source(%arg9 : memref<8x1024xf32, #tpu.memory_space<vmem>>) target(%dma_start3A_590 : memref<8x1024xf32, #tpu.memory_space<hbm>>) target_semaphore(%arg19 : memref<!tpu.dma_semaphore, #tpu.memory_space<semaphore_mem>>)
    %dma_wait3A_591 = arith.constant 0 : i32
    %dma_wait3A_592 = arith.constant 0 : i32
    %dma_wait3A_593 = arith.constant 0 : i32
    %dma_wait3A_594 = tpu.memref_slice %arg4[%dma_wait3A_591, %dma_wait3A_592, %dma_wait3A_593] : memref<4x8192x1024xf32, #tpu.memory_space<hbm>> -> memref<1x8x1024xf32, #tpu.memory_space<hbm>>
    %dma_wait3A_595 = tpu.memref_squeeze %dma_wait3A_594 : memref<1x8x1024xf32, #tpu.memory_space<hbm>> -> memref<8x1024xf32, #tpu.memory_space<hbm>>
    %dma_wait3A_596 = arith.constant 0 : i32
    %dma_wait3A_597 = arith.constant 0 : i32
    %dma_wait3A_598 = tpu.memref_slice %arg4[%dma_wait3A_591, %dma_wait3A_596, %dma_wait3A_597] : memref<4x8192x1024xf32, #tpu.memory_space<hbm>> -> memref<1x8x1024xf32, #tpu.memory_space<hbm>>
    %dma_wait3A_599 = tpu.memref_squeeze %dma_wait3A_598 : memref<1x8x1024xf32, #tpu.memory_space<hbm>> -> memref<8x1024xf32, #tpu.memory_space<hbm>>
    tpu.wait_dma2 semaphore(%arg16 : memref<!tpu.dma_semaphore, #tpu.memory_space<semaphore_mem>>) src(%arg6 : memref<8x1024xf32, #tpu.memory_space<vmem>>) dst(%dma_wait3A_599 : memref<8x1024xf32, #tpu.memory_space<hbm>>)
    %dma_wait3A_600 = arith.constant 0 : i32
    %dma_wait3A_601 = arith.constant 0 : i32
    %dma_wait3A_602 = arith.constant 0 : i32
    %dma_wait3A_603 = tpu.memref_slice %arg2[%dma_wait3A_600, %dma_wait3A_601, %dma_wait3A_602] : memref<4x8192x1024xf32, #tpu.memory_space<hbm>> -> memref<1x8x1024xf32, #tpu.memory_space<hbm>>
    %dma_wait3A_604 = tpu.memref_squeeze %dma_wait3A_603 : memref<1x8x1024xf32, #tpu.memory_space<hbm>> -> memref<8x1024xf32, #tpu.memory_space<hbm>>
    %dma_wait3A_605 = arith.constant 0 : i32
    %dma_wait3A_606 = arith.constant 0 : i32
    %dma_wait3A_607 = tpu.memref_slice %arg2[%dma_wait3A_600, %dma_wait3A_605, %dma_wait3A_606] : memref<4x8192x1024xf32, #tpu.memory_space<hbm>> -> memref<1x8x1024xf32, #tpu.memory_space<hbm>>
    %dma_wait3A_608 = tpu.memref_squeeze %dma_wait3A_607 : memref<1x8x1024xf32, #tpu.memory_space<hbm>> -> memref<8x1024xf32, #tpu.memory_space<hbm>>
    tpu.wait_dma2 semaphore(%arg20 : memref<!tpu.dma_semaphore, #tpu.memory_space<semaphore_mem>>) src(%dma_wait3A_608 : memref<8x1024xf32, #tpu.memory_space<hbm>>) dst(%arg10 : memref<8x1024xf32, #tpu.memory_space<vmem>>)
    %scan3A_609 = arith.constant 0 : i32
    %scan3A_610 = arith.constant 0 : i32
    %scan3A_611 = arith.constant 8 : i32
    %scan3A_612 = arith.addi %scan3A_610, %scan3A_611 : i32
    %scan3A_613 = arith.constant 1 : i32
    scf.for %scan3A_726 = %scan3A_610 to %scan3A_612 step %scan3A_613  : i32 {
      %parallel_loop3A = arith.constant 0 : i32
      %parallel_loop3A_727 = arith.constant 64 : i32
      %parallel_loop3A_728 = arith.constant 1 : i32
      scf.for %parallel_loop3A_729 = %parallel_loop3A to %parallel_loop3A_727 step %parallel_loop3A_728  : i32 {
        %parallel_loop3A_730 = arith.constant 16 : i32
        %parallel_loop3A_731 = arith.muli %parallel_loop3A_729, %parallel_loop3A_730 : i32
        %parallel_loop3A_732 = arith.index_cast %scan3A_726 : i32 to index
        %parallel_loop3A_733 = arith.index_cast %parallel_loop3A_731 : i32 to index
        %parallel_loop3A_734 = tpu.vector_load %arg10[%parallel_loop3A_732, %parallel_loop3A_733] {strides = array<i32>} : memref<8x1024xf32, #tpu.memory_space<vmem>>, vector<1x16xf32>,
        %parallel_loop3A_735 = vector.shape_cast %parallel_loop3A_734 : vector<1x16xf32> to vector<16xf32>
        %parallel_loop3A_736 = arith.index_cast %scan3A_726 : i32 to index
        %parallel_loop3A_737 = arith.index_cast %parallel_loop3A_731 : i32 to index
        %parallel_loop3A_738 = tpu.vector_load %arg14[%parallel_loop3A_736, %parallel_loop3A_737] {strides = array<i32>} : memref<8x1024xf32, #tpu.memory_space<vmem>>, vector<1x16xf32>,
        %parallel_loop3A_739 = vector.shape_cast %parallel_loop3A_738 : vector<1x16xf32> to vector<16xf32>
        %parallel_loop3A_740 = arith.addf %parallel_loop3A_735, %parallel_loop3A_739 : vector<16xf32>
        %parallel_loop3A_741 = arith.index_cast %scan3A_726 : i32 to index
        %parallel_loop3A_742 = arith.index_cast %parallel_loop3A_731 : i32 to index
        %parallel_loop3A_743 = tpu.vector_load %arg10[%parallel_loop3A_741, %parallel_loop3A_742] {strides = array<i32>} : memref<8x1024xf32, #tpu.memory_space<vmem>>, vector<1x16xf32>,
        %parallel_loop3A_744 = vector.shape_cast %parallel_loop3A_743 : vector<1x16xf32> to vector<16xf32>
        %parallel_loop3A_745 = vector.shape_cast %parallel_loop3A_740 : vector<16xf32> to vector<1x16xf32>
        tpu.vector_store %arg10[%parallel_loop3A_741, %parallel_loop3A_742], %parallel_loop3A_745 {strides = array<i32>} : memref<8x1024xf32, #tpu.memory_space<vmem>>, vector<1x16xf32>,
      } {sc.loop_unroll_factor = 8 : i64, sc.parallel_access}
    }
    %scan3A_614 = arith.constant 8 : i32
    %add3A_615 = arith.constant 248 : i32
    %add3A_616 = arith.addi %mul3A_2, %add3A_615 : i32
    %dma_start3A_617 = arith.constant 1 : i32
    %dma_start3A_618 = arith.constant 0 : i32
    %dma_start3A_619 = tpu.memref_slice %arg4[%dma_start3A_617, %add3A_616, %dma_start3A_618] : memref<4x8192x1024xf32, #tpu.memory_space<hbm>> -> memref<1x8x1024xf32, #tpu.memory_space<hbm>>
    %dma_start3A_620 = tpu.memref_squeeze %dma_start3A_619 : memref<1x8x1024xf32, #tpu.memory_space<hbm>> -> memref<8x1024xf32, #tpu.memory_space<hbm>>
    %dma_start3A_621 = arith.constant 0 : i32
    %dma_start3A_622 = tpu.memref_slice %arg4[%dma_start3A_617, %add3A_616, %dma_start3A_621] : memref<4x8192x1024xf32, #tpu.memory_space<hbm>> -> memref<1x8x1024xf32, #tpu.memory_space<hbm>>
    %dma_start3A_623 = tpu.memref_squeeze %dma_start3A_622 : memref<1x8x1024xf32, #tpu.memory_space<hbm>> -> memref<8x1024xf32, #tpu.memory_space<hbm>>
    tpu.enqueue_dma source(%arg10 : memref<8x1024xf32, #tpu.memory_space<vmem>>) target(%dma_start3A_623 : memref<8x1024xf32, #tpu.memory_space<hbm>>) target_semaphore(%arg20 : memref<!tpu.dma_semaphore, #tpu.memory_space<semaphore_mem>>)
    %dma_wait3A_624 = arith.constant 0 : i32
    %dma_wait3A_625 = arith.constant 0 : i32
    %dma_wait3A_626 = arith.constant 0 : i32
    %dma_wait3A_627 = tpu.memref_slice %arg4[%dma_wait3A_624, %dma_wait3A_625, %dma_wait3A_626] : memref<4x8192x1024xf32, #tpu.memory_space<hbm>> -> memref<1x8x1024xf32, #tpu.memory_space<hbm>>
    %dma_wait3A_628 = tpu.memref_squeeze %dma_wait3A_627 : memref<1x8x1024xf32, #tpu.memory_space<hbm>> -> memref<8x1024xf32, #tpu.memory_space<hbm>>
    %dma_wait3A_629 = arith.constant 0 : i32
    %dma_wait3A_630 = arith.constant 0 : i32
    %dma_wait3A_631 = tpu.memref_slice %arg4[%dma_wait3A_624, %dma_wait3A_629, %dma_wait3A_630] : memref<4x8192x1024xf32, #tpu.memory_space<hbm>> -> memref<1x8x1024xf32, #tpu.memory_space<hbm>>
    %dma_wait3A_632 = tpu.memref_squeeze %dma_wait3A_631 : memref<1x8x1024xf32, #tpu.memory_space<hbm>> -> memref<8x1024xf32, #tpu.memory_space<hbm>>
    tpu.wait_dma2 semaphore(%arg17 : memref<!tpu.dma_semaphore, #tpu.memory_space<semaphore_mem>>) src(%arg7 : memref<8x1024xf32, #tpu.memory_space<vmem>>) dst(%dma_wait3A_632 : memref<8x1024xf32, #tpu.memory_space<hbm>>)
    %dma_wait3A_633 = arith.constant 0 : i32
    %dma_wait3A_634 = arith.constant 0 : i32
    %dma_wait3A_635 = arith.constant 0 : i32
    %dma_wait3A_636 = tpu.memref_slice %arg2[%dma_wait3A_633, %dma_wait3A_634, %dma_wait3A_635] : memref<4x8192x1024xf32, #tpu.memory_space<hbm>> -> memref<1x8x1024xf32, #tpu.memory_space<hbm>>
    %dma_wait3A_637 = tpu.memref_squeeze %dma_wait3A_636 : memref<1x8x1024xf32, #tpu.memory_space<hbm>> -> memref<8x1024xf32, #tpu.memory_space<hbm>>
    %dma_wait3A_638 = arith.constant 0 : i32
    %dma_wait3A_639 = arith.constant 0 : i32
    %dma_wait3A_640 = tpu.memref_slice %arg2[%dma_wait3A_633, %dma_wait3A_638, %dma_wait3A_639] : memref<4x8192x1024xf32, #tpu.memory_space<hbm>> -> memref<1x8x1024xf32, #tpu.memory_space<hbm>>
    %dma_wait3A_641 = tpu.memref_squeeze %dma_wait3A_640 : memref<1x8x1024xf32, #tpu.memory_space<hbm>> -> memref<8x1024xf32, #tpu.memory_space<hbm>>
    tpu.wait_dma2 semaphore(%arg21 : memref<!tpu.dma_semaphore, #tpu.memory_space<semaphore_mem>>) src(%dma_wait3A_641 : memref<8x1024xf32, #tpu.memory_space<hbm>>) dst(%arg11 : memref<8x1024xf32, #tpu.memory_space<vmem>>)
    %scan3A_642 = arith.constant 0 : i32
    %scan3A_643 = arith.constant 0 : i32
    %scan3A_644 = arith.constant 8 : i32
    %scan3A_645 = arith.addi %scan3A_643, %scan3A_644 : i32
    %scan3A_646 = arith.constant 1 : i32
    scf.for %scan3A_726 = %scan3A_643 to %scan3A_645 step %scan3A_646  : i32 {
      %parallel_loop3A = arith.constant 0 : i32
      %parallel_loop3A_727 = arith.constant 64 : i32
      %parallel_loop3A_728 = arith.constant 1 : i32
      scf.for %parallel_loop3A_729 = %parallel_loop3A to %parallel_loop3A_727 step %parallel_loop3A_728  : i32 {
        %parallel_loop3A_730 = arith.constant 16 : i32
        %parallel_loop3A_731 = arith.muli %parallel_loop3A_729, %parallel_loop3A_730 : i32
        %parallel_loop3A_732 = arith.index_cast %scan3A_726 : i32 to index
        %parallel_loop3A_733 = arith.index_cast %parallel_loop3A_731 : i32 to index
        %parallel_loop3A_734 = tpu.vector_load %arg11[%parallel_loop3A_732, %parallel_loop3A_733] {strides = array<i32>} : memref<8x1024xf32, #tpu.memory_space<vmem>>, vector<1x16xf32>,
        %parallel_loop3A_735 = vector.shape_cast %parallel_loop3A_734 : vector<1x16xf32> to vector<16xf32>
        %parallel_loop3A_736 = arith.index_cast %scan3A_726 : i32 to index
        %parallel_loop3A_737 = arith.index_cast %parallel_loop3A_731 : i32 to index
        %parallel_loop3A_738 = tpu.vector_load %arg14[%parallel_loop3A_736, %parallel_loop3A_737] {strides = array<i32>} : memref<8x1024xf32, #tpu.memory_space<vmem>>, vector<1x16xf32>,
        %parallel_loop3A_739 = vector.shape_cast %parallel_loop3A_738 : vector<1x16xf32> to vector<16xf32>
        %parallel_loop3A_740 = arith.addf %parallel_loop3A_735, %parallel_loop3A_739 : vector<16xf32>
        %parallel_loop3A_741 = arith.index_cast %scan3A_726 : i32 to index
        %parallel_loop3A_742 = arith.index_cast %parallel_loop3A_731 : i32 to index
        %parallel_loop3A_743 = tpu.vector_load %arg11[%parallel_loop3A_741, %parallel_loop3A_742] {strides = array<i32>} : memref<8x1024xf32, #tpu.memory_space<vmem>>, vector<1x16xf32>,
        %parallel_loop3A_744 = vector.shape_cast %parallel_loop3A_743 : vector<1x16xf32> to vector<16xf32>
        %parallel_loop3A_745 = vector.shape_cast %parallel_loop3A_740 : vector<16xf32> to vector<1x16xf32>
        tpu.vector_store %arg11[%parallel_loop3A_741, %parallel_loop3A_742], %parallel_loop3A_745 {strides = array<i32>} : memref<8x1024xf32, #tpu.memory_space<vmem>>, vector<1x16xf32>,
      } {sc.loop_unroll_factor = 8 : i64, sc.parallel_access}
    }
    %scan3A_647 = arith.constant 8 : i32
    %add3A_648 = arith.constant 248 : i32
    %add3A_649 = arith.addi %mul3A_2, %add3A_648 : i32
    %dma_start3A_650 = arith.constant 2 : i32
    %dma_start3A_651 = arith.constant 0 : i32
    %dma_start3A_652 = tpu.memref_slice %arg4[%dma_start3A_650, %add3A_649, %dma_start3A_651] : memref<4x8192x1024xf32, #tpu.memory_space<hbm>> -> memref<1x8x1024xf32, #tpu.memory_space<hbm>>
    %dma_start3A_653 = tpu.memref_squeeze %dma_start3A_652 : memref<1x8x1024xf32, #tpu.memory_space<hbm>> -> memref<8x1024xf32, #tpu.memory_space<hbm>>
    %dma_start3A_654 = arith.constant 0 : i32
    %dma_start3A_655 = tpu.memref_slice %arg4[%dma_start3A_650, %add3A_649, %dma_start3A_654] : memref<4x8192x1024xf32, #tpu.memory_space<hbm>> -> memref<1x8x1024xf32, #tpu.memory_space<hbm>>
    %dma_start3A_656 = tpu.memref_squeeze %dma_start3A_655 : memref<1x8x1024xf32, #tpu.memory_space<hbm>> -> memref<8x1024xf32, #tpu.memory_space<hbm>>
    tpu.enqueue_dma source(%arg11 : memref<8x1024xf32, #tpu.memory_space<vmem>>) target(%dma_start3A_656 : memref<8x1024xf32, #tpu.memory_space<hbm>>) target_semaphore(%arg21 : memref<!tpu.dma_semaphore, #tpu.memory_space<semaphore_mem>>)
    %dma_wait3A_657 = arith.constant 0 : i32
    %dma_wait3A_658 = arith.constant 0 : i32
    %dma_wait3A_659 = arith.constant 0 : i32
    %dma_wait3A_660 = tpu.memref_slice %arg4[%dma_wait3A_657, %dma_wait3A_658, %dma_wait3A_659] : memref<4x8192x1024xf32, #tpu.memory_space<hbm>> -> memref<1x8x1024xf32, #tpu.memory_space<hbm>>
    %dma_wait3A_661 = tpu.memref_squeeze %dma_wait3A_660 : memref<1x8x1024xf32, #tpu.memory_space<hbm>> -> memref<8x1024xf32, #tpu.memory_space<hbm>>
    %dma_wait3A_662 = arith.constant 0 : i32
    %dma_wait3A_663 = arith.constant 0 : i32
    %dma_wait3A_664 = tpu.memref_slice %arg4[%dma_wait3A_657, %dma_wait3A_662, %dma_wait3A_663] : memref<4x8192x1024xf32, #tpu.memory_space<hbm>> -> memref<1x8x1024xf32, #tpu.memory_space<hbm>>
    %dma_wait3A_665 = tpu.memref_squeeze %dma_wait3A_664 : memref<1x8x1024xf32, #tpu.memory_space<hbm>> -> memref<8x1024xf32, #tpu.memory_space<hbm>>
    tpu.wait_dma2 semaphore(%arg18 : memref<!tpu.dma_semaphore, #tpu.memory_space<semaphore_mem>>) src(%arg8 : memref<8x1024xf32, #tpu.memory_space<vmem>>) dst(%dma_wait3A_665 : memref<8x1024xf32, #tpu.memory_space<hbm>>)
    %dma_wait3A_666 = arith.constant 0 : i32
    %dma_wait3A_667 = arith.constant 0 : i32
    %dma_wait3A_668 = arith.constant 0 : i32
    %dma_wait3A_669 = tpu.memref_slice %arg2[%dma_wait3A_666, %dma_wait3A_667, %dma_wait3A_668] : memref<4x8192x1024xf32, #tpu.memory_space<hbm>> -> memref<1x8x1024xf32, #tpu.memory_space<hbm>>
    %dma_wait3A_670 = tpu.memref_squeeze %dma_wait3A_669 : memref<1x8x1024xf32, #tpu.memory_space<hbm>> -> memref<8x1024xf32, #tpu.memory_space<hbm>>
    %dma_wait3A_671 = arith.constant 0 : i32
    %dma_wait3A_672 = arith.constant 0 : i32
    %dma_wait3A_673 = tpu.memref_slice %arg2[%dma_wait3A_666, %dma_wait3A_671, %dma_wait3A_672] : memref<4x8192x1024xf32, #tpu.memory_space<hbm>> -> memref<1x8x1024xf32, #tpu.memory_space<hbm>>
    %dma_wait3A_674 = tpu.memref_squeeze %dma_wait3A_673 : memref<1x8x1024xf32, #tpu.memory_space<hbm>> -> memref<8x1024xf32, #tpu.memory_space<hbm>>
    tpu.wait_dma2 semaphore(%arg22 : memref<!tpu.dma_semaphore, #tpu.memory_space<semaphore_mem>>) src(%dma_wait3A_674 : memref<8x1024xf32, #tpu.memory_space<hbm>>) dst(%arg12 : memref<8x1024xf32, #tpu.memory_space<vmem>>)
    %scan3A_675 = arith.constant 0 : i32
    %scan3A_676 = arith.constant 0 : i32
    %scan3A_677 = arith.constant 8 : i32
    %scan3A_678 = arith.addi %scan3A_676, %scan3A_677 : i32
    %scan3A_679 = arith.constant 1 : i32
    scf.for %scan3A_726 = %scan3A_676 to %scan3A_678 step %scan3A_679  : i32 {
      %parallel_loop3A = arith.constant 0 : i32
      %parallel_loop3A_727 = arith.constant 64 : i32
      %parallel_loop3A_728 = arith.constant 1 : i32
      scf.for %parallel_loop3A_729 = %parallel_loop3A to %parallel_loop3A_727 step %parallel_loop3A_728  : i32 {
        %parallel_loop3A_730 = arith.constant 16 : i32
        %parallel_loop3A_731 = arith.muli %parallel_loop3A_729, %parallel_loop3A_730 : i32
        %parallel_loop3A_732 = arith.index_cast %scan3A_726 : i32 to index
        %parallel_loop3A_733 = arith.index_cast %parallel_loop3A_731 : i32 to index
        %parallel_loop3A_734 = tpu.vector_load %arg12[%parallel_loop3A_732, %parallel_loop3A_733] {strides = array<i32>} : memref<8x1024xf32, #tpu.memory_space<vmem>>, vector<1x16xf32>,
        %parallel_loop3A_735 = vector.shape_cast %parallel_loop3A_734 : vector<1x16xf32> to vector<16xf32>
        %parallel_loop3A_736 = arith.index_cast %scan3A_726 : i32 to index
        %parallel_loop3A_737 = arith.index_cast %parallel_loop3A_731 : i32 to index
        %parallel_loop3A_738 = tpu.vector_load %arg14[%parallel_loop3A_736, %parallel_loop3A_737] {strides = array<i32>} : memref<8x1024xf32, #tpu.memory_space<vmem>>, vector<1x16xf32>,
        %parallel_loop3A_739 = vector.shape_cast %parallel_loop3A_738 : vector<1x16xf32> to vector<16xf32>
        %parallel_loop3A_740 = arith.addf %parallel_loop3A_735, %parallel_loop3A_739 : vector<16xf32>
        %parallel_loop3A_741 = arith.index_cast %scan3A_726 : i32 to index
        %parallel_loop3A_742 = arith.index_cast %parallel_loop3A_731 : i32 to index
        %parallel_loop3A_743 = tpu.vector_load %arg12[%parallel_loop3A_741, %parallel_loop3A_742] {strides = array<i32>} : memref<8x1024xf32, #tpu.memory_space<vmem>>, vector<1x16xf32>,
        %parallel_loop3A_744 = vector.shape_cast %parallel_loop3A_743 : vector<1x16xf32> to vector<16xf32>
        %parallel_loop3A_745 = vector.shape_cast %parallel_loop3A_740 : vector<16xf32> to vector<1x16xf32>
        tpu.vector_store %arg12[%parallel_loop3A_741, %parallel_loop3A_742], %parallel_loop3A_745 {strides = array<i32>} : memref<8x1024xf32, #tpu.memory_space<vmem>>, vector<1x16xf32>,
      } {sc.loop_unroll_factor = 8 : i64, sc.parallel_access}
    }
    %scan3A_680 = arith.constant 8 : i32
    %add3A_681 = arith.constant 248 : i32
    %add3A_682 = arith.addi %mul3A_2, %add3A_681 : i32
    %dma_start3A_683 = arith.constant 3 : i32
    %dma_start3A_684 = arith.constant 0 : i32
    %dma_start3A_685 = tpu.memref_slice %arg4[%dma_start3A_683, %add3A_682, %dma_start3A_684] : memref<4x8192x1024xf32, #tpu.memory_space<hbm>> -> memref<1x8x1024xf32, #tpu.memory_space<hbm>>
    %dma_start3A_686 = tpu.memref_squeeze %dma_start3A_685 : memref<1x8x1024xf32, #tpu.memory_space<hbm>> -> memref<8x1024xf32, #tpu.memory_space<hbm>>
    %dma_start3A_687 = arith.constant 0 : i32
    %dma_start3A_688 = tpu.memref_slice %arg4[%dma_start3A_683, %add3A_682, %dma_start3A_687] : memref<4x8192x1024xf32, #tpu.memory_space<hbm>> -> memref<1x8x1024xf32, #tpu.memory_space<hbm>>
    %dma_start3A_689 = tpu.memref_squeeze %dma_start3A_688 : memref<1x8x1024xf32, #tpu.memory_space<hbm>> -> memref<8x1024xf32, #tpu.memory_space<hbm>>
    tpu.enqueue_dma source(%arg12 : memref<8x1024xf32, #tpu.memory_space<vmem>>) target(%dma_start3A_689 : memref<8x1024xf32, #tpu.memory_space<hbm>>) target_semaphore(%arg22 : memref<!tpu.dma_semaphore, #tpu.memory_space<semaphore_mem>>)
    %dma_wait3A_690 = arith.constant 0 : i32
    %dma_wait3A_691 = arith.constant 0 : i32
    %dma_wait3A_692 = arith.constant 0 : i32
    %dma_wait3A_693 = tpu.memref_slice %arg4[%dma_wait3A_690, %dma_wait3A_691, %dma_wait3A_692] : memref<4x8192x1024xf32, #tpu.memory_space<hbm>> -> memref<1x8x1024xf32, #tpu.memory_space<hbm>>
    %dma_wait3A_694 = tpu.memref_squeeze %dma_wait3A_693 : memref<1x8x1024xf32, #tpu.memory_space<hbm>> -> memref<8x1024xf32, #tpu.memory_space<hbm>>
    %dma_wait3A_695 = arith.constant 0 : i32
    %dma_wait3A_696 = arith.constant 0 : i32
    %dma_wait3A_697 = tpu.memref_slice %arg4[%dma_wait3A_690, %dma_wait3A_695, %dma_wait3A_696] : memref<4x8192x1024xf32, #tpu.memory_space<hbm>> -> memref<1x8x1024xf32, #tpu.memory_space<hbm>>
    %dma_wait3A_698 = tpu.memref_squeeze %dma_wait3A_697 : memref<1x8x1024xf32, #tpu.memory_space<hbm>> -> memref<8x1024xf32, #tpu.memory_space<hbm>>
    tpu.wait_dma2 semaphore(%arg19 : memref<!tpu.dma_semaphore, #tpu.memory_space<semaphore_mem>>) src(%arg9 : memref<8x1024xf32, #tpu.memory_space<vmem>>) dst(%dma_wait3A_698 : memref<8x1024xf32, #tpu.memory_space<hbm>>)
    %dma_wait3A_699 = arith.constant 0 : i32
    %dma_wait3A_700 = arith.constant 0 : i32
    %dma_wait3A_701 = arith.constant 0 : i32
    %dma_wait3A_702 = tpu.memref_slice %arg4[%dma_wait3A_699, %dma_wait3A_700, %dma_wait3A_701] : memref<4x8192x1024xf32, #tpu.memory_space<hbm>> -> memref<1x8x1024xf32, #tpu.memory_space<hbm>>
    %dma_wait3A_703 = tpu.memref_squeeze %dma_wait3A_702 : memref<1x8x1024xf32, #tpu.memory_space<hbm>> -> memref<8x1024xf32, #tpu.memory_space<hbm>>
    %dma_wait3A_704 = arith.constant 0 : i32
    %dma_wait3A_705 = arith.constant 0 : i32
    %dma_wait3A_706 = tpu.memref_slice %arg4[%dma_wait3A_699, %dma_wait3A_704, %dma_wait3A_705] : memref<4x8192x1024xf32, #tpu.memory_space<hbm>> -> memref<1x8x1024xf32, #tpu.memory_space<hbm>>
    %dma_wait3A_707 = tpu.memref_squeeze %dma_wait3A_706 : memref<1x8x1024xf32, #tpu.memory_space<hbm>> -> memref<8x1024xf32, #tpu.memory_space<hbm>>
    tpu.wait_dma2 semaphore(%arg20 : memref<!tpu.dma_semaphore, #tpu.memory_space<semaphore_mem>>) src(%arg10 : memref<8x1024xf32, #tpu.memory_space<vmem>>) dst(%dma_wait3A_707 : memref<8x1024xf32, #tpu.memory_space<hbm>>)
    %dma_wait3A_708 = arith.constant 0 : i32
    %dma_wait3A_709 = arith.constant 0 : i32
    %dma_wait3A_710 = arith.constant 0 : i32
    %dma_wait3A_711 = tpu.memref_slice %arg4[%dma_wait3A_708, %dma_wait3A_709, %dma_wait3A_710] : memref<4x8192x1024xf32, #tpu.memory_space<hbm>> -> memref<1x8x1024xf32, #tpu.memory_space<hbm>>
    %dma_wait3A_712 = tpu.memref_squeeze %dma_wait3A_711 : memref<1x8x1024xf32, #tpu.memory_space<hbm>> -> memref<8x1024xf32, #tpu.memory_space<hbm>>
    %dma_wait3A_713 = arith.constant 0 : i32
    %dma_wait3A_714 = arith.constant 0 : i32
    %dma_wait3A_715 = tpu.memref_slice %arg4[%dma_wait3A_708, %dma_wait3A_713, %dma_wait3A_714] : memref<4x8192x1024xf32, #tpu.memory_space<hbm>> -> memref<1x8x1024xf32, #tpu.memory_space<hbm>>
    %dma_wait3A_716 = tpu.memref_squeeze %dma_wait3A_715 : memref<1x8x1024xf32, #tpu.memory_space<hbm>> -> memref<8x1024xf32, #tpu.memory_space<hbm>>
    tpu.wait_dma2 semaphore(%arg21 : memref<!tpu.dma_semaphore, #tpu.memory_space<semaphore_mem>>) src(%arg11 : memref<8x1024xf32, #tpu.memory_space<vmem>>) dst(%dma_wait3A_716 : memref<8x1024xf32, #tpu.memory_space<hbm>>)
    %dma_wait3A_717 = arith.constant 0 : i32
    %dma_wait3A_718 = arith.constant 0 : i32
    %dma_wait3A_719 = arith.constant 0 : i32
    %dma_wait3A_720 = tpu.memref_slice %arg4[%dma_wait3A_717, %dma_wait3A_718, %dma_wait3A_719] : memref<4x8192x1024xf32, #tpu.memory_space<hbm>> -> memref<1x8x1024xf32, #tpu.memory_space<hbm>>
    %dma_wait3A_721 = tpu.memref_squeeze %dma_wait3A_720 : memref<1x8x1024xf32, #tpu.memory_space<hbm>> -> memref<8x1024xf32, #tpu.memory_space<hbm>>
    %dma_wait3A_722 = arith.constant 0 : i32
    %dma_wait3A_723 = arith.constant 0 : i32
    %dma_wait3A_724 = tpu.memref_slice %arg4[%dma_wait3A_717, %dma_wait3A_722, %dma_wait3A_723] : memref<4x8192x1024xf32, #tpu.memory_space<hbm>> -> memref<1x8x1024xf32, #tpu.memory_space<hbm>>
    %dma_wait3A_725 = tpu.memref_squeeze %dma_wait3A_724 : memref<1x8x1024xf32, #tpu.memory_space<hbm>> -> memref<8x1024xf32, #tpu.memory_space<hbm>>
    tpu.wait_dma2 semaphore(%arg22 : memref<!tpu.dma_semaphore, #tpu.memory_space<semaphore_mem>>) src(%arg12 : memref<8x1024xf32, #tpu.memory_space<vmem>>) dst(%dma_wait3A_725 : memref<8x1024xf32, #tpu.memory_space<hbm>>)
    return
  }
}

</mosaic_0001>

<sc_bundles>
// kernel: kernel.3.cloned.1.call-start
scs
__scs_entry_jumppad:
0x0: {  	(pc) =	sbr.rel $0x88, $3  }
0x1: {  	(tag) =	ssettag $0x0;
	lr =	simm.s32 $0x1  }
0x2: {  	[smem:$0x3F9F] =	sst lr;
	_ =	strace $0xD0000000  }
0x3: {  	_ = 	snop  }
0x4: {  	_ = 	snop  }
0x5: {  	_ = 	snop  }
0x6: {  	_ = 	snop  }
0x7: {  	_ = 	snop  }
__scs_overlays_trampoline_lowered:
0x8: {  	[smem:$0x3FAE] =	sst s0  }
0x9: {  	[smem:$0x3FAF] =	sst s1  }
0xa: {  	[smem:$0x3FB0] =	sst s2  }
0xb: {  	[smem:$0x3FB1] =	sst s3  }
0xc: {  	[smem:$0x3FB2] =	sst s4  }
0xd: {  	[smem:$0x3FB3] =	sst s5  }
0xe: {  	[smem:$0x3FB4] =	sst s6  }
0xf: {  	[smem:$0x3FB5] =	sst s7  }
0x10: {  	[smem:$0x3FB6] =	sst s8  }
0x11: {  	[smem:$0x3FB7] =	sst s9;
	s0 =	simm.s32 @!p0 $0x0  }
0x12: {  	s1 =	sld [smem:$0x3F9D];
	s0 =	simm.s32 @p0 $0x1  }
0x13: {  	[smem:$0x3FB8] =	sst s0;
	s0 =	simm.s32 @!p1 $0x0  }
0x14: {  	s2 =	sld [smem:$0x3F9C];
	s0 =	simm.s32 @p1 $0x1  }
0x15: {  	[smem:$0x3FB9] =	sst s0;
	s0 =	simm.s32 @!p2 $0x0  }
0x16: {  	s3 =	sld [smem:$0x3FDB];
	s0 =	simm.s32 @p2 $0x1  }
0x17: {  	s4 =	simm.s32 $0x1BF5;
	[smem:$0x3FBB] =	sst s0  }
0x18: {  	s0 =	sld [smem:$0x3F9E];
	_ =	swait.ge [sflag:s4], $0x0  }
0x19: {  	s7 =	sld [smem:$0x3F9F]  }
0x1a: {  	s8 =	sadd.s32 $0xFFFFE003, lr  }
0x1b: {  	s9 =	sadd.s32 $0xFFFFFEF7, lr;
	s5 =	simm.s32 $0xFFFFFFFF;
	p2 =	slt.u32 s8, $0xFFFFF086  }
0x1c: {  	p1 =	slt.u32 s9, $0xF7A;
	s5 =	simm.s32 @!p2 $0x0  }
0x1d: {  	s5 =	simm.s32 @p1 $0x1;
	p0 =	seq.s32 s7, s2  }
0x1e: {  	s7 =	smul.u32 @!p0 $0xF7A, s2;
	p2 =	seq.s32 @!p0 s5, $0x0  }
0x1f: {  	s9 =	smul.u32 $0xF7A, s1;
	s8 =	simm.s32 @!p0 $0x1BF5;
	p2 =	por !p2, p0  }
0x20: {  	[sflag:s8] =	ssyncset.s32 @!p0 $0xFFFFF086;
	s6 =	sadd.s32 @!p0 s3, s7;
	s7 =	simm.s32 @!p0 $0x108  }
0x21: {  	s3 =	sadd.s32 s3, s9;
	s6 =	sadd.s32 @!p0 $0x88, s6;
	s7 =	simm.s32 @p2 $0x1082  }
0x22: {  	[simem:s7], [sflag:s8] =	dma.local @!p0 [hbm:s6], $0xF7A  }
0x23: {  	s9 =	sor.u32 $0xD0000000, s2;
	s6 =	simm.s32 $0x108;
	_ =	swait.ge @!p0 [sflag:s8], $0x0  }
0x24: {  	s3 =	sadd.s32 $0x88, s3;
	s6 =	simm.s32 @!p1 $0x1082;
	[sflag:s4] =	ssyncset.s32 $0xFFFFF086  }
0x25: {  	[simem:s6], [sflag:s4] =	dma.local [hbm:s3], $0xF7A  }
0x26: {  	[smem:$0x3F9F] =	sst s1;
	(tag) =	ssettag s2;
	_ =	strace s9  }
0x27: {  	s1 =	sld [smem:$0x3FAF]  }
0x28: {  	s2 =	sld [smem:$0x3FB0]  }
0x29: {  	s4 =	sld [smem:$0x3FB2]  }
0x2a: {  	p0 =	seq.s32 s5, $0x0;
	s5 =	sld [smem:$0x3FB3]  }
0x2b: {  	s6 =	sld [smem:$0x3FB4]  }
0x2c: {  	s7 =	sld [smem:$0x3FB5]  }
0x2d: {  	s3 =	simm.s32 $0x108;
	s8 =	sld [smem:$0x3FB6]  }
0x2e: {  	s3 =	simm.s32 @!p0 $0x1082;
	s9 =	sld [smem:$0x3FB7]  }
0x2f: {  	lr =	sadd.s32 s0, s3;
	s0 =	sld [smem:$0x3FAE]  }
0x30: {  	s3 =	sld [smem:$0x3FB1]  }
0x31: {  	[smem:$0x3FBA] =	sst s10  }
0x32: {  	s10 =	sld [smem:$0x3FB8];
	_ =	sdelay $0x3  }
0x33: {  	p0 =	seq.s32 s10, $0x1;
	s10 =	sld [smem:$0x3FBA];
	_ =	sdelay $0x3  }
0x34: {  	[smem:$0x3FBA] =	sst s10  }
0x35: {  	s10 =	sld [smem:$0x3FB9];
	_ =	sdelay $0x3  }
0x36: {  	p1 =	seq.s32 s10, $0x1;
	s10 =	sld [smem:$0x3FBA];
	_ =	sdelay $0x3  }
0x37: {  	[smem:$0x3FBA] =	sst s10  }
0x38: {  	s10 =	sld [smem:$0x3FBB]  }
0x39: {  	_ = 	snop;
	(pc) =	sbr.ind lr, $3  }
0x3a: {  	_ = 	snop  }
0x3b: {  	_ = 	snop  }
0x3c: {  	p2 =	seq.s32 s10, $0x1;
	s10 =	sld [smem:$0x3FBA]  }
0x3d: {  	_ =	shalt  }
0x3e: {  	_ =	shalt  }
0x3f: {  	_ =	shalt  }
0x40: {  	_ =	shalt  }
0x41: {  	_ =	shalt  }
0x42: {  	_ =	shalt  }
0x43: {  	_ =	shalt  }
0x44: {  	_ =	shalt  }
0x45: {  	_ =	shalt  }
0x46: {  	_ =	shalt  }
0x47: {  	_ =	shalt  }
0x48: {  	_ =	shalt  }
0x49: {  	_ =	shalt  }
0x4a: {  	_ =	shalt  }
0x4b: {  	_ =	shalt  }
0x4c: {  	_ =	shalt  }
0x4d: {  	_ =	shalt  }
0x4e: {  	_ =	shalt  }
0x4f: {  	_ =	shalt  }
0x50: {  	_ =	shalt  }
0x51: {  	_ =	shalt  }
0x52: {  	_ =	shalt  }
0x53: {  	_ =	shalt  }
0x54: {  	_ =	shalt  }
0x55: {  	_ =	shalt  }
0x56: {  	_ =	shalt  }
0x57: {  	_ =	shalt  }
0x58: {  	_ =	shalt  }
0x59: {  	_ =	shalt  }
0x5a: {  	_ =	shalt  }
0x5b: {  	_ =	shalt  }
0x5c: {  	_ =	shalt  }
0x5d: {  	_ =	shalt  }
0x5e: {  	_ =	shalt  }
0x5f: {  	_ =	shalt  }
0x60: {  	_ =	shalt  }
0x61: {  	_ =	shalt  }
0x62: {  	_ =	shalt  }
0x63: {  	_ =	shalt  }
0x64: {  	_ =	shalt  }
0x65: {  	_ =	shalt  }
0x66: {  	_ =	shalt  }
0x67: {  	_ =	shalt  }
0x68: {  	_ =	shalt  }
0x69: {  	_ =	shalt  }
0x6a: {  	_ =	shalt  }
0x6b: {  	_ =	shalt  }
0x6c: {  	_ =	shalt  }
0x6d: {  	_ =	shalt  }
0x6e: {  	_ =	shalt  }
0x6f: {  	_ =	shalt  }
0x70: {  	_ =	shalt  }
0x71: {  	_ =	shalt  }
0x72: {  	_ =	shalt  }
0x73: {  	_ =	shalt  }
0x74: {  	_ =	shalt  }
0x75: {  	_ =	shalt  }
0x76: {  	_ =	shalt  }
0x77: {  	_ =	shalt  }
0x78: {  	_ =	shalt  }
0x79: {  	_ =	shalt  }
0x7a: {  	_ =	shalt  }
0x7b: {  	_ =	shalt  }
0x7c: {  	_ =	shalt  }
0x7d: {  	_ =	shalt  }
0x7e: {  	_ =	shalt  }
0x7f: {  	_ =	shalt  }
0x80: {  	_ =	shalt  }
0x81: {  	_ =	shalt  }
0x82: {  	_ =	shalt  }
0x83: {  	_ =	shalt  }
0x84: {  	_ =	shalt  }
0x85: {  	_ =	shalt  }
0x86: {  	_ =	shalt  }
0x87: {  	_ =	shalt  }
.Lfunc_end0:
.L_simem_size_0:
called_computation_lowered:
.L_overlay_start_0:
0x88: {  	s2 =	sld [smem:$0x3FD9]  }
0x89: {  	s3 =	sld [smem:$0x3FFE];
	_ =	sdelay $0x1  }
0x8a: {  	s1 =	srdreg.scid  }
0x8b: {  	s0 =	sand.u32 $0x1, s1  }
0x8c: {  	s18 =	sshll.u32 s0, $0xA;
	s2 =	sadd.s32 s3, s2  }
0x8d: {  	s2 =	sadd.s32 s2, s18  }
0x8e: {  	[smem:$0x3FC6] =	sst s2  }
0x8f: {  	_ = 	snop  }
0x90: {  	s2 =	sld [smem:$0x3FC9]  }
0x91: {  	s19 =	sld [smem:$0x3FC8]  }
0x92: {  	s4 =	sld [smem:$0x3FD0];
	(tm) =	ssettm $0x1  }
0x93: {  	s5 =	sld [smem:$0x3FFB];
	_ =	sdelay $0x3  }
0x94: {  	_ =	strace s5  }
0x95: {  	s5 =	sld [smem:$0x3FFC];
	_ =	sdelay $0x3  }
0x96: {  	_ =	strace s5  }
0x97: {  	s5 =	sld [smem:$0x3FFD];
	_ =	sdelay $0x3  }
0x98: {  	_ =	strace s5  }
0x99: {  	_ =	strace $0x8FFFFFFF  }
0x9a: {  	s20 =	sld [smem:$0x3FDB];
	_ =	sdelay $0x1  }
0x9b: {  	s6 =	simm.s32 $_scs_section_size  }
0x9c: {  	s7 =	simm.s32 $_size__tile_overlayer_lowered;
	s8 =	simm.s32 $_tile_overlayer_lowered  }
0x9d: {  	s23 =	simm.s32 $0x1BFF;
	s22 =	sshll.u32 s8, $0x1;
	s5 =	sadd.s32 s6, s20  }
0x9e: {  	s9 =	simm.s32 $0x0;
	s21 =	sshll.u32 s7, $0x1;
	s7 =	sadd.s32 s22, s5  }
0x9f: {  	[timem:s9], [sflag:s23] =	dma.local [hbm:s7], s21  }
0xa0: {  	_ =	swait.ge [sflag:s23], s21  }
0xa1: {  	s6 =	ssub.s32 $0x0, s21;
	[sflag:s23] =	ssyncset.done $0x0  }
0xa2: {  	[sflag:s23] =	ssyncadd.s32 s6;
	_ =	sdelay $0x1  }
0xa3: {  	s24 =	simm.s32 $0x1B8B  }
0xa4: {  	_ =	swait.ge [sflag:s24], $0x1  }
0xa5: {  	[sflag:s24] =	ssyncset.done $0x0  }
0xa6: {  	s25 =	simm.s32 $0x1B8E;
	[sflag:s24] =	ssyncadd.s32 $0xFFFFFFFF  }
0xa7: {  	s26 =	simm.s32 $execute0_lowered;
	[smem:$0x3FD2] =	sst s25  }
0xa8: {  	s6 =	sshll.u32 s26, $0x1;
	_ =	strace $0x80000046;
	[dreg:$0x1] =	wrdreg $0xFFFFFFFF  }
0xa9: {  	s28 =	simm.s32 $_size_execute0_lowered;
	s5 =	sadd.s32 s5, s6;
	[dreg:$0x0] =	wrdreg $0x0  }
0xaa: {  	s6 =	sshll.u32 s28, $0x1;
	[dreg:$0x2] =	wrdreg s5  }
0xab: {  	[dreg:$0x3] =	wrdreg s6  }
0xac: {  	[dreg:$0x4] =	wrdreg $0xC0  }
0xad: {  	_ =	task [dreg:s9], $0x5FFFF  }
0xae: {  	[dreg:$0x1] =	wrdreg $0xFFFFFFFF  }
0xaf: {  	[dreg:$0x0] =	wrdreg $0x60  }
0xb0: {  	[dreg:$0x2] =	wrdreg s2  }
0xb1: {  	[dreg:$0x3] =	wrdreg s19  }
0xb2: {  	[dreg:$0x4] =	wrdreg s4  }
0xb3: {  	[dreg:$0x5] =	wrdreg $0x9  }
0xb4: {  	_ =	task.clear_ibuf [dreg:s9], $0x6FFFF;
	_ =	strace $0x90000046  }
0xb5: {  	s29 =	simm.s32 $0x9;
	_ =	strace $0x80000048  }
0xb6: {  	_ =	swait.ge [sflag:s29], $0x1  }
0xb7: {  	[sflag:s29] =	ssyncadd.s32 $0xFFFFFFFF  }
0xb8: {  	_ =	strace $0x90000048  }
0xb9: {  	_ =	sfence  }
0xba: {  	s30 =	sld [smem:$0x0];
	_ =	sdelay $0x2  }
0xbb: {  	s31 =	sshll.u32 s1, $0xD;
	s1 =	sshrl.u32 s1, $0x2  }
0xbc: {  	s3 =	sand.u32 $0x4000, s31;
	s1 =	sadd.s32 s1, s30  }
0xbd: {  	s0 =	sor.u32 s3, s0;
	s1 =	sshll.u32 s1, $0x11  }
0xbe: {  	s0 =	sor.u32 s1, s0  }
0xbf: {  	s0 =	sadd.s32 $0x8F2B, s0  }
0xc0: {  	[sflag:s0] =	ssyncadd.remote.s32 $0x1  }
0xc1: {  	_ =	sfence.sel $0xFFFF  }
0xc2: {  	[dreg:$0x0] =	wrdreg $0xFFFFFFFF;
	(pc) =	sbr.abs _section_cstart, $3  }
0xc3: {  	[dreg:$0x1] =	wrdreg $0xFFFFFFFF  }
0xc4: {  	_ =	task.clear_ibuf [dreg:s9], $0x2FFFF;
	_ =	strace $0x9FFFFFFF  }
0xc5: {  	(tm) =	ssettm $0x7FFFFFFF  }
tec
execute0_lowered:
.L_overlay_start_1:
0x0: {  	(tag) =	ssettag $0x1  }
0x1: {  	s1 =	rddreg [dreg:$0x0]  }
0x2: {  	s0 =	srdreg.scid;
	s10 =	rddreg [dreg:$0x1]  }
0x3: {  	s2 =	stileid.u32;
	s4 =	rddreg [dreg:$0x2]  }
0x4: {  	s5 =	simm.s32 $0x0;
	s0 =	sand.u32 $0x1, s0;
	s2 =	sshll.u32 s2, $0x9  }
0x5: {  	[smem:$0x7FF] =	sst s5;
	s3 =	sshll.u32 s0, $0x8;
	s0 =	ssub.s32 $0x2, s0  }
0x6: {  	_ =	strace $0x80000047;
	s11 =	sor.u32 s3, s2;
	s26 =	sshrl.u32 s0, $0x1  }
0x7: {  	s12 =	sshll.u32 s11, $0x7;
	s0 =	ssub.s32 s0, s26;
	[dreg:$0x4] =	wrdreg s11  }
0x8: {  	s28 =	sor.u32 $0x400, s12;
	s0 =	smax.u32 s0, $0x1;
	[dreg:$0x5] =	wrdreg s12  }
0x9: {  	s30 =	sor.u32 $0x100000, s12;
	s29 =	sadd.s32 s10, s28;
	[dreg:$0x1f] =	wrdreg s0  }
0xa: {  	s13 =	sor.u32 $0x200000, s12;
	s6 =	sadd.s32 s1, s30;
	[dreg:$0x6] =	wrdreg s29  }
0xb: {  	s7 =	sor.u32 $0x300000, s12;
	s8 =	sadd.s32 s1, s13;
	[dreg:$0x7] =	wrdreg s6  }
0xc: {  	s14 =	sadd.s32 s1, s7;
	[dreg:$0x8] =	wrdreg s8  }
0xd: {  	s15 =	sor.u32 $0x100400, s12;
	s9 =	sadd.s32 s1, s28;
	[dreg:$0x9] =	wrdreg s14  }
0xe: {  	s16 =	sadd.s32 s1, s15;
	[dreg:$0xa] =	wrdreg s9  }
0xf: {  	s17 =	sor.u32 $0x200400, s12;
	s2 =	sadd.s32 s4, s30;
	[dreg:$0xb] =	wrdreg s16  }
0x10: {  	s19 =	sor.u32 $0x300400, s12;
	s18 =	sadd.s32 s1, s17;
	[dreg:$0xc] =	wrdreg s2  }
0x11: {  	s20 =	sadd.s32 s1, s19;
	[dreg:$0xd] =	wrdreg s18  }
0x12: {  	s21 =	sor.u32 $0x800, s12;
	s7 =	sadd.s32 s4, s7;
	[dreg:$0xf] =	wrdreg s20  }
0x13: {  	s22 =	sadd.s32 s10, s21;
	[dreg:$0x10] =	wrdreg s7  }
0x14: {  	s3 =	sadd.s32 s4, s28;
	[dreg:$0x11] =	wrdreg s22  }
0x15: {  	s23 =	sadd.s32 s4, s15;
	[dreg:$0x13] =	wrdreg s3  }
0x16: {  	s25 =	sor.u32 $0x7C00, s12;
	s24 =	sadd.s32 s4, s17;
	[dreg:$0x14] =	wrdreg s23  }
0x17: {  	s26 =	sor.u32 $0x107C00, s12;
	s28 =	sadd.s32 s1, s25;
	[dreg:$0x15] =	wrdreg s24  }
0x18: {  	s30 =	sadd.s32 s4, s26;
	[dreg:$0x17] =	wrdreg s28  }
0x19: {  	s15 =	sadd.s32 s10, s12;
	[dreg:$0x1a] =	wrdreg s30  }
0x1a: {  	s6 =	sadd.s32 s4, s13;
	[smem:$0x7F1] =	sst s15  }
0x1b: {  	s2 =	sadd.s32 s4, s19;
	[dreg:$0xe] =	wrdreg s6  }
0x1c: {  	s29 =	sadd.s32 s1, s26;
	[dreg:$0x16] =	wrdreg s2  }
0x1d: {  	s14 =	sadd.s32 s1, s12;
	[dreg:$0x19] =	wrdreg s29  }
0x1e: {  	s19 =	sadd.s32 $0xC00, s15;
	[smem:$0x7EF] =	sst s14  }
0x1f: {  	s20 =	sadd.s32 $0x100000, s4;
	[smem:$0x7F2] =	sst s19  }
0x20: {  	s22 =	sadd.s32 $0x300000, s4;
	[smem:$0x7F3] =	sst s20  }
0x21: {  	s23 =	sor.u32 $0x10, s11;
	[smem:$0x7F5] =	sst s22  }
0x22: {  	s24 =	sadd.s32 $0x200000, s1;
	[smem:$0x7F6] =	sst s23  }
0x23: {  	s18 =	sadd.s32 s4, s12;
	[smem:$0x7F7] =	sst s24  }
0x24: {  	s6 =	sadd.s32 s1, s21;
	[smem:$0x7FC] =	sst s18  }
0x25: {  	s3 =	sor.u32 $0x207C00, s12;
	s2 =	sadd.s32 s4, s25;
	[dreg:$0x12] =	wrdreg s6  }
0x26: {  	s7 =	sor.u32 $0x307C00, s12;
	s8 =	sadd.s32 s1, s3;
	[dreg:$0x18] =	wrdreg s2  }
0x27: {  	s9 =	sadd.s32 s1, s7;
	[dreg:$0x1b] =	wrdreg s8  }
0x28: {  	s13 =	sadd.s32 s4, s7;
	[dreg:$0x1d] =	wrdreg s9  }
0x29: {  	s31 =	simm.s32 $0x2000;
	s16 =	sadd.s32 $0x100800, s14;
	[dreg:$0x1e] =	wrdreg s13  }
0x2a: {  	s10 =	simm.s32 $0x6;
	s17 =	sadd.s32 $0x200800, s14;
	[smem:$0x7ED] =	sst s16  }
0x2b: {  	s12 =	simm.s32 $0x2;
	s0 =	sadd.s32 $0x300800, s14;
	[smem:$0x7EE] =	sst s17  }
0x2c: {  	s15 =	simm.s32 $0x3;
	s21 =	sadd.s32 $0x200000, s4;
	[smem:$0x7F0] =	sst s0  }
0x2d: {  	s25 =	sor.u32 $0x18, s11;
	s28 =	sadd.s32 $0x107800, s18;
	[smem:$0x7F4] =	sst s21  }
0x2e: {  	s26 =	sadd.s32 $0x7800, s18;
	s29 =	sadd.s32 $0x207800, s18;
	[smem:$0x7F8] =	sst s25  }
0x2f: {  	s30 =	sadd.s32 $0x307800, s18;
	s11 =	simm.s32 $0xA000;
	[smem:$0x7F9] =	sst s26  }
0x30: {  	s14 =	simm.s32 $0xC000;
	s22 =	simm.s32 $0xE000;
	[smem:$0x7FA] =	sst s28  }
0x31: {  	s23 =	simm.s32 $0x4;
	s24 =	simm.s32 $0xA;
	[smem:$0x7FB] =	sst s29  }
0x32: {  	s2 =	sadd.s32 s4, s3;
	[smem:$0x7FD] =	sst s30;
	s8 =	simm.s32 $0x1  }
0x33: {  	s25 =	simm.s32 $0x5;
	s9 =	simm.s32 $0x7;
	s13 =	simm.s32 $0x8  }
0x34: {  	s3 =	simm.s32 $0x0;
	[dreg:$0x1c] =	wrdreg s2;
	s2 =	simm.s32 $0x9  }
.LBB2_1:
0x35: {  	s0 =	sld [smem:$0x7F1];
	_ =	sdelay $0x1  }
0x36: {  	s7 =	simm.s32 $0x10000;
	s16 =	rddreg [dreg:$0x6]  }
0x37: {  	[tilespmem:s7], [sflag:$0x9] =	stream.linear.gather [hbm4b:s0+s5], $0x2000, $0x38;
	[tilespmem:$0x14000] =	vst v63  }
0x38: {  	s17 =	simm.s32 $0x12000;
	s18 =	sld [smem:$0x7EF]  }
0x39: {  	[tilespmem:s17], [sflag:$0xA] =	stream.linear.gather [hbm4b:s16+s5], $0x2000, $0x38;
	[tilespmem:$0x14000] =	vst v63  }
0x3a: {  	[smem:$0x7EC] =	sst s3  }
0x3b: {  	[tilespmem:s5], [sflag:$0x1] =	stream.linear.gather [hbm4b:s18+s5], $0x2000, $0x38;
	[tilespmem:$0x14000] =	vst v63  }
0x3c: {  	s19 =	rddreg [dreg:$0x7]  }
0x3d: {  	[tilespmem:s31], [sflag:$0x2] =	stream.linear.gather [hbm4b:s19+s5], $0x2000, $0x38;
	[tilespmem:$0x14000] =	vst v63  }
0x3e: {  	s20 =	rddreg [dreg:$0x8];
	s21 =	simm.s32 $0x4000  }
0x3f: {  	[tilespmem:s21], [sflag:$0x3] =	stream.linear.gather [hbm4b:s20+s5], $0x2000, $0x38;
	[tilespmem:$0x14000] =	vst v63  }
0x40: {  	s26 =	rddreg [dreg:$0x9];
	s28 =	simm.s32 $0x6000  }
0x41: {  	[tilespmem:s28], [sflag:$0x4] =	stream.linear.gather [hbm4b:s26+s5], $0x2000, $0x38;
	[tilespmem:$0x14000] =	vst v63  }
0x42: {  	_ =	swait.ge [sflag:s2], $0x2000  }
0x43: {  	[sflag:s2] =	ssyncset.done $0x0  }
0x44: {  	s30 =	simm.s32 $0x8000;
	s29 =	rddreg [dreg:$0xa];
	[sflag:s2] =	ssyncadd.s32 $0xFFFFE000  }
0x45: {  	[tilespmem:s30], [sflag:$0x5] =	stream.linear.gather [hbm4b:s29+s5], $0x2000, $0x38;
	[tilespmem:$0x14000] =	vst v63  }
0x46: {  	_ =	swait.ge [sflag:s8], $0x2000  }
0x47: {  	s3 =	simm.s32 $0x40;
	[sflag:s8] =	ssyncset.done $0x0  }
0x48: {  	s6 =	simm.s32 $0x10040;
	s7 =	simm.s32 $0x0;
	[sflag:s8] =	ssyncadd.s32 $0xFFFFE000  }
.LBB2_2:
0x49: {  	v1 =	vld [tilespmem:s3+$0x30]  }
0x4a: {  	v2 =	vld [tilespmem:s6+$0x30]  }
0x4b: {  	v0 =	vld [tilespmem:s6+$0xFFFFFFC0]  }
0x4c: {  	v3 =	vld [tilespmem:s3+$0xFFFFFFD0]  }
0x4d: {  	v4 =	vld [tilespmem:s6+$0xFFFFFFD0]  }
0x4e: {  	v5 =	vld [tilespmem:s3+$0xFFFFFFE0]  }
0x4f: {  	v6 =	vld [tilespmem:s6+$0xFFFFFFE0]  }
0x50: {  	v7 =	vld [tilespmem:s3+$0xFFFFFFF0]  }
0x51: {  	v8 =	vld [tilespmem:s6+$0xFFFFFFF0]  }
0x52: {  	v9 =	vld [tilespmem:s3+$0x0]  }
0x53: {  	v10 =	vld [tilespmem:s6+$0x0];
	v2 =	vadd.f32 v2, v1  }
0x54: {  	v4 =	vadd.f32 v4, v3;
	v1 =	vld [tilespmem:s3+$0x10]  }
0x55: {  	v5 =	vadd.f32 v6, v5;
	v3 =	vld [tilespmem:s6+$0x10];
	[tilespmem:s3+$0x30] =	vst v2  }
0x56: {  	v6 =	vadd.f32 v8, v7;
	[tilespmem:s3+$0xFFFFFFD0] =	vst v4;
	v2 =	vld [tilespmem:s3+$0x20]  }
0x57: {  	s17 =	simm.s32 $0x0;
	[tilespmem:s3+$0xFFFFFFE0] =	vst v5;
	v5 =	vld [tilespmem:s6+$0x20]  }
0x58: {  	s18 =	sadd.s32 $0x400, s3;
	s19 =	smov.u32 s6;
	s16 =	smov.u32 s3;
	v4 =	vld [tilespmem:s3+$0xFFFFFFC0];
	[tilespmem:s3+$0xFFFFFFF0] =	vst v6;
	v6 =	vadd.f32 v10, v9  }
.LBB2_3:
0x59: {  	v7 =	vld [tilespmem:s18+$0x30];
	s19 =	sadd.s32 $0x400, s19  }
0x5a: {  	s17 =	sadd.s32 $0x8, s17;
	v8 =	vld [tilespmem:s19+$0x30];
	[tilespmem:s16+$0x0] =	vst v6;
	v1 =	vadd.f32 v3, v1  }
0x5b: {  	p0 =	slt.u32 s17, $0x38;
	v3 =	vld [tilespmem:s19+$0xFFFFFFC0]  }
0x5c: {  	v6 =	vld [tilespmem:s18+$0xFFFFFFD0];
	[tilespmem:s16+$0x10] =	vst v1;
	v1 =	vadd.f32 v5, v2  }
0x5d: {  	v2 =	vld [tilespmem:s19+$0xFFFFFFD0];
	v9 =	vadd.f32 v0, v4  }
0x5e: {  	v4 =	vld [tilespmem:s18+$0xFFFFFFE0];
	[tilespmem:s16+$0x20] =	vst v1  }
0x5f: {  	v1 =	vld [tilespmem:s19+$0xFFFFFFE0];
	v5 =	vadd.f32 v8, v7;
	[tilespmem:s16+$0xFFFFFFC0] =	vst v9;
	s16 =	smov.u32 s18  }
0x60: {  	v7 =	vld [tilespmem:s18+$0xFFFFFFF0];
	v0 =	vmov v3  }
0x61: {  	v8 =	vld [tilespmem:s19+$0xFFFFFFF0];
	[tilespmem:s18+$0x30] =	vst v5  }
0x62: {  	v2 =	vadd.f32 v2, v6;
	v6 =	vld [tilespmem:s18+$0x0]  }
0x63: {  	v9 =	vld [tilespmem:s19+$0x0]  }
.Ltmp0:
0x64: {  	[tilespmem:s18+$0xFFFFFFD0] =	vst v2;
	v2 =	vadd.f32 v1, v4;
	v1 =	vld [tilespmem:s18+$0x10];
	(pc) =	sbr.rel @p0 .LBB2_3-.Ltmp0, $4  }
0x65: {  	v3 =	vld [tilespmem:s19+$0x10]  }
0x66: {  	[tilespmem:s18+$0xFFFFFFE0] =	vst v2;
	v7 =	vadd.f32 v8, v7;
	v2 =	vld [tilespmem:s18+$0x20]  }
0x67: {  	v5 =	vld [tilespmem:s19+$0x20]  }
0x68: {  	s18 =	sadd.s32 $0x400, s18;
	v4 =	vld [tilespmem:s16+$0xFFFFFFC0];
	[tilespmem:s16+$0xFFFFFFF0] =	vst v7;
	v6 =	vadd.f32 v9, v6  }
0x69: {  	s7 =	sadd.s32 $0x1, s7  }
0x6a: {  	p0 =	sne.s32 s7, $0x8  }
.Ltmp1:
0x6b: {  	v1 =	vadd.f32 v3, v1;
	(pc) =	sbr.rel @p0 .LBB2_2-.Ltmp1, $4  }
0x6c: {  	[tilespmem:s16+$0x0] =	vst v6;
	v2 =	vadd.f32 v5, v2  }
0x6d: {  	[tilespmem:s16+$0x10] =	vst v1;
	v0 =	vadd.f32 v0, v4  }
0x6e: {  	[tilespmem:s16+$0x20] =	vst v2  }
0x6f: {  	s3 =	sadd.s32 $0x80, s3;
	s6 =	sadd.s32 $0x80, s6;
	[tilespmem:s16+$0xFFFFFFC0] =	vst v0  }
0x70: {  	s0 =	sld [smem:$0x7FC];
	_ =	sdelay $0x1  }
0x71: {  	s3 =	simm.s32 $0x0  }
0x72: {  	[hbm4b:s0+s3] =	stream.linear.scatter [tilespmem:s3], [sflag:$0x1], $0x2000, $0x38;
	[tilespmem:$0x14000] =	vst v63  }
0x73: {  	s30 =	rddreg [dreg:$0xb]  }
0x74: {  	[tilespmem:s11], [sflag:$0x6] =	stream.linear.gather [hbm4b:s30+s3], $0x2000, $0x38;
	[tilespmem:$0x14000] =	vst v63  }
0x75: {  	_ =	swait.ge [sflag:s12], $0x2000  }
0x76: {  	[sflag:s12] =	ssyncset.done $0x0  }
0x77: {  	s6 =	simm.s32 $0x2040;
	s7 =	simm.s32 $0x10040;
	[sflag:s12] =	ssyncadd.s32 $0xFFFFE000  }
.LBB2_6:
0x78: {  	v1 =	vld [tilespmem:s6+$0x30]  }
0x79: {  	v2 =	vld [tilespmem:s7+$0x30]  }
0x7a: {  	v0 =	vld [tilespmem:s7+$0xFFFFFFC0]  }
0x7b: {  	v3 =	vld [tilespmem:s6+$0xFFFFFFD0]  }
0x7c: {  	v4 =	vld [tilespmem:s7+$0xFFFFFFD0]  }
0x7d: {  	v5 =	vld [tilespmem:s6+$0xFFFFFFE0]  }
0x7e: {  	v6 =	vld [tilespmem:s7+$0xFFFFFFE0]  }
0x7f: {  	v7 =	vld [tilespmem:s6+$0xFFFFFFF0]  }
0x80: {  	v8 =	vld [tilespmem:s7+$0xFFFFFFF0]  }
0x81: {  	v9 =	vld [tilespmem:s6+$0x0]  }
0x82: {  	v10 =	vld [tilespmem:s7+$0x0];
	v2 =	vadd.f32 v2, v1  }
0x83: {  	v4 =	vadd.f32 v4, v3;
	v1 =	vld [tilespmem:s6+$0x10]  }
0x84: {  	v5 =	vadd.f32 v6, v5;
	v3 =	vld [tilespmem:s7+$0x10];
	[tilespmem:s6+$0x30] =	vst v2  }
0x85: {  	v6 =	vadd.f32 v8, v7;
	[tilespmem:s6+$0xFFFFFFD0] =	vst v4;
	v2 =	vld [tilespmem:s6+$0x20]  }
0x86: {  	s17 =	simm.s32 $0x0;
	[tilespmem:s6+$0xFFFFFFE0] =	vst v5;
	v5 =	vld [tilespmem:s7+$0x20]  }
0x87: {  	s18 =	sadd.s32 $0x400, s6;
	s19 =	smov.u32 s7;
	s16 =	smov.u32 s6;
	v4 =	vld [tilespmem:s6+$0xFFFFFFC0];
	[tilespmem:s6+$0xFFFFFFF0] =	vst v6;
	v6 =	vadd.f32 v10, v9  }
.LBB2_7:
0x88: {  	v7 =	vld [tilespmem:s18+$0x30];
	s19 =	sadd.s32 $0x400, s19  }
0x89: {  	s17 =	sadd.s32 $0x8, s17;
	v8 =	vld [tilespmem:s19+$0x30];
	[tilespmem:s16+$0x0] =	vst v6;
	v1 =	vadd.f32 v3, v1  }
0x8a: {  	p0 =	slt.u32 s17, $0x38;
	v3 =	vld [tilespmem:s19+$0xFFFFFFC0]  }
0x8b: {  	v6 =	vld [tilespmem:s18+$0xFFFFFFD0];
	[tilespmem:s16+$0x10] =	vst v1;
	v1 =	vadd.f32 v5, v2  }
0x8c: {  	v2 =	vld [tilespmem:s19+$0xFFFFFFD0];
	v9 =	vadd.f32 v0, v4  }
0x8d: {  	v4 =	vld [tilespmem:s18+$0xFFFFFFE0];
	[tilespmem:s16+$0x20] =	vst v1  }
0x8e: {  	v1 =	vld [tilespmem:s19+$0xFFFFFFE0];
	v5 =	vadd.f32 v8, v7;
	[tilespmem:s16+$0xFFFFFFC0] =	vst v9;
	s16 =	smov.u32 s18  }
0x8f: {  	v7 =	vld [tilespmem:s18+$0xFFFFFFF0];
	v0 =	vmov v3  }
0x90: {  	v8 =	vld [tilespmem:s19+$0xFFFFFFF0];
	[tilespmem:s18+$0x30] =	vst v5  }
0x91: {  	v2 =	vadd.f32 v2, v6;
	v6 =	vld [tilespmem:s18+$0x0]  }
0x92: {  	v9 =	vld [tilespmem:s19+$0x0]  }
.Ltmp2:
0x93: {  	[tilespmem:s18+$0xFFFFFFD0] =	vst v2;
	v2 =	vadd.f32 v1, v4;
	v1 =	vld [tilespmem:s18+$0x10];
	(pc) =	sbr.rel @p0 .LBB2_7-.Ltmp2, $4  }
0x94: {  	v3 =	vld [tilespmem:s19+$0x10]  }
0x95: {  	[tilespmem:s18+$0xFFFFFFE0] =	vst v2;
	v7 =	vadd.f32 v8, v7;
	v2 =	vld [tilespmem:s18+$0x20]  }
0x96: {  	v5 =	vld [tilespmem:s19+$0x20]  }
0x97: {  	s18 =	sadd.s32 $0x400, s18;
	v4 =	vld [tilespmem:s16+$0xFFFFFFC0];
	[tilespmem:s16+$0xFFFFFFF0] =	vst v7;
	v6 =	vadd.f32 v9, v6  }
0x98: {  	s3 =	sadd.s32 $0x1, s3  }
0x99: {  	p0 =	sne.s32 s3, $0x8  }
.Ltmp3:
0x9a: {  	v1 =	vadd.f32 v3, v1;
	(pc) =	sbr.rel @p0 .LBB2_6-.Ltmp3, $4  }
0x9b: {  	[tilespmem:s16+$0x0] =	vst v6;
	v2 =	vadd.f32 v5, v2  }
0x9c: {  	[tilespmem:s16+$0x10] =	vst v1;
	v0 =	vadd.f32 v0, v4  }
0x9d: {  	[tilespmem:s16+$0x20] =	vst v2  }
0x9e: {  	s6 =	sadd.s32 $0x80, s6;
	s7 =	sadd.s32 $0x80, s7;
	[tilespmem:s16+$0xFFFFFFC0] =	vst v0  }
0x9f: {  	s3 =	simm.s32 $0x0;
	s0 =	rddreg [dreg:$0xc]  }
0xa0: {  	[hbm4b:s0+s3] =	stream.linear.scatter [tilespmem:s31], [sflag:$0x2], $0x2000, $0x38;
	[tilespmem:$0x14000] =	vst v63  }
0xa1: {  	s30 =	rddreg [dreg:$0xd]  }
0xa2: {  	[tilespmem:s14], [sflag:$0x7] =	stream.linear.gather [hbm4b:s30+s3], $0x2000, $0x38;
	[tilespmem:$0x14000] =	vst v63  }
0xa3: {  	_ =	swait.ge [sflag:s15], $0x2000  }
0xa4: {  	[sflag:s15] =	ssyncset.done $0x0  }
0xa5: {  	s6 =	simm.s32 $0x4040;
	s7 =	simm.s32 $0x10040;
	[sflag:s15] =	ssyncadd.s32 $0xFFFFE000  }
.LBB2_10:
0xa6: {  	v1 =	vld [tilespmem:s6+$0x30]  }
0xa7: {  	v2 =	vld [tilespmem:s7+$0x30]  }
0xa8: {  	v0 =	vld [tilespmem:s7+$0xFFFFFFC0]  }
0xa9: {  	v3 =	vld [tilespmem:s6+$0xFFFFFFD0]  }
0xaa: {  	v4 =	vld [tilespmem:s7+$0xFFFFFFD0]  }
0xab: {  	v5 =	vld [tilespmem:s6+$0xFFFFFFE0]  }
0xac: {  	v6 =	vld [tilespmem:s7+$0xFFFFFFE0]  }
0xad: {  	v7 =	vld [tilespmem:s6+$0xFFFFFFF0]  }
0xae: {  	v8 =	vld [tilespmem:s7+$0xFFFFFFF0]  }
0xaf: {  	v9 =	vld [tilespmem:s6+$0x0]  }
0xb0: {  	v10 =	vld [tilespmem:s7+$0x0];
	v2 =	vadd.f32 v2, v1  }
0xb1: {  	v4 =	vadd.f32 v4, v3;
	v1 =	vld [tilespmem:s6+$0x10]  }
0xb2: {  	v5 =	vadd.f32 v6, v5;
	v3 =	vld [tilespmem:s7+$0x10];
	[tilespmem:s6+$0x30] =	vst v2  }
0xb3: {  	v6 =	vadd.f32 v8, v7;
	[tilespmem:s6+$0xFFFFFFD0] =	vst v4;
	v2 =	vld [tilespmem:s6+$0x20]  }
0xb4: {  	s17 =	simm.s32 $0x0;
	[tilespmem:s6+$0xFFFFFFE0] =	vst v5;
	v5 =	vld [tilespmem:s7+$0x20]  }
0xb5: {  	s18 =	sadd.s32 $0x400, s6;
	s19 =	smov.u32 s7;
	s16 =	smov.u32 s6;
	v4 =	vld [tilespmem:s6+$0xFFFFFFC0];
	[tilespmem:s6+$0xFFFFFFF0] =	vst v6;
	v6 =	vadd.f32 v10, v9  }
.LBB2_11:
0xb6: {  	v7 =	vld [tilespmem:s18+$0x30];
	s19 =	sadd.s32 $0x400, s19  }
0xb7: {  	s17 =	sadd.s32 $0x8, s17;
	v8 =	vld [tilespmem:s19+$0x30];
	[tilespmem:s16+$0x0] =	vst v6;
	v1 =	vadd.f32 v3, v1  }
0xb8: {  	p0 =	slt.u32 s17, $0x38;
	v3 =	vld [tilespmem:s19+$0xFFFFFFC0]  }
0xb9: {  	v6 =	vld [tilespmem:s18+$0xFFFFFFD0];
	[tilespmem:s16+$0x10] =	vst v1;
	v1 =	vadd.f32 v5, v2  }
0xba: {  	v2 =	vld [tilespmem:s19+$0xFFFFFFD0];
	v9 =	vadd.f32 v0, v4  }
0xbb: {  	v4 =	vld [tilespmem:s18+$0xFFFFFFE0];
	[tilespmem:s16+$0x20] =	vst v1  }
0xbc: {  	v1 =	vld [tilespmem:s19+$0xFFFFFFE0];
	v5 =	vadd.f32 v8, v7;
	[tilespmem:s16+$0xFFFFFFC0] =	vst v9;
	s16 =	smov.u32 s18  }
0xbd: {  	v7 =	vld [tilespmem:s18+$0xFFFFFFF0];
	v0 =	vmov v3  }
0xbe: {  	v8 =	vld [tilespmem:s19+$0xFFFFFFF0];
	[tilespmem:s18+$0x30] =	vst v5  }
0xbf: {  	v2 =	vadd.f32 v2, v6;
	v6 =	vld [tilespmem:s18+$0x0]  }
0xc0: {  	v9 =	vld [tilespmem:s19+$0x0]  }
.Ltmp4:
0xc1: {  	[tilespmem:s18+$0xFFFFFFD0] =	vst v2;
	v2 =	vadd.f32 v1, v4;
	v1 =	vld [tilespmem:s18+$0x10];
	(pc) =	sbr.rel @p0 .LBB2_11-.Ltmp4, $4  }
0xc2: {  	v3 =	vld [tilespmem:s19+$0x10]  }
0xc3: {  	[tilespmem:s18+$0xFFFFFFE0] =	vst v2;
	v7 =	vadd.f32 v8, v7;
	v2 =	vld [tilespmem:s18+$0x20]  }
0xc4: {  	v5 =	vld [tilespmem:s19+$0x20]  }
0xc5: {  	s18 =	sadd.s32 $0x400, s18;
	v4 =	vld [tilespmem:s16+$0xFFFFFFC0];
	[tilespmem:s16+$0xFFFFFFF0] =	vst v7;
	v6 =	vadd.f32 v9, v6  }
0xc6: {  	s3 =	sadd.s32 $0x1, s3  }
0xc7: {  	p0 =	sne.s32 s3, $0x8  }
.Ltmp5:
0xc8: {  	v1 =	vadd.f32 v3, v1;
	(pc) =	sbr.rel @p0 .LBB2_10-.Ltmp5, $4  }
0xc9: {  	[tilespmem:s16+$0x0] =	vst v6;
	v2 =	vadd.f32 v5, v2  }
0xca: {  	[tilespmem:s16+$0x10] =	vst v1;
	v0 =	vadd.f32 v0, v4  }
0xcb: {  	[tilespmem:s16+$0x20] =	vst v2  }
0xcc: {  	s6 =	sadd.s32 $0x80, s6;
	s7 =	sadd.s32 $0x80, s7;
	[tilespmem:s16+$0xFFFFFFC0] =	vst v0  }
0xcd: {  	s3 =	simm.s32 $0x0;
	s0 =	rddreg [dreg:$0xe];
	s6 =	simm.s32 $0x4000  }
0xce: {  	[hbm4b:s0+s3] =	stream.linear.scatter [tilespmem:s6], [sflag:$0x3], $0x2000, $0x38;
	[tilespmem:$0x14000] =	vst v63  }
0xcf: {  	s30 =	rddreg [dreg:$0xf]  }
0xd0: {  	[tilespmem:s22], [sflag:$0x8] =	stream.linear.gather [hbm4b:s30+s3], $0x2000, $0x38;
	[tilespmem:$0x14000] =	vst v63  }
0xd1: {  	_ =	swait.ge [sflag:s23], $0x2000  }
0xd2: {  	[sflag:s23] =	ssyncset.done $0x0  }
0xd3: {  	s7 =	simm.s32 $0x10040;
	s6 =	simm.s32 $0x6040;
	[sflag:s23] =	ssyncadd.s32 $0xFFFFE000  }
.LBB2_14:
0xd4: {  	v1 =	vld [tilespmem:s6+$0x30]  }
0xd5: {  	v2 =	vld [tilespmem:s7+$0x30]  }
0xd6: {  	v0 =	vld [tilespmem:s7+$0xFFFFFFC0]  }
0xd7: {  	v3 =	vld [tilespmem:s6+$0xFFFFFFD0]  }
0xd8: {  	v4 =	vld [tilespmem:s7+$0xFFFFFFD0]  }
0xd9: {  	v5 =	vld [tilespmem:s6+$0xFFFFFFE0]  }
0xda: {  	v6 =	vld [tilespmem:s7+$0xFFFFFFE0]  }
0xdb: {  	v7 =	vld [tilespmem:s6+$0xFFFFFFF0]  }
0xdc: {  	v8 =	vld [tilespmem:s7+$0xFFFFFFF0]  }
0xdd: {  	v9 =	vld [tilespmem:s6+$0x0]  }
0xde: {  	v10 =	vld [tilespmem:s7+$0x0];
	v2 =	vadd.f32 v2, v1  }
0xdf: {  	v4 =	vadd.f32 v4, v3;
	v1 =	vld [tilespmem:s6+$0x10]  }
0xe0: {  	v5 =	vadd.f32 v6, v5;
	v3 =	vld [tilespmem:s7+$0x10];
	[tilespmem:s6+$0x30] =	vst v2  }
0xe1: {  	v6 =	vadd.f32 v8, v7;
	[tilespmem:s6+$0xFFFFFFD0] =	vst v4;
	v2 =	vld [tilespmem:s6+$0x20]  }
0xe2: {  	s17 =	simm.s32 $0x0;
	[tilespmem:s6+$0xFFFFFFE0] =	vst v5;
	v5 =	vld [tilespmem:s7+$0x20]  }
0xe3: {  	s18 =	sadd.s32 $0x400, s6;
	s19 =	smov.u32 s7;
	s16 =	smov.u32 s6;
	v4 =	vld [tilespmem:s6+$0xFFFFFFC0];
	[tilespmem:s6+$0xFFFFFFF0] =	vst v6;
	v6 =	vadd.f32 v10, v9  }
.LBB2_15:
0xe4: {  	v7 =	vld [tilespmem:s18+$0x30];
	s19 =	sadd.s32 $0x400, s19  }
0xe5: {  	s17 =	sadd.s32 $0x8, s17;
	v8 =	vld [tilespmem:s19+$0x30];
	[tilespmem:s16+$0x0] =	vst v6;
	v1 =	vadd.f32 v3, v1  }
0xe6: {  	p0 =	slt.u32 s17, $0x38;
	v3 =	vld [tilespmem:s19+$0xFFFFFFC0]  }
0xe7: {  	v6 =	vld [tilespmem:s18+$0xFFFFFFD0];
	[tilespmem:s16+$0x10] =	vst v1;
	v1 =	vadd.f32 v5, v2  }
0xe8: {  	v2 =	vld [tilespmem:s19+$0xFFFFFFD0];
	v9 =	vadd.f32 v0, v4  }
0xe9: {  	v4 =	vld [tilespmem:s18+$0xFFFFFFE0];
	[tilespmem:s16+$0x20] =	vst v1  }
0xea: {  	v1 =	vld [tilespmem:s19+$0xFFFFFFE0];
	v5 =	vadd.f32 v8, v7;
	[tilespmem:s16+$0xFFFFFFC0] =	vst v9;
	s16 =	smov.u32 s18  }
0xeb: {  	v7 =	vld [tilespmem:s18+$0xFFFFFFF0];
	v0 =	vmov v3  }
0xec: {  	v8 =	vld [tilespmem:s19+$0xFFFFFFF0];
	[tilespmem:s18+$0x30] =	vst v5  }
0xed: {  	v2 =	vadd.f32 v2, v6;
	v6 =	vld [tilespmem:s18+$0x0]  }
0xee: {  	v9 =	vld [tilespmem:s19+$0x0]  }
.Ltmp6:
0xef: {  	[tilespmem:s18+$0xFFFFFFD0] =	vst v2;
	v2 =	vadd.f32 v1, v4;
	v1 =	vld [tilespmem:s18+$0x10];
	(pc) =	sbr.rel @p0 .LBB2_15-.Ltmp6, $4  }
0xf0: {  	v3 =	vld [tilespmem:s19+$0x10]  }
0xf1: {  	[tilespmem:s18+$0xFFFFFFE0] =	vst v2;
	v7 =	vadd.f32 v8, v7;
	v2 =	vld [tilespmem:s18+$0x20]  }
0xf2: {  	v5 =	vld [tilespmem:s19+$0x20]  }
0xf3: {  	s18 =	sadd.s32 $0x400, s18;
	v4 =	vld [tilespmem:s16+$0xFFFFFFC0];
	[tilespmem:s16+$0xFFFFFFF0] =	vst v7;
	v6 =	vadd.f32 v9, v6  }
0xf4: {  	s3 =	sadd.s32 $0x1, s3  }
0xf5: {  	p0 =	sne.s32 s3, $0x8  }
.Ltmp7:
0xf6: {  	v1 =	vadd.f32 v3, v1;
	(pc) =	sbr.rel @p0 .LBB2_14-.Ltmp7, $4  }
0xf7: {  	[tilespmem:s16+$0x0] =	vst v6;
	v2 =	vadd.f32 v5, v2  }
0xf8: {  	[tilespmem:s16+$0x10] =	vst v1;
	v0 =	vadd.f32 v0, v4  }
0xf9: {  	[tilespmem:s16+$0x20] =	vst v2  }
0xfa: {  	s6 =	sadd.s32 $0x80, s6;
	s7 =	sadd.s32 $0x80, s7;
	[tilespmem:s16+$0xFFFFFFC0] =	vst v0  }
0xfb: {  	s3 =	simm.s32 $0x0;
	s0 =	rddreg [dreg:$0x10];
	s6 =	simm.s32 $0x6000  }
0xfc: {  	[hbm4b:s0+s3] =	stream.linear.scatter [tilespmem:s6], [sflag:$0x4], $0x2000, $0x38;
	[tilespmem:$0x14000] =	vst v63  }
0xfd: {  	s28 =	rddreg [dreg:$0x11];
	s29 =	simm.s32 $0x10000  }
0xfe: {  	[tilespmem:s29], [sflag:$0x9] =	stream.linear.gather [hbm4b:s28+s3], $0x2000, $0x38;
	[tilespmem:$0x14000] =	vst v63  }
0xff: {  	_ =	swait.ge [sflag:s24], $0x2000  }
0x100: {  	[sflag:s24] =	ssyncset.done $0x0  }
0x101: {  	[sflag:s24] =	ssyncadd.s32 $0xFFFFE000  }
0x102: {  	_ =	swait.ge [sflag:s8], $0x2000  }
0x103: {  	[sflag:s8] =	ssyncset.done $0x0  }
0x104: {  	s30 =	rddreg [dreg:$0x12];
	[sflag:s8] =	ssyncadd.s32 $0xFFFFE000  }
0x105: {  	[tilespmem:s3], [sflag:$0x1] =	stream.linear.gather [hbm4b:s30+s3], $0x2000, $0x38;
	[tilespmem:$0x14000] =	vst v63  }
0x106: {  	_ =	swait.ge [sflag:s25], $0x2000  }
0x107: {  	[sflag:s25] =	ssyncset.done $0x0  }
0x108: {  	s7 =	simm.s32 $0x12040;
	s6 =	simm.s32 $0x8040;
	[sflag:s25] =	ssyncadd.s32 $0xFFFFE000  }
.LBB2_18:
0x109: {  	v1 =	vld [tilespmem:s6+$0x30]  }
0x10a: {  	v2 =	vld [tilespmem:s7+$0x30]  }
0x10b: {  	v0 =	vld [tilespmem:s7+$0xFFFFFFC0]  }
0x10c: {  	v3 =	vld [tilespmem:s6+$0xFFFFFFD0]  }
0x10d: {  	v4 =	vld [tilespmem:s7+$0xFFFFFFD0]  }
0x10e: {  	v5 =	vld [tilespmem:s6+$0xFFFFFFE0]  }
0x10f: {  	v6 =	vld [tilespmem:s7+$0xFFFFFFE0]  }
0x110: {  	v7 =	vld [tilespmem:s6+$0xFFFFFFF0]  }
0x111: {  	v8 =	vld [tilespmem:s7+$0xFFFFFFF0]  }
0x112: {  	v9 =	vld [tilespmem:s6+$0x0]  }
0x113: {  	v10 =	vld [tilespmem:s7+$0x0];
	v2 =	vadd.f32 v2, v1  }
0x114: {  	v4 =	vadd.f32 v4, v3;
	v1 =	vld [tilespmem:s6+$0x10]  }
0x115: {  	v5 =	vadd.f32 v6, v5;
	v3 =	vld [tilespmem:s7+$0x10];
	[tilespmem:s6+$0x30] =	vst v2  }
0x116: {  	v6 =	vadd.f32 v8, v7;
	[tilespmem:s6+$0xFFFFFFD0] =	vst v4;
	v2 =	vld [tilespmem:s6+$0x20]  }
0x117: {  	s17 =	simm.s32 $0x0;
	[tilespmem:s6+$0xFFFFFFE0] =	vst v5;
	v5 =	vld [tilespmem:s7+$0x20]  }
0x118: {  	s18 =	sadd.s32 $0x400, s6;
	s19 =	smov.u32 s7;
	s16 =	smov.u32 s6;
	v4 =	vld [tilespmem:s6+$0xFFFFFFC0];
	[tilespmem:s6+$0xFFFFFFF0] =	vst v6;
	v6 =	vadd.f32 v10, v9  }
.LBB2_19:
0x119: {  	v7 =	vld [tilespmem:s18+$0x30];
	s19 =	sadd.s32 $0x400, s19  }
0x11a: {  	s17 =	sadd.s32 $0x8, s17;
	v8 =	vld [tilespmem:s19+$0x30];
	[tilespmem:s16+$0x0] =	vst v6;
	v1 =	vadd.f32 v3, v1  }
0x11b: {  	p0 =	slt.u32 s17, $0x38;
	v3 =	vld [tilespmem:s19+$0xFFFFFFC0]  }
0x11c: {  	v6 =	vld [tilespmem:s18+$0xFFFFFFD0];
	[tilespmem:s16+$0x10] =	vst v1;
	v1 =	vadd.f32 v5, v2  }
0x11d: {  	v2 =	vld [tilespmem:s19+$0xFFFFFFD0];
	v9 =	vadd.f32 v0, v4  }
0x11e: {  	v4 =	vld [tilespmem:s18+$0xFFFFFFE0];
	[tilespmem:s16+$0x20] =	vst v1  }
0x11f: {  	v1 =	vld [tilespmem:s19+$0xFFFFFFE0];
	v5 =	vadd.f32 v8, v7;
	[tilespmem:s16+$0xFFFFFFC0] =	vst v9;
	s16 =	smov.u32 s18  }
0x120: {  	v7 =	vld [tilespmem:s18+$0xFFFFFFF0];
	v0 =	vmov v3  }
0x121: {  	v8 =	vld [tilespmem:s19+$0xFFFFFFF0];
	[tilespmem:s18+$0x30] =	vst v5  }
0x122: {  	v2 =	vadd.f32 v2, v6;
	v6 =	vld [tilespmem:s18+$0x0]  }
0x123: {  	v9 =	vld [tilespmem:s19+$0x0]  }
.Ltmp8:
0x124: {  	[tilespmem:s18+$0xFFFFFFD0] =	vst v2;
	v2 =	vadd.f32 v1, v4;
	v1 =	vld [tilespmem:s18+$0x10];
	(pc) =	sbr.rel @p0 .LBB2_19-.Ltmp8, $4  }
0x125: {  	v3 =	vld [tilespmem:s19+$0x10]  }
0x126: {  	[tilespmem:s18+$0xFFFFFFE0] =	vst v2;
	v7 =	vadd.f32 v8, v7;
	v2 =	vld [tilespmem:s18+$0x20]  }
0x127: {  	v5 =	vld [tilespmem:s19+$0x20]  }
0x128: {  	s18 =	sadd.s32 $0x400, s18;
	v4 =	vld [tilespmem:s16+$0xFFFFFFC0];
	[tilespmem:s16+$0xFFFFFFF0] =	vst v7;
	v6 =	vadd.f32 v9, v6  }
0x129: {  	s3 =	sadd.s32 $0x1, s3  }
0x12a: {  	p0 =	sne.s32 s3, $0x8  }
.Ltmp9:
0x12b: {  	v1 =	vadd.f32 v3, v1;
	(pc) =	sbr.rel @p0 .LBB2_18-.Ltmp9, $4  }
0x12c: {  	[tilespmem:s16+$0x0] =	vst v6;
	v2 =	vadd.f32 v5, v2  }
0x12d: {  	[tilespmem:s16+$0x10] =	vst v1;
	v0 =	vadd.f32 v0, v4  }
0x12e: {  	[tilespmem:s16+$0x20] =	vst v2  }
0x12f: {  	s6 =	sadd.s32 $0x80, s6;
	s7 =	sadd.s32 $0x80, s7;
	[tilespmem:s16+$0xFFFFFFC0] =	vst v0  }
0x130: {  	s3 =	simm.s32 $0x0;
	s0 =	rddreg [dreg:$0x13];
	s6 =	simm.s32 $0x8000  }
0x131: {  	[hbm4b:s0+s3] =	stream.linear.scatter [tilespmem:s6], [sflag:$0x5], $0x2000, $0x38;
	[tilespmem:$0x14000] =	vst v63  }
0x132: {  	_ =	swait.ge [sflag:s12], $0x2000  }
0x133: {  	s30 =	sld [smem:$0x7ED]  }
0x134: {  	[sflag:s12] =	ssyncset.done $0x0  }
0x135: {  	[sflag:s12] =	ssyncadd.s32 $0xFFFFE000  }
0x136: {  	[tilespmem:s31], [sflag:$0x2] =	stream.linear.gather [hbm4b:s30+s3], $0x2000, $0x38;
	[tilespmem:$0x14000] =	vst v63  }
0x137: {  	_ =	swait.ge [sflag:s10], $0x2000  }
0x138: {  	[sflag:s10] =	ssyncset.done $0x0  }
0x139: {  	s7 =	simm.s32 $0x12040;
	s6 =	simm.s32 $0xA040;
	[sflag:s10] =	ssyncadd.s32 $0xFFFFE000  }
.LBB2_22:
0x13a: {  	v1 =	vld [tilespmem:s6+$0x30]  }
0x13b: {  	v2 =	vld [tilespmem:s7+$0x30]  }
0x13c: {  	v0 =	vld [tilespmem:s7+$0xFFFFFFC0]  }
0x13d: {  	v3 =	vld [tilespmem:s6+$0xFFFFFFD0]  }
0x13e: {  	v4 =	vld [tilespmem:s7+$0xFFFFFFD0]  }
0x13f: {  	v5 =	vld [tilespmem:s6+$0xFFFFFFE0]  }
0x140: {  	v6 =	vld [tilespmem:s7+$0xFFFFFFE0]  }
0x141: {  	v7 =	vld [tilespmem:s6+$0xFFFFFFF0]  }
0x142: {  	v8 =	vld [tilespmem:s7+$0xFFFFFFF0]  }
0x143: {  	v9 =	vld [tilespmem:s6+$0x0]  }
0x144: {  	v10 =	vld [tilespmem:s7+$0x0];
	v2 =	vadd.f32 v2, v1  }
0x145: {  	v4 =	vadd.f32 v4, v3;
	v1 =	vld [tilespmem:s6+$0x10]  }
0x146: {  	v5 =	vadd.f32 v6, v5;
	v3 =	vld [tilespmem:s7+$0x10];
	[tilespmem:s6+$0x30] =	vst v2  }
0x147: {  	v6 =	vadd.f32 v8, v7;
	[tilespmem:s6+$0xFFFFFFD0] =	vst v4;
	v2 =	vld [tilespmem:s6+$0x20]  }
0x148: {  	s17 =	simm.s32 $0x0;
	[tilespmem:s6+$0xFFFFFFE0] =	vst v5;
	v5 =	vld [tilespmem:s7+$0x20]  }
0x149: {  	s18 =	sadd.s32 $0x400, s6;
	s19 =	smov.u32 s7;
	s16 =	smov.u32 s6;
	v4 =	vld [tilespmem:s6+$0xFFFFFFC0];
	[tilespmem:s6+$0xFFFFFFF0] =	vst v6;
	v6 =	vadd.f32 v10, v9  }
.LBB2_23:
0x14a: {  	v7 =	vld [tilespmem:s18+$0x30];
	s19 =	sadd.s32 $0x400, s19  }
0x14b: {  	s17 =	sadd.s32 $0x8, s17;
	v8 =	vld [tilespmem:s19+$0x30];
	[tilespmem:s16+$0x0] =	vst v6;
	v1 =	vadd.f32 v3, v1  }
0x14c: {  	p0 =	slt.u32 s17, $0x38;
	v3 =	vld [tilespmem:s19+$0xFFFFFFC0]  }
0x14d: {  	v6 =	vld [tilespmem:s18+$0xFFFFFFD0];
	[tilespmem:s16+$0x10] =	vst v1;
	v1 =	vadd.f32 v5, v2  }
0x14e: {  	v2 =	vld [tilespmem:s19+$0xFFFFFFD0];
	v9 =	vadd.f32 v0, v4  }
0x14f: {  	v4 =	vld [tilespmem:s18+$0xFFFFFFE0];
	[tilespmem:s16+$0x20] =	vst v1  }
0x150: {  	v1 =	vld [tilespmem:s19+$0xFFFFFFE0];
	v5 =	vadd.f32 v8, v7;
	[tilespmem:s16+$0xFFFFFFC0] =	vst v9;
	s16 =	smov.u32 s18  }
0x151: {  	v7 =	vld [tilespmem:s18+$0xFFFFFFF0];
	v0 =	vmov v3  }
0x152: {  	v8 =	vld [tilespmem:s19+$0xFFFFFFF0];
	[tilespmem:s18+$0x30] =	vst v5  }
0x153: {  	v2 =	vadd.f32 v2, v6;
	v6 =	vld [tilespmem:s18+$0x0]  }
0x154: {  	v9 =	vld [tilespmem:s19+$0x0]  }
.Ltmp10:
0x155: {  	[tilespmem:s18+$0xFFFFFFD0] =	vst v2;
	v2 =	vadd.f32 v1, v4;
	v1 =	vld [tilespmem:s18+$0x10];
	(pc) =	sbr.rel @p0 .LBB2_23-.Ltmp10, $4  }
0x156: {  	v3 =	vld [tilespmem:s19+$0x10]  }
0x157: {  	[tilespmem:s18+$0xFFFFFFE0] =	vst v2;
	v7 =	vadd.f32 v8, v7;
	v2 =	vld [tilespmem:s18+$0x20]  }
0x158: {  	v5 =	vld [tilespmem:s19+$0x20]  }
0x159: {  	s18 =	sadd.s32 $0x400, s18;
	v4 =	vld [tilespmem:s16+$0xFFFFFFC0];
	[tilespmem:s16+$0xFFFFFFF0] =	vst v7;
	v6 =	vadd.f32 v9, v6  }
0x15a: {  	s3 =	sadd.s32 $0x1, s3  }
0x15b: {  	p0 =	sne.s32 s3, $0x8  }
.Ltmp11:
0x15c: {  	v1 =	vadd.f32 v3, v1;
	(pc) =	sbr.rel @p0 .LBB2_22-.Ltmp11, $4  }
0x15d: {  	[tilespmem:s16+$0x0] =	vst v6;
	v2 =	vadd.f32 v5, v2  }
0x15e: {  	[tilespmem:s16+$0x10] =	vst v1;
	v0 =	vadd.f32 v0, v4  }
0x15f: {  	[tilespmem:s16+$0x20] =	vst v2  }
0x160: {  	s6 =	sadd.s32 $0x80, s6;
	s7 =	sadd.s32 $0x80, s7;
	[tilespmem:s16+$0xFFFFFFC0] =	vst v0  }
0x161: {  	s3 =	simm.s32 $0x0;
	s0 =	rddreg [dreg:$0x14]  }
0x162: {  	[hbm4b:s0+s3] =	stream.linear.scatter [tilespmem:s11], [sflag:$0x6], $0x2000, $0x38;
	[tilespmem:$0x14000] =	vst v63  }
0x163: {  	_ =	swait.ge [sflag:s15], $0x2000  }
0x164: {  	s30 =	sld [smem:$0x7EE]  }
0x165: {  	[sflag:s15] =	ssyncset.done $0x0  }
0x166: {  	s6 =	simm.s32 $0x4000;
	[sflag:s15] =	ssyncadd.s32 $0xFFFFE000  }
0x167: {  	[tilespmem:s6], [sflag:$0x3] =	stream.linear.gather [hbm4b:s30+s3], $0x2000, $0x38;
	[tilespmem:$0x14000] =	vst v63  }
0x168: {  	_ =	swait.ge [sflag:s9], $0x2000  }
0x169: {  	[sflag:s9] =	ssyncset.done $0x0  }
0x16a: {  	s7 =	simm.s32 $0x12040;
	s6 =	simm.s32 $0xC040;
	[sflag:s9] =	ssyncadd.s32 $0xFFFFE000  }
.LBB2_26:
0x16b: {  	v1 =	vld [tilespmem:s6+$0x30]  }
0x16c: {  	v2 =	vld [tilespmem:s7+$0x30]  }
0x16d: {  	v0 =	vld [tilespmem:s7+$0xFFFFFFC0]  }
0x16e: {  	v3 =	vld [tilespmem:s6+$0xFFFFFFD0]  }
0x16f: {  	v4 =	vld [tilespmem:s7+$0xFFFFFFD0]  }
0x170: {  	v5 =	vld [tilespmem:s6+$0xFFFFFFE0]  }
0x171: {  	v6 =	vld [tilespmem:s7+$0xFFFFFFE0]  }
0x172: {  	v7 =	vld [tilespmem:s6+$0xFFFFFFF0]  }
0x173: {  	v8 =	vld [tilespmem:s7+$0xFFFFFFF0]  }
0x174: {  	v9 =	vld [tilespmem:s6+$0x0]  }
0x175: {  	v10 =	vld [tilespmem:s7+$0x0];
	v2 =	vadd.f32 v2, v1  }
0x176: {  	v4 =	vadd.f32 v4, v3;
	v1 =	vld [tilespmem:s6+$0x10]  }
0x177: {  	v5 =	vadd.f32 v6, v5;
	v3 =	vld [tilespmem:s7+$0x10];
	[tilespmem:s6+$0x30] =	vst v2  }
0x178: {  	v6 =	vadd.f32 v8, v7;
	[tilespmem:s6+$0xFFFFFFD0] =	vst v4;
	v2 =	vld [tilespmem:s6+$0x20]  }
0x179: {  	s17 =	simm.s32 $0x0;
	[tilespmem:s6+$0xFFFFFFE0] =	vst v5;
	v5 =	vld [tilespmem:s7+$0x20]  }
0x17a: {  	s18 =	sadd.s32 $0x400, s6;
	s19 =	smov.u32 s7;
	s16 =	smov.u32 s6;
	v4 =	vld [tilespmem:s6+$0xFFFFFFC0];
	[tilespmem:s6+$0xFFFFFFF0] =	vst v6;
	v6 =	vadd.f32 v10, v9  }
.LBB2_27:
0x17b: {  	v7 =	vld [tilespmem:s18+$0x30];
	s19 =	sadd.s32 $0x400, s19  }
0x17c: {  	s17 =	sadd.s32 $0x8, s17;
	v8 =	vld [tilespmem:s19+$0x30];
	[tilespmem:s16+$0x0] =	vst v6;
	v1 =	vadd.f32 v3, v1  }
0x17d: {  	p0 =	slt.u32 s17, $0x38;
	v3 =	vld [tilespmem:s19+$0xFFFFFFC0]  }
0x17e: {  	v6 =	vld [tilespmem:s18+$0xFFFFFFD0];
	[tilespmem:s16+$0x10] =	vst v1;
	v1 =	vadd.f32 v5, v2  }
0x17f: {  	v2 =	vld [tilespmem:s19+$0xFFFFFFD0];
	v9 =	vadd.f32 v0, v4  }
0x180: {  	v4 =	vld [tilespmem:s18+$0xFFFFFFE0];
	[tilespmem:s16+$0x20] =	vst v1  }
0x181: {  	v1 =	vld [tilespmem:s19+$0xFFFFFFE0];
	v5 =	vadd.f32 v8, v7;
	[tilespmem:s16+$0xFFFFFFC0] =	vst v9;
	s16 =	smov.u32 s18  }
0x182: {  	v7 =	vld [tilespmem:s18+$0xFFFFFFF0];
	v0 =	vmov v3  }
0x183: {  	v8 =	vld [tilespmem:s19+$0xFFFFFFF0];
	[tilespmem:s18+$0x30] =	vst v5  }
0x184: {  	v2 =	vadd.f32 v2, v6;
	v6 =	vld [tilespmem:s18+$0x0]  }
0x185: {  	v9 =	vld [tilespmem:s19+$0x0]  }
.Ltmp12:
0x186: {  	[tilespmem:s18+$0xFFFFFFD0] =	vst v2;
	v2 =	vadd.f32 v1, v4;
	v1 =	vld [tilespmem:s18+$0x10];
	(pc) =	sbr.rel @p0 .LBB2_27-.Ltmp12, $4  }
0x187: {  	v3 =	vld [tilespmem:s19+$0x10]  }
0x188: {  	[tilespmem:s18+$0xFFFFFFE0] =	vst v2;
	v7 =	vadd.f32 v8, v7;
	v2 =	vld [tilespmem:s18+$0x20]  }
0x189: {  	v5 =	vld [tilespmem:s19+$0x20]  }
0x18a: {  	s18 =	sadd.s32 $0x400, s18;
	v4 =	vld [tilespmem:s16+$0xFFFFFFC0];
	[tilespmem:s16+$0xFFFFFFF0] =	vst v7;
	v6 =	vadd.f32 v9, v6  }
0x18b: {  	s3 =	sadd.s32 $0x1, s3  }
0x18c: {  	p0 =	sne.s32 s3, $0x8  }
.Ltmp13:
0x18d: {  	v1 =	vadd.f32 v3, v1;
	(pc) =	sbr.rel @p0 .LBB2_26-.Ltmp13, $4  }
0x18e: {  	[tilespmem:s16+$0x0] =	vst v6;
	v2 =	vadd.f32 v5, v2  }
0x18f: {  	[tilespmem:s16+$0x10] =	vst v1;
	v0 =	vadd.f32 v0, v4  }
0x190: {  	[tilespmem:s16+$0x20] =	vst v2  }
0x191: {  	s6 =	sadd.s32 $0x80, s6;
	s7 =	sadd.s32 $0x80, s7;
	[tilespmem:s16+$0xFFFFFFC0] =	vst v0  }
0x192: {  	s3 =	simm.s32 $0x0;
	s0 =	rddreg [dreg:$0x15]  }
0x193: {  	[hbm4b:s0+s3] =	stream.linear.scatter [tilespmem:s14], [sflag:$0x7], $0x2000, $0x38;
	[tilespmem:$0x14000] =	vst v63  }
0x194: {  	_ =	swait.ge [sflag:s23], $0x2000  }
0x195: {  	s30 =	sld [smem:$0x7F0]  }
0x196: {  	[sflag:s23] =	ssyncset.done $0x0  }
0x197: {  	s6 =	simm.s32 $0x6000;
	[sflag:s23] =	ssyncadd.s32 $0xFFFFE000  }
0x198: {  	[tilespmem:s6], [sflag:$0x4] =	stream.linear.gather [hbm4b:s30+s3], $0x2000, $0x38;
	[tilespmem:$0x14000] =	vst v63  }
0x199: {  	_ =	swait.ge [sflag:s13], $0x2000  }
0x19a: {  	[sflag:s13] =	ssyncset.done $0x0  }
0x19b: {  	s7 =	simm.s32 $0x12040;
	s6 =	simm.s32 $0xE040;
	[sflag:s13] =	ssyncadd.s32 $0xFFFFE000  }
.LBB2_30:
0x19c: {  	v1 =	vld [tilespmem:s6+$0x30]  }
0x19d: {  	v2 =	vld [tilespmem:s7+$0x30]  }
0x19e: {  	v0 =	vld [tilespmem:s7+$0xFFFFFFC0]  }
0x19f: {  	v3 =	vld [tilespmem:s6+$0xFFFFFFD0]  }
0x1a0: {  	v4 =	vld [tilespmem:s7+$0xFFFFFFD0]  }
0x1a1: {  	v5 =	vld [tilespmem:s6+$0xFFFFFFE0]  }
0x1a2: {  	v6 =	vld [tilespmem:s7+$0xFFFFFFE0]  }
0x1a3: {  	v7 =	vld [tilespmem:s6+$0xFFFFFFF0]  }
0x1a4: {  	v8 =	vld [tilespmem:s7+$0xFFFFFFF0]  }
0x1a5: {  	v9 =	vld [tilespmem:s6+$0x0]  }
0x1a6: {  	v10 =	vld [tilespmem:s7+$0x0];
	v2 =	vadd.f32 v2, v1  }
0x1a7: {  	v4 =	vadd.f32 v4, v3;
	v1 =	vld [tilespmem:s6+$0x10]  }
0x1a8: {  	v5 =	vadd.f32 v6, v5;
	v3 =	vld [tilespmem:s7+$0x10];
	[tilespmem:s6+$0x30] =	vst v2  }
0x1a9: {  	v6 =	vadd.f32 v8, v7;
	[tilespmem:s6+$0xFFFFFFD0] =	vst v4;
	v2 =	vld [tilespmem:s6+$0x20]  }
0x1aa: {  	s17 =	simm.s32 $0x0;
	[tilespmem:s6+$0xFFFFFFE0] =	vst v5;
	v5 =	vld [tilespmem:s7+$0x20]  }
0x1ab: {  	s18 =	sadd.s32 $0x400, s6;
	s19 =	smov.u32 s7;
	s16 =	smov.u32 s6;
	v4 =	vld [tilespmem:s6+$0xFFFFFFC0];
	[tilespmem:s6+$0xFFFFFFF0] =	vst v6;
	v6 =	vadd.f32 v10, v9  }
.LBB2_31:
0x1ac: {  	v7 =	vld [tilespmem:s18+$0x30];
	s19 =	sadd.s32 $0x400, s19  }
0x1ad: {  	s17 =	sadd.s32 $0x8, s17;
	v8 =	vld [tilespmem:s19+$0x30];
	[tilespmem:s16+$0x0] =	vst v6;
	v1 =	vadd.f32 v3, v1  }
0x1ae: {  	p0 =	slt.u32 s17, $0x38;
	v3 =	vld [tilespmem:s19+$0xFFFFFFC0]  }
0x1af: {  	v6 =	vld [tilespmem:s18+$0xFFFFFFD0];
	[tilespmem:s16+$0x10] =	vst v1;
	v1 =	vadd.f32 v5, v2  }
0x1b0: {  	v2 =	vld [tilespmem:s19+$0xFFFFFFD0];
	v9 =	vadd.f32 v0, v4  }
0x1b1: {  	v4 =	vld [tilespmem:s18+$0xFFFFFFE0];
	[tilespmem:s16+$0x20] =	vst v1  }
0x1b2: {  	v1 =	vld [tilespmem:s19+$0xFFFFFFE0];
	v5 =	vadd.f32 v8, v7;
	[tilespmem:s16+$0xFFFFFFC0] =	vst v9;
	s16 =	smov.u32 s18  }
0x1b3: {  	v7 =	vld [tilespmem:s18+$0xFFFFFFF0];
	v0 =	vmov v3  }
0x1b4: {  	v8 =	vld [tilespmem:s19+$0xFFFFFFF0];
	[tilespmem:s18+$0x30] =	vst v5  }
0x1b5: {  	v2 =	vadd.f32 v2, v6;
	v6 =	vld [tilespmem:s18+$0x0]  }
0x1b6: {  	v9 =	vld [tilespmem:s19+$0x0]  }
.Ltmp14:
0x1b7: {  	[tilespmem:s18+$0xFFFFFFD0] =	vst v2;
	v2 =	vadd.f32 v1, v4;
	v1 =	vld [tilespmem:s18+$0x10];
	(pc) =	sbr.rel @p0 .LBB2_31-.Ltmp14, $4  }
0x1b8: {  	v3 =	vld [tilespmem:s19+$0x10]  }
0x1b9: {  	[tilespmem:s18+$0xFFFFFFE0] =	vst v2;
	v7 =	vadd.f32 v8, v7;
	v2 =	vld [tilespmem:s18+$0x20]  }
0x1ba: {  	v5 =	vld [tilespmem:s19+$0x20]  }
0x1bb: {  	s18 =	sadd.s32 $0x400, s18;
	v4 =	vld [tilespmem:s16+$0xFFFFFFC0];
	[tilespmem:s16+$0xFFFFFFF0] =	vst v7;
	v6 =	vadd.f32 v9, v6  }
0x1bc: {  	s3 =	sadd.s32 $0x1, s3  }
0x1bd: {  	p0 =	sne.s32 s3, $0x8  }
.Ltmp15:
0x1be: {  	v1 =	vadd.f32 v3, v1;
	(pc) =	sbr.rel @p0 .LBB2_30-.Ltmp15, $4  }
0x1bf: {  	[tilespmem:s16+$0x0] =	vst v6;
	v2 =	vadd.f32 v5, v2  }
0x1c0: {  	[tilespmem:s16+$0x10] =	vst v1;
	v0 =	vadd.f32 v0, v4  }
0x1c1: {  	[tilespmem:s16+$0x20] =	vst v2  }
0x1c2: {  	s6 =	sadd.s32 $0x80, s6;
	s7 =	sadd.s32 $0x80, s7;
	[tilespmem:s16+$0xFFFFFFC0] =	vst v0  }
0x1c3: {  	s0 =	rddreg [dreg:$0x16]  }
0x1c4: {  	s30 =	sld [smem:$0x7F2]  }
0x1c5: {  	[hbm4b:s0+s5] =	stream.linear.scatter [tilespmem:s22], [sflag:$0x8], $0x2000, $0x38;
	[tilespmem:$0x14000] =	vst v63  }
0x1c6: {  	s3 =	simm.s32 $0x12000;
	s26 =	simm.s32 $0x1  }
0x1c7: {  	[tilespmem:s3], [sflag:$0xA] =	stream.linear.gather [hbm4b:s30+s5], $0x2000, $0x38;
	[tilespmem:$0x14000] =	vst v63  }
.LBB2_34:
0x1c8: {  	_ =	swait.ge [sflag:s2], $0x2000  }
0x1c9: {  	s28 =	sshll.u32 s26, $0x4;
	[sflag:s2] =	ssyncset.done $0x0;
	s0 =	rddreg [dreg:$0x4]  }
0x1ca: {  	[sflag:s2] =	ssyncadd.s32 $0xFFFFE000;
	s0 =	sor.u32 s28, s0  }
0x1cb: {  	_ =	swait.ge [sflag:s25], $0x2000;
	s16 =	sshll.u32 s0, $0x7  }
0x1cc: {  	s6 =	simm.s32 $0x0;
	[sflag:s25] =	ssyncset.done $0x0;
	s3 =	sor.u32 $0x400, s16  }
0x1cd: {  	s7 =	simm.s32 $0x8000;
	[sflag:s25] =	ssyncadd.s32 $0xFFFFE000;
	s30 =	sadd.s32 s1, s3  }
0x1ce: {  	[tilespmem:s7], [sflag:$0x5] =	stream.linear.gather [hbm4b:s30+s6], $0x2000, $0x38;
	[tilespmem:$0x14000] =	vst v63  }
0x1cf: {  	_ =	swait.ge [sflag:s8], $0x2000  }
0x1d0: {  	[sflag:s8] =	ssyncset.done $0x0  }
0x1d1: {  	s17 =	simm.s32 $0x10040;
	s7 =	simm.s32 $0x40;
	[sflag:s8] =	ssyncadd.s32 $0xFFFFE000  }
.LBB2_35:
0x1d2: {  	v1 =	vld [tilespmem:s7+$0x30]  }
0x1d3: {  	v2 =	vld [tilespmem:s17+$0x30]  }
0x1d4: {  	v0 =	vld [tilespmem:s17+$0xFFFFFFC0]  }
0x1d5: {  	v3 =	vld [tilespmem:s7+$0xFFFFFFD0]  }
0x1d6: {  	v4 =	vld [tilespmem:s17+$0xFFFFFFD0]  }
0x1d7: {  	v5 =	vld [tilespmem:s7+$0xFFFFFFE0]  }
0x1d8: {  	v6 =	vld [tilespmem:s17+$0xFFFFFFE0]  }
0x1d9: {  	v7 =	vld [tilespmem:s7+$0xFFFFFFF0]  }
0x1da: {  	v8 =	vld [tilespmem:s17+$0xFFFFFFF0]  }
0x1db: {  	v9 =	vld [tilespmem:s7+$0x0]  }
0x1dc: {  	v10 =	vld [tilespmem:s17+$0x0];
	v2 =	vadd.f32 v2, v1  }
0x1dd: {  	v4 =	vadd.f32 v4, v3;
	v1 =	vld [tilespmem:s7+$0x10]  }
0x1de: {  	v5 =	vadd.f32 v6, v5;
	v3 =	vld [tilespmem:s17+$0x10];
	[tilespmem:s7+$0x30] =	vst v2  }
0x1df: {  	v6 =	vadd.f32 v8, v7;
	[tilespmem:s7+$0xFFFFFFD0] =	vst v4;
	v2 =	vld [tilespmem:s7+$0x20]  }
0x1e0: {  	s19 =	simm.s32 $0x0;
	[tilespmem:s7+$0xFFFFFFE0] =	vst v5;
	v5 =	vld [tilespmem:s17+$0x20]  }
0x1e1: {  	s20 =	sadd.s32 $0x400, s7;
	s21 =	smov.u32 s17;
	s18 =	smov.u32 s7;
	v4 =	vld [tilespmem:s7+$0xFFFFFFC0];
	[tilespmem:s7+$0xFFFFFFF0] =	vst v6;
	v6 =	vadd.f32 v10, v9  }
.LBB2_36:
0x1e2: {  	v7 =	vld [tilespmem:s20+$0x30];
	s21 =	sadd.s32 $0x400, s21  }
0x1e3: {  	s19 =	sadd.s32 $0x8, s19;
	v8 =	vld [tilespmem:s21+$0x30];
	[tilespmem:s18+$0x0] =	vst v6;
	v1 =	vadd.f32 v3, v1  }
0x1e4: {  	p0 =	slt.u32 s19, $0x38;
	v3 =	vld [tilespmem:s21+$0xFFFFFFC0]  }
0x1e5: {  	v6 =	vld [tilespmem:s20+$0xFFFFFFD0];
	[tilespmem:s18+$0x10] =	vst v1;
	v1 =	vadd.f32 v5, v2  }
0x1e6: {  	v2 =	vld [tilespmem:s21+$0xFFFFFFD0];
	v9 =	vadd.f32 v0, v4  }
0x1e7: {  	v4 =	vld [tilespmem:s20+$0xFFFFFFE0];
	[tilespmem:s18+$0x20] =	vst v1  }
0x1e8: {  	v1 =	vld [tilespmem:s21+$0xFFFFFFE0];
	v5 =	vadd.f32 v8, v7;
	[tilespmem:s18+$0xFFFFFFC0] =	vst v9;
	s18 =	smov.u32 s20  }
0x1e9: {  	v7 =	vld [tilespmem:s20+$0xFFFFFFF0];
	v0 =	vmov v3  }
0x1ea: {  	v8 =	vld [tilespmem:s21+$0xFFFFFFF0];
	[tilespmem:s20+$0x30] =	vst v5  }
0x1eb: {  	v2 =	vadd.f32 v2, v6;
	v6 =	vld [tilespmem:s20+$0x0]  }
0x1ec: {  	v9 =	vld [tilespmem:s21+$0x0]  }
.Ltmp16:
0x1ed: {  	[tilespmem:s20+$0xFFFFFFD0] =	vst v2;
	v2 =	vadd.f32 v1, v4;
	v1 =	vld [tilespmem:s20+$0x10];
	(pc) =	sbr.rel @p0 .LBB2_36-.Ltmp16, $4  }
0x1ee: {  	v3 =	vld [tilespmem:s21+$0x10]  }
0x1ef: {  	[tilespmem:s20+$0xFFFFFFE0] =	vst v2;
	v7 =	vadd.f32 v8, v7;
	v2 =	vld [tilespmem:s20+$0x20]  }
0x1f0: {  	v5 =	vld [tilespmem:s21+$0x20]  }
0x1f1: {  	s20 =	sadd.s32 $0x400, s20;
	v4 =	vld [tilespmem:s18+$0xFFFFFFC0];
	[tilespmem:s18+$0xFFFFFFF0] =	vst v7;
	v6 =	vadd.f32 v9, v6  }
0x1f2: {  	s6 =	sadd.s32 $0x1, s6  }
0x1f3: {  	p0 =	sne.s32 s6, $0x8  }
.Ltmp17:
0x1f4: {  	v1 =	vadd.f32 v3, v1;
	(pc) =	sbr.rel @p0 .LBB2_35-.Ltmp17, $4  }
0x1f5: {  	[tilespmem:s18+$0x0] =	vst v6;
	v2 =	vadd.f32 v5, v2  }
0x1f6: {  	[tilespmem:s18+$0x10] =	vst v1;
	v0 =	vadd.f32 v0, v4  }
0x1f7: {  	[tilespmem:s18+$0x20] =	vst v2  }
0x1f8: {  	s7 =	sadd.s32 $0x80, s7;
	s17 =	sadd.s32 $0x80, s17;
	[tilespmem:s18+$0xFFFFFFC0] =	vst v0  }
0x1f9: {  	s0 =	sshll.u32 s26, $0xB;
	s6 =	rddreg [dreg:$0x5]  }
0x1fa: {  	s17 =	sadd.s32 s6, s0  }
0x1fb: {  	s7 =	simm.s32 $0x0;
	s0 =	sadd.s32 s4, s17  }
0x1fc: {  	[hbm4b:s0+s7] =	stream.linear.scatter [tilespmem:s7], [sflag:$0x1], $0x2000, $0x38;
	[tilespmem:$0x14000] =	vst v63  }
0x1fd: {  	_ =	swait.ge [sflag:s10], $0x2000  }
0x1fe: {  	s6 =	sor.u32 $0x100400, s16;
	[sflag:s10] =	ssyncset.done $0x0  }
0x1ff: {  	s30 =	sadd.s32 s1, s6;
	[sflag:s10] =	ssyncadd.s32 $0xFFFFE000  }
0x200: {  	[tilespmem:s11], [sflag:$0x6] =	stream.linear.gather [hbm4b:s30+s7], $0x2000, $0x38;
	[tilespmem:$0x14000] =	vst v63  }
0x201: {  	_ =	swait.ge [sflag:s12], $0x2000  }
0x202: {  	[sflag:s12] =	ssyncset.done $0x0  }
0x203: {  	s18 =	simm.s32 $0x2040;
	s19 =	simm.s32 $0x10040;
	[sflag:s12] =	ssyncadd.s32 $0xFFFFE000  }
.LBB2_39:
0x204: {  	v1 =	vld [tilespmem:s18+$0x30]  }
0x205: {  	v2 =	vld [tilespmem:s19+$0x30]  }
0x206: {  	v0 =	vld [tilespmem:s19+$0xFFFFFFC0]  }
0x207: {  	v3 =	vld [tilespmem:s18+$0xFFFFFFD0]  }
0x208: {  	v4 =	vld [tilespmem:s19+$0xFFFFFFD0]  }
0x209: {  	v5 =	vld [tilespmem:s18+$0xFFFFFFE0]  }
0x20a: {  	v6 =	vld [tilespmem:s19+$0xFFFFFFE0]  }
0x20b: {  	v7 =	vld [tilespmem:s18+$0xFFFFFFF0]  }
0x20c: {  	v8 =	vld [tilespmem:s19+$0xFFFFFFF0]  }
0x20d: {  	v9 =	vld [tilespmem:s18+$0x0]  }
0x20e: {  	v10 =	vld [tilespmem:s19+$0x0];
	v2 =	vadd.f32 v2, v1  }
0x20f: {  	v4 =	vadd.f32 v4, v3;
	v1 =	vld [tilespmem:s18+$0x10]  }
0x210: {  	v5 =	vadd.f32 v6, v5;
	v3 =	vld [tilespmem:s19+$0x10];
	[tilespmem:s18+$0x30] =	vst v2  }
0x211: {  	v6 =	vadd.f32 v8, v7;
	[tilespmem:s18+$0xFFFFFFD0] =	vst v4;
	v2 =	vld [tilespmem:s18+$0x20]  }
0x212: {  	s21 =	simm.s32 $0x0;
	[tilespmem:s18+$0xFFFFFFE0] =	vst v5;
	v5 =	vld [tilespmem:s19+$0x20]  }
0x213: {  	s29 =	sadd.s32 $0x400, s18;
	s30 =	smov.u32 s19;
	s20 =	smov.u32 s18;
	v4 =	vld [tilespmem:s18+$0xFFFFFFC0];
	[tilespmem:s18+$0xFFFFFFF0] =	vst v6;
	v6 =	vadd.f32 v10, v9  }
.LBB2_40:
0x214: {  	v7 =	vld [tilespmem:s29+$0x30];
	s30 =	sadd.s32 $0x400, s30  }
0x215: {  	s21 =	sadd.s32 $0x8, s21;
	v8 =	vld [tilespmem:s30+$0x30];
	[tilespmem:s20+$0x0] =	vst v6;
	v1 =	vadd.f32 v3, v1  }
0x216: {  	p0 =	slt.u32 s21, $0x38;
	v3 =	vld [tilespmem:s30+$0xFFFFFFC0]  }
0x217: {  	v6 =	vld [tilespmem:s29+$0xFFFFFFD0];
	[tilespmem:s20+$0x10] =	vst v1;
	v1 =	vadd.f32 v5, v2  }
0x218: {  	v2 =	vld [tilespmem:s30+$0xFFFFFFD0];
	v9 =	vadd.f32 v0, v4  }
0x219: {  	v4 =	vld [tilespmem:s29+$0xFFFFFFE0];
	[tilespmem:s20+$0x20] =	vst v1  }
0x21a: {  	v1 =	vld [tilespmem:s30+$0xFFFFFFE0];
	v5 =	vadd.f32 v8, v7;
	[tilespmem:s20+$0xFFFFFFC0] =	vst v9;
	s20 =	smov.u32 s29  }
0x21b: {  	v7 =	vld [tilespmem:s29+$0xFFFFFFF0];
	v0 =	vmov v3  }
0x21c: {  	v8 =	vld [tilespmem:s30+$0xFFFFFFF0];
	[tilespmem:s29+$0x30] =	vst v5  }
0x21d: {  	v2 =	vadd.f32 v2, v6;
	v6 =	vld [tilespmem:s29+$0x0]  }
0x21e: {  	v9 =	vld [tilespmem:s30+$0x0]  }
.Ltmp18:
0x21f: {  	[tilespmem:s29+$0xFFFFFFD0] =	vst v2;
	v2 =	vadd.f32 v1, v4;
	v1 =	vld [tilespmem:s29+$0x10];
	(pc) =	sbr.rel @p0 .LBB2_40-.Ltmp18, $4  }
0x220: {  	v3 =	vld [tilespmem:s30+$0x10]  }
0x221: {  	[tilespmem:s29+$0xFFFFFFE0] =	vst v2;
	v7 =	vadd.f32 v8, v7;
	v2 =	vld [tilespmem:s29+$0x20]  }
0x222: {  	v5 =	vld [tilespmem:s30+$0x20]  }
0x223: {  	s29 =	sadd.s32 $0x400, s29;
	v4 =	vld [tilespmem:s20+$0xFFFFFFC0];
	[tilespmem:s20+$0xFFFFFFF0] =	vst v7;
	v6 =	vadd.f32 v9, v6  }
0x224: {  	s7 =	sadd.s32 $0x1, s7  }
0x225: {  	p0 =	sne.s32 s7, $0x8  }
.Ltmp19:
0x226: {  	v1 =	vadd.f32 v3, v1;
	(pc) =	sbr.rel @p0 .LBB2_39-.Ltmp19, $4  }
0x227: {  	[tilespmem:s20+$0x0] =	vst v6;
	v2 =	vadd.f32 v5, v2  }
0x228: {  	[tilespmem:s20+$0x10] =	vst v1;
	v0 =	vadd.f32 v0, v4  }
0x229: {  	[tilespmem:s20+$0x20] =	vst v2  }
0x22a: {  	s18 =	sadd.s32 $0x80, s18;
	s19 =	sadd.s32 $0x80, s19;
	[tilespmem:s20+$0xFFFFFFC0] =	vst v0  }
0x22b: {  	s0 =	sld [smem:$0x7F3];
	_ =	sdelay $0x2  }
0x22c: {  	s18 =	simm.s32 $0x0;
	s0 =	sadd.s32 s17, s0  }
0x22d: {  	[hbm4b:s0+s18] =	stream.linear.scatter [tilespmem:s31], [sflag:$0x2], $0x2000, $0x38;
	[tilespmem:$0x14000] =	vst v63  }
0x22e: {  	_ =	swait.ge [sflag:s9], $0x2000  }
0x22f: {  	s7 =	sor.u32 $0x200400, s16;
	[sflag:s9] =	ssyncset.done $0x0  }
0x230: {  	s31 =	sadd.s32 s1, s7;
	[sflag:s9] =	ssyncadd.s32 $0xFFFFE000  }
0x231: {  	[tilespmem:s14], [sflag:$0x7] =	stream.linear.gather [hbm4b:s31+s18], $0x2000, $0x38;
	[tilespmem:$0x14000] =	vst v63  }
0x232: {  	_ =	swait.ge [sflag:s15], $0x2000  }
0x233: {  	[sflag:s15] =	ssyncset.done $0x0  }
0x234: {  	s19 =	simm.s32 $0x4040;
	s20 =	simm.s32 $0x10040;
	[sflag:s15] =	ssyncadd.s32 $0xFFFFE000  }
.LBB2_43:
0x235: {  	v1 =	vld [tilespmem:s19+$0x30]  }
0x236: {  	v2 =	vld [tilespmem:s20+$0x30]  }
0x237: {  	v0 =	vld [tilespmem:s20+$0xFFFFFFC0]  }
0x238: {  	v3 =	vld [tilespmem:s19+$0xFFFFFFD0]  }
0x239: {  	v4 =	vld [tilespmem:s20+$0xFFFFFFD0]  }
0x23a: {  	v5 =	vld [tilespmem:s19+$0xFFFFFFE0]  }
0x23b: {  	v6 =	vld [tilespmem:s20+$0xFFFFFFE0]  }
0x23c: {  	v7 =	vld [tilespmem:s19+$0xFFFFFFF0]  }
0x23d: {  	v8 =	vld [tilespmem:s20+$0xFFFFFFF0]  }
0x23e: {  	v9 =	vld [tilespmem:s19+$0x0]  }
0x23f: {  	v10 =	vld [tilespmem:s20+$0x0];
	v2 =	vadd.f32 v2, v1  }
0x240: {  	v4 =	vadd.f32 v4, v3;
	v1 =	vld [tilespmem:s19+$0x10]  }
0x241: {  	v5 =	vadd.f32 v6, v5;
	v3 =	vld [tilespmem:s20+$0x10];
	[tilespmem:s19+$0x30] =	vst v2  }
0x242: {  	v6 =	vadd.f32 v8, v7;
	[tilespmem:s19+$0xFFFFFFD0] =	vst v4;
	v2 =	vld [tilespmem:s19+$0x20]  }
0x243: {  	s29 =	simm.s32 $0x0;
	[tilespmem:s19+$0xFFFFFFE0] =	vst v5;
	v5 =	vld [tilespmem:s20+$0x20]  }
0x244: {  	s30 =	sadd.s32 $0x400, s19;
	s31 =	smov.u32 s20;
	s21 =	smov.u32 s19;
	v4 =	vld [tilespmem:s19+$0xFFFFFFC0];
	[tilespmem:s19+$0xFFFFFFF0] =	vst v6;
	v6 =	vadd.f32 v10, v9  }
.LBB2_44:
0x245: {  	v7 =	vld [tilespmem:s30+$0x30];
	s31 =	sadd.s32 $0x400, s31  }
0x246: {  	s29 =	sadd.s32 $0x8, s29;
	v8 =	vld [tilespmem:s31+$0x30];
	[tilespmem:s21+$0x0] =	vst v6;
	v1 =	vadd.f32 v3, v1  }
0x247: {  	p0 =	slt.u32 s29, $0x38;
	v3 =	vld [tilespmem:s31+$0xFFFFFFC0]  }
0x248: {  	v6 =	vld [tilespmem:s30+$0xFFFFFFD0];
	[tilespmem:s21+$0x10] =	vst v1;
	v1 =	vadd.f32 v5, v2  }
0x249: {  	v2 =	vld [tilespmem:s31+$0xFFFFFFD0];
	v9 =	vadd.f32 v0, v4  }
0x24a: {  	v4 =	vld [tilespmem:s30+$0xFFFFFFE0];
	[tilespmem:s21+$0x20] =	vst v1  }
0x24b: {  	v1 =	vld [tilespmem:s31+$0xFFFFFFE0];
	v5 =	vadd.f32 v8, v7;
	[tilespmem:s21+$0xFFFFFFC0] =	vst v9;
	s21 =	smov.u32 s30  }
0x24c: {  	v7 =	vld [tilespmem:s30+$0xFFFFFFF0];
	v0 =	vmov v3  }
0x24d: {  	v8 =	vld [tilespmem:s31+$0xFFFFFFF0];
	[tilespmem:s30+$0x30] =	vst v5  }
0x24e: {  	v2 =	vadd.f32 v2, v6;
	v6 =	vld [tilespmem:s30+$0x0]  }
0x24f: {  	v9 =	vld [tilespmem:s31+$0x0]  }
.Ltmp20:
0x250: {  	[tilespmem:s30+$0xFFFFFFD0] =	vst v2;
	v2 =	vadd.f32 v1, v4;
	v1 =	vld [tilespmem:s30+$0x10];
	(pc) =	sbr.rel @p0 .LBB2_44-.Ltmp20, $4  }
0x251: {  	v3 =	vld [tilespmem:s31+$0x10]  }
0x252: {  	[tilespmem:s30+$0xFFFFFFE0] =	vst v2;
	v7 =	vadd.f32 v8, v7;
	v2 =	vld [tilespmem:s30+$0x20]  }
0x253: {  	v5 =	vld [tilespmem:s31+$0x20]  }
0x254: {  	s30 =	sadd.s32 $0x400, s30;
	v4 =	vld [tilespmem:s21+$0xFFFFFFC0];
	[tilespmem:s21+$0xFFFFFFF0] =	vst v7;
	v6 =	vadd.f32 v9, v6  }
0x255: {  	s18 =	sadd.s32 $0x1, s18  }
0x256: {  	p0 =	sne.s32 s18, $0x8  }
.Ltmp21:
0x257: {  	v1 =	vadd.f32 v3, v1;
	(pc) =	sbr.rel @p0 .LBB2_43-.Ltmp21, $4  }
0x258: {  	[tilespmem:s21+$0x0] =	vst v6;
	v2 =	vadd.f32 v5, v2  }
0x259: {  	[tilespmem:s21+$0x10] =	vst v1;
	v0 =	vadd.f32 v0, v4  }
0x25a: {  	[tilespmem:s21+$0x20] =	vst v2  }
0x25b: {  	s19 =	sadd.s32 $0x80, s19;
	s20 =	sadd.s32 $0x80, s20;
	[tilespmem:s21+$0xFFFFFFC0] =	vst v0  }
0x25c: {  	s0 =	sld [smem:$0x7F4];
	_ =	sdelay $0x2  }
0x25d: {  	s18 =	simm.s32 $0x0;
	s19 =	simm.s32 $0x4000;
	s0 =	sadd.s32 s17, s0  }
0x25e: {  	[hbm4b:s0+s18] =	stream.linear.scatter [tilespmem:s19], [sflag:$0x3], $0x2000, $0x38;
	[tilespmem:$0x14000] =	vst v63  }
0x25f: {  	_ =	swait.ge [sflag:s13], $0x2000  }
0x260: {  	s16 =	sor.u32 $0x300400, s16;
	[sflag:s13] =	ssyncset.done $0x0  }
0x261: {  	s31 =	sadd.s32 s1, s16;
	[sflag:s13] =	ssyncadd.s32 $0xFFFFE000  }
0x262: {  	[tilespmem:s22], [sflag:$0x8] =	stream.linear.gather [hbm4b:s31+s18], $0x2000, $0x38;
	[tilespmem:$0x14000] =	vst v63  }
0x263: {  	_ =	swait.ge [sflag:s23], $0x2000  }
0x264: {  	[sflag:s23] =	ssyncset.done $0x0  }
0x265: {  	s20 =	simm.s32 $0x10040;
	s19 =	simm.s32 $0x6040;
	[sflag:s23] =	ssyncadd.s32 $0xFFFFE000  }
.LBB2_47:
0x266: {  	v1 =	vld [tilespmem:s19+$0x30]  }
0x267: {  	v2 =	vld [tilespmem:s20+$0x30]  }
0x268: {  	v0 =	vld [tilespmem:s20+$0xFFFFFFC0]  }
0x269: {  	v3 =	vld [tilespmem:s19+$0xFFFFFFD0]  }
0x26a: {  	v4 =	vld [tilespmem:s20+$0xFFFFFFD0]  }
0x26b: {  	v5 =	vld [tilespmem:s19+$0xFFFFFFE0]  }
0x26c: {  	v6 =	vld [tilespmem:s20+$0xFFFFFFE0]  }
0x26d: {  	v7 =	vld [tilespmem:s19+$0xFFFFFFF0]  }
0x26e: {  	v8 =	vld [tilespmem:s20+$0xFFFFFFF0]  }
0x26f: {  	v9 =	vld [tilespmem:s19+$0x0]  }
0x270: {  	v10 =	vld [tilespmem:s20+$0x0];
	v2 =	vadd.f32 v2, v1  }
0x271: {  	v4 =	vadd.f32 v4, v3;
	v1 =	vld [tilespmem:s19+$0x10]  }
0x272: {  	v5 =	vadd.f32 v6, v5;
	v3 =	vld [tilespmem:s20+$0x10];
	[tilespmem:s19+$0x30] =	vst v2  }
0x273: {  	v6 =	vadd.f32 v8, v7;
	[tilespmem:s19+$0xFFFFFFD0] =	vst v4;
	v2 =	vld [tilespmem:s19+$0x20]  }
0x274: {  	s29 =	simm.s32 $0x0;
	[tilespmem:s19+$0xFFFFFFE0] =	vst v5;
	v5 =	vld [tilespmem:s20+$0x20]  }
0x275: {  	s30 =	sadd.s32 $0x400, s19;
	s31 =	smov.u32 s20;
	s21 =	smov.u32 s19;
	v4 =	vld [tilespmem:s19+$0xFFFFFFC0];
	[tilespmem:s19+$0xFFFFFFF0] =	vst v6;
	v6 =	vadd.f32 v10, v9  }
.LBB2_48:
0x276: {  	v7 =	vld [tilespmem:s30+$0x30];
	s31 =	sadd.s32 $0x400, s31  }
0x277: {  	s29 =	sadd.s32 $0x8, s29;
	v8 =	vld [tilespmem:s31+$0x30];
	[tilespmem:s21+$0x0] =	vst v6;
	v1 =	vadd.f32 v3, v1  }
0x278: {  	p0 =	slt.u32 s29, $0x38;
	v3 =	vld [tilespmem:s31+$0xFFFFFFC0]  }
0x279: {  	v6 =	vld [tilespmem:s30+$0xFFFFFFD0];
	[tilespmem:s21+$0x10] =	vst v1;
	v1 =	vadd.f32 v5, v2  }
0x27a: {  	v2 =	vld [tilespmem:s31+$0xFFFFFFD0];
	v9 =	vadd.f32 v0, v4  }
0x27b: {  	v4 =	vld [tilespmem:s30+$0xFFFFFFE0];
	[tilespmem:s21+$0x20] =	vst v1  }
0x27c: {  	v1 =	vld [tilespmem:s31+$0xFFFFFFE0];
	v5 =	vadd.f32 v8, v7;
	[tilespmem:s21+$0xFFFFFFC0] =	vst v9;
	s21 =	smov.u32 s30  }
0x27d: {  	v7 =	vld [tilespmem:s30+$0xFFFFFFF0];
	v0 =	vmov v3  }
0x27e: {  	v8 =	vld [tilespmem:s31+$0xFFFFFFF0];
	[tilespmem:s30+$0x30] =	vst v5  }
0x27f: {  	v2 =	vadd.f32 v2, v6;
	v6 =	vld [tilespmem:s30+$0x0]  }
0x280: {  	v9 =	vld [tilespmem:s31+$0x0]  }
.Ltmp22:
0x281: {  	[tilespmem:s30+$0xFFFFFFD0] =	vst v2;
	v2 =	vadd.f32 v1, v4;
	v1 =	vld [tilespmem:s30+$0x10];
	(pc) =	sbr.rel @p0 .LBB2_48-.Ltmp22, $4  }
0x282: {  	v3 =	vld [tilespmem:s31+$0x10]  }
0x283: {  	[tilespmem:s30+$0xFFFFFFE0] =	vst v2;
	v7 =	vadd.f32 v8, v7;
	v2 =	vld [tilespmem:s30+$0x20]  }
0x284: {  	v5 =	vld [tilespmem:s31+$0x20]  }
0x285: {  	s30 =	sadd.s32 $0x400, s30;
	v4 =	vld [tilespmem:s21+$0xFFFFFFC0];
	[tilespmem:s21+$0xFFFFFFF0] =	vst v7;
	v6 =	vadd.f32 v9, v6  }
0x286: {  	s18 =	sadd.s32 $0x1, s18  }
0x287: {  	p0 =	sne.s32 s18, $0x8  }
.Ltmp23:
0x288: {  	v1 =	vadd.f32 v3, v1;
	(pc) =	sbr.rel @p0 .LBB2_47-.Ltmp23, $4  }
0x289: {  	[tilespmem:s21+$0x0] =	vst v6;
	v2 =	vadd.f32 v5, v2  }
0x28a: {  	[tilespmem:s21+$0x10] =	vst v1;
	v0 =	vadd.f32 v0, v4  }
0x28b: {  	[tilespmem:s21+$0x20] =	vst v2  }
0x28c: {  	s19 =	sadd.s32 $0x80, s19;
	s20 =	sadd.s32 $0x80, s20;
	[tilespmem:s21+$0xFFFFFFC0] =	vst v0  }
0x28d: {  	s0 =	sld [smem:$0x7F5]  }
0x28e: {  	s21 =	sld [smem:$0x7F6];
	_ =	sdelay $0x1  }
0x28f: {  	s18 =	simm.s32 $0x0  }
0x290: {  	s20 =	simm.s32 $0x6000;
	s0 =	sadd.s32 s17, s0;
	s19 =	sadd.s32 s28, s21  }
0x291: {  	[hbm4b:s0+s18] =	stream.linear.scatter [tilespmem:s20], [sflag:$0x4], $0x2000, $0x38;
	[tilespmem:$0x14000] =	vst v63  }
0x292: {  	s30 =	rddreg [dreg:$0x1];
	s17 =	sshll.u32 s19, $0x7  }
0x293: {  	s20 =	simm.s32 $0x10000;
	s0 =	sadd.s32 s30, s17  }
0x294: {  	[tilespmem:s20], [sflag:$0x9] =	stream.linear.gather [hbm4b:s0+s18], $0x2000, $0x38;
	[tilespmem:$0x14000] =	vst v63  }
0x295: {  	_ =	swait.ge [sflag:s24], $0x2000  }
0x296: {  	[sflag:s24] =	ssyncset.done $0x0  }
0x297: {  	[sflag:s24] =	ssyncadd.s32 $0xFFFFE000  }
0x298: {  	_ =	swait.ge [sflag:s8], $0x2000  }
0x299: {  	[sflag:s8] =	ssyncset.done $0x0  }
0x29a: {  	s31 =	sadd.s32 s1, s17;
	[sflag:s8] =	ssyncadd.s32 $0xFFFFE000  }
0x29b: {  	[tilespmem:s18], [sflag:$0x1] =	stream.linear.gather [hbm4b:s31+s18], $0x2000, $0x38;
	[tilespmem:$0x14000] =	vst v63  }
0x29c: {  	_ =	swait.ge [sflag:s25], $0x2000  }
0x29d: {  	[sflag:s25] =	ssyncset.done $0x0  }
0x29e: {  	s29 =	simm.s32 $0x8040;
	s0 =	simm.s32 $0x12040;
	[sflag:s25] =	ssyncadd.s32 $0xFFFFE000  }
.LBB2_51:
0x29f: {  	v1 =	vld [tilespmem:s29+$0x30]  }
0x2a0: {  	v2 =	vld [tilespmem:s0+$0x30]  }
0x2a1: {  	v0 =	vld [tilespmem:s0+$0xFFFFFFC0]  }
0x2a2: {  	v3 =	vld [tilespmem:s29+$0xFFFFFFD0]  }
0x2a3: {  	v4 =	vld [tilespmem:s0+$0xFFFFFFD0]  }
0x2a4: {  	v5 =	vld [tilespmem:s29+$0xFFFFFFE0]  }
0x2a5: {  	v6 =	vld [tilespmem:s0+$0xFFFFFFE0]  }
0x2a6: {  	v7 =	vld [tilespmem:s29+$0xFFFFFFF0]  }
0x2a7: {  	v8 =	vld [tilespmem:s0+$0xFFFFFFF0]  }
0x2a8: {  	v9 =	vld [tilespmem:s29+$0x0]  }
0x2a9: {  	v10 =	vld [tilespmem:s0+$0x0];
	v2 =	vadd.f32 v2, v1  }
0x2aa: {  	v4 =	vadd.f32 v4, v3;
	v1 =	vld [tilespmem:s29+$0x10]  }
0x2ab: {  	v5 =	vadd.f32 v6, v5;
	v3 =	vld [tilespmem:s0+$0x10];
	[tilespmem:s29+$0x30] =	vst v2  }
0x2ac: {  	v6 =	vadd.f32 v8, v7;
	[tilespmem:s29+$0xFFFFFFD0] =	vst v4;
	v2 =	vld [tilespmem:s29+$0x20]  }
0x2ad: {  	s30 =	simm.s32 $0x0;
	[tilespmem:s29+$0xFFFFFFE0] =	vst v5;
	v5 =	vld [tilespmem:s0+$0x20]  }
0x2ae: {  	s31 =	sadd.s32 $0x400, s29;
	s21 =	smov.u32 s0;
	s20 =	smov.u32 s29;
	v4 =	vld [tilespmem:s29+$0xFFFFFFC0];
	[tilespmem:s29+$0xFFFFFFF0] =	vst v6;
	v6 =	vadd.f32 v10, v9  }
.LBB2_52:
0x2af: {  	v7 =	vld [tilespmem:s31+$0x30];
	s21 =	sadd.s32 $0x400, s21  }
0x2b0: {  	s30 =	sadd.s32 $0x8, s30;
	v8 =	vld [tilespmem:s21+$0x30];
	[tilespmem:s20+$0x0] =	vst v6;
	v1 =	vadd.f32 v3, v1  }
0x2b1: {  	p0 =	slt.u32 s30, $0x38;
	v3 =	vld [tilespmem:s21+$0xFFFFFFC0]  }
0x2b2: {  	v6 =	vld [tilespmem:s31+$0xFFFFFFD0];
	[tilespmem:s20+$0x10] =	vst v1;
	v1 =	vadd.f32 v5, v2  }
0x2b3: {  	v2 =	vld [tilespmem:s21+$0xFFFFFFD0];
	v9 =	vadd.f32 v0, v4  }
0x2b4: {  	v4 =	vld [tilespmem:s31+$0xFFFFFFE0];
	[tilespmem:s20+$0x20] =	vst v1  }
0x2b5: {  	v1 =	vld [tilespmem:s21+$0xFFFFFFE0];
	v5 =	vadd.f32 v8, v7;
	[tilespmem:s20+$0xFFFFFFC0] =	vst v9;
	s20 =	smov.u32 s31  }
0x2b6: {  	v7 =	vld [tilespmem:s31+$0xFFFFFFF0];
	v0 =	vmov v3  }
0x2b7: {  	v8 =	vld [tilespmem:s21+$0xFFFFFFF0];
	[tilespmem:s31+$0x30] =	vst v5  }
0x2b8: {  	v2 =	vadd.f32 v2, v6;
	v6 =	vld [tilespmem:s31+$0x0]  }
0x2b9: {  	v9 =	vld [tilespmem:s21+$0x0]  }
.Ltmp24:
0x2ba: {  	[tilespmem:s31+$0xFFFFFFD0] =	vst v2;
	v2 =	vadd.f32 v1, v4;
	v1 =	vld [tilespmem:s31+$0x10];
	(pc) =	sbr.rel @p0 .LBB2_52-.Ltmp24, $4  }
0x2bb: {  	v3 =	vld [tilespmem:s21+$0x10]  }
0x2bc: {  	[tilespmem:s31+$0xFFFFFFE0] =	vst v2;
	v7 =	vadd.f32 v8, v7;
	v2 =	vld [tilespmem:s31+$0x20]  }
0x2bd: {  	v5 =	vld [tilespmem:s21+$0x20]  }
0x2be: {  	s31 =	sadd.s32 $0x400, s31;
	v4 =	vld [tilespmem:s20+$0xFFFFFFC0];
	[tilespmem:s20+$0xFFFFFFF0] =	vst v7;
	v6 =	vadd.f32 v9, v6  }
0x2bf: {  	s18 =	sadd.s32 $0x1, s18  }
0x2c0: {  	p0 =	sne.s32 s18, $0x8  }
.Ltmp25:
0x2c1: {  	v1 =	vadd.f32 v3, v1;
	(pc) =	sbr.rel @p0 .LBB2_51-.Ltmp25, $4  }
0x2c2: {  	[tilespmem:s20+$0x0] =	vst v6;
	v2 =	vadd.f32 v5, v2  }
0x2c3: {  	[tilespmem:s20+$0x10] =	vst v1;
	v0 =	vadd.f32 v0, v4  }
0x2c4: {  	[tilespmem:s20+$0x20] =	vst v2  }
0x2c5: {  	s29 =	sadd.s32 $0x80, s29;
	s0 =	sadd.s32 $0x80, s0;
	[tilespmem:s20+$0xFFFFFFC0] =	vst v0  }
0x2c6: {  	s0 =	sshll.u32 s19, $0xA  }
0x2c7: {  	s3 =	sadd.s32 s4, s3;
	s18 =	simm.s32 $0x0;
	s30 =	simm.s32 $0x8000  }
0x2c8: {  	[hbm4b:s3+s18] =	stream.linear.scatter [tilespmem:s30], [sflag:$0x5], $0x2000, $0x38;
	[tilespmem:$0x14000] =	vst v63  }
0x2c9: {  	s0 =	sshrl.u32 s0, $0x3;
	_ =	swait.ge [sflag:s12], $0x2000  }
0x2ca: {  	s3 =	sadd.s32 s1, s0;
	[sflag:s12] =	ssyncset.done $0x0  }
0x2cb: {  	s31 =	simm.s32 $0x2000;
	s0 =	sadd.s32 $0x100000, s3;
	[sflag:s12] =	ssyncadd.s32 $0xFFFFE000  }
0x2cc: {  	[tilespmem:s31], [sflag:$0x2] =	stream.linear.gather [hbm4b:s0+s18], $0x2000, $0x38;
	[tilespmem:$0x14000] =	vst v63  }
0x2cd: {  	_ =	swait.ge [sflag:s10], $0x2000  }
0x2ce: {  	[sflag:s10] =	ssyncset.done $0x0  }
0x2cf: {  	s19 =	simm.s32 $0xA040;
	s20 =	simm.s32 $0x12040;
	[sflag:s10] =	ssyncadd.s32 $0xFFFFE000  }
.LBB2_55:
0x2d0: {  	v1 =	vld [tilespmem:s19+$0x30]  }
0x2d1: {  	v2 =	vld [tilespmem:s20+$0x30]  }
0x2d2: {  	v0 =	vld [tilespmem:s20+$0xFFFFFFC0]  }
0x2d3: {  	v3 =	vld [tilespmem:s19+$0xFFFFFFD0]  }
0x2d4: {  	v4 =	vld [tilespmem:s20+$0xFFFFFFD0]  }
0x2d5: {  	v5 =	vld [tilespmem:s19+$0xFFFFFFE0]  }
0x2d6: {  	v6 =	vld [tilespmem:s20+$0xFFFFFFE0]  }
0x2d7: {  	v7 =	vld [tilespmem:s19+$0xFFFFFFF0]  }
0x2d8: {  	v8 =	vld [tilespmem:s20+$0xFFFFFFF0]  }
0x2d9: {  	v9 =	vld [tilespmem:s19+$0x0]  }
0x2da: {  	v10 =	vld [tilespmem:s20+$0x0];
	v2 =	vadd.f32 v2, v1  }
0x2db: {  	v4 =	vadd.f32 v4, v3;
	v1 =	vld [tilespmem:s19+$0x10]  }
0x2dc: {  	v5 =	vadd.f32 v6, v5;
	v3 =	vld [tilespmem:s20+$0x10];
	[tilespmem:s19+$0x30] =	vst v2  }
0x2dd: {  	v6 =	vadd.f32 v8, v7;
	[tilespmem:s19+$0xFFFFFFD0] =	vst v4;
	v2 =	vld [tilespmem:s19+$0x20]  }
0x2de: {  	s29 =	simm.s32 $0x0;
	[tilespmem:s19+$0xFFFFFFE0] =	vst v5;
	v5 =	vld [tilespmem:s20+$0x20]  }
0x2df: {  	s30 =	sadd.s32 $0x400, s19;
	s0 =	smov.u32 s20;
	s21 =	smov.u32 s19;
	v4 =	vld [tilespmem:s19+$0xFFFFFFC0];
	[tilespmem:s19+$0xFFFFFFF0] =	vst v6;
	v6 =	vadd.f32 v10, v9  }
.LBB2_56:
0x2e0: {  	v7 =	vld [tilespmem:s30+$0x30];
	s0 =	sadd.s32 $0x400, s0  }
0x2e1: {  	s29 =	sadd.s32 $0x8, s29;
	v8 =	vld [tilespmem:s0+$0x30];
	[tilespmem:s21+$0x0] =	vst v6;
	v1 =	vadd.f32 v3, v1  }
0x2e2: {  	p0 =	slt.u32 s29, $0x38;
	v3 =	vld [tilespmem:s0+$0xFFFFFFC0]  }
0x2e3: {  	v6 =	vld [tilespmem:s30+$0xFFFFFFD0];
	[tilespmem:s21+$0x10] =	vst v1;
	v1 =	vadd.f32 v5, v2  }
0x2e4: {  	v2 =	vld [tilespmem:s0+$0xFFFFFFD0];
	v9 =	vadd.f32 v0, v4  }
0x2e5: {  	v4 =	vld [tilespmem:s30+$0xFFFFFFE0];
	[tilespmem:s21+$0x20] =	vst v1  }
0x2e6: {  	v1 =	vld [tilespmem:s0+$0xFFFFFFE0];
	v5 =	vadd.f32 v8, v7;
	[tilespmem:s21+$0xFFFFFFC0] =	vst v9;
	s21 =	smov.u32 s30  }
0x2e7: {  	v7 =	vld [tilespmem:s30+$0xFFFFFFF0];
	v0 =	vmov v3  }
0x2e8: {  	v8 =	vld [tilespmem:s0+$0xFFFFFFF0];
	[tilespmem:s30+$0x30] =	vst v5  }
0x2e9: {  	v2 =	vadd.f32 v2, v6;
	v6 =	vld [tilespmem:s30+$0x0]  }
0x2ea: {  	v9 =	vld [tilespmem:s0+$0x0]  }
.Ltmp26:
0x2eb: {  	[tilespmem:s30+$0xFFFFFFD0] =	vst v2;
	v2 =	vadd.f32 v1, v4;
	v1 =	vld [tilespmem:s30+$0x10];
	(pc) =	sbr.rel @p0 .LBB2_56-.Ltmp26, $4  }
0x2ec: {  	v3 =	vld [tilespmem:s0+$0x10]  }
0x2ed: {  	[tilespmem:s30+$0xFFFFFFE0] =	vst v2;
	v7 =	vadd.f32 v8, v7;
	v2 =	vld [tilespmem:s30+$0x20]  }
0x2ee: {  	v5 =	vld [tilespmem:s0+$0x20]  }
0x2ef: {  	s30 =	sadd.s32 $0x400, s30;
	v4 =	vld [tilespmem:s21+$0xFFFFFFC0];
	[tilespmem:s21+$0xFFFFFFF0] =	vst v7;
	v6 =	vadd.f32 v9, v6  }
0x2f0: {  	s18 =	sadd.s32 $0x1, s18  }
0x2f1: {  	p0 =	sne.s32 s18, $0x8  }
.Ltmp27:
0x2f2: {  	v1 =	vadd.f32 v3, v1;
	(pc) =	sbr.rel @p0 .LBB2_55-.Ltmp27, $4  }
0x2f3: {  	[tilespmem:s21+$0x0] =	vst v6;
	v2 =	vadd.f32 v5, v2  }
0x2f4: {  	[tilespmem:s21+$0x10] =	vst v1;
	v0 =	vadd.f32 v0, v4  }
0x2f5: {  	[tilespmem:s21+$0x20] =	vst v2  }
0x2f6: {  	s19 =	sadd.s32 $0x80, s19;
	s20 =	sadd.s32 $0x80, s20;
	[tilespmem:s21+$0xFFFFFFC0] =	vst v0  }
0x2f7: {  	s0 =	sadd.s32 s4, s6;
	s6 =	simm.s32 $0x0  }
0x2f8: {  	[hbm4b:s0+s6] =	stream.linear.scatter [tilespmem:s11], [sflag:$0x6], $0x2000, $0x38;
	[tilespmem:$0x14000] =	vst v63  }
0x2f9: {  	_ =	swait.ge [sflag:s15], $0x2000  }
0x2fa: {  	s29 =	sld [smem:$0x7F7];
	_ =	sdelay $0x1  }
0x2fb: {  	[sflag:s15] =	ssyncset.done $0x0  }
0x2fc: {  	s30 =	simm.s32 $0x4000;
	[sflag:s15] =	ssyncadd.s32 $0xFFFFE000;
	s0 =	sadd.s32 s17, s29  }
0x2fd: {  	[tilespmem:s30], [sflag:$0x3] =	stream.linear.gather [hbm4b:s0+s6], $0x2000, $0x38;
	[tilespmem:$0x14000] =	vst v63  }
0x2fe: {  	_ =	swait.ge [sflag:s9], $0x2000  }
0x2ff: {  	[sflag:s9] =	ssyncset.done $0x0  }
0x300: {  	s18 =	simm.s32 $0x12040;
	s17 =	simm.s32 $0xC040;
	[sflag:s9] =	ssyncadd.s32 $0xFFFFE000  }
.LBB2_59:
0x301: {  	v1 =	vld [tilespmem:s17+$0x30]  }
0x302: {  	v2 =	vld [tilespmem:s18+$0x30]  }
0x303: {  	v0 =	vld [tilespmem:s18+$0xFFFFFFC0]  }
0x304: {  	v3 =	vld [tilespmem:s17+$0xFFFFFFD0]  }
0x305: {  	v4 =	vld [tilespmem:s18+$0xFFFFFFD0]  }
0x306: {  	v5 =	vld [tilespmem:s17+$0xFFFFFFE0]  }
0x307: {  	v6 =	vld [tilespmem:s18+$0xFFFFFFE0]  }
0x308: {  	v7 =	vld [tilespmem:s17+$0xFFFFFFF0]  }
0x309: {  	v8 =	vld [tilespmem:s18+$0xFFFFFFF0]  }
0x30a: {  	v9 =	vld [tilespmem:s17+$0x0]  }
0x30b: {  	v10 =	vld [tilespmem:s18+$0x0];
	v2 =	vadd.f32 v2, v1  }
0x30c: {  	v4 =	vadd.f32 v4, v3;
	v1 =	vld [tilespmem:s17+$0x10]  }
0x30d: {  	v5 =	vadd.f32 v6, v5;
	v3 =	vld [tilespmem:s18+$0x10];
	[tilespmem:s17+$0x30] =	vst v2  }
0x30e: {  	v6 =	vadd.f32 v8, v7;
	[tilespmem:s17+$0xFFFFFFD0] =	vst v4;
	v2 =	vld [tilespmem:s17+$0x20]  }
0x30f: {  	s20 =	simm.s32 $0x0;
	[tilespmem:s17+$0xFFFFFFE0] =	vst v5;
	v5 =	vld [tilespmem:s18+$0x20]  }
0x310: {  	s21 =	sadd.s32 $0x400, s17;
	s0 =	smov.u32 s18;
	s19 =	smov.u32 s17;
	v4 =	vld [tilespmem:s17+$0xFFFFFFC0];
	[tilespmem:s17+$0xFFFFFFF0] =	vst v6;
	v6 =	vadd.f32 v10, v9  }
.LBB2_60:
0x311: {  	v7 =	vld [tilespmem:s21+$0x30];
	s0 =	sadd.s32 $0x400, s0  }
0x312: {  	s20 =	sadd.s32 $0x8, s20;
	v8 =	vld [tilespmem:s0+$0x30];
	[tilespmem:s19+$0x0] =	vst v6;
	v1 =	vadd.f32 v3, v1  }
0x313: {  	p0 =	slt.u32 s20, $0x38;
	v3 =	vld [tilespmem:s0+$0xFFFFFFC0]  }
0x314: {  	v6 =	vld [tilespmem:s21+$0xFFFFFFD0];
	[tilespmem:s19+$0x10] =	vst v1;
	v1 =	vadd.f32 v5, v2  }
0x315: {  	v2 =	vld [tilespmem:s0+$0xFFFFFFD0];
	v9 =	vadd.f32 v0, v4  }
0x316: {  	v4 =	vld [tilespmem:s21+$0xFFFFFFE0];
	[tilespmem:s19+$0x20] =	vst v1  }
0x317: {  	v1 =	vld [tilespmem:s0+$0xFFFFFFE0];
	v5 =	vadd.f32 v8, v7;
	[tilespmem:s19+$0xFFFFFFC0] =	vst v9;
	s19 =	smov.u32 s21  }
0x318: {  	v7 =	vld [tilespmem:s21+$0xFFFFFFF0];
	v0 =	vmov v3  }
0x319: {  	v8 =	vld [tilespmem:s0+$0xFFFFFFF0];
	[tilespmem:s21+$0x30] =	vst v5  }
0x31a: {  	v2 =	vadd.f32 v2, v6;
	v6 =	vld [tilespmem:s21+$0x0]  }
0x31b: {  	v9 =	vld [tilespmem:s0+$0x0]  }
.Ltmp28:
0x31c: {  	[tilespmem:s21+$0xFFFFFFD0] =	vst v2;
	v2 =	vadd.f32 v1, v4;
	v1 =	vld [tilespmem:s21+$0x10];
	(pc) =	sbr.rel @p0 .LBB2_60-.Ltmp28, $4  }
0x31d: {  	v3 =	vld [tilespmem:s0+$0x10]  }
0x31e: {  	[tilespmem:s21+$0xFFFFFFE0] =	vst v2;
	v7 =	vadd.f32 v8, v7;
	v2 =	vld [tilespmem:s21+$0x20]  }
0x31f: {  	v5 =	vld [tilespmem:s0+$0x20]  }
0x320: {  	s21 =	sadd.s32 $0x400, s21;
	v4 =	vld [tilespmem:s19+$0xFFFFFFC0];
	[tilespmem:s19+$0xFFFFFFF0] =	vst v7;
	v6 =	vadd.f32 v9, v6  }
0x321: {  	s6 =	sadd.s32 $0x1, s6  }
0x322: {  	p0 =	sne.s32 s6, $0x8  }
.Ltmp29:
0x323: {  	v1 =	vadd.f32 v3, v1;
	(pc) =	sbr.rel @p0 .LBB2_59-.Ltmp29, $4  }
0x324: {  	[tilespmem:s19+$0x0] =	vst v6;
	v2 =	vadd.f32 v5, v2  }
0x325: {  	[tilespmem:s19+$0x10] =	vst v1;
	v0 =	vadd.f32 v0, v4  }
0x326: {  	[tilespmem:s19+$0x20] =	vst v2  }
0x327: {  	s17 =	sadd.s32 $0x80, s17;
	s18 =	sadd.s32 $0x80, s18;
	[tilespmem:s19+$0xFFFFFFC0] =	vst v0  }
0x328: {  	s0 =	sadd.s32 s4, s7;
	s6 =	simm.s32 $0x0  }
0x329: {  	[hbm4b:s0+s6] =	stream.linear.scatter [tilespmem:s14], [sflag:$0x7], $0x2000, $0x38;
	[tilespmem:$0x14000] =	vst v63  }
0x32a: {  	_ =	swait.ge [sflag:s23], $0x2000  }
0x32b: {  	[sflag:s23] =	ssyncset.done $0x0  }
0x32c: {  	s29 =	sadd.s32 $0x300000, s3;
	s30 =	simm.s32 $0x6000;
	[sflag:s23] =	ssyncadd.s32 $0xFFFFE000  }
0x32d: {  	[tilespmem:s30], [sflag:$0x4] =	stream.linear.gather [hbm4b:s29+s6], $0x2000, $0x38;
	[tilespmem:$0x14000] =	vst v63  }
0x32e: {  	_ =	swait.ge [sflag:s13], $0x2000  }
0x32f: {  	[sflag:s13] =	ssyncset.done $0x0  }
0x330: {  	s3 =	simm.s32 $0xE040;
	s7 =	simm.s32 $0x12040;
	[sflag:s13] =	ssyncadd.s32 $0xFFFFE000  }
.LBB2_63:
0x331: {  	v1 =	vld [tilespmem:s3+$0x30]  }
0x332: {  	v2 =	vld [tilespmem:s7+$0x30]  }
0x333: {  	v0 =	vld [tilespmem:s7+$0xFFFFFFC0]  }
0x334: {  	v3 =	vld [tilespmem:s3+$0xFFFFFFD0]  }
0x335: {  	v4 =	vld [tilespmem:s7+$0xFFFFFFD0]  }
0x336: {  	v5 =	vld [tilespmem:s3+$0xFFFFFFE0]  }
0x337: {  	v6 =	vld [tilespmem:s7+$0xFFFFFFE0]  }
0x338: {  	v7 =	vld [tilespmem:s3+$0xFFFFFFF0]  }
0x339: {  	v8 =	vld [tilespmem:s7+$0xFFFFFFF0]  }
0x33a: {  	v9 =	vld [tilespmem:s3+$0x0]  }
0x33b: {  	v10 =	vld [tilespmem:s7+$0x0];
	v2 =	vadd.f32 v2, v1  }
0x33c: {  	v4 =	vadd.f32 v4, v3;
	v1 =	vld [tilespmem:s3+$0x10]  }
0x33d: {  	v5 =	vadd.f32 v6, v5;
	v3 =	vld [tilespmem:s7+$0x10];
	[tilespmem:s3+$0x30] =	vst v2  }
0x33e: {  	v6 =	vadd.f32 v8, v7;
	[tilespmem:s3+$0xFFFFFFD0] =	vst v4;
	v2 =	vld [tilespmem:s3+$0x20]  }
0x33f: {  	s18 =	simm.s32 $0x0;
	[tilespmem:s3+$0xFFFFFFE0] =	vst v5;
	v5 =	vld [tilespmem:s7+$0x20]  }
0x340: {  	s19 =	sadd.s32 $0x400, s3;
	s0 =	smov.u32 s7;
	s17 =	smov.u32 s3;
	v4 =	vld [tilespmem:s3+$0xFFFFFFC0];
	[tilespmem:s3+$0xFFFFFFF0] =	vst v6;
	v6 =	vadd.f32 v10, v9  }
.LBB2_64:
0x341: {  	v7 =	vld [tilespmem:s19+$0x30];
	s0 =	sadd.s32 $0x400, s0  }
0x342: {  	s18 =	sadd.s32 $0x8, s18;
	v8 =	vld [tilespmem:s0+$0x30];
	[tilespmem:s17+$0x0] =	vst v6;
	v1 =	vadd.f32 v3, v1  }
0x343: {  	p0 =	slt.u32 s18, $0x38;
	v3 =	vld [tilespmem:s0+$0xFFFFFFC0]  }
0x344: {  	v6 =	vld [tilespmem:s19+$0xFFFFFFD0];
	[tilespmem:s17+$0x10] =	vst v1;
	v1 =	vadd.f32 v5, v2  }
0x345: {  	v2 =	vld [tilespmem:s0+$0xFFFFFFD0];
	v9 =	vadd.f32 v0, v4  }
0x346: {  	v4 =	vld [tilespmem:s19+$0xFFFFFFE0];
	[tilespmem:s17+$0x20] =	vst v1  }
0x347: {  	v1 =	vld [tilespmem:s0+$0xFFFFFFE0];
	v5 =	vadd.f32 v8, v7;
	[tilespmem:s17+$0xFFFFFFC0] =	vst v9;
	s17 =	smov.u32 s19  }
0x348: {  	v7 =	vld [tilespmem:s19+$0xFFFFFFF0];
	v0 =	vmov v3  }
0x349: {  	v8 =	vld [tilespmem:s0+$0xFFFFFFF0];
	[tilespmem:s19+$0x30] =	vst v5  }
0x34a: {  	v2 =	vadd.f32 v2, v6;
	v6 =	vld [tilespmem:s19+$0x0]  }
0x34b: {  	v9 =	vld [tilespmem:s0+$0x0]  }
.Ltmp30:
0x34c: {  	[tilespmem:s19+$0xFFFFFFD0] =	vst v2;
	v2 =	vadd.f32 v1, v4;
	v1 =	vld [tilespmem:s19+$0x10];
	(pc) =	sbr.rel @p0 .LBB2_64-.Ltmp30, $4  }
0x34d: {  	v3 =	vld [tilespmem:s0+$0x10]  }
0x34e: {  	[tilespmem:s19+$0xFFFFFFE0] =	vst v2;
	v7 =	vadd.f32 v8, v7;
	v2 =	vld [tilespmem:s19+$0x20]  }
0x34f: {  	v5 =	vld [tilespmem:s0+$0x20]  }
0x350: {  	s19 =	sadd.s32 $0x400, s19;
	v4 =	vld [tilespmem:s17+$0xFFFFFFC0];
	[tilespmem:s17+$0xFFFFFFF0] =	vst v7;
	v6 =	vadd.f32 v9, v6  }
0x351: {  	s6 =	sadd.s32 $0x1, s6  }
0x352: {  	p0 =	sne.s32 s6, $0x8  }
.Ltmp31:
0x353: {  	v1 =	vadd.f32 v3, v1;
	(pc) =	sbr.rel @p0 .LBB2_63-.Ltmp31, $4  }
0x354: {  	[tilespmem:s17+$0x0] =	vst v6;
	v2 =	vadd.f32 v5, v2  }
0x355: {  	[tilespmem:s17+$0x10] =	vst v1;
	v0 =	vadd.f32 v0, v4  }
0x356: {  	[tilespmem:s17+$0x20] =	vst v2  }
0x357: {  	s3 =	sadd.s32 $0x80, s3;
	s7 =	sadd.s32 $0x80, s7;
	[tilespmem:s17+$0xFFFFFFC0] =	vst v0  }
0x358: {  	s0 =	sadd.s32 s4, s16;
	s29 =	sld [smem:$0x7F8];
	s26 =	sadd.s32 $0x1, s26  }
0x359: {  	[hbm4b:s0+s5] =	stream.linear.scatter [tilespmem:s22], [sflag:$0x8], $0x2000, $0x38;
	[tilespmem:$0x14000] =	vst v63  }
0x35a: {  	p0 =	sne.s32 s26, $0xF  }
.Ltmp32:
0x35b: {  	_ = 	snop;
	(pc) =	sbr.rel @p0 .LBB2_34-.Ltmp32, $4  }
0x35c: {  	s0 =	sadd.s32 s28, s29  }
0x35d: {  	s3 =	rddreg [dreg:$0x1];
	s0 =	sshll.u32 s0, $0x7  }
0x35e: {  	s30 =	simm.s32 $0x12000;
	s0 =	sadd.s32 s3, s0  }
0x35f: {  	[tilespmem:s30], [sflag:$0xA] =	stream.linear.gather [hbm4b:s0+s5], $0x2000, $0x38;
	[tilespmem:$0x14000] =	vst v63  }
0x360: {  	_ =	swait.ge [sflag:s2], $0x2000  }
0x361: {  	[sflag:s2] =	ssyncset.done $0x0  }
0x362: {  	[sflag:s2] =	ssyncadd.s32 $0xFFFFE000  }
0x363: {  	_ =	swait.ge [sflag:s25], $0x2000  }
0x364: {  	s3 =	simm.s32 $0x0;
	[sflag:s25] =	ssyncset.done $0x0  }
0x365: {  	s6 =	simm.s32 $0x8000;
	s0 =	rddreg [dreg:$0x17];
	[sflag:s25] =	ssyncadd.s32 $0xFFFFE000  }
0x366: {  	[tilespmem:s6], [sflag:$0x5] =	stream.linear.gather [hbm4b:s0+s3], $0x2000, $0x38;
	[tilespmem:$0x14000] =	vst v63  }
0x367: {  	_ =	swait.ge [sflag:s8], $0x2000  }
0x368: {  	[sflag:s8] =	ssyncset.done $0x0  }
0x369: {  	s7 =	simm.s32 $0x10040;
	s6 =	simm.s32 $0x40;
	[sflag:s8] =	ssyncadd.s32 $0xFFFFE000  }
.LBB2_68:
0x36a: {  	v1 =	vld [tilespmem:s6+$0x30]  }
0x36b: {  	v2 =	vld [tilespmem:s7+$0x30]  }
0x36c: {  	v0 =	vld [tilespmem:s7+$0xFFFFFFC0]  }
0x36d: {  	v3 =	vld [tilespmem:s6+$0xFFFFFFD0]  }
0x36e: {  	v4 =	vld [tilespmem:s7+$0xFFFFFFD0]  }
0x36f: {  	v5 =	vld [tilespmem:s6+$0xFFFFFFE0]  }
0x370: {  	v6 =	vld [tilespmem:s7+$0xFFFFFFE0]  }
0x371: {  	v7 =	vld [tilespmem:s6+$0xFFFFFFF0]  }
0x372: {  	v8 =	vld [tilespmem:s7+$0xFFFFFFF0]  }
0x373: {  	v9 =	vld [tilespmem:s6+$0x0]  }
0x374: {  	v10 =	vld [tilespmem:s7+$0x0];
	v2 =	vadd.f32 v2, v1  }
0x375: {  	v4 =	vadd.f32 v4, v3;
	v1 =	vld [tilespmem:s6+$0x10]  }
0x376: {  	v5 =	vadd.f32 v6, v5;
	v3 =	vld [tilespmem:s7+$0x10];
	[tilespmem:s6+$0x30] =	vst v2  }
0x377: {  	v6 =	vadd.f32 v8, v7;
	[tilespmem:s6+$0xFFFFFFD0] =	vst v4;
	v2 =	vld [tilespmem:s6+$0x20]  }
0x378: {  	s17 =	simm.s32 $0x0;
	[tilespmem:s6+$0xFFFFFFE0] =	vst v5;
	v5 =	vld [tilespmem:s7+$0x20]  }
0x379: {  	s18 =	sadd.s32 $0x400, s6;
	s0 =	smov.u32 s7;
	s16 =	smov.u32 s6;
	v4 =	vld [tilespmem:s6+$0xFFFFFFC0];
	[tilespmem:s6+$0xFFFFFFF0] =	vst v6;
	v6 =	vadd.f32 v10, v9  }
.LBB2_69:
0x37a: {  	v7 =	vld [tilespmem:s18+$0x30];
	s0 =	sadd.s32 $0x400, s0  }
0x37b: {  	s17 =	sadd.s32 $0x8, s17;
	v8 =	vld [tilespmem:s0+$0x30];
	[tilespmem:s16+$0x0] =	vst v6;
	v1 =	vadd.f32 v3, v1  }
0x37c: {  	p0 =	slt.u32 s17, $0x38;
	v3 =	vld [tilespmem:s0+$0xFFFFFFC0]  }
0x37d: {  	v6 =	vld [tilespmem:s18+$0xFFFFFFD0];
	[tilespmem:s16+$0x10] =	vst v1;
	v1 =	vadd.f32 v5, v2  }
0x37e: {  	v2 =	vld [tilespmem:s0+$0xFFFFFFD0];
	v9 =	vadd.f32 v0, v4  }
0x37f: {  	v4 =	vld [tilespmem:s18+$0xFFFFFFE0];
	[tilespmem:s16+$0x20] =	vst v1  }
0x380: {  	v1 =	vld [tilespmem:s0+$0xFFFFFFE0];
	v5 =	vadd.f32 v8, v7;
	[tilespmem:s16+$0xFFFFFFC0] =	vst v9;
	s16 =	smov.u32 s18  }
0x381: {  	v7 =	vld [tilespmem:s18+$0xFFFFFFF0];
	v0 =	vmov v3  }
0x382: {  	v8 =	vld [tilespmem:s0+$0xFFFFFFF0];
	[tilespmem:s18+$0x30] =	vst v5  }
0x383: {  	v2 =	vadd.f32 v2, v6;
	v6 =	vld [tilespmem:s18+$0x0]  }
0x384: {  	v9 =	vld [tilespmem:s0+$0x0]  }
.Ltmp33:
0x385: {  	[tilespmem:s18+$0xFFFFFFD0] =	vst v2;
	v2 =	vadd.f32 v1, v4;
	v1 =	vld [tilespmem:s18+$0x10];
	(pc) =	sbr.rel @p0 .LBB2_69-.Ltmp33, $4  }
0x386: {  	v3 =	vld [tilespmem:s0+$0x10]  }
0x387: {  	[tilespmem:s18+$0xFFFFFFE0] =	vst v2;
	v7 =	vadd.f32 v8, v7;
	v2 =	vld [tilespmem:s18+$0x20]  }
0x388: {  	v5 =	vld [tilespmem:s0+$0x20]  }
0x389: {  	s18 =	sadd.s32 $0x400, s18;
	v4 =	vld [tilespmem:s16+$0xFFFFFFC0];
	[tilespmem:s16+$0xFFFFFFF0] =	vst v7;
	v6 =	vadd.f32 v9, v6  }
0x38a: {  	s3 =	sadd.s32 $0x1, s3  }
0x38b: {  	p0 =	sne.s32 s3, $0x8  }
.Ltmp34:
0x38c: {  	v1 =	vadd.f32 v3, v1;
	(pc) =	sbr.rel @p0 .LBB2_68-.Ltmp34, $4  }
0x38d: {  	[tilespmem:s16+$0x0] =	vst v6;
	v2 =	vadd.f32 v5, v2  }
0x38e: {  	[tilespmem:s16+$0x10] =	vst v1;
	v0 =	vadd.f32 v0, v4  }
0x38f: {  	[tilespmem:s16+$0x20] =	vst v2  }
0x390: {  	s6 =	sadd.s32 $0x80, s6;
	s7 =	sadd.s32 $0x80, s7;
	[tilespmem:s16+$0xFFFFFFC0] =	vst v0  }
0x391: {  	s0 =	sld [smem:$0x7F9];
	_ =	sdelay $0x1  }
0x392: {  	s3 =	simm.s32 $0x0  }
0x393: {  	[hbm4b:s0+s3] =	stream.linear.scatter [tilespmem:s3], [sflag:$0x1], $0x2000, $0x38;
	[tilespmem:$0x14000] =	vst v63  }
0x394: {  	_ =	swait.ge [sflag:s10], $0x2000  }
0x395: {  	[sflag:s10] =	ssyncset.done $0x0  }
0x396: {  	s30 =	rddreg [dreg:$0x19];
	[sflag:s10] =	ssyncadd.s32 $0xFFFFE000  }
0x397: {  	[tilespmem:s11], [sflag:$0x6] =	stream.linear.gather [hbm4b:s30+s3], $0x2000, $0x38;
	[tilespmem:$0x14000] =	vst v63  }
0x398: {  	_ =	swait.ge [sflag:s12], $0x2000  }
0x399: {  	[sflag:s12] =	ssyncset.done $0x0  }
0x39a: {  	s6 =	simm.s32 $0x2040;
	s7 =	simm.s32 $0x10040;
	[sflag:s12] =	ssyncadd.s32 $0xFFFFE000  }
.LBB2_72:
0x39b: {  	v1 =	vld [tilespmem:s6+$0x30]  }
0x39c: {  	v2 =	vld [tilespmem:s7+$0x30]  }
0x39d: {  	v0 =	vld [tilespmem:s7+$0xFFFFFFC0]  }
0x39e: {  	v3 =	vld [tilespmem:s6+$0xFFFFFFD0]  }
0x39f: {  	v4 =	vld [tilespmem:s7+$0xFFFFFFD0]  }
0x3a0: {  	v5 =	vld [tilespmem:s6+$0xFFFFFFE0]  }
0x3a1: {  	v6 =	vld [tilespmem:s7+$0xFFFFFFE0]  }
0x3a2: {  	v7 =	vld [tilespmem:s6+$0xFFFFFFF0]  }
0x3a3: {  	v8 =	vld [tilespmem:s7+$0xFFFFFFF0]  }
0x3a4: {  	v9 =	vld [tilespmem:s6+$0x0]  }
0x3a5: {  	v10 =	vld [tilespmem:s7+$0x0];
	v2 =	vadd.f32 v2, v1  }
0x3a6: {  	v4 =	vadd.f32 v4, v3;
	v1 =	vld [tilespmem:s6+$0x10]  }
0x3a7: {  	v5 =	vadd.f32 v6, v5;
	v3 =	vld [tilespmem:s7+$0x10];
	[tilespmem:s6+$0x30] =	vst v2  }
0x3a8: {  	v6 =	vadd.f32 v8, v7;
	[tilespmem:s6+$0xFFFFFFD0] =	vst v4;
	v2 =	vld [tilespmem:s6+$0x20]  }
0x3a9: {  	s17 =	simm.s32 $0x0;
	[tilespmem:s6+$0xFFFFFFE0] =	vst v5;
	v5 =	vld [tilespmem:s7+$0x20]  }
0x3aa: {  	s18 =	sadd.s32 $0x400, s6;
	s0 =	smov.u32 s7;
	s16 =	smov.u32 s6;
	v4 =	vld [tilespmem:s6+$0xFFFFFFC0];
	[tilespmem:s6+$0xFFFFFFF0] =	vst v6;
	v6 =	vadd.f32 v10, v9  }
.LBB2_73:
0x3ab: {  	v7 =	vld [tilespmem:s18+$0x30];
	s0 =	sadd.s32 $0x400, s0  }
0x3ac: {  	s17 =	sadd.s32 $0x8, s17;
	v8 =	vld [tilespmem:s0+$0x30];
	[tilespmem:s16+$0x0] =	vst v6;
	v1 =	vadd.f32 v3, v1  }
0x3ad: {  	p0 =	slt.u32 s17, $0x38;
	v3 =	vld [tilespmem:s0+$0xFFFFFFC0]  }
0x3ae: {  	v6 =	vld [tilespmem:s18+$0xFFFFFFD0];
	[tilespmem:s16+$0x10] =	vst v1;
	v1 =	vadd.f32 v5, v2  }
0x3af: {  	v2 =	vld [tilespmem:s0+$0xFFFFFFD0];
	v9 =	vadd.f32 v0, v4  }
0x3b0: {  	v4 =	vld [tilespmem:s18+$0xFFFFFFE0];
	[tilespmem:s16+$0x20] =	vst v1  }
0x3b1: {  	v1 =	vld [tilespmem:s0+$0xFFFFFFE0];
	v5 =	vadd.f32 v8, v7;
	[tilespmem:s16+$0xFFFFFFC0] =	vst v9;
	s16 =	smov.u32 s18  }
0x3b2: {  	v7 =	vld [tilespmem:s18+$0xFFFFFFF0];
	v0 =	vmov v3  }
0x3b3: {  	v8 =	vld [tilespmem:s0+$0xFFFFFFF0];
	[tilespmem:s18+$0x30] =	vst v5  }
0x3b4: {  	v2 =	vadd.f32 v2, v6;
	v6 =	vld [tilespmem:s18+$0x0]  }
0x3b5: {  	v9 =	vld [tilespmem:s0+$0x0]  }
.Ltmp35:
0x3b6: {  	[tilespmem:s18+$0xFFFFFFD0] =	vst v2;
	v2 =	vadd.f32 v1, v4;
	v1 =	vld [tilespmem:s18+$0x10];
	(pc) =	sbr.rel @p0 .LBB2_73-.Ltmp35, $4  }
0x3b7: {  	v3 =	vld [tilespmem:s0+$0x10]  }
0x3b8: {  	[tilespmem:s18+$0xFFFFFFE0] =	vst v2;
	v7 =	vadd.f32 v8, v7;
	v2 =	vld [tilespmem:s18+$0x20]  }
0x3b9: {  	v5 =	vld [tilespmem:s0+$0x20]  }
0x3ba: {  	s18 =	sadd.s32 $0x400, s18;
	v4 =	vld [tilespmem:s16+$0xFFFFFFC0];
	[tilespmem:s16+$0xFFFFFFF0] =	vst v7;
	v6 =	vadd.f32 v9, v6  }
0x3bb: {  	s3 =	sadd.s32 $0x1, s3  }
0x3bc: {  	p0 =	sne.s32 s3, $0x8  }
.Ltmp36:
0x3bd: {  	v1 =	vadd.f32 v3, v1;
	(pc) =	sbr.rel @p0 .LBB2_72-.Ltmp36, $4  }
0x3be: {  	[tilespmem:s16+$0x0] =	vst v6;
	v2 =	vadd.f32 v5, v2  }
0x3bf: {  	[tilespmem:s16+$0x10] =	vst v1;
	v0 =	vadd.f32 v0, v4  }
0x3c0: {  	[tilespmem:s16+$0x20] =	vst v2  }
0x3c1: {  	s6 =	sadd.s32 $0x80, s6;
	s7 =	sadd.s32 $0x80, s7;
	[tilespmem:s16+$0xFFFFFFC0] =	vst v0  }
0x3c2: {  	s0 =	sld [smem:$0x7FA];
	_ =	sdelay $0x1  }
0x3c3: {  	s3 =	simm.s32 $0x0  }
0x3c4: {  	[hbm4b:s0+s3] =	stream.linear.scatter [tilespmem:s31], [sflag:$0x2], $0x2000, $0x38;
	[tilespmem:$0x14000] =	vst v63  }
0x3c5: {  	_ =	swait.ge [sflag:s9], $0x2000  }
0x3c6: {  	[sflag:s9] =	ssyncset.done $0x0  }
0x3c7: {  	s30 =	rddreg [dreg:$0x1b];
	[sflag:s9] =	ssyncadd.s32 $0xFFFFE000  }
0x3c8: {  	[tilespmem:s14], [sflag:$0x7] =	stream.linear.gather [hbm4b:s30+s3], $0x2000, $0x38;
	[tilespmem:$0x14000] =	vst v63  }
0x3c9: {  	_ =	swait.ge [sflag:s15], $0x2000  }
0x3ca: {  	[sflag:s15] =	ssyncset.done $0x0  }
0x3cb: {  	s6 =	simm.s32 $0x4040;
	s7 =	simm.s32 $0x10040;
	[sflag:s15] =	ssyncadd.s32 $0xFFFFE000  }
.LBB2_76:
0x3cc: {  	v1 =	vld [tilespmem:s6+$0x30]  }
0x3cd: {  	v2 =	vld [tilespmem:s7+$0x30]  }
0x3ce: {  	v0 =	vld [tilespmem:s7+$0xFFFFFFC0]  }
0x3cf: {  	v3 =	vld [tilespmem:s6+$0xFFFFFFD0]  }
0x3d0: {  	v4 =	vld [tilespmem:s7+$0xFFFFFFD0]  }
0x3d1: {  	v5 =	vld [tilespmem:s6+$0xFFFFFFE0]  }
0x3d2: {  	v6 =	vld [tilespmem:s7+$0xFFFFFFE0]  }
0x3d3: {  	v7 =	vld [tilespmem:s6+$0xFFFFFFF0]  }
0x3d4: {  	v8 =	vld [tilespmem:s7+$0xFFFFFFF0]  }
0x3d5: {  	v9 =	vld [tilespmem:s6+$0x0]  }
0x3d6: {  	v10 =	vld [tilespmem:s7+$0x0];
	v2 =	vadd.f32 v2, v1  }
0x3d7: {  	v4 =	vadd.f32 v4, v3;
	v1 =	vld [tilespmem:s6+$0x10]  }
0x3d8: {  	v5 =	vadd.f32 v6, v5;
	v3 =	vld [tilespmem:s7+$0x10];
	[tilespmem:s6+$0x30] =	vst v2  }
0x3d9: {  	v6 =	vadd.f32 v8, v7;
	[tilespmem:s6+$0xFFFFFFD0] =	vst v4;
	v2 =	vld [tilespmem:s6+$0x20]  }
0x3da: {  	s17 =	simm.s32 $0x0;
	[tilespmem:s6+$0xFFFFFFE0] =	vst v5;
	v5 =	vld [tilespmem:s7+$0x20]  }
0x3db: {  	s18 =	sadd.s32 $0x400, s6;
	s0 =	smov.u32 s7;
	s16 =	smov.u32 s6;
	v4 =	vld [tilespmem:s6+$0xFFFFFFC0];
	[tilespmem:s6+$0xFFFFFFF0] =	vst v6;
	v6 =	vadd.f32 v10, v9  }
.LBB2_77:
0x3dc: {  	v7 =	vld [tilespmem:s18+$0x30];
	s0 =	sadd.s32 $0x400, s0  }
0x3dd: {  	s17 =	sadd.s32 $0x8, s17;
	v8 =	vld [tilespmem:s0+$0x30];
	[tilespmem:s16+$0x0] =	vst v6;
	v1 =	vadd.f32 v3, v1  }
0x3de: {  	p0 =	slt.u32 s17, $0x38;
	v3 =	vld [tilespmem:s0+$0xFFFFFFC0]  }
0x3df: {  	v6 =	vld [tilespmem:s18+$0xFFFFFFD0];
	[tilespmem:s16+$0x10] =	vst v1;
	v1 =	vadd.f32 v5, v2  }
0x3e0: {  	v2 =	vld [tilespmem:s0+$0xFFFFFFD0];
	v9 =	vadd.f32 v0, v4  }
0x3e1: {  	v4 =	vld [tilespmem:s18+$0xFFFFFFE0];
	[tilespmem:s16+$0x20] =	vst v1  }
0x3e2: {  	v1 =	vld [tilespmem:s0+$0xFFFFFFE0];
	v5 =	vadd.f32 v8, v7;
	[tilespmem:s16+$0xFFFFFFC0] =	vst v9;
	s16 =	smov.u32 s18  }
0x3e3: {  	v7 =	vld [tilespmem:s18+$0xFFFFFFF0];
	v0 =	vmov v3  }
0x3e4: {  	v8 =	vld [tilespmem:s0+$0xFFFFFFF0];
	[tilespmem:s18+$0x30] =	vst v5  }
0x3e5: {  	v2 =	vadd.f32 v2, v6;
	v6 =	vld [tilespmem:s18+$0x0]  }
0x3e6: {  	v9 =	vld [tilespmem:s0+$0x0]  }
.Ltmp37:
0x3e7: {  	[tilespmem:s18+$0xFFFFFFD0] =	vst v2;
	v2 =	vadd.f32 v1, v4;
	v1 =	vld [tilespmem:s18+$0x10];
	(pc) =	sbr.rel @p0 .LBB2_77-.Ltmp37, $4  }
0x3e8: {  	v3 =	vld [tilespmem:s0+$0x10]  }
0x3e9: {  	[tilespmem:s18+$0xFFFFFFE0] =	vst v2;
	v7 =	vadd.f32 v8, v7;
	v2 =	vld [tilespmem:s18+$0x20]  }
0x3ea: {  	v5 =	vld [tilespmem:s0+$0x20]  }
0x3eb: {  	s18 =	sadd.s32 $0x400, s18;
	v4 =	vld [tilespmem:s16+$0xFFFFFFC0];
	[tilespmem:s16+$0xFFFFFFF0] =	vst v7;
	v6 =	vadd.f32 v9, v6  }
0x3ec: {  	s3 =	sadd.s32 $0x1, s3  }
0x3ed: {  	p0 =	sne.s32 s3, $0x8  }
.Ltmp38:
0x3ee: {  	v1 =	vadd.f32 v3, v1;
	(pc) =	sbr.rel @p0 .LBB2_76-.Ltmp38, $4  }
0x3ef: {  	[tilespmem:s16+$0x0] =	vst v6;
	v2 =	vadd.f32 v5, v2  }
0x3f0: {  	[tilespmem:s16+$0x10] =	vst v1;
	v0 =	vadd.f32 v0, v4  }
0x3f1: {  	[tilespmem:s16+$0x20] =	vst v2  }
0x3f2: {  	s6 =	sadd.s32 $0x80, s6;
	s7 =	sadd.s32 $0x80, s7;
	[tilespmem:s16+$0xFFFFFFC0] =	vst v0  }
0x3f3: {  	s0 =	sld [smem:$0x7FB];
	_ =	sdelay $0x1  }
0x3f4: {  	s3 =	simm.s32 $0x0;
	s6 =	simm.s32 $0x4000  }
0x3f5: {  	[hbm4b:s0+s3] =	stream.linear.scatter [tilespmem:s6], [sflag:$0x3], $0x2000, $0x38;
	[tilespmem:$0x14000] =	vst v63  }
0x3f6: {  	_ =	swait.ge [sflag:s13], $0x2000  }
0x3f7: {  	[sflag:s13] =	ssyncset.done $0x0  }
0x3f8: {  	s30 =	rddreg [dreg:$0x1d];
	[sflag:s13] =	ssyncadd.s32 $0xFFFFE000  }
0x3f9: {  	[tilespmem:s22], [sflag:$0x8] =	stream.linear.gather [hbm4b:s30+s3], $0x2000, $0x38;
	[tilespmem:$0x14000] =	vst v63  }
0x3fa: {  	_ =	swait.ge [sflag:s23], $0x2000  }
0x3fb: {  	[sflag:s23] =	ssyncset.done $0x0  }
0x3fc: {  	s7 =	simm.s32 $0x10040;
	s6 =	simm.s32 $0x6040;
	[sflag:s23] =	ssyncadd.s32 $0xFFFFE000  }
.LBB2_80:
0x3fd: {  	v1 =	vld [tilespmem:s6+$0x30]  }
0x3fe: {  	v2 =	vld [tilespmem:s7+$0x30]  }
0x3ff: {  	v0 =	vld [tilespmem:s7+$0xFFFFFFC0]  }
0x400: {  	v3 =	vld [tilespmem:s6+$0xFFFFFFD0]  }
0x401: {  	v4 =	vld [tilespmem:s7+$0xFFFFFFD0]  }
0x402: {  	v5 =	vld [tilespmem:s6+$0xFFFFFFE0]  }
0x403: {  	v6 =	vld [tilespmem:s7+$0xFFFFFFE0]  }
0x404: {  	v7 =	vld [tilespmem:s6+$0xFFFFFFF0]  }
0x405: {  	v8 =	vld [tilespmem:s7+$0xFFFFFFF0]  }
0x406: {  	v9 =	vld [tilespmem:s6+$0x0]  }
0x407: {  	v10 =	vld [tilespmem:s7+$0x0];
	v2 =	vadd.f32 v2, v1  }
0x408: {  	v4 =	vadd.f32 v4, v3;
	v1 =	vld [tilespmem:s6+$0x10]  }
0x409: {  	v5 =	vadd.f32 v6, v5;
	v3 =	vld [tilespmem:s7+$0x10];
	[tilespmem:s6+$0x30] =	vst v2  }
0x40a: {  	v6 =	vadd.f32 v8, v7;
	[tilespmem:s6+$0xFFFFFFD0] =	vst v4;
	v2 =	vld [tilespmem:s6+$0x20]  }
0x40b: {  	s17 =	simm.s32 $0x0;
	[tilespmem:s6+$0xFFFFFFE0] =	vst v5;
	v5 =	vld [tilespmem:s7+$0x20]  }
0x40c: {  	s18 =	sadd.s32 $0x400, s6;
	s0 =	smov.u32 s7;
	s16 =	smov.u32 s6;
	v4 =	vld [tilespmem:s6+$0xFFFFFFC0];
	[tilespmem:s6+$0xFFFFFFF0] =	vst v6;
	v6 =	vadd.f32 v10, v9  }
.LBB2_81:
0x40d: {  	v7 =	vld [tilespmem:s18+$0x30];
	s0 =	sadd.s32 $0x400, s0  }
0x40e: {  	s17 =	sadd.s32 $0x8, s17;
	v8 =	vld [tilespmem:s0+$0x30];
	[tilespmem:s16+$0x0] =	vst v6;
	v1 =	vadd.f32 v3, v1  }
0x40f: {  	p0 =	slt.u32 s17, $0x38;
	v3 =	vld [tilespmem:s0+$0xFFFFFFC0]  }
0x410: {  	v6 =	vld [tilespmem:s18+$0xFFFFFFD0];
	[tilespmem:s16+$0x10] =	vst v1;
	v1 =	vadd.f32 v5, v2  }
0x411: {  	v2 =	vld [tilespmem:s0+$0xFFFFFFD0];
	v9 =	vadd.f32 v0, v4  }
0x412: {  	v4 =	vld [tilespmem:s18+$0xFFFFFFE0];
	[tilespmem:s16+$0x20] =	vst v1  }
0x413: {  	v1 =	vld [tilespmem:s0+$0xFFFFFFE0];
	v5 =	vadd.f32 v8, v7;
	[tilespmem:s16+$0xFFFFFFC0] =	vst v9;
	s16 =	smov.u32 s18  }
0x414: {  	v7 =	vld [tilespmem:s18+$0xFFFFFFF0];
	v0 =	vmov v3  }
0x415: {  	v8 =	vld [tilespmem:s0+$0xFFFFFFF0];
	[tilespmem:s18+$0x30] =	vst v5  }
0x416: {  	v2 =	vadd.f32 v2, v6;
	v6 =	vld [tilespmem:s18+$0x0]  }
0x417: {  	v9 =	vld [tilespmem:s0+$0x0]  }
.Ltmp39:
0x418: {  	[tilespmem:s18+$0xFFFFFFD0] =	vst v2;
	v2 =	vadd.f32 v1, v4;
	v1 =	vld [tilespmem:s18+$0x10];
	(pc) =	sbr.rel @p0 .LBB2_81-.Ltmp39, $4  }
0x419: {  	v3 =	vld [tilespmem:s0+$0x10]  }
0x41a: {  	[tilespmem:s18+$0xFFFFFFE0] =	vst v2;
	v7 =	vadd.f32 v8, v7;
	v2 =	vld [tilespmem:s18+$0x20]  }
0x41b: {  	v5 =	vld [tilespmem:s0+$0x20]  }
0x41c: {  	s18 =	sadd.s32 $0x400, s18;
	v4 =	vld [tilespmem:s16+$0xFFFFFFC0];
	[tilespmem:s16+$0xFFFFFFF0] =	vst v7;
	v6 =	vadd.f32 v9, v6  }
0x41d: {  	s3 =	sadd.s32 $0x1, s3  }
0x41e: {  	p0 =	sne.s32 s3, $0x8  }
.Ltmp40:
0x41f: {  	v1 =	vadd.f32 v3, v1;
	(pc) =	sbr.rel @p0 .LBB2_80-.Ltmp40, $4  }
0x420: {  	[tilespmem:s16+$0x0] =	vst v6;
	v2 =	vadd.f32 v5, v2  }
0x421: {  	[tilespmem:s16+$0x10] =	vst v1;
	v0 =	vadd.f32 v0, v4  }
0x422: {  	[tilespmem:s16+$0x20] =	vst v2  }
0x423: {  	s6 =	sadd.s32 $0x80, s6;
	s7 =	sadd.s32 $0x80, s7;
	[tilespmem:s16+$0xFFFFFFC0] =	vst v0  }
0x424: {  	s0 =	sld [smem:$0x7FD];
	_ =	sdelay $0x1  }
0x425: {  	s3 =	simm.s32 $0x0;
	s6 =	simm.s32 $0x6000  }
0x426: {  	[hbm4b:s0+s3] =	stream.linear.scatter [tilespmem:s6], [sflag:$0x4], $0x2000, $0x38;
	[tilespmem:$0x14000] =	vst v63  }
0x427: {  	_ =	swait.ge [sflag:s24], $0x2000  }
0x428: {  	[sflag:s24] =	ssyncset.done $0x0  }
0x429: {  	[sflag:s24] =	ssyncadd.s32 $0xFFFFE000  }
0x42a: {  	_ =	swait.ge [sflag:s8], $0x2000  }
0x42b: {  	[sflag:s8] =	ssyncset.done $0x0  }
0x42c: {  	[sflag:s8] =	ssyncadd.s32 $0xFFFFE000  }
0x42d: {  	_ =	swait.ge [sflag:s25], $0x2000  }
0x42e: {  	[sflag:s25] =	ssyncset.done $0x0  }
0x42f: {  	s7 =	simm.s32 $0x12040;
	s6 =	simm.s32 $0x8040;
	[sflag:s25] =	ssyncadd.s32 $0xFFFFE000  }
.LBB2_84:
0x430: {  	v1 =	vld [tilespmem:s6+$0x30]  }
0x431: {  	v2 =	vld [tilespmem:s7+$0x30]  }
0x432: {  	v0 =	vld [tilespmem:s7+$0xFFFFFFC0]  }
0x433: {  	v3 =	vld [tilespmem:s6+$0xFFFFFFD0]  }
0x434: {  	v4 =	vld [tilespmem:s7+$0xFFFFFFD0]  }
0x435: {  	v5 =	vld [tilespmem:s6+$0xFFFFFFE0]  }
0x436: {  	v6 =	vld [tilespmem:s7+$0xFFFFFFE0]  }
0x437: {  	v7 =	vld [tilespmem:s6+$0xFFFFFFF0]  }
0x438: {  	v8 =	vld [tilespmem:s7+$0xFFFFFFF0]  }
0x439: {  	v9 =	vld [tilespmem:s6+$0x0]  }
0x43a: {  	v10 =	vld [tilespmem:s7+$0x0];
	v2 =	vadd.f32 v2, v1  }
0x43b: {  	v4 =	vadd.f32 v4, v3;
	v1 =	vld [tilespmem:s6+$0x10]  }
0x43c: {  	v5 =	vadd.f32 v6, v5;
	v3 =	vld [tilespmem:s7+$0x10];
	[tilespmem:s6+$0x30] =	vst v2  }
0x43d: {  	v6 =	vadd.f32 v8, v7;
	[tilespmem:s6+$0xFFFFFFD0] =	vst v4;
	v2 =	vld [tilespmem:s6+$0x20]  }
0x43e: {  	s17 =	simm.s32 $0x0;
	[tilespmem:s6+$0xFFFFFFE0] =	vst v5;
	v5 =	vld [tilespmem:s7+$0x20]  }
0x43f: {  	s18 =	sadd.s32 $0x400, s6;
	s0 =	smov.u32 s7;
	s16 =	smov.u32 s6;
	v4 =	vld [tilespmem:s6+$0xFFFFFFC0];
	[tilespmem:s6+$0xFFFFFFF0] =	vst v6;
	v6 =	vadd.f32 v10, v9  }
.LBB2_85:
0x440: {  	v7 =	vld [tilespmem:s18+$0x30];
	s0 =	sadd.s32 $0x400, s0  }
0x441: {  	s17 =	sadd.s32 $0x8, s17;
	v8 =	vld [tilespmem:s0+$0x30];
	[tilespmem:s16+$0x0] =	vst v6;
	v1 =	vadd.f32 v3, v1  }
0x442: {  	p0 =	slt.u32 s17, $0x38;
	v3 =	vld [tilespmem:s0+$0xFFFFFFC0]  }
0x443: {  	v6 =	vld [tilespmem:s18+$0xFFFFFFD0];
	[tilespmem:s16+$0x10] =	vst v1;
	v1 =	vadd.f32 v5, v2  }
0x444: {  	v2 =	vld [tilespmem:s0+$0xFFFFFFD0];
	v9 =	vadd.f32 v0, v4  }
0x445: {  	v4 =	vld [tilespmem:s18+$0xFFFFFFE0];
	[tilespmem:s16+$0x20] =	vst v1  }
0x446: {  	v1 =	vld [tilespmem:s0+$0xFFFFFFE0];
	v5 =	vadd.f32 v8, v7;
	[tilespmem:s16+$0xFFFFFFC0] =	vst v9;
	s16 =	smov.u32 s18  }
0x447: {  	v7 =	vld [tilespmem:s18+$0xFFFFFFF0];
	v0 =	vmov v3  }
0x448: {  	v8 =	vld [tilespmem:s0+$0xFFFFFFF0];
	[tilespmem:s18+$0x30] =	vst v5  }
0x449: {  	v2 =	vadd.f32 v2, v6;
	v6 =	vld [tilespmem:s18+$0x0]  }
0x44a: {  	v9 =	vld [tilespmem:s0+$0x0]  }
.Ltmp41:
0x44b: {  	[tilespmem:s18+$0xFFFFFFD0] =	vst v2;
	v2 =	vadd.f32 v1, v4;
	v1 =	vld [tilespmem:s18+$0x10];
	(pc) =	sbr.rel @p0 .LBB2_85-.Ltmp41, $4  }
0x44c: {  	v3 =	vld [tilespmem:s0+$0x10]  }
0x44d: {  	[tilespmem:s18+$0xFFFFFFE0] =	vst v2;
	v7 =	vadd.f32 v8, v7;
	v2 =	vld [tilespmem:s18+$0x20]  }
0x44e: {  	v5 =	vld [tilespmem:s0+$0x20]  }
0x44f: {  	s18 =	sadd.s32 $0x400, s18;
	v4 =	vld [tilespmem:s16+$0xFFFFFFC0];
	[tilespmem:s16+$0xFFFFFFF0] =	vst v7;
	v6 =	vadd.f32 v9, v6  }
0x450: {  	s3 =	sadd.s32 $0x1, s3  }
0x451: {  	p0 =	sne.s32 s3, $0x8  }
.Ltmp42:
0x452: {  	v1 =	vadd.f32 v3, v1;
	(pc) =	sbr.rel @p0 .LBB2_84-.Ltmp42, $4  }
0x453: {  	[tilespmem:s16+$0x0] =	vst v6;
	v2 =	vadd.f32 v5, v2  }
0x454: {  	[tilespmem:s16+$0x10] =	vst v1;
	v0 =	vadd.f32 v0, v4  }
0x455: {  	[tilespmem:s16+$0x20] =	vst v2  }
0x456: {  	s6 =	sadd.s32 $0x80, s6;
	s7 =	sadd.s32 $0x80, s7;
	[tilespmem:s16+$0xFFFFFFC0] =	vst v0  }
0x457: {  	s3 =	simm.s32 $0x0;
	s0 =	rddreg [dreg:$0x18];
	s6 =	simm.s32 $0x8000  }
0x458: {  	[hbm4b:s0+s3] =	stream.linear.scatter [tilespmem:s6], [sflag:$0x5], $0x2000, $0x38;
	[tilespmem:$0x14000] =	vst v63  }
0x459: {  	_ =	swait.ge [sflag:s12], $0x2000  }
0x45a: {  	[sflag:s12] =	ssyncset.done $0x0  }
0x45b: {  	[sflag:s12] =	ssyncadd.s32 $0xFFFFE000  }
0x45c: {  	_ =	swait.ge [sflag:s10], $0x2000  }
0x45d: {  	[sflag:s10] =	ssyncset.done $0x0  }
0x45e: {  	s7 =	simm.s32 $0x12040;
	s6 =	simm.s32 $0xA040;
	[sflag:s10] =	ssyncadd.s32 $0xFFFFE000  }
.LBB2_88:
0x45f: {  	v1 =	vld [tilespmem:s6+$0x30]  }
0x460: {  	v2 =	vld [tilespmem:s7+$0x30]  }
0x461: {  	v0 =	vld [tilespmem:s7+$0xFFFFFFC0]  }
0x462: {  	v3 =	vld [tilespmem:s6+$0xFFFFFFD0]  }
0x463: {  	v4 =	vld [tilespmem:s7+$0xFFFFFFD0]  }
0x464: {  	v5 =	vld [tilespmem:s6+$0xFFFFFFE0]  }
0x465: {  	v6 =	vld [tilespmem:s7+$0xFFFFFFE0]  }
0x466: {  	v7 =	vld [tilespmem:s6+$0xFFFFFFF0]  }
0x467: {  	v8 =	vld [tilespmem:s7+$0xFFFFFFF0]  }
0x468: {  	v9 =	vld [tilespmem:s6+$0x0]  }
0x469: {  	v10 =	vld [tilespmem:s7+$0x0];
	v2 =	vadd.f32 v2, v1  }
0x46a: {  	v4 =	vadd.f32 v4, v3;
	v1 =	vld [tilespmem:s6+$0x10]  }
0x46b: {  	v5 =	vadd.f32 v6, v5;
	v3 =	vld [tilespmem:s7+$0x10];
	[tilespmem:s6+$0x30] =	vst v2  }
0x46c: {  	v6 =	vadd.f32 v8, v7;
	[tilespmem:s6+$0xFFFFFFD0] =	vst v4;
	v2 =	vld [tilespmem:s6+$0x20]  }
0x46d: {  	s17 =	simm.s32 $0x0;
	[tilespmem:s6+$0xFFFFFFE0] =	vst v5;
	v5 =	vld [tilespmem:s7+$0x20]  }
0x46e: {  	s18 =	sadd.s32 $0x400, s6;
	s0 =	smov.u32 s7;
	s16 =	smov.u32 s6;
	v4 =	vld [tilespmem:s6+$0xFFFFFFC0];
	[tilespmem:s6+$0xFFFFFFF0] =	vst v6;
	v6 =	vadd.f32 v10, v9  }
.LBB2_89:
0x46f: {  	v7 =	vld [tilespmem:s18+$0x30];
	s0 =	sadd.s32 $0x400, s0  }
0x470: {  	s17 =	sadd.s32 $0x8, s17;
	v8 =	vld [tilespmem:s0+$0x30];
	[tilespmem:s16+$0x0] =	vst v6;
	v1 =	vadd.f32 v3, v1  }
0x471: {  	p0 =	slt.u32 s17, $0x38;
	v3 =	vld [tilespmem:s0+$0xFFFFFFC0]  }
0x472: {  	v6 =	vld [tilespmem:s18+$0xFFFFFFD0];
	[tilespmem:s16+$0x10] =	vst v1;
	v1 =	vadd.f32 v5, v2  }
0x473: {  	v2 =	vld [tilespmem:s0+$0xFFFFFFD0];
	v9 =	vadd.f32 v0, v4  }
0x474: {  	v4 =	vld [tilespmem:s18+$0xFFFFFFE0];
	[tilespmem:s16+$0x20] =	vst v1  }
0x475: {  	v1 =	vld [tilespmem:s0+$0xFFFFFFE0];
	v5 =	vadd.f32 v8, v7;
	[tilespmem:s16+$0xFFFFFFC0] =	vst v9;
	s16 =	smov.u32 s18  }
0x476: {  	v7 =	vld [tilespmem:s18+$0xFFFFFFF0];
	v0 =	vmov v3  }
0x477: {  	v8 =	vld [tilespmem:s0+$0xFFFFFFF0];
	[tilespmem:s18+$0x30] =	vst v5  }
0x478: {  	v2 =	vadd.f32 v2, v6;
	v6 =	vld [tilespmem:s18+$0x0]  }
0x479: {  	v9 =	vld [tilespmem:s0+$0x0]  }
.Ltmp43:
0x47a: {  	[tilespmem:s18+$0xFFFFFFD0] =	vst v2;
	v2 =	vadd.f32 v1, v4;
	v1 =	vld [tilespmem:s18+$0x10];
	(pc) =	sbr.rel @p0 .LBB2_89-.Ltmp43, $4  }
0x47b: {  	v3 =	vld [tilespmem:s0+$0x10]  }
0x47c: {  	[tilespmem:s18+$0xFFFFFFE0] =	vst v2;
	v7 =	vadd.f32 v8, v7;
	v2 =	vld [tilespmem:s18+$0x20]  }
0x47d: {  	v5 =	vld [tilespmem:s0+$0x20]  }
0x47e: {  	s18 =	sadd.s32 $0x400, s18;
	v4 =	vld [tilespmem:s16+$0xFFFFFFC0];
	[tilespmem:s16+$0xFFFFFFF0] =	vst v7;
	v6 =	vadd.f32 v9, v6  }
0x47f: {  	s3 =	sadd.s32 $0x1, s3  }
0x480: {  	p0 =	sne.s32 s3, $0x8  }
.Ltmp44:
0x481: {  	v1 =	vadd.f32 v3, v1;
	(pc) =	sbr.rel @p0 .LBB2_88-.Ltmp44, $4  }
0x482: {  	[tilespmem:s16+$0x0] =	vst v6;
	v2 =	vadd.f32 v5, v2  }
0x483: {  	[tilespmem:s16+$0x10] =	vst v1;
	v0 =	vadd.f32 v0, v4  }
0x484: {  	[tilespmem:s16+$0x20] =	vst v2  }
0x485: {  	s6 =	sadd.s32 $0x80, s6;
	s7 =	sadd.s32 $0x80, s7;
	[tilespmem:s16+$0xFFFFFFC0] =	vst v0  }
0x486: {  	s3 =	simm.s32 $0x0;
	s0 =	rddreg [dreg:$0x1a]  }
0x487: {  	[hbm4b:s0+s3] =	stream.linear.scatter [tilespmem:s11], [sflag:$0x6], $0x2000, $0x38;
	[tilespmem:$0x14000] =	vst v63  }
0x488: {  	_ =	swait.ge [sflag:s15], $0x2000  }
0x489: {  	[sflag:s15] =	ssyncset.done $0x0  }
0x48a: {  	[sflag:s15] =	ssyncadd.s32 $0xFFFFE000  }
0x48b: {  	_ =	swait.ge [sflag:s9], $0x2000  }
0x48c: {  	[sflag:s9] =	ssyncset.done $0x0  }
0x48d: {  	s6 =	simm.s32 $0xC040;
	s7 =	simm.s32 $0x12040;
	[sflag:s9] =	ssyncadd.s32 $0xFFFFE000  }
.LBB2_92:
0x48e: {  	v1 =	vld [tilespmem:s6+$0x30]  }
0x48f: {  	v2 =	vld [tilespmem:s7+$0x30]  }
0x490: {  	v0 =	vld [tilespmem:s7+$0xFFFFFFC0]  }
0x491: {  	v3 =	vld [tilespmem:s6+$0xFFFFFFD0]  }
0x492: {  	v4 =	vld [tilespmem:s7+$0xFFFFFFD0]  }
0x493: {  	v5 =	vld [tilespmem:s6+$0xFFFFFFE0]  }
0x494: {  	v6 =	vld [tilespmem:s7+$0xFFFFFFE0]  }
0x495: {  	v7 =	vld [tilespmem:s6+$0xFFFFFFF0]  }
0x496: {  	v8 =	vld [tilespmem:s7+$0xFFFFFFF0]  }
0x497: {  	v9 =	vld [tilespmem:s6+$0x0]  }
0x498: {  	v10 =	vld [tilespmem:s7+$0x0];
	v2 =	vadd.f32 v2, v1  }
0x499: {  	v4 =	vadd.f32 v4, v3;
	v1 =	vld [tilespmem:s6+$0x10]  }
0x49a: {  	v5 =	vadd.f32 v6, v5;
	v3 =	vld [tilespmem:s7+$0x10];
	[tilespmem:s6+$0x30] =	vst v2  }
0x49b: {  	v6 =	vadd.f32 v8, v7;
	[tilespmem:s6+$0xFFFFFFD0] =	vst v4;
	v2 =	vld [tilespmem:s6+$0x20]  }
0x49c: {  	s17 =	simm.s32 $0x0;
	[tilespmem:s6+$0xFFFFFFE0] =	vst v5;
	v5 =	vld [tilespmem:s7+$0x20]  }
0x49d: {  	s18 =	sadd.s32 $0x400, s6;
	s0 =	smov.u32 s7;
	s16 =	smov.u32 s6;
	v4 =	vld [tilespmem:s6+$0xFFFFFFC0];
	[tilespmem:s6+$0xFFFFFFF0] =	vst v6;
	v6 =	vadd.f32 v10, v9  }
.LBB2_93:
0x49e: {  	v7 =	vld [tilespmem:s18+$0x30];
	s0 =	sadd.s32 $0x400, s0  }
0x49f: {  	s17 =	sadd.s32 $0x8, s17;
	v8 =	vld [tilespmem:s0+$0x30];
	[tilespmem:s16+$0x0] =	vst v6;
	v1 =	vadd.f32 v3, v1  }
0x4a0: {  	p0 =	slt.u32 s17, $0x38;
	v3 =	vld [tilespmem:s0+$0xFFFFFFC0]  }
0x4a1: {  	v6 =	vld [tilespmem:s18+$0xFFFFFFD0];
	[tilespmem:s16+$0x10] =	vst v1;
	v1 =	vadd.f32 v5, v2  }
0x4a2: {  	v2 =	vld [tilespmem:s0+$0xFFFFFFD0];
	v9 =	vadd.f32 v0, v4  }
0x4a3: {  	v4 =	vld [tilespmem:s18+$0xFFFFFFE0];
	[tilespmem:s16+$0x20] =	vst v1  }
0x4a4: {  	v1 =	vld [tilespmem:s0+$0xFFFFFFE0];
	v5 =	vadd.f32 v8, v7;
	[tilespmem:s16+$0xFFFFFFC0] =	vst v9;
	s16 =	smov.u32 s18  }
0x4a5: {  	v7 =	vld [tilespmem:s18+$0xFFFFFFF0];
	v0 =	vmov v3  }
0x4a6: {  	v8 =	vld [tilespmem:s0+$0xFFFFFFF0];
	[tilespmem:s18+$0x30] =	vst v5  }
0x4a7: {  	v2 =	vadd.f32 v2, v6;
	v6 =	vld [tilespmem:s18+$0x0]  }
0x4a8: {  	v9 =	vld [tilespmem:s0+$0x0]  }
.Ltmp45:
0x4a9: {  	[tilespmem:s18+$0xFFFFFFD0] =	vst v2;
	v2 =	vadd.f32 v1, v4;
	v1 =	vld [tilespmem:s18+$0x10];
	(pc) =	sbr.rel @p0 .LBB2_93-.Ltmp45, $4  }
0x4aa: {  	v3 =	vld [tilespmem:s0+$0x10]  }
0x4ab: {  	[tilespmem:s18+$0xFFFFFFE0] =	vst v2;
	v7 =	vadd.f32 v8, v7;
	v2 =	vld [tilespmem:s18+$0x20]  }
0x4ac: {  	v5 =	vld [tilespmem:s0+$0x20]  }
0x4ad: {  	s18 =	sadd.s32 $0x400, s18;
	v4 =	vld [tilespmem:s16+$0xFFFFFFC0];
	[tilespmem:s16+$0xFFFFFFF0] =	vst v7;
	v6 =	vadd.f32 v9, v6  }
0x4ae: {  	s3 =	sadd.s32 $0x1, s3  }
0x4af: {  	p0 =	sne.s32 s3, $0x8  }
.Ltmp46:
0x4b0: {  	v1 =	vadd.f32 v3, v1;
	(pc) =	sbr.rel @p0 .LBB2_92-.Ltmp46, $4  }
0x4b1: {  	[tilespmem:s16+$0x0] =	vst v6;
	v2 =	vadd.f32 v5, v2  }
0x4b2: {  	[tilespmem:s16+$0x10] =	vst v1;
	v0 =	vadd.f32 v0, v4  }
0x4b3: {  	[tilespmem:s16+$0x20] =	vst v2  }
0x4b4: {  	s6 =	sadd.s32 $0x80, s6;
	s7 =	sadd.s32 $0x80, s7;
	[tilespmem:s16+$0xFFFFFFC0] =	vst v0  }
0x4b5: {  	s3 =	simm.s32 $0x0;
	s0 =	rddreg [dreg:$0x1c]  }
0x4b6: {  	[hbm4b:s0+s3] =	stream.linear.scatter [tilespmem:s14], [sflag:$0x7], $0x2000, $0x38;
	[tilespmem:$0x14000] =	vst v63  }
0x4b7: {  	_ =	swait.ge [sflag:s23], $0x2000  }
0x4b8: {  	[sflag:s23] =	ssyncset.done $0x0  }
0x4b9: {  	[sflag:s23] =	ssyncadd.s32 $0xFFFFE000  }
0x4ba: {  	_ =	swait.ge [sflag:s13], $0x2000  }
0x4bb: {  	[sflag:s13] =	ssyncset.done $0x0  }
0x4bc: {  	s6 =	simm.s32 $0xE040;
	s7 =	simm.s32 $0x12040;
	[sflag:s13] =	ssyncadd.s32 $0xFFFFE000  }
.LBB2_96:
0x4bd: {  	v1 =	vld [tilespmem:s6+$0x30]  }
0x4be: {  	v2 =	vld [tilespmem:s7+$0x30]  }
0x4bf: {  	v0 =	vld [tilespmem:s7+$0xFFFFFFC0]  }
0x4c0: {  	v3 =	vld [tilespmem:s6+$0xFFFFFFD0]  }
0x4c1: {  	v4 =	vld [tilespmem:s7+$0xFFFFFFD0]  }
0x4c2: {  	v5 =	vld [tilespmem:s6+$0xFFFFFFE0]  }
0x4c3: {  	v6 =	vld [tilespmem:s7+$0xFFFFFFE0]  }
0x4c4: {  	v7 =	vld [tilespmem:s6+$0xFFFFFFF0]  }
0x4c5: {  	v8 =	vld [tilespmem:s7+$0xFFFFFFF0]  }
0x4c6: {  	v9 =	vld [tilespmem:s6+$0x0]  }
0x4c7: {  	v10 =	vld [tilespmem:s7+$0x0];
	v2 =	vadd.f32 v2, v1  }
0x4c8: {  	v4 =	vadd.f32 v4, v3;
	v1 =	vld [tilespmem:s6+$0x10]  }
0x4c9: {  	v5 =	vadd.f32 v6, v5;
	v3 =	vld [tilespmem:s7+$0x10];
	[tilespmem:s6+$0x30] =	vst v2  }
0x4ca: {  	v6 =	vadd.f32 v8, v7;
	[tilespmem:s6+$0xFFFFFFD0] =	vst v4;
	v2 =	vld [tilespmem:s6+$0x20]  }
0x4cb: {  	s17 =	simm.s32 $0x0;
	[tilespmem:s6+$0xFFFFFFE0] =	vst v5;
	v5 =	vld [tilespmem:s7+$0x20]  }
0x4cc: {  	s18 =	sadd.s32 $0x400, s6;
	s0 =	smov.u32 s7;
	s16 =	smov.u32 s6;
	v4 =	vld [tilespmem:s6+$0xFFFFFFC0];
	[tilespmem:s6+$0xFFFFFFF0] =	vst v6;
	v6 =	vadd.f32 v10, v9  }
.LBB2_97:
0x4cd: {  	v7 =	vld [tilespmem:s18+$0x30];
	s0 =	sadd.s32 $0x400, s0  }
0x4ce: {  	s17 =	sadd.s32 $0x8, s17;
	v8 =	vld [tilespmem:s0+$0x30];
	[tilespmem:s16+$0x0] =	vst v6;
	v1 =	vadd.f32 v3, v1  }
0x4cf: {  	p0 =	slt.u32 s17, $0x38;
	v3 =	vld [tilespmem:s0+$0xFFFFFFC0]  }
0x4d0: {  	v6 =	vld [tilespmem:s18+$0xFFFFFFD0];
	[tilespmem:s16+$0x10] =	vst v1;
	v1 =	vadd.f32 v5, v2  }
0x4d1: {  	v2 =	vld [tilespmem:s0+$0xFFFFFFD0];
	v9 =	vadd.f32 v0, v4  }
0x4d2: {  	v4 =	vld [tilespmem:s18+$0xFFFFFFE0];
	[tilespmem:s16+$0x20] =	vst v1  }
0x4d3: {  	v1 =	vld [tilespmem:s0+$0xFFFFFFE0];
	v5 =	vadd.f32 v8, v7;
	[tilespmem:s16+$0xFFFFFFC0] =	vst v9;
	s16 =	smov.u32 s18  }
0x4d4: {  	v7 =	vld [tilespmem:s18+$0xFFFFFFF0];
	v0 =	vmov v3  }
0x4d5: {  	v8 =	vld [tilespmem:s0+$0xFFFFFFF0];
	[tilespmem:s18+$0x30] =	vst v5  }
0x4d6: {  	v2 =	vadd.f32 v2, v6;
	v6 =	vld [tilespmem:s18+$0x0]  }
0x4d7: {  	v9 =	vld [tilespmem:s0+$0x0]  }
.Ltmp47:
0x4d8: {  	[tilespmem:s18+$0xFFFFFFD0] =	vst v2;
	v2 =	vadd.f32 v1, v4;
	v1 =	vld [tilespmem:s18+$0x10];
	(pc) =	sbr.rel @p0 .LBB2_97-.Ltmp47, $4  }
0x4d9: {  	v3 =	vld [tilespmem:s0+$0x10]  }
0x4da: {  	[tilespmem:s18+$0xFFFFFFE0] =	vst v2;
	v7 =	vadd.f32 v8, v7;
	v2 =	vld [tilespmem:s18+$0x20]  }
0x4db: {  	v5 =	vld [tilespmem:s0+$0x20]  }
0x4dc: {  	s18 =	sadd.s32 $0x400, s18;
	v4 =	vld [tilespmem:s16+$0xFFFFFFC0];
	[tilespmem:s16+$0xFFFFFFF0] =	vst v7;
	v6 =	vadd.f32 v9, v6  }
0x4dd: {  	s3 =	sadd.s32 $0x1, s3  }
0x4de: {  	p0 =	sne.s32 s3, $0x8  }
.Ltmp48:
0x4df: {  	v1 =	vadd.f32 v3, v1;
	(pc) =	sbr.rel @p0 .LBB2_96-.Ltmp48, $4  }
0x4e0: {  	[tilespmem:s16+$0x0] =	vst v6;
	v2 =	vadd.f32 v5, v2  }
0x4e1: {  	[tilespmem:s16+$0x10] =	vst v1;
	v0 =	vadd.f32 v0, v4  }
0x4e2: {  	[tilespmem:s16+$0x20] =	vst v2  }
0x4e3: {  	s6 =	sadd.s32 $0x80, s6;
	s7 =	sadd.s32 $0x80, s7;
	[tilespmem:s16+$0xFFFFFFC0] =	vst v0  }
0x4e4: {  	s0 =	rddreg [dreg:$0x1e]  }
0x4e5: {  	[hbm4b:s0+s5] =	stream.linear.scatter [tilespmem:s22], [sflag:$0x8], $0x2000, $0x38;
	[tilespmem:$0x14000] =	vst v63  }
0x4e6: {  	_ =	swait.ge [sflag:s25], $0x2000  }
0x4e7: {  	[sflag:s25] =	ssyncset.done $0x0  }
0x4e8: {  	[sflag:s25] =	ssyncadd.s32 $0xFFFFE000  }
0x4e9: {  	_ =	swait.ge [sflag:s10], $0x2000  }
0x4ea: {  	[sflag:s10] =	ssyncset.done $0x0  }
0x4eb: {  	[sflag:s10] =	ssyncadd.s32 $0xFFFFE000  }
0x4ec: {  	_ =	swait.ge [sflag:s9], $0x2000  }
0x4ed: {  	[sflag:s9] =	ssyncset.done $0x0  }
0x4ee: {  	[sflag:s9] =	ssyncadd.s32 $0xFFFFE000  }
0x4ef: {  	_ =	swait.ge [sflag:s13], $0x2000  }
0x4f0: {  	s3 =	sld [smem:$0x7EC];
	_ =	sdelay $0x2  }
0x4f1: {  	s30 =	rddreg [dreg:$0x1f];
	s3 =	sadd.s32 $0x1, s3  }
0x4f2: {  	p0 =	sne.s32 s3, s30  }
.Ltmp49:
0x4f3: {  	_ = 	snop;
	(pc) =	sbr.rel @p0 .LBB2_1-.Ltmp49, $3  }
0x4f4: {  	_ =	sdelay $0x1  }
0x4f5: {  	[sflag:s13] =	ssyncset.done $0x0  }
0x4f6: {  	[sflag:s13] =	ssyncadd.s32 $0xFFFFE000  }
0x4f7: {  	_ =	sfence.sel $0x180000  }
0x4f8: {  	[bflag:$0x0] =	sbarrier.arrive $0xFFFF  }
0x4f9: {  	_ =	strace $0x90000047  }
0x4fa: {  	s0 =	stileid.u32;
	[bflag:$0x2] =	sbarrier.arrive $0xFFFF  }
0x4fb: {  	p0 =	sne.s32 s0, $0x0;
	s0 =	rddreg [dreg:$0x3]  }
0x4fc: {  	s0 =	sadd.s32 @!p0 $0x100000, s0  }
0x4fd: {  	[sflag:s0] =	ssyncadd.tile.s32 @!p0 $0x1;
	_ =	shalt  }
.Lfunc_end2:
_tile_overlayer_lowered:
.L_overlay_start_2:
0x4fe: {  	(tag) =	ssettag $0x2  }
0x4ff: {  	s0 =	rddreg [dreg:$0x0];
	s2 =	stileid.u32  }
0x500: {  	s1 =	rddreg [dreg:$0x1];
	p0 =	sne.s32 s2, $0x0  }
0x501: {  	s3 =	rddreg [dreg:$0x2];
	[bflag:$0x3] =	sbarrier.arrive $0xFFFF;
	s2 =	simm.s32 @!p0 $0x1C0B  }
0x502: {  	[timem:s3], [sflag:s2] =	dma.local @!p0 [hbm:s0], s1  }
0x503: {  	s0 =	simm.s32 @!p0 $0xB  }
0x504: {  	_ =	swait.ge @!p0 [sflag:s0], s1  }
0x505: {  	s1 =	ssub.s32 @!p0 $0x0, s1;
	[sflag:s0] =	ssyncset.done @!p0 $0x0  }
0x506: {  	[sflag:s0] =	ssyncadd.s32 @!p0 s1  }
0x507: {  	[bflag:$0x3] =	sbarrier.arrive $0xFFFF  }
0x508: {  	_ =	shalt  }

</sc_bundles>
